<compile_context>
chip_gen: v7x
topology: tpu7x:2x2x1
jax: 0.10.2.dev20260603
libtpu: 0.0.44.dev20260713+nightly
codegen_flags: <defaults>
</compile_context>

<pallas_src>
import functools

import jax
import jax.numpy as jnp
from jax import lax
from jax.experimental import pallas as pl
from jax.experimental.pallas import tpu as pltpu
from jax.experimental.pallas import tpu_sc as plsc

D_MODEL = 64
MAXLEN = 200
LANES = 16
NUM_WORKERS = 32
CHUNK = 512
SUB = 64
GRP = 16
EPS = 1e-5


def _rsqrt_vec(v):
    i = lax.bitcast_convert_type(v, jnp.int32)
    i = jnp.int32(0x5F3759DF) - (i >> 1)
    y = lax.bitcast_convert_type(i, jnp.float32)
    for _ in range(3):
        y = y * (1.5 - 0.5 * v * y * y)
    return y


def _make_sc_kernel(n_rows):
    rows_per_w = n_rows // NUM_WORKERS
    n_chunks = rows_per_w // CHUNK
    mesh = plsc.VectorSubcoreMesh(core_axis_name="c", subcore_axis_name="s")

    @functools.partial(
        pl.kernel,
        mesh=mesh,
        compiler_params=pltpu.CompilerParams(use_tc_tiling_on_sc=False,
                                             needs_layout_passes=False),
        out_type=jax.ShapeDtypeStruct((n_rows, D_MODEL), jnp.float32),
        scratch_types=[
            pltpu.VMEM((CHUNK // SUB, SUB), jnp.int32),
            pltpu.VMEM((CHUNK, D_MODEL), jnp.float32),
            pltpu.VMEM((MAXLEN, D_MODEL), jnp.float32),
            pltpu.VMEM((2, D_MODEL), jnp.float32),
            pltpu.SemaphoreType.DMA,
        ],
    )
    def sc_embed(x_hbm, tok_hbm, pos_hbm, gam_hbm, bet_hbm, out_hbm,
                 idx_v, rows_v, pos_v, gb_v, sem):
        cid = lax.axis_index("c")
        sid = lax.axis_index("s")
        wid = sid * 2 + cid
        base = wid * rows_per_w

        pltpu.sync_copy(pos_hbm, pos_v)
        pltpu.sync_copy(gam_hbm, gb_v.at[0])
        pltpu.sync_copy(bet_hbm, gb_v.at[1])

        lane = lax.iota(jnp.int32, LANES)
        g_vec = [gb_v[0, pl.ds(LANES * j, LANES)] for j in range(D_MODEL // LANES)]
        b_vec = [gb_v[1, pl.ds(LANES * j, LANES)] for j in range(D_MODEL // LANES)]

        def chunk_fn(i, carry):
            row0 = base + i * CHUNK
            jbase = pl.multiple_of(row0 // SUB, 8)
            pltpu.sync_copy(x_hbm.at[pl.ds(jbase, CHUNK // SUB)], idx_v)
            copies = [
                pltpu.async_copy(tok_hbm.at[idx_v.at[j]],
                                 rows_v.at[pl.ds(j * SUB, SUB)], sem)
                for j in range(CHUNK // SUB)
            ]
            for c in copies:
                c.wait()

            @plsc.parallel_loop(0, CHUNK // GRP)
            def grp_fn(g):
                row_idx = lane + g * GRP
                pos_idx = lax.rem(row0 + g * GRP + lane, MAXLEN)
                zero = jnp.zeros((LANES,), jnp.float32)
                s_acc = [zero] * 4
                q_acc = [zero] * 4
                for d in range(D_MODEL):
                    col = jnp.full((LANES,), d, jnp.int32)
                    t = (plsc.load_gather(rows_v, [row_idx, col])
                         + plsc.load_gather(pos_v, [pos_idx, col]))
                    s_acc[d % 4] = s_acc[d % 4] + t
                    q_acc[d % 4] = q_acc[d % 4] + t * t
                s = (s_acc[0] + s_acc[1]) + (s_acc[2] + s_acc[3])
                q = (q_acc[0] + q_acc[1]) + (q_acc[2] + q_acc[3])
                mean = s * (1.0 / D_MODEL)
                var = jnp.maximum(q * (1.0 / D_MODEL) - mean * mean, 0.0)
                rstd = _rsqrt_vec(var + EPS)
                for d in range(D_MODEL):
                    col = jnp.full((LANES,), d, jnp.int32)
                    t = (plsc.load_gather(rows_v, [row_idx, col])
                         + plsc.load_gather(pos_v, [pos_idx, col]))
                    out = ((t - mean) * rstd * g_vec[d // LANES][d % LANES]
                           + b_vec[d // LANES][d % LANES])
                    plsc.store_scatter(rows_v, [row_idx, col], out)

            pltpu.sync_copy(rows_v, out_hbm.at[pl.ds(row0, CHUNK)])
            return carry

        lax.fori_loop(0, n_chunks, chunk_fn, 0)

    return sc_embed


def kernel(x, tok_table, pos_table, gamma, beta):
    bsz, seq = x.shape
    n_rows = bsz * seq
    assert n_rows % (NUM_WORKERS * CHUNK) == 0
    assert seq == MAXLEN and tok_table.shape[1] == D_MODEL
    x_flat = x.reshape(n_rows // SUB, SUB).astype(jnp.int32)
    sc = _make_sc_kernel(n_rows)
    out = sc(x_flat, tok_table, pos_table, gamma, beta)
    return out.reshape(bsz, seq, D_MODEL)

# --- scband reference (transcript-rebuilt; emitter-appended) ---
"""Pipeline reference for scband-embedding-45329084842339 (READ-ONLY COPY).

The authoritative reference and input builder live on the scoring server;
editing this copy changes nothing except your own understanding.
"""

import jax, jax.numpy as jnp
import numpy as np

D_MODEL = 64
VOCAB = 1000000
MAXLEN = 200
BATCH = 4096
SEQ = 200

def setup_inputs(seed: int = 0) -> dict:
    key = jax.random.key(seed)
    k1, k2, k3 = jax.random.split(key, 3)
    x = jax.random.randint(k1, (BATCH, SEQ), 0, VOCAB, dtype=jnp.int64 if jax.config.jax_enable_x64 else jnp.int32)
    tok_table = jax.random.normal(k2, (VOCAB, D_MODEL), dtype=jnp.float32) * 0.02
    pos_table = jax.random.normal(k3, (MAXLEN, D_MODEL), dtype=jnp.float32) * 0.02
    gamma = jnp.ones((D_MODEL,), dtype=jnp.float32)
    beta = jnp.zeros((D_MODEL,), dtype=jnp.float32)
    return {"x": x, "tok_table": tok_table, "pos_table": pos_table, "gamma": gamma, "beta": beta}

def _layernorm(h, gamma, beta, eps=1e-5):
    mean = jnp.mean(h, axis=-1, keepdims=True)
    var = jnp.mean((h - mean) ** 2, axis=-1, keepdims=True)
    h_hat = (h - mean) / jnp.sqrt(var + eps)
    return h_hat * gamma + beta

def reference(x, tok_table, pos_table, gamma, beta):
    seq_len = x.shape[1]
    pos = jnp.arange(seq_len)
    pos = jnp.broadcast_to(pos[None, :], x.shape)
    tok_emb = jnp.take(tok_table, x, axis=0)
    pos_emb = jnp.take(pos_table, pos, axis=0)
    embedding = tok_emb + pos_emb
    return _layernorm(embedding, gamma, beta)

if __name__ == "__main__":
    import jax
    _d = setup_inputs()
    print(jax.jit(kernel)(*tuple(_d.values())))

</pallas_src>

<mosaic_0001>
#map = affine_map<(d0, d1) -> (0, 0)>
#map1 = affine_map<(d0, d1) -> (0)>
module attributes {stable_mosaic.version = 14 : i64} {
  func.func @sc_embed(%arg0: i32, %arg1: i32, %arg2: memref<12800x64xi32, #tpu.memory_space<hbm>>, %arg3: memref<1000000x64xf32, #tpu.memory_space<hbm>>, %arg4: memref<200x64xf32, #tpu.memory_space<hbm>>, %arg5: memref<64xf32, #tpu.memory_space<hbm>>, %arg6: memref<64xf32, #tpu.memory_space<hbm>>, %arg7: memref<819200x64xf32, #tpu.memory_space<hbm>>, %arg8: memref<8x64xi32, #tpu.memory_space<vmem>>, %arg9: memref<512x64xf32, #tpu.memory_space<vmem>>, %arg10: memref<200x64xf32, #tpu.memory_space<vmem>>, %arg11: memref<2x64xf32, #tpu.memory_space<vmem>>, %arg12: memref<!tpu.dma_semaphore, #tpu.memory_space<semaphore_mem>>) attributes {dimension_semantics = [#tpu.dimension_semantics<core_parallel>, #tpu.dimension_semantics<subcore_parallel>], iteration_bounds = array<i64: 2, 16>, scalar_prefetch = 0 : i64, scratch_operands = 5 : i64, tpu.core_type = #tpu.core_type<sc_vector_subcore>, window_params = [{transform_indices = #map}, {transform_indices = #map}, {transform_indices = #map}, {transform_indices = #map1}, {transform_indices = #map1}, {transform_indices = #map}]} {
    %mul3A = arith.constant 2 : i32
    %mul3A_0 = arith.muli %arg1, %mul3A : i32
    %add3A = arith.addi %mul3A_0, %arg0 : i32
    %mul3A_1 = arith.constant 25600 : i32
    %mul3A_2 = arith.muli %add3A, %mul3A_1 : i32
    "tpu.region"() ({
      %run_scoped3A_40 = tpu.sem_alloc : memref<!tpu.dma_semaphore, #tpu.memory_space<semaphore_mem>>
      tpu.enqueue_dma source(%arg4 : memref<200x64xf32, #tpu.memory_space<hbm>>) target(%arg10 : memref<200x64xf32, #tpu.memory_space<vmem>>) target_semaphore(%run_scoped3A_40 : memref<!tpu.dma_semaphore, #tpu.memory_space<semaphore_mem>>)
      tpu.wait_dma2 semaphore(%run_scoped3A_40 : memref<!tpu.dma_semaphore, #tpu.memory_space<semaphore_mem>>) src(%arg4 : memref<200x64xf32, #tpu.memory_space<hbm>>) dst(%arg10 : memref<200x64xf32, #tpu.memory_space<vmem>>)
      tpu.yield
    }) : () -> ()
    %run_scoped3A = arith.constant 0 : i32
    "tpu.region"() ({
      %run_scoped3A_40 = tpu.sem_alloc : memref<!tpu.dma_semaphore, #tpu.memory_space<semaphore_mem>>
      %dma_start3A = arith.constant 0 : i32
      %dma_start3A_41 = tpu.memref_slice %arg11[%run_scoped3A, %dma_start3A] : memref<2x64xf32, #tpu.memory_space<vmem>> -> memref<1x64xf32, #tpu.memory_space<vmem>>
      %dma_start3A_42 = tpu.memref_squeeze %dma_start3A_41 : memref<1x64xf32, #tpu.memory_space<vmem>> -> memref<64xf32, #tpu.memory_space<vmem>>
      %dma_start3A_43 = arith.constant 0 : i32
      %dma_start3A_44 = tpu.memref_slice %arg11[%run_scoped3A, %dma_start3A_43] : memref<2x64xf32, #tpu.memory_space<vmem>> -> memref<1x64xf32, #tpu.memory_space<vmem>>
      %dma_start3A_45 = tpu.memref_squeeze %dma_start3A_44 : memref<1x64xf32, #tpu.memory_space<vmem>> -> memref<64xf32, #tpu.memory_space<vmem>>
      tpu.enqueue_dma source(%arg5 : memref<64xf32, #tpu.memory_space<hbm>>) target(%dma_start3A_45 : memref<64xf32, #tpu.memory_space<vmem>>) target_semaphore(%run_scoped3A_40 : memref<!tpu.dma_semaphore, #tpu.memory_space<semaphore_mem>>)
      %dma_wait3A = arith.constant 0 : i32
      %dma_wait3A_46 = tpu.memref_slice %arg11[%run_scoped3A, %dma_wait3A] : memref<2x64xf32, #tpu.memory_space<vmem>> -> memref<1x64xf32, #tpu.memory_space<vmem>>
      %dma_wait3A_47 = tpu.memref_squeeze %dma_wait3A_46 : memref<1x64xf32, #tpu.memory_space<vmem>> -> memref<64xf32, #tpu.memory_space<vmem>>
      %dma_wait3A_48 = arith.constant 0 : i32
      %dma_wait3A_49 = tpu.memref_slice %arg11[%run_scoped3A, %dma_wait3A_48] : memref<2x64xf32, #tpu.memory_space<vmem>> -> memref<1x64xf32, #tpu.memory_space<vmem>>
      %dma_wait3A_50 = tpu.memref_squeeze %dma_wait3A_49 : memref<1x64xf32, #tpu.memory_space<vmem>> -> memref<64xf32, #tpu.memory_space<vmem>>
      tpu.wait_dma2 semaphore(%run_scoped3A_40 : memref<!tpu.dma_semaphore, #tpu.memory_space<semaphore_mem>>) src(%arg5 : memref<64xf32, #tpu.memory_space<hbm>>) dst(%dma_wait3A_50 : memref<64xf32, #tpu.memory_space<vmem>>)
      tpu.yield
    }) : () -> ()
    %run_scoped3A_3 = arith.constant 1 : i32
    "tpu.region"() ({
      %run_scoped3A_40 = tpu.sem_alloc : memref<!tpu.dma_semaphore, #tpu.memory_space<semaphore_mem>>
      %dma_start3A = arith.constant 0 : i32
      %dma_start3A_41 = tpu.memref_slice %arg11[%run_scoped3A_3, %dma_start3A] : memref<2x64xf32, #tpu.memory_space<vmem>> -> memref<1x64xf32, #tpu.memory_space<vmem>>
      %dma_start3A_42 = tpu.memref_squeeze %dma_start3A_41 : memref<1x64xf32, #tpu.memory_space<vmem>> -> memref<64xf32, #tpu.memory_space<vmem>>
      %dma_start3A_43 = arith.constant 0 : i32
      %dma_start3A_44 = tpu.memref_slice %arg11[%run_scoped3A_3, %dma_start3A_43] : memref<2x64xf32, #tpu.memory_space<vmem>> -> memref<1x64xf32, #tpu.memory_space<vmem>>
      %dma_start3A_45 = tpu.memref_squeeze %dma_start3A_44 : memref<1x64xf32, #tpu.memory_space<vmem>> -> memref<64xf32, #tpu.memory_space<vmem>>
      tpu.enqueue_dma source(%arg6 : memref<64xf32, #tpu.memory_space<hbm>>) target(%dma_start3A_45 : memref<64xf32, #tpu.memory_space<vmem>>) target_semaphore(%run_scoped3A_40 : memref<!tpu.dma_semaphore, #tpu.memory_space<semaphore_mem>>)
      %dma_wait3A = arith.constant 0 : i32
      %dma_wait3A_46 = tpu.memref_slice %arg11[%run_scoped3A_3, %dma_wait3A] : memref<2x64xf32, #tpu.memory_space<vmem>> -> memref<1x64xf32, #tpu.memory_space<vmem>>
      %dma_wait3A_47 = tpu.memref_squeeze %dma_wait3A_46 : memref<1x64xf32, #tpu.memory_space<vmem>> -> memref<64xf32, #tpu.memory_space<vmem>>
      %dma_wait3A_48 = arith.constant 0 : i32
      %dma_wait3A_49 = tpu.memref_slice %arg11[%run_scoped3A_3, %dma_wait3A_48] : memref<2x64xf32, #tpu.memory_space<vmem>> -> memref<1x64xf32, #tpu.memory_space<vmem>>
      %dma_wait3A_50 = tpu.memref_squeeze %dma_wait3A_49 : memref<1x64xf32, #tpu.memory_space<vmem>> -> memref<64xf32, #tpu.memory_space<vmem>>
      tpu.wait_dma2 semaphore(%run_scoped3A_40 : memref<!tpu.dma_semaphore, #tpu.memory_space<semaphore_mem>>) src(%arg6 : memref<64xf32, #tpu.memory_space<hbm>>) dst(%dma_wait3A_50 : memref<64xf32, #tpu.memory_space<vmem>>)
      tpu.yield
    }) : () -> ()
    %iota3A = tpu.iota {dimensions = array<i32: 0>} : vector<16xi32>
    %get3A = arith.constant 0 : i32
    %get3A_4 = arith.index_cast %get3A : i32 to index
    %get3A_5 = arith.constant 0 : index
    %get3A_6 = tpu.vector_load %arg11[%get3A_4, %get3A_5] {strides = array<i32>} : memref<2x64xf32, #tpu.memory_space<vmem>>, vector<16xf32>,
    %get3A_7 = arith.constant 0 : i32
    %get3A_8 = arith.index_cast %get3A_7 : i32 to index
    %get3A_9 = arith.constant 16 : index
    %get3A_10 = tpu.vector_load %arg11[%get3A_8, %get3A_9] {strides = array<i32>} : memref<2x64xf32, #tpu.memory_space<vmem>>, vector<16xf32>,
    %get3A_11 = arith.constant 0 : i32
    %get3A_12 = arith.index_cast %get3A_11 : i32 to index
    %get3A_13 = arith.constant 32 : index
    %get3A_14 = tpu.vector_load %arg11[%get3A_12, %get3A_13] {strides = array<i32>} : memref<2x64xf32, #tpu.memory_space<vmem>>, vector<16xf32>,
    %get3A_15 = arith.constant 0 : i32
    %get3A_16 = arith.index_cast %get3A_15 : i32 to index
    %get3A_17 = arith.constant 48 : index
    %get3A_18 = tpu.vector_load %arg11[%get3A_16, %get3A_17] {strides = array<i32>} : memref<2x64xf32, #tpu.memory_space<vmem>>, vector<16xf32>,
    %get3A_19 = arith.constant 1 : i32
    %get3A_20 = arith.index_cast %get3A_19 : i32 to index
    %get3A_21 = arith.constant 0 : index
    %get3A_22 = tpu.vector_load %arg11[%get3A_20, %get3A_21] {strides = array<i32>} : memref<2x64xf32, #tpu.memory_space<vmem>>, vector<16xf32>,
    %get3A_23 = arith.constant 1 : i32
    %get3A_24 = arith.index_cast %get3A_23 : i32 to index
    %get3A_25 = arith.constant 16 : index
    %get3A_26 = tpu.vector_load %arg11[%get3A_24, %get3A_25] {strides = array<i32>} : memref<2x64xf32, #tpu.memory_space<vmem>>, vector<16xf32>,
    %get3A_27 = arith.constant 1 : i32
    %get3A_28 = arith.index_cast %get3A_27 : i32 to index
    %get3A_29 = arith.constant 32 : index
    %get3A_30 = tpu.vector_load %arg11[%get3A_28, %get3A_29] {strides = array<i32>} : memref<2x64xf32, #tpu.memory_space<vmem>>, vector<16xf32>,
    %get3A_31 = arith.constant 1 : i32
    %get3A_32 = arith.index_cast %get3A_31 : i32 to index
    %get3A_33 = arith.constant 48 : index
    %get3A_34 = tpu.vector_load %arg11[%get3A_32, %get3A_33] {strides = array<i32>} : memref<2x64xf32, #tpu.memory_space<vmem>>, vector<16xf32>,
    %scan3A = arith.constant 0 : i32
    %scan3A_35 = arith.constant 0 : i32
    %scan3A_36 = arith.constant 50 : i32
    %scan3A_37 = arith.addi %scan3A_35, %scan3A_36 : i32
    %scan3A_38 = arith.constant 1 : i32
    scf.for %scan3A_40 = %scan3A_35 to %scan3A_37 step %scan3A_38  : i32 {
      %mul3A_41 = arith.constant 512 : i32
      %mul3A_42 = arith.muli %scan3A_40, %mul3A_41 : i32
      %add3A_43 = arith.addi %mul3A_2, %mul3A_42 : i32
      %jit3A = arith.constant 64 : i32
      %div3A = arith.divsi %add3A_43, %jit3A : i32
      %sign3A = arith.constant 0 : i32
      %sign3A_44 = arith.cmpi sgt, %add3A_43, %sign3A : i32
      %sign3A_45 = arith.extui %sign3A_44 : i1 to i32
      %sign3A_46 = arith.constant 0 : i32
      %sign3A_47 = arith.cmpi slt, %add3A_43, %sign3A_46 : i32
      %sign3A_48 = arith.extui %sign3A_47 : i1 to i32
      %sign3A_49 = arith.subi %sign3A_45, %sign3A_48 : i32
      %sign3A_50 = arith.constant 0 : i32
      %sign3A_51 = arith.cmpi sgt, %jit3A, %sign3A_50 : i32
      %sign3A_52 = arith.extui %sign3A_51 : i1 to i32
      %sign3A_53 = arith.constant 0 : i32
      %sign3A_54 = arith.cmpi slt, %jit3A, %sign3A_53 : i32
      %sign3A_55 = arith.extui %sign3A_54 : i1 to i32
      %sign3A_56 = arith.subi %sign3A_52, %sign3A_55 : i32
      %ne3A = arith.cmpi ne, %sign3A_49, %sign3A_56 : i32
      %rem3A = arith.remsi %add3A_43, %jit3A : i32
      %ne3A_57 = arith.constant 0 : i32
      %ne3A_58 = arith.cmpi ne, %rem3A, %ne3A_57 : i32
      %and3A = arith.andi %ne3A, %ne3A_58 : i1
      %sub3A = arith.constant 1 : i32
      %sub3A_59 = arith.subi %div3A, %sub3A : i32
      %select_n3A = arith.select %and3A, %sub3A_59, %div3A : i32
      %multiple_of3A = tpu.assume_multiple %select_n3A, 8 : i32
      "tpu.region"() ({
        %run_scoped3A_220 = tpu.sem_alloc : memref<!tpu.dma_semaphore, #tpu.memory_space<semaphore_mem>>
        %dma_start3A_221 = arith.constant 0 : i32
        %dma_start3A_222 = tpu.memref_slice %arg2[%multiple_of3A, %dma_start3A_221] : memref<12800x64xi32, #tpu.memory_space<hbm>> -> memref<8x64xi32, #tpu.memory_space<hbm>>
        %dma_start3A_223 = arith.constant 0 : i32
        %dma_start3A_224 = tpu.memref_slice %arg2[%multiple_of3A, %dma_start3A_223] : memref<12800x64xi32, #tpu.memory_space<hbm>> -> memref<8x64xi32, #tpu.memory_space<hbm>>
        tpu.enqueue_dma source(%dma_start3A_224 : memref<8x64xi32, #tpu.memory_space<hbm>>) target(%arg8 : memref<8x64xi32, #tpu.memory_space<vmem>>) target_semaphore(%run_scoped3A_220 : memref<!tpu.dma_semaphore, #tpu.memory_space<semaphore_mem>>)
        %dma_wait3A_225 = arith.constant 0 : i32
        %dma_wait3A_226 = tpu.memref_slice %arg2[%multiple_of3A, %dma_wait3A_225] : memref<12800x64xi32, #tpu.memory_space<hbm>> -> memref<8x64xi32, #tpu.memory_space<hbm>>
        %dma_wait3A_227 = arith.constant 0 : i32
        %dma_wait3A_228 = tpu.memref_slice %arg2[%multiple_of3A, %dma_wait3A_227] : memref<12800x64xi32, #tpu.memory_space<hbm>> -> memref<8x64xi32, #tpu.memory_space<hbm>>
        tpu.wait_dma2 semaphore(%run_scoped3A_220 : memref<!tpu.dma_semaphore, #tpu.memory_space<semaphore_mem>>) src(%dma_wait3A_228 : memref<8x64xi32, #tpu.memory_space<hbm>>) dst(%arg8 : memref<8x64xi32, #tpu.memory_space<vmem>>)
        tpu.yield
      }) : () -> ()
      %dma_start3A = arith.constant 0 : i32
      %dma_start3A_60 = arith.constant 0 : i32
      %dma_start3A_61 = arith.constant 0 : i32
      %dma_start3A_62 = tpu.memref_slice %arg9[%dma_start3A_60, %dma_start3A_61] : memref<512x64xf32, #tpu.memory_space<vmem>> -> memref<64x64xf32, #tpu.memory_space<vmem>>
      %dma_start3A_63 = arith.constant 0 : i32
      %dma_start3A_64 = tpu.memref_slice %arg8[%dma_start3A, %dma_start3A_63] : memref<8x64xi32, #tpu.memory_space<vmem>> -> memref<1x64xi32, #tpu.memory_space<vmem>>
      %dma_start3A_65 = tpu.memref_squeeze %dma_start3A_64 : memref<1x64xi32, #tpu.memory_space<vmem>> -> memref<64xi32, #tpu.memory_space<vmem>>
      %dma_start3A_66 = arith.constant 0 : i32
      %dma_start3A_67 = arith.constant 0 : i32
      %dma_start3A_68 = tpu.memref_slice %arg3[%dma_start3A_66, %dma_start3A_67] : memref<1000000x64xf32, #tpu.memory_space<hbm>> -> memref<1000000x64xf32, #tpu.memory_space<hbm>>
      tpu.enqueue_indirect_dma source(%dma_start3A_68 : memref<1000000x64xf32, #tpu.memory_space<hbm>>) target(%dma_start3A_62 : memref<64x64xf32, #tpu.memory_space<vmem>>) offsets(%dma_start3A_65 : memref<64xi32, #tpu.memory_space<vmem>>) semaphore(%arg12 : memref<!tpu.dma_semaphore, #tpu.memory_space<semaphore_mem>>)
      %dma_start3A_69 = arith.constant 1 : i32
      %dma_start3A_70 = arith.constant 64 : i32
      %dma_start3A_71 = arith.constant 0 : i32
      %dma_start3A_72 = tpu.memref_slice %arg9[%dma_start3A_70, %dma_start3A_71] : memref<512x64xf32, #tpu.memory_space<vmem>> -> memref<64x64xf32, #tpu.memory_space<vmem>>
      %dma_start3A_73 = arith.constant 0 : i32
      %dma_start3A_74 = tpu.memref_slice %arg8[%dma_start3A_69, %dma_start3A_73] : memref<8x64xi32, #tpu.memory_space<vmem>> -> memref<1x64xi32, #tpu.memory_space<vmem>>
      %dma_start3A_75 = tpu.memref_squeeze %dma_start3A_74 : memref<1x64xi32, #tpu.memory_space<vmem>> -> memref<64xi32, #tpu.memory_space<vmem>>
      %dma_start3A_76 = arith.constant 0 : i32
      %dma_start3A_77 = arith.constant 0 : i32
      %dma_start3A_78 = tpu.memref_slice %arg3[%dma_start3A_76, %dma_start3A_77] : memref<1000000x64xf32, #tpu.memory_space<hbm>> -> memref<1000000x64xf32, #tpu.memory_space<hbm>>
      tpu.enqueue_indirect_dma source(%dma_start3A_78 : memref<1000000x64xf32, #tpu.memory_space<hbm>>) target(%dma_start3A_72 : memref<64x64xf32, #tpu.memory_space<vmem>>) offsets(%dma_start3A_75 : memref<64xi32, #tpu.memory_space<vmem>>) semaphore(%arg12 : memref<!tpu.dma_semaphore, #tpu.memory_space<semaphore_mem>>)
      %dma_start3A_79 = arith.constant 2 : i32
      %dma_start3A_80 = arith.constant 128 : i32
      %dma_start3A_81 = arith.constant 0 : i32
      %dma_start3A_82 = tpu.memref_slice %arg9[%dma_start3A_80, %dma_start3A_81] : memref<512x64xf32, #tpu.memory_space<vmem>> -> memref<64x64xf32, #tpu.memory_space<vmem>>
      %dma_start3A_83 = arith.constant 0 : i32
      %dma_start3A_84 = tpu.memref_slice %arg8[%dma_start3A_79, %dma_start3A_83] : memref<8x64xi32, #tpu.memory_space<vmem>> -> memref<1x64xi32, #tpu.memory_space<vmem>>
      %dma_start3A_85 = tpu.memref_squeeze %dma_start3A_84 : memref<1x64xi32, #tpu.memory_space<vmem>> -> memref<64xi32, #tpu.memory_space<vmem>>
      %dma_start3A_86 = arith.constant 0 : i32
      %dma_start3A_87 = arith.constant 0 : i32
      %dma_start3A_88 = tpu.memref_slice %arg3[%dma_start3A_86, %dma_start3A_87] : memref<1000000x64xf32, #tpu.memory_space<hbm>> -> memref<1000000x64xf32, #tpu.memory_space<hbm>>
      tpu.enqueue_indirect_dma source(%dma_start3A_88 : memref<1000000x64xf32, #tpu.memory_space<hbm>>) target(%dma_start3A_82 : memref<64x64xf32, #tpu.memory_space<vmem>>) offsets(%dma_start3A_85 : memref<64xi32, #tpu.memory_space<vmem>>) semaphore(%arg12 : memref<!tpu.dma_semaphore, #tpu.memory_space<semaphore_mem>>)
      %dma_start3A_89 = arith.constant 3 : i32
      %dma_start3A_90 = arith.constant 192 : i32
      %dma_start3A_91 = arith.constant 0 : i32
      %dma_start3A_92 = tpu.memref_slice %arg9[%dma_start3A_90, %dma_start3A_91] : memref<512x64xf32, #tpu.memory_space<vmem>> -> memref<64x64xf32, #tpu.memory_space<vmem>>
      %dma_start3A_93 = arith.constant 0 : i32
      %dma_start3A_94 = tpu.memref_slice %arg8[%dma_start3A_89, %dma_start3A_93] : memref<8x64xi32, #tpu.memory_space<vmem>> -> memref<1x64xi32, #tpu.memory_space<vmem>>
      %dma_start3A_95 = tpu.memref_squeeze %dma_start3A_94 : memref<1x64xi32, #tpu.memory_space<vmem>> -> memref<64xi32, #tpu.memory_space<vmem>>
      %dma_start3A_96 = arith.constant 0 : i32
      %dma_start3A_97 = arith.constant 0 : i32
      %dma_start3A_98 = tpu.memref_slice %arg3[%dma_start3A_96, %dma_start3A_97] : memref<1000000x64xf32, #tpu.memory_space<hbm>> -> memref<1000000x64xf32, #tpu.memory_space<hbm>>
      tpu.enqueue_indirect_dma source(%dma_start3A_98 : memref<1000000x64xf32, #tpu.memory_space<hbm>>) target(%dma_start3A_92 : memref<64x64xf32, #tpu.memory_space<vmem>>) offsets(%dma_start3A_95 : memref<64xi32, #tpu.memory_space<vmem>>) semaphore(%arg12 : memref<!tpu.dma_semaphore, #tpu.memory_space<semaphore_mem>>)
      %dma_start3A_99 = arith.constant 4 : i32
      %dma_start3A_100 = arith.constant 256 : i32
      %dma_start3A_101 = arith.constant 0 : i32
      %dma_start3A_102 = tpu.memref_slice %arg9[%dma_start3A_100, %dma_start3A_101] : memref<512x64xf32, #tpu.memory_space<vmem>> -> memref<64x64xf32, #tpu.memory_space<vmem>>
      %dma_start3A_103 = arith.constant 0 : i32
      %dma_start3A_104 = tpu.memref_slice %arg8[%dma_start3A_99, %dma_start3A_103] : memref<8x64xi32, #tpu.memory_space<vmem>> -> memref<1x64xi32, #tpu.memory_space<vmem>>
      %dma_start3A_105 = tpu.memref_squeeze %dma_start3A_104 : memref<1x64xi32, #tpu.memory_space<vmem>> -> memref<64xi32, #tpu.memory_space<vmem>>
      %dma_start3A_106 = arith.constant 0 : i32
      %dma_start3A_107 = arith.constant 0 : i32
      %dma_start3A_108 = tpu.memref_slice %arg3[%dma_start3A_106, %dma_start3A_107] : memref<1000000x64xf32, #tpu.memory_space<hbm>> -> memref<1000000x64xf32, #tpu.memory_space<hbm>>
      tpu.enqueue_indirect_dma source(%dma_start3A_108 : memref<1000000x64xf32, #tpu.memory_space<hbm>>) target(%dma_start3A_102 : memref<64x64xf32, #tpu.memory_space<vmem>>) offsets(%dma_start3A_105 : memref<64xi32, #tpu.memory_space<vmem>>) semaphore(%arg12 : memref<!tpu.dma_semaphore, #tpu.memory_space<semaphore_mem>>)
      %dma_start3A_109 = arith.constant 5 : i32
      %dma_start3A_110 = arith.constant 320 : i32
      %dma_start3A_111 = arith.constant 0 : i32
      %dma_start3A_112 = tpu.memref_slice %arg9[%dma_start3A_110, %dma_start3A_111] : memref<512x64xf32, #tpu.memory_space<vmem>> -> memref<64x64xf32, #tpu.memory_space<vmem>>
      %dma_start3A_113 = arith.constant 0 : i32
      %dma_start3A_114 = tpu.memref_slice %arg8[%dma_start3A_109, %dma_start3A_113] : memref<8x64xi32, #tpu.memory_space<vmem>> -> memref<1x64xi32, #tpu.memory_space<vmem>>
      %dma_start3A_115 = tpu.memref_squeeze %dma_start3A_114 : memref<1x64xi32, #tpu.memory_space<vmem>> -> memref<64xi32, #tpu.memory_space<vmem>>
      %dma_start3A_116 = arith.constant 0 : i32
      %dma_start3A_117 = arith.constant 0 : i32
      %dma_start3A_118 = tpu.memref_slice %arg3[%dma_start3A_116, %dma_start3A_117] : memref<1000000x64xf32, #tpu.memory_space<hbm>> -> memref<1000000x64xf32, #tpu.memory_space<hbm>>
      tpu.enqueue_indirect_dma source(%dma_start3A_118 : memref<1000000x64xf32, #tpu.memory_space<hbm>>) target(%dma_start3A_112 : memref<64x64xf32, #tpu.memory_space<vmem>>) offsets(%dma_start3A_115 : memref<64xi32, #tpu.memory_space<vmem>>) semaphore(%arg12 : memref<!tpu.dma_semaphore, #tpu.memory_space<semaphore_mem>>)
      %dma_start3A_119 = arith.constant 6 : i32
      %dma_start3A_120 = arith.constant 384 : i32
      %dma_start3A_121 = arith.constant 0 : i32
      %dma_start3A_122 = tpu.memref_slice %arg9[%dma_start3A_120, %dma_start3A_121] : memref<512x64xf32, #tpu.memory_space<vmem>> -> memref<64x64xf32, #tpu.memory_space<vmem>>
      %dma_start3A_123 = arith.constant 0 : i32
      %dma_start3A_124 = tpu.memref_slice %arg8[%dma_start3A_119, %dma_start3A_123] : memref<8x64xi32, #tpu.memory_space<vmem>> -> memref<1x64xi32, #tpu.memory_space<vmem>>
      %dma_start3A_125 = tpu.memref_squeeze %dma_start3A_124 : memref<1x64xi32, #tpu.memory_space<vmem>> -> memref<64xi32, #tpu.memory_space<vmem>>
      %dma_start3A_126 = arith.constant 0 : i32
      %dma_start3A_127 = arith.constant 0 : i32
      %dma_start3A_128 = tpu.memref_slice %arg3[%dma_start3A_126, %dma_start3A_127] : memref<1000000x64xf32, #tpu.memory_space<hbm>> -> memref<1000000x64xf32, #tpu.memory_space<hbm>>
      tpu.enqueue_indirect_dma source(%dma_start3A_128 : memref<1000000x64xf32, #tpu.memory_space<hbm>>) target(%dma_start3A_122 : memref<64x64xf32, #tpu.memory_space<vmem>>) offsets(%dma_start3A_125 : memref<64xi32, #tpu.memory_space<vmem>>) semaphore(%arg12 : memref<!tpu.dma_semaphore, #tpu.memory_space<semaphore_mem>>)
      %dma_start3A_129 = arith.constant 7 : i32
      %dma_start3A_130 = arith.constant 448 : i32
      %dma_start3A_131 = arith.constant 0 : i32
      %dma_start3A_132 = tpu.memref_slice %arg9[%dma_start3A_130, %dma_start3A_131] : memref<512x64xf32, #tpu.memory_space<vmem>> -> memref<64x64xf32, #tpu.memory_space<vmem>>
      %dma_start3A_133 = arith.constant 0 : i32
      %dma_start3A_134 = tpu.memref_slice %arg8[%dma_start3A_129, %dma_start3A_133] : memref<8x64xi32, #tpu.memory_space<vmem>> -> memref<1x64xi32, #tpu.memory_space<vmem>>
      %dma_start3A_135 = tpu.memref_squeeze %dma_start3A_134 : memref<1x64xi32, #tpu.memory_space<vmem>> -> memref<64xi32, #tpu.memory_space<vmem>>
      %dma_start3A_136 = arith.constant 0 : i32
      %dma_start3A_137 = arith.constant 0 : i32
      %dma_start3A_138 = tpu.memref_slice %arg3[%dma_start3A_136, %dma_start3A_137] : memref<1000000x64xf32, #tpu.memory_space<hbm>> -> memref<1000000x64xf32, #tpu.memory_space<hbm>>
      tpu.enqueue_indirect_dma source(%dma_start3A_138 : memref<1000000x64xf32, #tpu.memory_space<hbm>>) target(%dma_start3A_132 : memref<64x64xf32, #tpu.memory_space<vmem>>) offsets(%dma_start3A_135 : memref<64xi32, #tpu.memory_space<vmem>>) semaphore(%arg12 : memref<!tpu.dma_semaphore, #tpu.memory_space<semaphore_mem>>)
      %dma_wait3A = arith.constant 0 : i32
      %dma_wait3A_139 = arith.constant 0 : i32
      %dma_wait3A_140 = arith.constant 0 : i32
      %dma_wait3A_141 = tpu.memref_slice %arg9[%dma_wait3A_139, %dma_wait3A_140] : memref<512x64xf32, #tpu.memory_space<vmem>> -> memref<64x64xf32, #tpu.memory_space<vmem>>
      %dma_wait3A_142 = arith.constant 0 : i32
      %dma_wait3A_143 = tpu.memref_slice %arg8[%dma_wait3A, %dma_wait3A_142] : memref<8x64xi32, #tpu.memory_space<vmem>> -> memref<1x64xi32, #tpu.memory_space<vmem>>
      %dma_wait3A_144 = tpu.memref_squeeze %dma_wait3A_143 : memref<1x64xi32, #tpu.memory_space<vmem>> -> memref<64xi32, #tpu.memory_space<vmem>>
      %dma_wait3A_145 = arith.constant 0 : i32
      %dma_wait3A_146 = arith.constant 0 : i32
      %dma_wait3A_147 = tpu.memref_slice %arg3[%dma_wait3A_145, %dma_wait3A_146] : memref<1000000x64xf32, #tpu.memory_space<hbm>> -> memref<1000000x64xf32, #tpu.memory_space<hbm>>
      tpu.wait_indirect_dma semaphore(%arg12 : memref<!tpu.dma_semaphore, #tpu.memory_space<semaphore_mem>>) src(%dma_wait3A_147 : memref<1000000x64xf32, #tpu.memory_space<hbm>>) dst(%dma_wait3A_141 : memref<64x64xf32, #tpu.memory_space<vmem>>)
      %dma_wait3A_148 = arith.constant 1 : i32
      %dma_wait3A_149 = arith.constant 64 : i32
      %dma_wait3A_150 = arith.constant 0 : i32
      %dma_wait3A_151 = tpu.memref_slice %arg9[%dma_wait3A_149, %dma_wait3A_150] : memref<512x64xf32, #tpu.memory_space<vmem>> -> memref<64x64xf32, #tpu.memory_space<vmem>>
      %dma_wait3A_152 = arith.constant 0 : i32
      %dma_wait3A_153 = tpu.memref_slice %arg8[%dma_wait3A_148, %dma_wait3A_152] : memref<8x64xi32, #tpu.memory_space<vmem>> -> memref<1x64xi32, #tpu.memory_space<vmem>>
      %dma_wait3A_154 = tpu.memref_squeeze %dma_wait3A_153 : memref<1x64xi32, #tpu.memory_space<vmem>> -> memref<64xi32, #tpu.memory_space<vmem>>
      %dma_wait3A_155 = arith.constant 0 : i32
      %dma_wait3A_156 = arith.constant 0 : i32
      %dma_wait3A_157 = tpu.memref_slice %arg3[%dma_wait3A_155, %dma_wait3A_156] : memref<1000000x64xf32, #tpu.memory_space<hbm>> -> memref<1000000x64xf32, #tpu.memory_space<hbm>>
      tpu.wait_indirect_dma semaphore(%arg12 : memref<!tpu.dma_semaphore, #tpu.memory_space<semaphore_mem>>) src(%dma_wait3A_157 : memref<1000000x64xf32, #tpu.memory_space<hbm>>) dst(%dma_wait3A_151 : memref<64x64xf32, #tpu.memory_space<vmem>>)
      %dma_wait3A_158 = arith.constant 2 : i32
      %dma_wait3A_159 = arith.constant 128 : i32
      %dma_wait3A_160 = arith.constant 0 : i32
      %dma_wait3A_161 = tpu.memref_slice %arg9[%dma_wait3A_159, %dma_wait3A_160] : memref<512x64xf32, #tpu.memory_space<vmem>> -> memref<64x64xf32, #tpu.memory_space<vmem>>
      %dma_wait3A_162 = arith.constant 0 : i32
      %dma_wait3A_163 = tpu.memref_slice %arg8[%dma_wait3A_158, %dma_wait3A_162] : memref<8x64xi32, #tpu.memory_space<vmem>> -> memref<1x64xi32, #tpu.memory_space<vmem>>
      %dma_wait3A_164 = tpu.memref_squeeze %dma_wait3A_163 : memref<1x64xi32, #tpu.memory_space<vmem>> -> memref<64xi32, #tpu.memory_space<vmem>>
      %dma_wait3A_165 = arith.constant 0 : i32
      %dma_wait3A_166 = arith.constant 0 : i32
      %dma_wait3A_167 = tpu.memref_slice %arg3[%dma_wait3A_165, %dma_wait3A_166] : memref<1000000x64xf32, #tpu.memory_space<hbm>> -> memref<1000000x64xf32, #tpu.memory_space<hbm>>
      tpu.wait_indirect_dma semaphore(%arg12 : memref<!tpu.dma_semaphore, #tpu.memory_space<semaphore_mem>>) src(%dma_wait3A_167 : memref<1000000x64xf32, #tpu.memory_space<hbm>>) dst(%dma_wait3A_161 : memref<64x64xf32, #tpu.memory_space<vmem>>)
      %dma_wait3A_168 = arith.constant 3 : i32
      %dma_wait3A_169 = arith.constant 192 : i32
      %dma_wait3A_170 = arith.constant 0 : i32
      %dma_wait3A_171 = tpu.memref_slice %arg9[%dma_wait3A_169, %dma_wait3A_170] : memref<512x64xf32, #tpu.memory_space<vmem>> -> memref<64x64xf32, #tpu.memory_space<vmem>>
      %dma_wait3A_172 = arith.constant 0 : i32
      %dma_wait3A_173 = tpu.memref_slice %arg8[%dma_wait3A_168, %dma_wait3A_172] : memref<8x64xi32, #tpu.memory_space<vmem>> -> memref<1x64xi32, #tpu.memory_space<vmem>>
      %dma_wait3A_174 = tpu.memref_squeeze %dma_wait3A_173 : memref<1x64xi32, #tpu.memory_space<vmem>> -> memref<64xi32, #tpu.memory_space<vmem>>
      %dma_wait3A_175 = arith.constant 0 : i32
      %dma_wait3A_176 = arith.constant 0 : i32
      %dma_wait3A_177 = tpu.memref_slice %arg3[%dma_wait3A_175, %dma_wait3A_176] : memref<1000000x64xf32, #tpu.memory_space<hbm>> -> memref<1000000x64xf32, #tpu.memory_space<hbm>>
      tpu.wait_indirect_dma semaphore(%arg12 : memref<!tpu.dma_semaphore, #tpu.memory_space<semaphore_mem>>) src(%dma_wait3A_177 : memref<1000000x64xf32, #tpu.memory_space<hbm>>) dst(%dma_wait3A_171 : memref<64x64xf32, #tpu.memory_space<vmem>>)
      %dma_wait3A_178 = arith.constant 4 : i32
      %dma_wait3A_179 = arith.constant 256 : i32
      %dma_wait3A_180 = arith.constant 0 : i32
      %dma_wait3A_181 = tpu.memref_slice %arg9[%dma_wait3A_179, %dma_wait3A_180] : memref<512x64xf32, #tpu.memory_space<vmem>> -> memref<64x64xf32, #tpu.memory_space<vmem>>
      %dma_wait3A_182 = arith.constant 0 : i32
      %dma_wait3A_183 = tpu.memref_slice %arg8[%dma_wait3A_178, %dma_wait3A_182] : memref<8x64xi32, #tpu.memory_space<vmem>> -> memref<1x64xi32, #tpu.memory_space<vmem>>
      %dma_wait3A_184 = tpu.memref_squeeze %dma_wait3A_183 : memref<1x64xi32, #tpu.memory_space<vmem>> -> memref<64xi32, #tpu.memory_space<vmem>>
      %dma_wait3A_185 = arith.constant 0 : i32
      %dma_wait3A_186 = arith.constant 0 : i32
      %dma_wait3A_187 = tpu.memref_slice %arg3[%dma_wait3A_185, %dma_wait3A_186] : memref<1000000x64xf32, #tpu.memory_space<hbm>> -> memref<1000000x64xf32, #tpu.memory_space<hbm>>
      tpu.wait_indirect_dma semaphore(%arg12 : memref<!tpu.dma_semaphore, #tpu.memory_space<semaphore_mem>>) src(%dma_wait3A_187 : memref<1000000x64xf32, #tpu.memory_space<hbm>>) dst(%dma_wait3A_181 : memref<64x64xf32, #tpu.memory_space<vmem>>)
      %dma_wait3A_188 = arith.constant 5 : i32
      %dma_wait3A_189 = arith.constant 320 : i32
      %dma_wait3A_190 = arith.constant 0 : i32
      %dma_wait3A_191 = tpu.memref_slice %arg9[%dma_wait3A_189, %dma_wait3A_190] : memref<512x64xf32, #tpu.memory_space<vmem>> -> memref<64x64xf32, #tpu.memory_space<vmem>>
      %dma_wait3A_192 = arith.constant 0 : i32
      %dma_wait3A_193 = tpu.memref_slice %arg8[%dma_wait3A_188, %dma_wait3A_192] : memref<8x64xi32, #tpu.memory_space<vmem>> -> memref<1x64xi32, #tpu.memory_space<vmem>>
      %dma_wait3A_194 = tpu.memref_squeeze %dma_wait3A_193 : memref<1x64xi32, #tpu.memory_space<vmem>> -> memref<64xi32, #tpu.memory_space<vmem>>
      %dma_wait3A_195 = arith.constant 0 : i32
      %dma_wait3A_196 = arith.constant 0 : i32
      %dma_wait3A_197 = tpu.memref_slice %arg3[%dma_wait3A_195, %dma_wait3A_196] : memref<1000000x64xf32, #tpu.memory_space<hbm>> -> memref<1000000x64xf32, #tpu.memory_space<hbm>>
      tpu.wait_indirect_dma semaphore(%arg12 : memref<!tpu.dma_semaphore, #tpu.memory_space<semaphore_mem>>) src(%dma_wait3A_197 : memref<1000000x64xf32, #tpu.memory_space<hbm>>) dst(%dma_wait3A_191 : memref<64x64xf32, #tpu.memory_space<vmem>>)
      %dma_wait3A_198 = arith.constant 6 : i32
      %dma_wait3A_199 = arith.constant 384 : i32
      %dma_wait3A_200 = arith.constant 0 : i32
      %dma_wait3A_201 = tpu.memref_slice %arg9[%dma_wait3A_199, %dma_wait3A_200] : memref<512x64xf32, #tpu.memory_space<vmem>> -> memref<64x64xf32, #tpu.memory_space<vmem>>
      %dma_wait3A_202 = arith.constant 0 : i32
      %dma_wait3A_203 = tpu.memref_slice %arg8[%dma_wait3A_198, %dma_wait3A_202] : memref<8x64xi32, #tpu.memory_space<vmem>> -> memref<1x64xi32, #tpu.memory_space<vmem>>
      %dma_wait3A_204 = tpu.memref_squeeze %dma_wait3A_203 : memref<1x64xi32, #tpu.memory_space<vmem>> -> memref<64xi32, #tpu.memory_space<vmem>>
      %dma_wait3A_205 = arith.constant 0 : i32
      %dma_wait3A_206 = arith.constant 0 : i32
      %dma_wait3A_207 = tpu.memref_slice %arg3[%dma_wait3A_205, %dma_wait3A_206] : memref<1000000x64xf32, #tpu.memory_space<hbm>> -> memref<1000000x64xf32, #tpu.memory_space<hbm>>
      tpu.wait_indirect_dma semaphore(%arg12 : memref<!tpu.dma_semaphore, #tpu.memory_space<semaphore_mem>>) src(%dma_wait3A_207 : memref<1000000x64xf32, #tpu.memory_space<hbm>>) dst(%dma_wait3A_201 : memref<64x64xf32, #tpu.memory_space<vmem>>)
      %dma_wait3A_208 = arith.constant 7 : i32
      %dma_wait3A_209 = arith.constant 448 : i32
      %dma_wait3A_210 = arith.constant 0 : i32
      %dma_wait3A_211 = tpu.memref_slice %arg9[%dma_wait3A_209, %dma_wait3A_210] : memref<512x64xf32, #tpu.memory_space<vmem>> -> memref<64x64xf32, #tpu.memory_space<vmem>>
      %dma_wait3A_212 = arith.constant 0 : i32
      %dma_wait3A_213 = tpu.memref_slice %arg8[%dma_wait3A_208, %dma_wait3A_212] : memref<8x64xi32, #tpu.memory_space<vmem>> -> memref<1x64xi32, #tpu.memory_space<vmem>>
      %dma_wait3A_214 = tpu.memref_squeeze %dma_wait3A_213 : memref<1x64xi32, #tpu.memory_space<vmem>> -> memref<64xi32, #tpu.memory_space<vmem>>
      %dma_wait3A_215 = arith.constant 0 : i32
      %dma_wait3A_216 = arith.constant 0 : i32
      %dma_wait3A_217 = tpu.memref_slice %arg3[%dma_wait3A_215, %dma_wait3A_216] : memref<1000000x64xf32, #tpu.memory_space<hbm>> -> memref<1000000x64xf32, #tpu.memory_space<hbm>>
      tpu.wait_indirect_dma semaphore(%arg12 : memref<!tpu.dma_semaphore, #tpu.memory_space<semaphore_mem>>) src(%dma_wait3A_217 : memref<1000000x64xf32, #tpu.memory_space<hbm>>) dst(%dma_wait3A_211 : memref<64x64xf32, #tpu.memory_space<vmem>>)
      %parallel_loop3A = arith.constant 0 : i32
      %parallel_loop3A_218 = arith.constant 32 : i32
      %parallel_loop3A_219 = arith.constant 1 : i32
      scf.for %parallel_loop3A_220 = %parallel_loop3A to %parallel_loop3A_218 step %parallel_loop3A_219  : i32 {
        %parallel_loop3A_221 = arith.constant 16 : i32
        %parallel_loop3A_222 = arith.muli %parallel_loop3A_220, %parallel_loop3A_221 : i32
        %parallel_loop3A_223 = vector.broadcast %parallel_loop3A_222 : i32 to vector<16xi32>
        %parallel_loop3A_224 = arith.addi %iota3A, %parallel_loop3A_223 : vector<16xi32>
        %parallel_loop3A_225 = arith.constant 16 : i32
        %parallel_loop3A_226 = arith.muli %parallel_loop3A_220, %parallel_loop3A_225 : i32
        %parallel_loop3A_227 = arith.addi %add3A_43, %parallel_loop3A_226 : i32
        %parallel_loop3A_228 = vector.broadcast %parallel_loop3A_227 : i32 to vector<16xi32>
        %parallel_loop3A_229 = arith.addi %parallel_loop3A_228, %iota3A : vector<16xi32>
        %parallel_loop3A_230 = arith.constant 200 : i32
        %parallel_loop3A_231 = vector.broadcast %parallel_loop3A_230 : i32 to vector<16xi32>
        %parallel_loop3A_232 = arith.remsi %parallel_loop3A_229, %parallel_loop3A_231 : vector<16xi32>
        %parallel_loop3A_233 = arith.constant 0.000000e+00 : f32
        %parallel_loop3A_234 = vector.broadcast %parallel_loop3A_233 : f32 to vector<16xf32>
        %parallel_loop3A_235 = arith.constant 0 : i32
        %parallel_loop3A_236 = vector.broadcast %parallel_loop3A_235 : i32 to vector<16xi32>
        %parallel_loop3A_237 = tpu.vector_load_idx %arg9[%parallel_loop3A_224, %parallel_loop3A_236] : memref<512x64xf32, #tpu.memory_space<vmem>>[vector<16xi32>, vector<16xi32>], vector<16xf32>,
        %parallel_loop3A_238 = tpu.vector_load_idx %arg10[%parallel_loop3A_232, %parallel_loop3A_236] : memref<200x64xf32, #tpu.memory_space<vmem>>[vector<16xi32>, vector<16xi32>], vector<16xf32>,
        %parallel_loop3A_239 = arith.addf %parallel_loop3A_237, %parallel_loop3A_238 : vector<16xf32>
        %parallel_loop3A_240 = arith.addf %parallel_loop3A_234, %parallel_loop3A_239 : vector<16xf32>
        %parallel_loop3A_241 = arith.mulf %parallel_loop3A_239, %parallel_loop3A_239 : vector<16xf32>
        %parallel_loop3A_242 = arith.addf %parallel_loop3A_234, %parallel_loop3A_241 : vector<16xf32>
        %parallel_loop3A_243 = arith.constant 1 : i32
        %parallel_loop3A_244 = vector.broadcast %parallel_loop3A_243 : i32 to vector<16xi32>
        %parallel_loop3A_245 = tpu.vector_load_idx %arg9[%parallel_loop3A_224, %parallel_loop3A_244] : memref<512x64xf32, #tpu.memory_space<vmem>>[vector<16xi32>, vector<16xi32>], vector<16xf32>,
        %parallel_loop3A_246 = tpu.vector_load_idx %arg10[%parallel_loop3A_232, %parallel_loop3A_244] : memref<200x64xf32, #tpu.memory_space<vmem>>[vector<16xi32>, vector<16xi32>], vector<16xf32>,
        %parallel_loop3A_247 = arith.addf %parallel_loop3A_245, %parallel_loop3A_246 : vector<16xf32>
        %parallel_loop3A_248 = arith.addf %parallel_loop3A_234, %parallel_loop3A_247 : vector<16xf32>
        %parallel_loop3A_249 = arith.mulf %parallel_loop3A_247, %parallel_loop3A_247 : vector<16xf32>
        %parallel_loop3A_250 = arith.addf %parallel_loop3A_234, %parallel_loop3A_249 : vector<16xf32>
        %parallel_loop3A_251 = arith.constant 2 : i32
        %parallel_loop3A_252 = vector.broadcast %parallel_loop3A_251 : i32 to vector<16xi32>
        %parallel_loop3A_253 = tpu.vector_load_idx %arg9[%parallel_loop3A_224, %parallel_loop3A_252] : memref<512x64xf32, #tpu.memory_space<vmem>>[vector<16xi32>, vector<16xi32>], vector<16xf32>,
        %parallel_loop3A_254 = tpu.vector_load_idx %arg10[%parallel_loop3A_232, %parallel_loop3A_252] : memref<200x64xf32, #tpu.memory_space<vmem>>[vector<16xi32>, vector<16xi32>], vector<16xf32>,
        %parallel_loop3A_255 = arith.addf %parallel_loop3A_253, %parallel_loop3A_254 : vector<16xf32>
        %parallel_loop3A_256 = arith.addf %parallel_loop3A_234, %parallel_loop3A_255 : vector<16xf32>
        %parallel_loop3A_257 = arith.mulf %parallel_loop3A_255, %parallel_loop3A_255 : vector<16xf32>
        %parallel_loop3A_258 = arith.addf %parallel_loop3A_234, %parallel_loop3A_257 : vector<16xf32>
        %parallel_loop3A_259 = arith.constant 3 : i32
        %parallel_loop3A_260 = vector.broadcast %parallel_loop3A_259 : i32 to vector<16xi32>
        %parallel_loop3A_261 = tpu.vector_load_idx %arg9[%parallel_loop3A_224, %parallel_loop3A_260] : memref<512x64xf32, #tpu.memory_space<vmem>>[vector<16xi32>, vector<16xi32>], vector<16xf32>,
        %parallel_loop3A_262 = tpu.vector_load_idx %arg10[%parallel_loop3A_232, %parallel_loop3A_260] : memref<200x64xf32, #tpu.memory_space<vmem>>[vector<16xi32>, vector<16xi32>], vector<16xf32>,
        %parallel_loop3A_263 = arith.addf %parallel_loop3A_261, %parallel_loop3A_262 : vector<16xf32>
        %parallel_loop3A_264 = arith.addf %parallel_loop3A_234, %parallel_loop3A_263 : vector<16xf32>
        %parallel_loop3A_265 = arith.mulf %parallel_loop3A_263, %parallel_loop3A_263 : vector<16xf32>
        %parallel_loop3A_266 = arith.addf %parallel_loop3A_234, %parallel_loop3A_265 : vector<16xf32>
        %parallel_loop3A_267 = arith.constant 4 : i32
        %parallel_loop3A_268 = vector.broadcast %parallel_loop3A_267 : i32 to vector<16xi32>
        %parallel_loop3A_269 = tpu.vector_load_idx %arg9[%parallel_loop3A_224, %parallel_loop3A_268] : memref<512x64xf32, #tpu.memory_space<vmem>>[vector<16xi32>, vector<16xi32>], vector<16xf32>,
        %parallel_loop3A_270 = tpu.vector_load_idx %arg10[%parallel_loop3A_232, %parallel_loop3A_268] : memref<200x64xf32, #tpu.memory_space<vmem>>[vector<16xi32>, vector<16xi32>], vector<16xf32>,
        %parallel_loop3A_271 = arith.addf %parallel_loop3A_269, %parallel_loop3A_270 : vector<16xf32>
        %parallel_loop3A_272 = arith.addf %parallel_loop3A_240, %parallel_loop3A_271 : vector<16xf32>
        %parallel_loop3A_273 = arith.mulf %parallel_loop3A_271, %parallel_loop3A_271 : vector<16xf32>
        %parallel_loop3A_274 = arith.addf %parallel_loop3A_242, %parallel_loop3A_273 : vector<16xf32>
        %parallel_loop3A_275 = arith.constant 5 : i32
        %parallel_loop3A_276 = vector.broadcast %parallel_loop3A_275 : i32 to vector<16xi32>
        %parallel_loop3A_277 = tpu.vector_load_idx %arg9[%parallel_loop3A_224, %parallel_loop3A_276] : memref<512x64xf32, #tpu.memory_space<vmem>>[vector<16xi32>, vector<16xi32>], vector<16xf32>,
        %parallel_loop3A_278 = tpu.vector_load_idx %arg10[%parallel_loop3A_232, %parallel_loop3A_276] : memref<200x64xf32, #tpu.memory_space<vmem>>[vector<16xi32>, vector<16xi32>], vector<16xf32>,
        %parallel_loop3A_279 = arith.addf %parallel_loop3A_277, %parallel_loop3A_278 : vector<16xf32>
        %parallel_loop3A_280 = arith.addf %parallel_loop3A_248, %parallel_loop3A_279 : vector<16xf32>
        %parallel_loop3A_281 = arith.mulf %parallel_loop3A_279, %parallel_loop3A_279 : vector<16xf32>
        %parallel_loop3A_282 = arith.addf %parallel_loop3A_250, %parallel_loop3A_281 : vector<16xf32>
        %parallel_loop3A_283 = arith.constant 6 : i32
        %parallel_loop3A_284 = vector.broadcast %parallel_loop3A_283 : i32 to vector<16xi32>
        %parallel_loop3A_285 = tpu.vector_load_idx %arg9[%parallel_loop3A_224, %parallel_loop3A_284] : memref<512x64xf32, #tpu.memory_space<vmem>>[vector<16xi32>, vector<16xi32>], vector<16xf32>,
        %parallel_loop3A_286 = tpu.vector_load_idx %arg10[%parallel_loop3A_232, %parallel_loop3A_284] : memref<200x64xf32, #tpu.memory_space<vmem>>[vector<16xi32>, vector<16xi32>], vector<16xf32>,
        %parallel_loop3A_287 = arith.addf %parallel_loop3A_285, %parallel_loop3A_286 : vector<16xf32>
        %parallel_loop3A_288 = arith.addf %parallel_loop3A_256, %parallel_loop3A_287 : vector<16xf32>
        %parallel_loop3A_289 = arith.mulf %parallel_loop3A_287, %parallel_loop3A_287 : vector<16xf32>
        %parallel_loop3A_290 = arith.addf %parallel_loop3A_258, %parallel_loop3A_289 : vector<16xf32>
        %parallel_loop3A_291 = arith.constant 7 : i32
        %parallel_loop3A_292 = vector.broadcast %parallel_loop3A_291 : i32 to vector<16xi32>
        %parallel_loop3A_293 = tpu.vector_load_idx %arg9[%parallel_loop3A_224, %parallel_loop3A_292] : memref<512x64xf32, #tpu.memory_space<vmem>>[vector<16xi32>, vector<16xi32>], vector<16xf32>,
        %parallel_loop3A_294 = tpu.vector_load_idx %arg10[%parallel_loop3A_232, %parallel_loop3A_292] : memref<200x64xf32, #tpu.memory_space<vmem>>[vector<16xi32>, vector<16xi32>], vector<16xf32>,
        %parallel_loop3A_295 = arith.addf %parallel_loop3A_293, %parallel_loop3A_294 : vector<16xf32>
        %parallel_loop3A_296 = arith.addf %parallel_loop3A_264, %parallel_loop3A_295 : vector<16xf32>
        %parallel_loop3A_297 = arith.mulf %parallel_loop3A_295, %parallel_loop3A_295 : vector<16xf32>
        %parallel_loop3A_298 = arith.addf %parallel_loop3A_266, %parallel_loop3A_297 : vector<16xf32>
        %parallel_loop3A_299 = arith.constant 8 : i32
        %parallel_loop3A_300 = vector.broadcast %parallel_loop3A_299 : i32 to vector<16xi32>
        %parallel_loop3A_301 = tpu.vector_load_idx %arg9[%parallel_loop3A_224, %parallel_loop3A_300] : memref<512x64xf32, #tpu.memory_space<vmem>>[vector<16xi32>, vector<16xi32>], vector<16xf32>,
        %parallel_loop3A_302 = tpu.vector_load_idx %arg10[%parallel_loop3A_232, %parallel_loop3A_300] : memref<200x64xf32, #tpu.memory_space<vmem>>[vector<16xi32>, vector<16xi32>], vector<16xf32>,
        %parallel_loop3A_303 = arith.addf %parallel_loop3A_301, %parallel_loop3A_302 : vector<16xf32>
        %parallel_loop3A_304 = arith.addf %parallel_loop3A_272, %parallel_loop3A_303 : vector<16xf32>
        %parallel_loop3A_305 = arith.mulf %parallel_loop3A_303, %parallel_loop3A_303 : vector<16xf32>
        %parallel_loop3A_306 = arith.addf %parallel_loop3A_274, %parallel_loop3A_305 : vector<16xf32>
        %parallel_loop3A_307 = arith.constant 9 : i32
        %parallel_loop3A_308 = vector.broadcast %parallel_loop3A_307 : i32 to vector<16xi32>
        %parallel_loop3A_309 = tpu.vector_load_idx %arg9[%parallel_loop3A_224, %parallel_loop3A_308] : memref<512x64xf32, #tpu.memory_space<vmem>>[vector<16xi32>, vector<16xi32>], vector<16xf32>,
        %parallel_loop3A_310 = tpu.vector_load_idx %arg10[%parallel_loop3A_232, %parallel_loop3A_308] : memref<200x64xf32, #tpu.memory_space<vmem>>[vector<16xi32>, vector<16xi32>], vector<16xf32>,
        %parallel_loop3A_311 = arith.addf %parallel_loop3A_309, %parallel_loop3A_310 : vector<16xf32>
        %parallel_loop3A_312 = arith.addf %parallel_loop3A_280, %parallel_loop3A_311 : vector<16xf32>
        %parallel_loop3A_313 = arith.mulf %parallel_loop3A_311, %parallel_loop3A_311 : vector<16xf32>
        %parallel_loop3A_314 = arith.addf %parallel_loop3A_282, %parallel_loop3A_313 : vector<16xf32>
        %parallel_loop3A_315 = arith.constant 10 : i32
        %parallel_loop3A_316 = vector.broadcast %parallel_loop3A_315 : i32 to vector<16xi32>
        %parallel_loop3A_317 = tpu.vector_load_idx %arg9[%parallel_loop3A_224, %parallel_loop3A_316] : memref<512x64xf32, #tpu.memory_space<vmem>>[vector<16xi32>, vector<16xi32>], vector<16xf32>,
        %parallel_loop3A_318 = tpu.vector_load_idx %arg10[%parallel_loop3A_232, %parallel_loop3A_316] : memref<200x64xf32, #tpu.memory_space<vmem>>[vector<16xi32>, vector<16xi32>], vector<16xf32>,
        %parallel_loop3A_319 = arith.addf %parallel_loop3A_317, %parallel_loop3A_318 : vector<16xf32>
        %parallel_loop3A_320 = arith.addf %parallel_loop3A_288, %parallel_loop3A_319 : vector<16xf32>
        %parallel_loop3A_321 = arith.mulf %parallel_loop3A_319, %parallel_loop3A_319 : vector<16xf32>
        %parallel_loop3A_322 = arith.addf %parallel_loop3A_290, %parallel_loop3A_321 : vector<16xf32>
        %parallel_loop3A_323 = arith.constant 11 : i32
        %parallel_loop3A_324 = vector.broadcast %parallel_loop3A_323 : i32 to vector<16xi32>
        %parallel_loop3A_325 = tpu.vector_load_idx %arg9[%parallel_loop3A_224, %parallel_loop3A_324] : memref<512x64xf32, #tpu.memory_space<vmem>>[vector<16xi32>, vector<16xi32>], vector<16xf32>,
        %parallel_loop3A_326 = tpu.vector_load_idx %arg10[%parallel_loop3A_232, %parallel_loop3A_324] : memref<200x64xf32, #tpu.memory_space<vmem>>[vector<16xi32>, vector<16xi32>], vector<16xf32>,
        %parallel_loop3A_327 = arith.addf %parallel_loop3A_325, %parallel_loop3A_326 : vector<16xf32>
        %parallel_loop3A_328 = arith.addf %parallel_loop3A_296, %parallel_loop3A_327 : vector<16xf32>
        %parallel_loop3A_329 = arith.mulf %parallel_loop3A_327, %parallel_loop3A_327 : vector<16xf32>
        %parallel_loop3A_330 = arith.addf %parallel_loop3A_298, %parallel_loop3A_329 : vector<16xf32>
        %parallel_loop3A_331 = arith.constant 12 : i32
        %parallel_loop3A_332 = vector.broadcast %parallel_loop3A_331 : i32 to vector<16xi32>
        %parallel_loop3A_333 = tpu.vector_load_idx %arg9[%parallel_loop3A_224, %parallel_loop3A_332] : memref<512x64xf32, #tpu.memory_space<vmem>>[vector<16xi32>, vector<16xi32>], vector<16xf32>,
        %parallel_loop3A_334 = tpu.vector_load_idx %arg10[%parallel_loop3A_232, %parallel_loop3A_332] : memref<200x64xf32, #tpu.memory_space<vmem>>[vector<16xi32>, vector<16xi32>], vector<16xf32>,
        %parallel_loop3A_335 = arith.addf %parallel_loop3A_333, %parallel_loop3A_334 : vector<16xf32>
        %parallel_loop3A_336 = arith.addf %parallel_loop3A_304, %parallel_loop3A_335 : vector<16xf32>
        %parallel_loop3A_337 = arith.mulf %parallel_loop3A_335, %parallel_loop3A_335 : vector<16xf32>
        %parallel_loop3A_338 = arith.addf %parallel_loop3A_306, %parallel_loop3A_337 : vector<16xf32>
        %parallel_loop3A_339 = arith.constant 13 : i32
        %parallel_loop3A_340 = vector.broadcast %parallel_loop3A_339 : i32 to vector<16xi32>
        %parallel_loop3A_341 = tpu.vector_load_idx %arg9[%parallel_loop3A_224, %parallel_loop3A_340] : memref<512x64xf32, #tpu.memory_space<vmem>>[vector<16xi32>, vector<16xi32>], vector<16xf32>,
        %parallel_loop3A_342 = tpu.vector_load_idx %arg10[%parallel_loop3A_232, %parallel_loop3A_340] : memref<200x64xf32, #tpu.memory_space<vmem>>[vector<16xi32>, vector<16xi32>], vector<16xf32>,
        %parallel_loop3A_343 = arith.addf %parallel_loop3A_341, %parallel_loop3A_342 : vector<16xf32>
        %parallel_loop3A_344 = arith.addf %parallel_loop3A_312, %parallel_loop3A_343 : vector<16xf32>
        %parallel_loop3A_345 = arith.mulf %parallel_loop3A_343, %parallel_loop3A_343 : vector<16xf32>
        %parallel_loop3A_346 = arith.addf %parallel_loop3A_314, %parallel_loop3A_345 : vector<16xf32>
        %parallel_loop3A_347 = arith.constant 14 : i32
        %parallel_loop3A_348 = vector.broadcast %parallel_loop3A_347 : i32 to vector<16xi32>
        %parallel_loop3A_349 = tpu.vector_load_idx %arg9[%parallel_loop3A_224, %parallel_loop3A_348] : memref<512x64xf32, #tpu.memory_space<vmem>>[vector<16xi32>, vector<16xi32>], vector<16xf32>,
        %parallel_loop3A_350 = tpu.vector_load_idx %arg10[%parallel_loop3A_232, %parallel_loop3A_348] : memref<200x64xf32, #tpu.memory_space<vmem>>[vector<16xi32>, vector<16xi32>], vector<16xf32>,
        %parallel_loop3A_351 = arith.addf %parallel_loop3A_349, %parallel_loop3A_350 : vector<16xf32>
        %parallel_loop3A_352 = arith.addf %parallel_loop3A_320, %parallel_loop3A_351 : vector<16xf32>
        %parallel_loop3A_353 = arith.mulf %parallel_loop3A_351, %parallel_loop3A_351 : vector<16xf32>
        %parallel_loop3A_354 = arith.addf %parallel_loop3A_322, %parallel_loop3A_353 : vector<16xf32>
        %parallel_loop3A_355 = arith.constant 15 : i32
        %parallel_loop3A_356 = vector.broadcast %parallel_loop3A_355 : i32 to vector<16xi32>
        %parallel_loop3A_357 = tpu.vector_load_idx %arg9[%parallel_loop3A_224, %parallel_loop3A_356] : memref<512x64xf32, #tpu.memory_space<vmem>>[vector<16xi32>, vector<16xi32>], vector<16xf32>,
        %parallel_loop3A_358 = tpu.vector_load_idx %arg10[%parallel_loop3A_232, %parallel_loop3A_356] : memref<200x64xf32, #tpu.memory_space<vmem>>[vector<16xi32>, vector<16xi32>], vector<16xf32>,
        %parallel_loop3A_359 = arith.addf %parallel_loop3A_357, %parallel_loop3A_358 : vector<16xf32>
        %parallel_loop3A_360 = arith.addf %parallel_loop3A_328, %parallel_loop3A_359 : vector<16xf32>
        %parallel_loop3A_361 = arith.mulf %parallel_loop3A_359, %parallel_loop3A_359 : vector<16xf32>
        %parallel_loop3A_362 = arith.addf %parallel_loop3A_330, %parallel_loop3A_361 : vector<16xf32>
        %parallel_loop3A_363 = arith.constant 16 : i32
        %parallel_loop3A_364 = vector.broadcast %parallel_loop3A_363 : i32 to vector<16xi32>
        %parallel_loop3A_365 = tpu.vector_load_idx %arg9[%parallel_loop3A_224, %parallel_loop3A_364] : memref<512x64xf32, #tpu.memory_space<vmem>>[vector<16xi32>, vector<16xi32>], vector<16xf32>,
        %parallel_loop3A_366 = tpu.vector_load_idx %arg10[%parallel_loop3A_232, %parallel_loop3A_364] : memref<200x64xf32, #tpu.memory_space<vmem>>[vector<16xi32>, vector<16xi32>], vector<16xf32>,
        %parallel_loop3A_367 = arith.addf %parallel_loop3A_365, %parallel_loop3A_366 : vector<16xf32>
        %parallel_loop3A_368 = arith.addf %parallel_loop3A_336, %parallel_loop3A_367 : vector<16xf32>
        %parallel_loop3A_369 = arith.mulf %parallel_loop3A_367, %parallel_loop3A_367 : vector<16xf32>
        %parallel_loop3A_370 = arith.addf %parallel_loop3A_338, %parallel_loop3A_369 : vector<16xf32>
        %parallel_loop3A_371 = arith.constant 17 : i32
        %parallel_loop3A_372 = vector.broadcast %parallel_loop3A_371 : i32 to vector<16xi32>
        %parallel_loop3A_373 = tpu.vector_load_idx %arg9[%parallel_loop3A_224, %parallel_loop3A_372] : memref<512x64xf32, #tpu.memory_space<vmem>>[vector<16xi32>, vector<16xi32>], vector<16xf32>,
        %parallel_loop3A_374 = tpu.vector_load_idx %arg10[%parallel_loop3A_232, %parallel_loop3A_372] : memref<200x64xf32, #tpu.memory_space<vmem>>[vector<16xi32>, vector<16xi32>], vector<16xf32>,
        %parallel_loop3A_375 = arith.addf %parallel_loop3A_373, %parallel_loop3A_374 : vector<16xf32>
        %parallel_loop3A_376 = arith.addf %parallel_loop3A_344, %parallel_loop3A_375 : vector<16xf32>
        %parallel_loop3A_377 = arith.mulf %parallel_loop3A_375, %parallel_loop3A_375 : vector<16xf32>
        %parallel_loop3A_378 = arith.addf %parallel_loop3A_346, %parallel_loop3A_377 : vector<16xf32>
        %parallel_loop3A_379 = arith.constant 18 : i32
        %parallel_loop3A_380 = vector.broadcast %parallel_loop3A_379 : i32 to vector<16xi32>
        %parallel_loop3A_381 = tpu.vector_load_idx %arg9[%parallel_loop3A_224, %parallel_loop3A_380] : memref<512x64xf32, #tpu.memory_space<vmem>>[vector<16xi32>, vector<16xi32>], vector<16xf32>,
        %parallel_loop3A_382 = tpu.vector_load_idx %arg10[%parallel_loop3A_232, %parallel_loop3A_380] : memref<200x64xf32, #tpu.memory_space<vmem>>[vector<16xi32>, vector<16xi32>], vector<16xf32>,
        %parallel_loop3A_383 = arith.addf %parallel_loop3A_381, %parallel_loop3A_382 : vector<16xf32>
        %parallel_loop3A_384 = arith.addf %parallel_loop3A_352, %parallel_loop3A_383 : vector<16xf32>
        %parallel_loop3A_385 = arith.mulf %parallel_loop3A_383, %parallel_loop3A_383 : vector<16xf32>
        %parallel_loop3A_386 = arith.addf %parallel_loop3A_354, %parallel_loop3A_385 : vector<16xf32>
        %parallel_loop3A_387 = arith.constant 19 : i32
        %parallel_loop3A_388 = vector.broadcast %parallel_loop3A_387 : i32 to vector<16xi32>
        %parallel_loop3A_389 = tpu.vector_load_idx %arg9[%parallel_loop3A_224, %parallel_loop3A_388] : memref<512x64xf32, #tpu.memory_space<vmem>>[vector<16xi32>, vector<16xi32>], vector<16xf32>,
        %parallel_loop3A_390 = tpu.vector_load_idx %arg10[%parallel_loop3A_232, %parallel_loop3A_388] : memref<200x64xf32, #tpu.memory_space<vmem>>[vector<16xi32>, vector<16xi32>], vector<16xf32>,
        %parallel_loop3A_391 = arith.addf %parallel_loop3A_389, %parallel_loop3A_390 : vector<16xf32>
        %parallel_loop3A_392 = arith.addf %parallel_loop3A_360, %parallel_loop3A_391 : vector<16xf32>
        %parallel_loop3A_393 = arith.mulf %parallel_loop3A_391, %parallel_loop3A_391 : vector<16xf32>
        %parallel_loop3A_394 = arith.addf %parallel_loop3A_362, %parallel_loop3A_393 : vector<16xf32>
        %parallel_loop3A_395 = arith.constant 20 : i32
        %parallel_loop3A_396 = vector.broadcast %parallel_loop3A_395 : i32 to vector<16xi32>
        %parallel_loop3A_397 = tpu.vector_load_idx %arg9[%parallel_loop3A_224, %parallel_loop3A_396] : memref<512x64xf32, #tpu.memory_space<vmem>>[vector<16xi32>, vector<16xi32>], vector<16xf32>,
        %parallel_loop3A_398 = tpu.vector_load_idx %arg10[%parallel_loop3A_232, %parallel_loop3A_396] : memref<200x64xf32, #tpu.memory_space<vmem>>[vector<16xi32>, vector<16xi32>], vector<16xf32>,
        %parallel_loop3A_399 = arith.addf %parallel_loop3A_397, %parallel_loop3A_398 : vector<16xf32>
        %parallel_loop3A_400 = arith.addf %parallel_loop3A_368, %parallel_loop3A_399 : vector<16xf32>
        %parallel_loop3A_401 = arith.mulf %parallel_loop3A_399, %parallel_loop3A_399 : vector<16xf32>
        %parallel_loop3A_402 = arith.addf %parallel_loop3A_370, %parallel_loop3A_401 : vector<16xf32>
        %parallel_loop3A_403 = arith.constant 21 : i32
        %parallel_loop3A_404 = vector.broadcast %parallel_loop3A_403 : i32 to vector<16xi32>
        %parallel_loop3A_405 = tpu.vector_load_idx %arg9[%parallel_loop3A_224, %parallel_loop3A_404] : memref<512x64xf32, #tpu.memory_space<vmem>>[vector<16xi32>, vector<16xi32>], vector<16xf32>,
        %parallel_loop3A_406 = tpu.vector_load_idx %arg10[%parallel_loop3A_232, %parallel_loop3A_404] : memref<200x64xf32, #tpu.memory_space<vmem>>[vector<16xi32>, vector<16xi32>], vector<16xf32>,
        %parallel_loop3A_407 = arith.addf %parallel_loop3A_405, %parallel_loop3A_406 : vector<16xf32>
        %parallel_loop3A_408 = arith.addf %parallel_loop3A_376, %parallel_loop3A_407 : vector<16xf32>
        %parallel_loop3A_409 = arith.mulf %parallel_loop3A_407, %parallel_loop3A_407 : vector<16xf32>
        %parallel_loop3A_410 = arith.addf %parallel_loop3A_378, %parallel_loop3A_409 : vector<16xf32>
        %parallel_loop3A_411 = arith.constant 22 : i32
        %parallel_loop3A_412 = vector.broadcast %parallel_loop3A_411 : i32 to vector<16xi32>
        %parallel_loop3A_413 = tpu.vector_load_idx %arg9[%parallel_loop3A_224, %parallel_loop3A_412] : memref<512x64xf32, #tpu.memory_space<vmem>>[vector<16xi32>, vector<16xi32>], vector<16xf32>,
        %parallel_loop3A_414 = tpu.vector_load_idx %arg10[%parallel_loop3A_232, %parallel_loop3A_412] : memref<200x64xf32, #tpu.memory_space<vmem>>[vector<16xi32>, vector<16xi32>], vector<16xf32>,
        %parallel_loop3A_415 = arith.addf %parallel_loop3A_413, %parallel_loop3A_414 : vector<16xf32>
        %parallel_loop3A_416 = arith.addf %parallel_loop3A_384, %parallel_loop3A_415 : vector<16xf32>
        %parallel_loop3A_417 = arith.mulf %parallel_loop3A_415, %parallel_loop3A_415 : vector<16xf32>
        %parallel_loop3A_418 = arith.addf %parallel_loop3A_386, %parallel_loop3A_417 : vector<16xf32>
        %parallel_loop3A_419 = arith.constant 23 : i32
        %parallel_loop3A_420 = vector.broadcast %parallel_loop3A_419 : i32 to vector<16xi32>
        %parallel_loop3A_421 = tpu.vector_load_idx %arg9[%parallel_loop3A_224, %parallel_loop3A_420] : memref<512x64xf32, #tpu.memory_space<vmem>>[vector<16xi32>, vector<16xi32>], vector<16xf32>,
        %parallel_loop3A_422 = tpu.vector_load_idx %arg10[%parallel_loop3A_232, %parallel_loop3A_420] : memref<200x64xf32, #tpu.memory_space<vmem>>[vector<16xi32>, vector<16xi32>], vector<16xf32>,
        %parallel_loop3A_423 = arith.addf %parallel_loop3A_421, %parallel_loop3A_422 : vector<16xf32>
        %parallel_loop3A_424 = arith.addf %parallel_loop3A_392, %parallel_loop3A_423 : vector<16xf32>
        %parallel_loop3A_425 = arith.mulf %parallel_loop3A_423, %parallel_loop3A_423 : vector<16xf32>
        %parallel_loop3A_426 = arith.addf %parallel_loop3A_394, %parallel_loop3A_425 : vector<16xf32>
        %parallel_loop3A_427 = arith.constant 24 : i32
        %parallel_loop3A_428 = vector.broadcast %parallel_loop3A_427 : i32 to vector<16xi32>
        %parallel_loop3A_429 = tpu.vector_load_idx %arg9[%parallel_loop3A_224, %parallel_loop3A_428] : memref<512x64xf32, #tpu.memory_space<vmem>>[vector<16xi32>, vector<16xi32>], vector<16xf32>,
        %parallel_loop3A_430 = tpu.vector_load_idx %arg10[%parallel_loop3A_232, %parallel_loop3A_428] : memref<200x64xf32, #tpu.memory_space<vmem>>[vector<16xi32>, vector<16xi32>], vector<16xf32>,
        %parallel_loop3A_431 = arith.addf %parallel_loop3A_429, %parallel_loop3A_430 : vector<16xf32>
        %parallel_loop3A_432 = arith.addf %parallel_loop3A_400, %parallel_loop3A_431 : vector<16xf32>
        %parallel_loop3A_433 = arith.mulf %parallel_loop3A_431, %parallel_loop3A_431 : vector<16xf32>
        %parallel_loop3A_434 = arith.addf %parallel_loop3A_402, %parallel_loop3A_433 : vector<16xf32>
        %parallel_loop3A_435 = arith.constant 25 : i32
        %parallel_loop3A_436 = vector.broadcast %parallel_loop3A_435 : i32 to vector<16xi32>
        %parallel_loop3A_437 = tpu.vector_load_idx %arg9[%parallel_loop3A_224, %parallel_loop3A_436] : memref<512x64xf32, #tpu.memory_space<vmem>>[vector<16xi32>, vector<16xi32>], vector<16xf32>,
        %parallel_loop3A_438 = tpu.vector_load_idx %arg10[%parallel_loop3A_232, %parallel_loop3A_436] : memref<200x64xf32, #tpu.memory_space<vmem>>[vector<16xi32>, vector<16xi32>], vector<16xf32>,
        %parallel_loop3A_439 = arith.addf %parallel_loop3A_437, %parallel_loop3A_438 : vector<16xf32>
        %parallel_loop3A_440 = arith.addf %parallel_loop3A_408, %parallel_loop3A_439 : vector<16xf32>
        %parallel_loop3A_441 = arith.mulf %parallel_loop3A_439, %parallel_loop3A_439 : vector<16xf32>
        %parallel_loop3A_442 = arith.addf %parallel_loop3A_410, %parallel_loop3A_441 : vector<16xf32>
        %parallel_loop3A_443 = arith.constant 26 : i32
        %parallel_loop3A_444 = vector.broadcast %parallel_loop3A_443 : i32 to vector<16xi32>
        %parallel_loop3A_445 = tpu.vector_load_idx %arg9[%parallel_loop3A_224, %parallel_loop3A_444] : memref<512x64xf32, #tpu.memory_space<vmem>>[vector<16xi32>, vector<16xi32>], vector<16xf32>,
        %parallel_loop3A_446 = tpu.vector_load_idx %arg10[%parallel_loop3A_232, %parallel_loop3A_444] : memref<200x64xf32, #tpu.memory_space<vmem>>[vector<16xi32>, vector<16xi32>], vector<16xf32>,
        %parallel_loop3A_447 = arith.addf %parallel_loop3A_445, %parallel_loop3A_446 : vector<16xf32>
        %parallel_loop3A_448 = arith.addf %parallel_loop3A_416, %parallel_loop3A_447 : vector<16xf32>
        %parallel_loop3A_449 = arith.mulf %parallel_loop3A_447, %parallel_loop3A_447 : vector<16xf32>
        %parallel_loop3A_450 = arith.addf %parallel_loop3A_418, %parallel_loop3A_449 : vector<16xf32>
        %parallel_loop3A_451 = arith.constant 27 : i32
        %parallel_loop3A_452 = vector.broadcast %parallel_loop3A_451 : i32 to vector<16xi32>
        %parallel_loop3A_453 = tpu.vector_load_idx %arg9[%parallel_loop3A_224, %parallel_loop3A_452] : memref<512x64xf32, #tpu.memory_space<vmem>>[vector<16xi32>, vector<16xi32>], vector<16xf32>,
        %parallel_loop3A_454 = tpu.vector_load_idx %arg10[%parallel_loop3A_232, %parallel_loop3A_452] : memref<200x64xf32, #tpu.memory_space<vmem>>[vector<16xi32>, vector<16xi32>], vector<16xf32>,
        %parallel_loop3A_455 = arith.addf %parallel_loop3A_453, %parallel_loop3A_454 : vector<16xf32>
        %parallel_loop3A_456 = arith.addf %parallel_loop3A_424, %parallel_loop3A_455 : vector<16xf32>
        %parallel_loop3A_457 = arith.mulf %parallel_loop3A_455, %parallel_loop3A_455 : vector<16xf32>
        %parallel_loop3A_458 = arith.addf %parallel_loop3A_426, %parallel_loop3A_457 : vector<16xf32>
        %parallel_loop3A_459 = arith.constant 28 : i32
        %parallel_loop3A_460 = vector.broadcast %parallel_loop3A_459 : i32 to vector<16xi32>
        %parallel_loop3A_461 = tpu.vector_load_idx %arg9[%parallel_loop3A_224, %parallel_loop3A_460] : memref<512x64xf32, #tpu.memory_space<vmem>>[vector<16xi32>, vector<16xi32>], vector<16xf32>,
        %parallel_loop3A_462 = tpu.vector_load_idx %arg10[%parallel_loop3A_232, %parallel_loop3A_460] : memref<200x64xf32, #tpu.memory_space<vmem>>[vector<16xi32>, vector<16xi32>], vector<16xf32>,
        %parallel_loop3A_463 = arith.addf %parallel_loop3A_461, %parallel_loop3A_462 : vector<16xf32>
        %parallel_loop3A_464 = arith.addf %parallel_loop3A_432, %parallel_loop3A_463 : vector<16xf32>
        %parallel_loop3A_465 = arith.mulf %parallel_loop3A_463, %parallel_loop3A_463 : vector<16xf32>
        %parallel_loop3A_466 = arith.addf %parallel_loop3A_434, %parallel_loop3A_465 : vector<16xf32>
        %parallel_loop3A_467 = arith.constant 29 : i32
        %parallel_loop3A_468 = vector.broadcast %parallel_loop3A_467 : i32 to vector<16xi32>
        %parallel_loop3A_469 = tpu.vector_load_idx %arg9[%parallel_loop3A_224, %parallel_loop3A_468] : memref<512x64xf32, #tpu.memory_space<vmem>>[vector<16xi32>, vector<16xi32>], vector<16xf32>,
        %parallel_loop3A_470 = tpu.vector_load_idx %arg10[%parallel_loop3A_232, %parallel_loop3A_468] : memref<200x64xf32, #tpu.memory_space<vmem>>[vector<16xi32>, vector<16xi32>], vector<16xf32>,
        %parallel_loop3A_471 = arith.addf %parallel_loop3A_469, %parallel_loop3A_470 : vector<16xf32>
        %parallel_loop3A_472 = arith.addf %parallel_loop3A_440, %parallel_loop3A_471 : vector<16xf32>
        %parallel_loop3A_473 = arith.mulf %parallel_loop3A_471, %parallel_loop3A_471 : vector<16xf32>
        %parallel_loop3A_474 = arith.addf %parallel_loop3A_442, %parallel_loop3A_473 : vector<16xf32>
        %parallel_loop3A_475 = arith.constant 30 : i32
        %parallel_loop3A_476 = vector.broadcast %parallel_loop3A_475 : i32 to vector<16xi32>
        %parallel_loop3A_477 = tpu.vector_load_idx %arg9[%parallel_loop3A_224, %parallel_loop3A_476] : memref<512x64xf32, #tpu.memory_space<vmem>>[vector<16xi32>, vector<16xi32>], vector<16xf32>,
        %parallel_loop3A_478 = tpu.vector_load_idx %arg10[%parallel_loop3A_232, %parallel_loop3A_476] : memref<200x64xf32, #tpu.memory_space<vmem>>[vector<16xi32>, vector<16xi32>], vector<16xf32>,
        %parallel_loop3A_479 = arith.addf %parallel_loop3A_477, %parallel_loop3A_478 : vector<16xf32>
        %parallel_loop3A_480 = arith.addf %parallel_loop3A_448, %parallel_loop3A_479 : vector<16xf32>
        %parallel_loop3A_481 = arith.mulf %parallel_loop3A_479, %parallel_loop3A_479 : vector<16xf32>
        %parallel_loop3A_482 = arith.addf %parallel_loop3A_450, %parallel_loop3A_481 : vector<16xf32>
        %parallel_loop3A_483 = arith.constant 31 : i32
        %parallel_loop3A_484 = vector.broadcast %parallel_loop3A_483 : i32 to vector<16xi32>
        %parallel_loop3A_485 = tpu.vector_load_idx %arg9[%parallel_loop3A_224, %parallel_loop3A_484] : memref<512x64xf32, #tpu.memory_space<vmem>>[vector<16xi32>, vector<16xi32>], vector<16xf32>,
        %parallel_loop3A_486 = tpu.vector_load_idx %arg10[%parallel_loop3A_232, %parallel_loop3A_484] : memref<200x64xf32, #tpu.memory_space<vmem>>[vector<16xi32>, vector<16xi32>], vector<16xf32>,
        %parallel_loop3A_487 = arith.addf %parallel_loop3A_485, %parallel_loop3A_486 : vector<16xf32>
        %parallel_loop3A_488 = arith.addf %parallel_loop3A_456, %parallel_loop3A_487 : vector<16xf32>
        %parallel_loop3A_489 = arith.mulf %parallel_loop3A_487, %parallel_loop3A_487 : vector<16xf32>
        %parallel_loop3A_490 = arith.addf %parallel_loop3A_458, %parallel_loop3A_489 : vector<16xf32>
        %parallel_loop3A_491 = arith.constant 32 : i32
        %parallel_loop3A_492 = vector.broadcast %parallel_loop3A_491 : i32 to vector<16xi32>
        %parallel_loop3A_493 = tpu.vector_load_idx %arg9[%parallel_loop3A_224, %parallel_loop3A_492] : memref<512x64xf32, #tpu.memory_space<vmem>>[vector<16xi32>, vector<16xi32>], vector<16xf32>,
        %parallel_loop3A_494 = tpu.vector_load_idx %arg10[%parallel_loop3A_232, %parallel_loop3A_492] : memref<200x64xf32, #tpu.memory_space<vmem>>[vector<16xi32>, vector<16xi32>], vector<16xf32>,
        %parallel_loop3A_495 = arith.addf %parallel_loop3A_493, %parallel_loop3A_494 : vector<16xf32>
        %parallel_loop3A_496 = arith.addf %parallel_loop3A_464, %parallel_loop3A_495 : vector<16xf32>
        %parallel_loop3A_497 = arith.mulf %parallel_loop3A_495, %parallel_loop3A_495 : vector<16xf32>
        %parallel_loop3A_498 = arith.addf %parallel_loop3A_466, %parallel_loop3A_497 : vector<16xf32>
        %parallel_loop3A_499 = arith.constant 33 : i32
        %parallel_loop3A_500 = vector.broadcast %parallel_loop3A_499 : i32 to vector<16xi32>
        %parallel_loop3A_501 = tpu.vector_load_idx %arg9[%parallel_loop3A_224, %parallel_loop3A_500] : memref<512x64xf32, #tpu.memory_space<vmem>>[vector<16xi32>, vector<16xi32>], vector<16xf32>,
        %parallel_loop3A_502 = tpu.vector_load_idx %arg10[%parallel_loop3A_232, %parallel_loop3A_500] : memref<200x64xf32, #tpu.memory_space<vmem>>[vector<16xi32>, vector<16xi32>], vector<16xf32>,
        %parallel_loop3A_503 = arith.addf %parallel_loop3A_501, %parallel_loop3A_502 : vector<16xf32>
        %parallel_loop3A_504 = arith.addf %parallel_loop3A_472, %parallel_loop3A_503 : vector<16xf32>
        %parallel_loop3A_505 = arith.mulf %parallel_loop3A_503, %parallel_loop3A_503 : vector<16xf32>
        %parallel_loop3A_506 = arith.addf %parallel_loop3A_474, %parallel_loop3A_505 : vector<16xf32>
        %parallel_loop3A_507 = arith.constant 34 : i32
        %parallel_loop3A_508 = vector.broadcast %parallel_loop3A_507 : i32 to vector<16xi32>
        %parallel_loop3A_509 = tpu.vector_load_idx %arg9[%parallel_loop3A_224, %parallel_loop3A_508] : memref<512x64xf32, #tpu.memory_space<vmem>>[vector<16xi32>, vector<16xi32>], vector<16xf32>,
        %parallel_loop3A_510 = tpu.vector_load_idx %arg10[%parallel_loop3A_232, %parallel_loop3A_508] : memref<200x64xf32, #tpu.memory_space<vmem>>[vector<16xi32>, vector<16xi32>], vector<16xf32>,
        %parallel_loop3A_511 = arith.addf %parallel_loop3A_509, %parallel_loop3A_510 : vector<16xf32>
        %parallel_loop3A_512 = arith.addf %parallel_loop3A_480, %parallel_loop3A_511 : vector<16xf32>
        %parallel_loop3A_513 = arith.mulf %parallel_loop3A_511, %parallel_loop3A_511 : vector<16xf32>
        %parallel_loop3A_514 = arith.addf %parallel_loop3A_482, %parallel_loop3A_513 : vector<16xf32>
        %parallel_loop3A_515 = arith.constant 35 : i32
        %parallel_loop3A_516 = vector.broadcast %parallel_loop3A_515 : i32 to vector<16xi32>
        %parallel_loop3A_517 = tpu.vector_load_idx %arg9[%parallel_loop3A_224, %parallel_loop3A_516] : memref<512x64xf32, #tpu.memory_space<vmem>>[vector<16xi32>, vector<16xi32>], vector<16xf32>,
        %parallel_loop3A_518 = tpu.vector_load_idx %arg10[%parallel_loop3A_232, %parallel_loop3A_516] : memref<200x64xf32, #tpu.memory_space<vmem>>[vector<16xi32>, vector<16xi32>], vector<16xf32>,
        %parallel_loop3A_519 = arith.addf %parallel_loop3A_517, %parallel_loop3A_518 : vector<16xf32>
        %parallel_loop3A_520 = arith.addf %parallel_loop3A_488, %parallel_loop3A_519 : vector<16xf32>
        %parallel_loop3A_521 = arith.mulf %parallel_loop3A_519, %parallel_loop3A_519 : vector<16xf32>
        %parallel_loop3A_522 = arith.addf %parallel_loop3A_490, %parallel_loop3A_521 : vector<16xf32>
        %parallel_loop3A_523 = arith.constant 36 : i32
        %parallel_loop3A_524 = vector.broadcast %parallel_loop3A_523 : i32 to vector<16xi32>
        %parallel_loop3A_525 = tpu.vector_load_idx %arg9[%parallel_loop3A_224, %parallel_loop3A_524] : memref<512x64xf32, #tpu.memory_space<vmem>>[vector<16xi32>, vector<16xi32>], vector<16xf32>,
        %parallel_loop3A_526 = tpu.vector_load_idx %arg10[%parallel_loop3A_232, %parallel_loop3A_524] : memref<200x64xf32, #tpu.memory_space<vmem>>[vector<16xi32>, vector<16xi32>], vector<16xf32>,
        %parallel_loop3A_527 = arith.addf %parallel_loop3A_525, %parallel_loop3A_526 : vector<16xf32>
        %parallel_loop3A_528 = arith.addf %parallel_loop3A_496, %parallel_loop3A_527 : vector<16xf32>
        %parallel_loop3A_529 = arith.mulf %parallel_loop3A_527, %parallel_loop3A_527 : vector<16xf32>
        %parallel_loop3A_530 = arith.addf %parallel_loop3A_498, %parallel_loop3A_529 : vector<16xf32>
        %parallel_loop3A_531 = arith.constant 37 : i32
        %parallel_loop3A_532 = vector.broadcast %parallel_loop3A_531 : i32 to vector<16xi32>
        %parallel_loop3A_533 = tpu.vector_load_idx %arg9[%parallel_loop3A_224, %parallel_loop3A_532] : memref<512x64xf32, #tpu.memory_space<vmem>>[vector<16xi32>, vector<16xi32>], vector<16xf32>,
        %parallel_loop3A_534 = tpu.vector_load_idx %arg10[%parallel_loop3A_232, %parallel_loop3A_532] : memref<200x64xf32, #tpu.memory_space<vmem>>[vector<16xi32>, vector<16xi32>], vector<16xf32>,
        %parallel_loop3A_535 = arith.addf %parallel_loop3A_533, %parallel_loop3A_534 : vector<16xf32>
        %parallel_loop3A_536 = arith.addf %parallel_loop3A_504, %parallel_loop3A_535 : vector<16xf32>
        %parallel_loop3A_537 = arith.mulf %parallel_loop3A_535, %parallel_loop3A_535 : vector<16xf32>
        %parallel_loop3A_538 = arith.addf %parallel_loop3A_506, %parallel_loop3A_537 : vector<16xf32>
        %parallel_loop3A_539 = arith.constant 38 : i32
        %parallel_loop3A_540 = vector.broadcast %parallel_loop3A_539 : i32 to vector<16xi32>
        %parallel_loop3A_541 = tpu.vector_load_idx %arg9[%parallel_loop3A_224, %parallel_loop3A_540] : memref<512x64xf32, #tpu.memory_space<vmem>>[vector<16xi32>, vector<16xi32>], vector<16xf32>,
        %parallel_loop3A_542 = tpu.vector_load_idx %arg10[%parallel_loop3A_232, %parallel_loop3A_540] : memref<200x64xf32, #tpu.memory_space<vmem>>[vector<16xi32>, vector<16xi32>], vector<16xf32>,
        %parallel_loop3A_543 = arith.addf %parallel_loop3A_541, %parallel_loop3A_542 : vector<16xf32>
        %parallel_loop3A_544 = arith.addf %parallel_loop3A_512, %parallel_loop3A_543 : vector<16xf32>
        %parallel_loop3A_545 = arith.mulf %parallel_loop3A_543, %parallel_loop3A_543 : vector<16xf32>
        %parallel_loop3A_546 = arith.addf %parallel_loop3A_514, %parallel_loop3A_545 : vector<16xf32>
        %parallel_loop3A_547 = arith.constant 39 : i32
        %parallel_loop3A_548 = vector.broadcast %parallel_loop3A_547 : i32 to vector<16xi32>
        %parallel_loop3A_549 = tpu.vector_load_idx %arg9[%parallel_loop3A_224, %parallel_loop3A_548] : memref<512x64xf32, #tpu.memory_space<vmem>>[vector<16xi32>, vector<16xi32>], vector<16xf32>,
        %parallel_loop3A_550 = tpu.vector_load_idx %arg10[%parallel_loop3A_232, %parallel_loop3A_548] : memref<200x64xf32, #tpu.memory_space<vmem>>[vector<16xi32>, vector<16xi32>], vector<16xf32>,
        %parallel_loop3A_551 = arith.addf %parallel_loop3A_549, %parallel_loop3A_550 : vector<16xf32>
        %parallel_loop3A_552 = arith.addf %parallel_loop3A_520, %parallel_loop3A_551 : vector<16xf32>
        %parallel_loop3A_553 = arith.mulf %parallel_loop3A_551, %parallel_loop3A_551 : vector<16xf32>
        %parallel_loop3A_554 = arith.addf %parallel_loop3A_522, %parallel_loop3A_553 : vector<16xf32>
        %parallel_loop3A_555 = arith.constant 40 : i32
        %parallel_loop3A_556 = vector.broadcast %parallel_loop3A_555 : i32 to vector<16xi32>
        %parallel_loop3A_557 = tpu.vector_load_idx %arg9[%parallel_loop3A_224, %parallel_loop3A_556] : memref<512x64xf32, #tpu.memory_space<vmem>>[vector<16xi32>, vector<16xi32>], vector<16xf32>,
        %parallel_loop3A_558 = tpu.vector_load_idx %arg10[%parallel_loop3A_232, %parallel_loop3A_556] : memref<200x64xf32, #tpu.memory_space<vmem>>[vector<16xi32>, vector<16xi32>], vector<16xf32>,
        %parallel_loop3A_559 = arith.addf %parallel_loop3A_557, %parallel_loop3A_558 : vector<16xf32>
        %parallel_loop3A_560 = arith.addf %parallel_loop3A_528, %parallel_loop3A_559 : vector<16xf32>
        %parallel_loop3A_561 = arith.mulf %parallel_loop3A_559, %parallel_loop3A_559 : vector<16xf32>
        %parallel_loop3A_562 = arith.addf %parallel_loop3A_530, %parallel_loop3A_561 : vector<16xf32>
        %parallel_loop3A_563 = arith.constant 41 : i32
        %parallel_loop3A_564 = vector.broadcast %parallel_loop3A_563 : i32 to vector<16xi32>
        %parallel_loop3A_565 = tpu.vector_load_idx %arg9[%parallel_loop3A_224, %parallel_loop3A_564] : memref<512x64xf32, #tpu.memory_space<vmem>>[vector<16xi32>, vector<16xi32>], vector<16xf32>,
        %parallel_loop3A_566 = tpu.vector_load_idx %arg10[%parallel_loop3A_232, %parallel_loop3A_564] : memref<200x64xf32, #tpu.memory_space<vmem>>[vector<16xi32>, vector<16xi32>], vector<16xf32>,
        %parallel_loop3A_567 = arith.addf %parallel_loop3A_565, %parallel_loop3A_566 : vector<16xf32>
        %parallel_loop3A_568 = arith.addf %parallel_loop3A_536, %parallel_loop3A_567 : vector<16xf32>
        %parallel_loop3A_569 = arith.mulf %parallel_loop3A_567, %parallel_loop3A_567 : vector<16xf32>
        %parallel_loop3A_570 = arith.addf %parallel_loop3A_538, %parallel_loop3A_569 : vector<16xf32>
        %parallel_loop3A_571 = arith.constant 42 : i32
        %parallel_loop3A_572 = vector.broadcast %parallel_loop3A_571 : i32 to vector<16xi32>
        %parallel_loop3A_573 = tpu.vector_load_idx %arg9[%parallel_loop3A_224, %parallel_loop3A_572] : memref<512x64xf32, #tpu.memory_space<vmem>>[vector<16xi32>, vector<16xi32>], vector<16xf32>,
        %parallel_loop3A_574 = tpu.vector_load_idx %arg10[%parallel_loop3A_232, %parallel_loop3A_572] : memref<200x64xf32, #tpu.memory_space<vmem>>[vector<16xi32>, vector<16xi32>], vector<16xf32>,
        %parallel_loop3A_575 = arith.addf %parallel_loop3A_573, %parallel_loop3A_574 : vector<16xf32>
        %parallel_loop3A_576 = arith.addf %parallel_loop3A_544, %parallel_loop3A_575 : vector<16xf32>
        %parallel_loop3A_577 = arith.mulf %parallel_loop3A_575, %parallel_loop3A_575 : vector<16xf32>
        %parallel_loop3A_578 = arith.addf %parallel_loop3A_546, %parallel_loop3A_577 : vector<16xf32>
        %parallel_loop3A_579 = arith.constant 43 : i32
        %parallel_loop3A_580 = vector.broadcast %parallel_loop3A_579 : i32 to vector<16xi32>
        %parallel_loop3A_581 = tpu.vector_load_idx %arg9[%parallel_loop3A_224, %parallel_loop3A_580] : memref<512x64xf32, #tpu.memory_space<vmem>>[vector<16xi32>, vector<16xi32>], vector<16xf32>,
        %parallel_loop3A_582 = tpu.vector_load_idx %arg10[%parallel_loop3A_232, %parallel_loop3A_580] : memref<200x64xf32, #tpu.memory_space<vmem>>[vector<16xi32>, vector<16xi32>], vector<16xf32>,
        %parallel_loop3A_583 = arith.addf %parallel_loop3A_581, %parallel_loop3A_582 : vector<16xf32>
        %parallel_loop3A_584 = arith.addf %parallel_loop3A_552, %parallel_loop3A_583 : vector<16xf32>
        %parallel_loop3A_585 = arith.mulf %parallel_loop3A_583, %parallel_loop3A_583 : vector<16xf32>
        %parallel_loop3A_586 = arith.addf %parallel_loop3A_554, %parallel_loop3A_585 : vector<16xf32>
        %parallel_loop3A_587 = arith.constant 44 : i32
        %parallel_loop3A_588 = vector.broadcast %parallel_loop3A_587 : i32 to vector<16xi32>
        %parallel_loop3A_589 = tpu.vector_load_idx %arg9[%parallel_loop3A_224, %parallel_loop3A_588] : memref<512x64xf32, #tpu.memory_space<vmem>>[vector<16xi32>, vector<16xi32>], vector<16xf32>,
        %parallel_loop3A_590 = tpu.vector_load_idx %arg10[%parallel_loop3A_232, %parallel_loop3A_588] : memref<200x64xf32, #tpu.memory_space<vmem>>[vector<16xi32>, vector<16xi32>], vector<16xf32>,
        %parallel_loop3A_591 = arith.addf %parallel_loop3A_589, %parallel_loop3A_590 : vector<16xf32>
        %parallel_loop3A_592 = arith.addf %parallel_loop3A_560, %parallel_loop3A_591 : vector<16xf32>
        %parallel_loop3A_593 = arith.mulf %parallel_loop3A_591, %parallel_loop3A_591 : vector<16xf32>
        %parallel_loop3A_594 = arith.addf %parallel_loop3A_562, %parallel_loop3A_593 : vector<16xf32>
        %parallel_loop3A_595 = arith.constant 45 : i32
        %parallel_loop3A_596 = vector.broadcast %parallel_loop3A_595 : i32 to vector<16xi32>
        %parallel_loop3A_597 = tpu.vector_load_idx %arg9[%parallel_loop3A_224, %parallel_loop3A_596] : memref<512x64xf32, #tpu.memory_space<vmem>>[vector<16xi32>, vector<16xi32>], vector<16xf32>,
        %parallel_loop3A_598 = tpu.vector_load_idx %arg10[%parallel_loop3A_232, %parallel_loop3A_596] : memref<200x64xf32, #tpu.memory_space<vmem>>[vector<16xi32>, vector<16xi32>], vector<16xf32>,
        %parallel_loop3A_599 = arith.addf %parallel_loop3A_597, %parallel_loop3A_598 : vector<16xf32>
        %parallel_loop3A_600 = arith.addf %parallel_loop3A_568, %parallel_loop3A_599 : vector<16xf32>
        %parallel_loop3A_601 = arith.mulf %parallel_loop3A_599, %parallel_loop3A_599 : vector<16xf32>
        %parallel_loop3A_602 = arith.addf %parallel_loop3A_570, %parallel_loop3A_601 : vector<16xf32>
        %parallel_loop3A_603 = arith.constant 46 : i32
        %parallel_loop3A_604 = vector.broadcast %parallel_loop3A_603 : i32 to vector<16xi32>
        %parallel_loop3A_605 = tpu.vector_load_idx %arg9[%parallel_loop3A_224, %parallel_loop3A_604] : memref<512x64xf32, #tpu.memory_space<vmem>>[vector<16xi32>, vector<16xi32>], vector<16xf32>,
        %parallel_loop3A_606 = tpu.vector_load_idx %arg10[%parallel_loop3A_232, %parallel_loop3A_604] : memref<200x64xf32, #tpu.memory_space<vmem>>[vector<16xi32>, vector<16xi32>], vector<16xf32>,
        %parallel_loop3A_607 = arith.addf %parallel_loop3A_605, %parallel_loop3A_606 : vector<16xf32>
        %parallel_loop3A_608 = arith.addf %parallel_loop3A_576, %parallel_loop3A_607 : vector<16xf32>
        %parallel_loop3A_609 = arith.mulf %parallel_loop3A_607, %parallel_loop3A_607 : vector<16xf32>
        %parallel_loop3A_610 = arith.addf %parallel_loop3A_578, %parallel_loop3A_609 : vector<16xf32>
        %parallel_loop3A_611 = arith.constant 47 : i32
        %parallel_loop3A_612 = vector.broadcast %parallel_loop3A_611 : i32 to vector<16xi32>
        %parallel_loop3A_613 = tpu.vector_load_idx %arg9[%parallel_loop3A_224, %parallel_loop3A_612] : memref<512x64xf32, #tpu.memory_space<vmem>>[vector<16xi32>, vector<16xi32>], vector<16xf32>,
        %parallel_loop3A_614 = tpu.vector_load_idx %arg10[%parallel_loop3A_232, %parallel_loop3A_612] : memref<200x64xf32, #tpu.memory_space<vmem>>[vector<16xi32>, vector<16xi32>], vector<16xf32>,
        %parallel_loop3A_615 = arith.addf %parallel_loop3A_613, %parallel_loop3A_614 : vector<16xf32>
        %parallel_loop3A_616 = arith.addf %parallel_loop3A_584, %parallel_loop3A_615 : vector<16xf32>
        %parallel_loop3A_617 = arith.mulf %parallel_loop3A_615, %parallel_loop3A_615 : vector<16xf32>
        %parallel_loop3A_618 = arith.addf %parallel_loop3A_586, %parallel_loop3A_617 : vector<16xf32>
        %parallel_loop3A_619 = arith.constant 48 : i32
        %parallel_loop3A_620 = vector.broadcast %parallel_loop3A_619 : i32 to vector<16xi32>
        %parallel_loop3A_621 = tpu.vector_load_idx %arg9[%parallel_loop3A_224, %parallel_loop3A_620] : memref<512x64xf32, #tpu.memory_space<vmem>>[vector<16xi32>, vector<16xi32>], vector<16xf32>,
        %parallel_loop3A_622 = tpu.vector_load_idx %arg10[%parallel_loop3A_232, %parallel_loop3A_620] : memref<200x64xf32, #tpu.memory_space<vmem>>[vector<16xi32>, vector<16xi32>], vector<16xf32>,
        %parallel_loop3A_623 = arith.addf %parallel_loop3A_621, %parallel_loop3A_622 : vector<16xf32>
        %parallel_loop3A_624 = arith.addf %parallel_loop3A_592, %parallel_loop3A_623 : vector<16xf32>
        %parallel_loop3A_625 = arith.mulf %parallel_loop3A_623, %parallel_loop3A_623 : vector<16xf32>
        %parallel_loop3A_626 = arith.addf %parallel_loop3A_594, %parallel_loop3A_625 : vector<16xf32>
        %parallel_loop3A_627 = arith.constant 49 : i32
        %parallel_loop3A_628 = vector.broadcast %parallel_loop3A_627 : i32 to vector<16xi32>
        %parallel_loop3A_629 = tpu.vector_load_idx %arg9[%parallel_loop3A_224, %parallel_loop3A_628] : memref<512x64xf32, #tpu.memory_space<vmem>>[vector<16xi32>, vector<16xi32>], vector<16xf32>,
        %parallel_loop3A_630 = tpu.vector_load_idx %arg10[%parallel_loop3A_232, %parallel_loop3A_628] : memref<200x64xf32, #tpu.memory_space<vmem>>[vector<16xi32>, vector<16xi32>], vector<16xf32>,
        %parallel_loop3A_631 = arith.addf %parallel_loop3A_629, %parallel_loop3A_630 : vector<16xf32>
        %parallel_loop3A_632 = arith.addf %parallel_loop3A_600, %parallel_loop3A_631 : vector<16xf32>
        %parallel_loop3A_633 = arith.mulf %parallel_loop3A_631, %parallel_loop3A_631 : vector<16xf32>
        %parallel_loop3A_634 = arith.addf %parallel_loop3A_602, %parallel_loop3A_633 : vector<16xf32>
        %parallel_loop3A_635 = arith.constant 50 : i32
        %parallel_loop3A_636 = vector.broadcast %parallel_loop3A_635 : i32 to vector<16xi32>
        %parallel_loop3A_637 = tpu.vector_load_idx %arg9[%parallel_loop3A_224, %parallel_loop3A_636] : memref<512x64xf32, #tpu.memory_space<vmem>>[vector<16xi32>, vector<16xi32>], vector<16xf32>,
        %parallel_loop3A_638 = tpu.vector_load_idx %arg10[%parallel_loop3A_232, %parallel_loop3A_636] : memref<200x64xf32, #tpu.memory_space<vmem>>[vector<16xi32>, vector<16xi32>], vector<16xf32>,
        %parallel_loop3A_639 = arith.addf %parallel_loop3A_637, %parallel_loop3A_638 : vector<16xf32>
        %parallel_loop3A_640 = arith.addf %parallel_loop3A_608, %parallel_loop3A_639 : vector<16xf32>
        %parallel_loop3A_641 = arith.mulf %parallel_loop3A_639, %parallel_loop3A_639 : vector<16xf32>
        %parallel_loop3A_642 = arith.addf %parallel_loop3A_610, %parallel_loop3A_641 : vector<16xf32>
        %parallel_loop3A_643 = arith.constant 51 : i32
        %parallel_loop3A_644 = vector.broadcast %parallel_loop3A_643 : i32 to vector<16xi32>
        %parallel_loop3A_645 = tpu.vector_load_idx %arg9[%parallel_loop3A_224, %parallel_loop3A_644] : memref<512x64xf32, #tpu.memory_space<vmem>>[vector<16xi32>, vector<16xi32>], vector<16xf32>,
        %parallel_loop3A_646 = tpu.vector_load_idx %arg10[%parallel_loop3A_232, %parallel_loop3A_644] : memref<200x64xf32, #tpu.memory_space<vmem>>[vector<16xi32>, vector<16xi32>], vector<16xf32>,
        %parallel_loop3A_647 = arith.addf %parallel_loop3A_645, %parallel_loop3A_646 : vector<16xf32>
        %parallel_loop3A_648 = arith.addf %parallel_loop3A_616, %parallel_loop3A_647 : vector<16xf32>
        %parallel_loop3A_649 = arith.mulf %parallel_loop3A_647, %parallel_loop3A_647 : vector<16xf32>
        %parallel_loop3A_650 = arith.addf %parallel_loop3A_618, %parallel_loop3A_649 : vector<16xf32>
        %parallel_loop3A_651 = arith.constant 52 : i32
        %parallel_loop3A_652 = vector.broadcast %parallel_loop3A_651 : i32 to vector<16xi32>
        %parallel_loop3A_653 = tpu.vector_load_idx %arg9[%parallel_loop3A_224, %parallel_loop3A_652] : memref<512x64xf32, #tpu.memory_space<vmem>>[vector<16xi32>, vector<16xi32>], vector<16xf32>,
        %parallel_loop3A_654 = tpu.vector_load_idx %arg10[%parallel_loop3A_232, %parallel_loop3A_652] : memref<200x64xf32, #tpu.memory_space<vmem>>[vector<16xi32>, vector<16xi32>], vector<16xf32>,
        %parallel_loop3A_655 = arith.addf %parallel_loop3A_653, %parallel_loop3A_654 : vector<16xf32>
        %parallel_loop3A_656 = arith.addf %parallel_loop3A_624, %parallel_loop3A_655 : vector<16xf32>
        %parallel_loop3A_657 = arith.mulf %parallel_loop3A_655, %parallel_loop3A_655 : vector<16xf32>
        %parallel_loop3A_658 = arith.addf %parallel_loop3A_626, %parallel_loop3A_657 : vector<16xf32>
        %parallel_loop3A_659 = arith.constant 53 : i32
        %parallel_loop3A_660 = vector.broadcast %parallel_loop3A_659 : i32 to vector<16xi32>
        %parallel_loop3A_661 = tpu.vector_load_idx %arg9[%parallel_loop3A_224, %parallel_loop3A_660] : memref<512x64xf32, #tpu.memory_space<vmem>>[vector<16xi32>, vector<16xi32>], vector<16xf32>,
        %parallel_loop3A_662 = tpu.vector_load_idx %arg10[%parallel_loop3A_232, %parallel_loop3A_660] : memref<200x64xf32, #tpu.memory_space<vmem>>[vector<16xi32>, vector<16xi32>], vector<16xf32>,
        %parallel_loop3A_663 = arith.addf %parallel_loop3A_661, %parallel_loop3A_662 : vector<16xf32>
        %parallel_loop3A_664 = arith.addf %parallel_loop3A_632, %parallel_loop3A_663 : vector<16xf32>
        %parallel_loop3A_665 = arith.mulf %parallel_loop3A_663, %parallel_loop3A_663 : vector<16xf32>
        %parallel_loop3A_666 = arith.addf %parallel_loop3A_634, %parallel_loop3A_665 : vector<16xf32>
        %parallel_loop3A_667 = arith.constant 54 : i32
        %parallel_loop3A_668 = vector.broadcast %parallel_loop3A_667 : i32 to vector<16xi32>
        %parallel_loop3A_669 = tpu.vector_load_idx %arg9[%parallel_loop3A_224, %parallel_loop3A_668] : memref<512x64xf32, #tpu.memory_space<vmem>>[vector<16xi32>, vector<16xi32>], vector<16xf32>,
        %parallel_loop3A_670 = tpu.vector_load_idx %arg10[%parallel_loop3A_232, %parallel_loop3A_668] : memref<200x64xf32, #tpu.memory_space<vmem>>[vector<16xi32>, vector<16xi32>], vector<16xf32>,
        %parallel_loop3A_671 = arith.addf %parallel_loop3A_669, %parallel_loop3A_670 : vector<16xf32>
        %parallel_loop3A_672 = arith.addf %parallel_loop3A_640, %parallel_loop3A_671 : vector<16xf32>
        %parallel_loop3A_673 = arith.mulf %parallel_loop3A_671, %parallel_loop3A_671 : vector<16xf32>
        %parallel_loop3A_674 = arith.addf %parallel_loop3A_642, %parallel_loop3A_673 : vector<16xf32>
        %parallel_loop3A_675 = arith.constant 55 : i32
        %parallel_loop3A_676 = vector.broadcast %parallel_loop3A_675 : i32 to vector<16xi32>
        %parallel_loop3A_677 = tpu.vector_load_idx %arg9[%parallel_loop3A_224, %parallel_loop3A_676] : memref<512x64xf32, #tpu.memory_space<vmem>>[vector<16xi32>, vector<16xi32>], vector<16xf32>,
        %parallel_loop3A_678 = tpu.vector_load_idx %arg10[%parallel_loop3A_232, %parallel_loop3A_676] : memref<200x64xf32, #tpu.memory_space<vmem>>[vector<16xi32>, vector<16xi32>], vector<16xf32>,
        %parallel_loop3A_679 = arith.addf %parallel_loop3A_677, %parallel_loop3A_678 : vector<16xf32>
        %parallel_loop3A_680 = arith.addf %parallel_loop3A_648, %parallel_loop3A_679 : vector<16xf32>
        %parallel_loop3A_681 = arith.mulf %parallel_loop3A_679, %parallel_loop3A_679 : vector<16xf32>
        %parallel_loop3A_682 = arith.addf %parallel_loop3A_650, %parallel_loop3A_681 : vector<16xf32>
        %parallel_loop3A_683 = arith.constant 56 : i32
        %parallel_loop3A_684 = vector.broadcast %parallel_loop3A_683 : i32 to vector<16xi32>
        %parallel_loop3A_685 = tpu.vector_load_idx %arg9[%parallel_loop3A_224, %parallel_loop3A_684] : memref<512x64xf32, #tpu.memory_space<vmem>>[vector<16xi32>, vector<16xi32>], vector<16xf32>,
        %parallel_loop3A_686 = tpu.vector_load_idx %arg10[%parallel_loop3A_232, %parallel_loop3A_684] : memref<200x64xf32, #tpu.memory_space<vmem>>[vector<16xi32>, vector<16xi32>], vector<16xf32>,
        %parallel_loop3A_687 = arith.addf %parallel_loop3A_685, %parallel_loop3A_686 : vector<16xf32>
        %parallel_loop3A_688 = arith.addf %parallel_loop3A_656, %parallel_loop3A_687 : vector<16xf32>
        %parallel_loop3A_689 = arith.mulf %parallel_loop3A_687, %parallel_loop3A_687 : vector<16xf32>
        %parallel_loop3A_690 = arith.addf %parallel_loop3A_658, %parallel_loop3A_689 : vector<16xf32>
        %parallel_loop3A_691 = arith.constant 57 : i32
        %parallel_loop3A_692 = vector.broadcast %parallel_loop3A_691 : i32 to vector<16xi32>
        %parallel_loop3A_693 = tpu.vector_load_idx %arg9[%parallel_loop3A_224, %parallel_loop3A_692] : memref<512x64xf32, #tpu.memory_space<vmem>>[vector<16xi32>, vector<16xi32>], vector<16xf32>,
        %parallel_loop3A_694 = tpu.vector_load_idx %arg10[%parallel_loop3A_232, %parallel_loop3A_692] : memref<200x64xf32, #tpu.memory_space<vmem>>[vector<16xi32>, vector<16xi32>], vector<16xf32>,
        %parallel_loop3A_695 = arith.addf %parallel_loop3A_693, %parallel_loop3A_694 : vector<16xf32>
        %parallel_loop3A_696 = arith.addf %parallel_loop3A_664, %parallel_loop3A_695 : vector<16xf32>
        %parallel_loop3A_697 = arith.mulf %parallel_loop3A_695, %parallel_loop3A_695 : vector<16xf32>
        %parallel_loop3A_698 = arith.addf %parallel_loop3A_666, %parallel_loop3A_697 : vector<16xf32>
        %parallel_loop3A_699 = arith.constant 58 : i32
        %parallel_loop3A_700 = vector.broadcast %parallel_loop3A_699 : i32 to vector<16xi32>
        %parallel_loop3A_701 = tpu.vector_load_idx %arg9[%parallel_loop3A_224, %parallel_loop3A_700] : memref<512x64xf32, #tpu.memory_space<vmem>>[vector<16xi32>, vector<16xi32>], vector<16xf32>,
        %parallel_loop3A_702 = tpu.vector_load_idx %arg10[%parallel_loop3A_232, %parallel_loop3A_700] : memref<200x64xf32, #tpu.memory_space<vmem>>[vector<16xi32>, vector<16xi32>], vector<16xf32>,
        %parallel_loop3A_703 = arith.addf %parallel_loop3A_701, %parallel_loop3A_702 : vector<16xf32>
        %parallel_loop3A_704 = arith.addf %parallel_loop3A_672, %parallel_loop3A_703 : vector<16xf32>
        %parallel_loop3A_705 = arith.mulf %parallel_loop3A_703, %parallel_loop3A_703 : vector<16xf32>
        %parallel_loop3A_706 = arith.addf %parallel_loop3A_674, %parallel_loop3A_705 : vector<16xf32>
        %parallel_loop3A_707 = arith.constant 59 : i32
        %parallel_loop3A_708 = vector.broadcast %parallel_loop3A_707 : i32 to vector<16xi32>
        %parallel_loop3A_709 = tpu.vector_load_idx %arg9[%parallel_loop3A_224, %parallel_loop3A_708] : memref<512x64xf32, #tpu.memory_space<vmem>>[vector<16xi32>, vector<16xi32>], vector<16xf32>,
        %parallel_loop3A_710 = tpu.vector_load_idx %arg10[%parallel_loop3A_232, %parallel_loop3A_708] : memref<200x64xf32, #tpu.memory_space<vmem>>[vector<16xi32>, vector<16xi32>], vector<16xf32>,
        %parallel_loop3A_711 = arith.addf %parallel_loop3A_709, %parallel_loop3A_710 : vector<16xf32>
        %parallel_loop3A_712 = arith.addf %parallel_loop3A_680, %parallel_loop3A_711 : vector<16xf32>
        %parallel_loop3A_713 = arith.mulf %parallel_loop3A_711, %parallel_loop3A_711 : vector<16xf32>
        %parallel_loop3A_714 = arith.addf %parallel_loop3A_682, %parallel_loop3A_713 : vector<16xf32>
        %parallel_loop3A_715 = arith.constant 60 : i32
        %parallel_loop3A_716 = vector.broadcast %parallel_loop3A_715 : i32 to vector<16xi32>
        %parallel_loop3A_717 = tpu.vector_load_idx %arg9[%parallel_loop3A_224, %parallel_loop3A_716] : memref<512x64xf32, #tpu.memory_space<vmem>>[vector<16xi32>, vector<16xi32>], vector<16xf32>,
        %parallel_loop3A_718 = tpu.vector_load_idx %arg10[%parallel_loop3A_232, %parallel_loop3A_716] : memref<200x64xf32, #tpu.memory_space<vmem>>[vector<16xi32>, vector<16xi32>], vector<16xf32>,
        %parallel_loop3A_719 = arith.addf %parallel_loop3A_717, %parallel_loop3A_718 : vector<16xf32>
        %parallel_loop3A_720 = arith.addf %parallel_loop3A_688, %parallel_loop3A_719 : vector<16xf32>
        %parallel_loop3A_721 = arith.mulf %parallel_loop3A_719, %parallel_loop3A_719 : vector<16xf32>
        %parallel_loop3A_722 = arith.addf %parallel_loop3A_690, %parallel_loop3A_721 : vector<16xf32>
        %parallel_loop3A_723 = arith.constant 61 : i32
        %parallel_loop3A_724 = vector.broadcast %parallel_loop3A_723 : i32 to vector<16xi32>
        %parallel_loop3A_725 = tpu.vector_load_idx %arg9[%parallel_loop3A_224, %parallel_loop3A_724] : memref<512x64xf32, #tpu.memory_space<vmem>>[vector<16xi32>, vector<16xi32>], vector<16xf32>,
        %parallel_loop3A_726 = tpu.vector_load_idx %arg10[%parallel_loop3A_232, %parallel_loop3A_724] : memref<200x64xf32, #tpu.memory_space<vmem>>[vector<16xi32>, vector<16xi32>], vector<16xf32>,
        %parallel_loop3A_727 = arith.addf %parallel_loop3A_725, %parallel_loop3A_726 : vector<16xf32>
        %parallel_loop3A_728 = arith.addf %parallel_loop3A_696, %parallel_loop3A_727 : vector<16xf32>
        %parallel_loop3A_729 = arith.mulf %parallel_loop3A_727, %parallel_loop3A_727 : vector<16xf32>
        %parallel_loop3A_730 = arith.addf %parallel_loop3A_698, %parallel_loop3A_729 : vector<16xf32>
        %parallel_loop3A_731 = arith.constant 62 : i32
        %parallel_loop3A_732 = vector.broadcast %parallel_loop3A_731 : i32 to vector<16xi32>
        %parallel_loop3A_733 = tpu.vector_load_idx %arg9[%parallel_loop3A_224, %parallel_loop3A_732] : memref<512x64xf32, #tpu.memory_space<vmem>>[vector<16xi32>, vector<16xi32>], vector<16xf32>,
        %parallel_loop3A_734 = tpu.vector_load_idx %arg10[%parallel_loop3A_232, %parallel_loop3A_732] : memref<200x64xf32, #tpu.memory_space<vmem>>[vector<16xi32>, vector<16xi32>], vector<16xf32>,
        %parallel_loop3A_735 = arith.addf %parallel_loop3A_733, %parallel_loop3A_734 : vector<16xf32>
        %parallel_loop3A_736 = arith.addf %parallel_loop3A_704, %parallel_loop3A_735 : vector<16xf32>
        %parallel_loop3A_737 = arith.mulf %parallel_loop3A_735, %parallel_loop3A_735 : vector<16xf32>
        %parallel_loop3A_738 = arith.addf %parallel_loop3A_706, %parallel_loop3A_737 : vector<16xf32>
        %parallel_loop3A_739 = arith.constant 63 : i32
        %parallel_loop3A_740 = vector.broadcast %parallel_loop3A_739 : i32 to vector<16xi32>
        %parallel_loop3A_741 = tpu.vector_load_idx %arg9[%parallel_loop3A_224, %parallel_loop3A_740] : memref<512x64xf32, #tpu.memory_space<vmem>>[vector<16xi32>, vector<16xi32>], vector<16xf32>,
        %parallel_loop3A_742 = tpu.vector_load_idx %arg10[%parallel_loop3A_232, %parallel_loop3A_740] : memref<200x64xf32, #tpu.memory_space<vmem>>[vector<16xi32>, vector<16xi32>], vector<16xf32>,
        %parallel_loop3A_743 = arith.addf %parallel_loop3A_741, %parallel_loop3A_742 : vector<16xf32>
        %parallel_loop3A_744 = arith.addf %parallel_loop3A_712, %parallel_loop3A_743 : vector<16xf32>
        %parallel_loop3A_745 = arith.mulf %parallel_loop3A_743, %parallel_loop3A_743 : vector<16xf32>
        %parallel_loop3A_746 = arith.addf %parallel_loop3A_714, %parallel_loop3A_745 : vector<16xf32>
        %parallel_loop3A_747 = arith.addf %parallel_loop3A_720, %parallel_loop3A_728 : vector<16xf32>
        %parallel_loop3A_748 = arith.addf %parallel_loop3A_736, %parallel_loop3A_744 : vector<16xf32>
        %parallel_loop3A_749 = arith.addf %parallel_loop3A_747, %parallel_loop3A_748 : vector<16xf32>
        %parallel_loop3A_750 = arith.addf %parallel_loop3A_722, %parallel_loop3A_730 : vector<16xf32>
        %parallel_loop3A_751 = arith.addf %parallel_loop3A_738, %parallel_loop3A_746 : vector<16xf32>
        %parallel_loop3A_752 = arith.addf %parallel_loop3A_750, %parallel_loop3A_751 : vector<16xf32>
        %parallel_loop3A_753 = arith.constant 1.562500e-02 : f32
        %parallel_loop3A_754 = vector.broadcast %parallel_loop3A_753 : f32 to vector<16xf32>
        %parallel_loop3A_755 = arith.mulf %parallel_loop3A_749, %parallel_loop3A_754 : vector<16xf32>
        %parallel_loop3A_756 = arith.constant 1.562500e-02 : f32
        %parallel_loop3A_757 = vector.broadcast %parallel_loop3A_756 : f32 to vector<16xf32>
        %parallel_loop3A_758 = arith.mulf %parallel_loop3A_752, %parallel_loop3A_757 : vector<16xf32>
        %parallel_loop3A_759 = arith.mulf %parallel_loop3A_755, %parallel_loop3A_755 : vector<16xf32>
        %parallel_loop3A_760 = arith.subf %parallel_loop3A_758, %parallel_loop3A_759 : vector<16xf32>
        %parallel_loop3A_761 = arith.constant 0.000000e+00 : f32
        %parallel_loop3A_762 = vector.broadcast %parallel_loop3A_761 : f32 to vector<16xf32>
        %parallel_loop3A_763 = arith.maximumf %parallel_loop3A_760, %parallel_loop3A_762 : vector<16xf32>
        %parallel_loop3A_764 = arith.constant 9.99999974E-6 : f32
        %parallel_loop3A_765 = vector.broadcast %parallel_loop3A_764 : f32 to vector<16xf32>
        %parallel_loop3A_766 = arith.addf %parallel_loop3A_763, %parallel_loop3A_765 : vector<16xf32>
        %parallel_loop3A_767 = tpu.bitcast %parallel_loop3A_766 : vector<16xf32> -> vector<16xi32>
        %parallel_loop3A_768 = arith.constant 1 : i32
        %parallel_loop3A_769 = vector.broadcast %parallel_loop3A_768 : i32 to vector<16xi32>
        %parallel_loop3A_770 = arith.shrsi %parallel_loop3A_767, %parallel_loop3A_769 : vector<16xi32>
        %parallel_loop3A_771 = arith.constant 1597463007 : i32
        %parallel_loop3A_772 = vector.broadcast %parallel_loop3A_771 : i32 to vector<16xi32>
        %parallel_loop3A_773 = arith.subi %parallel_loop3A_772, %parallel_loop3A_770 : vector<16xi32>
        %parallel_loop3A_774 = tpu.bitcast %parallel_loop3A_773 : vector<16xi32> -> vector<16xf32>
        %parallel_loop3A_775 = arith.constant 5.000000e-01 : f32
        %parallel_loop3A_776 = vector.broadcast %parallel_loop3A_775 : f32 to vector<16xf32>
        %parallel_loop3A_777 = arith.mulf %parallel_loop3A_776, %parallel_loop3A_766 : vector<16xf32>
        %parallel_loop3A_778 = arith.mulf %parallel_loop3A_777, %parallel_loop3A_774 : vector<16xf32>
        %parallel_loop3A_779 = arith.mulf %parallel_loop3A_778, %parallel_loop3A_774 : vector<16xf32>
        %parallel_loop3A_780 = arith.constant 1.500000e+00 : f32
        %parallel_loop3A_781 = vector.broadcast %parallel_loop3A_780 : f32 to vector<16xf32>
        %parallel_loop3A_782 = arith.subf %parallel_loop3A_781, %parallel_loop3A_779 : vector<16xf32>
        %parallel_loop3A_783 = arith.mulf %parallel_loop3A_774, %parallel_loop3A_782 : vector<16xf32>
        %parallel_loop3A_784 = arith.constant 5.000000e-01 : f32
        %parallel_loop3A_785 = vector.broadcast %parallel_loop3A_784 : f32 to vector<16xf32>
        %parallel_loop3A_786 = arith.mulf %parallel_loop3A_785, %parallel_loop3A_766 : vector<16xf32>
        %parallel_loop3A_787 = arith.mulf %parallel_loop3A_786, %parallel_loop3A_783 : vector<16xf32>
        %parallel_loop3A_788 = arith.mulf %parallel_loop3A_787, %parallel_loop3A_783 : vector<16xf32>
        %parallel_loop3A_789 = arith.constant 1.500000e+00 : f32
        %parallel_loop3A_790 = vector.broadcast %parallel_loop3A_789 : f32 to vector<16xf32>
        %parallel_loop3A_791 = arith.subf %parallel_loop3A_790, %parallel_loop3A_788 : vector<16xf32>
        %parallel_loop3A_792 = arith.mulf %parallel_loop3A_783, %parallel_loop3A_791 : vector<16xf32>
        %parallel_loop3A_793 = arith.constant 5.000000e-01 : f32
        %parallel_loop3A_794 = vector.broadcast %parallel_loop3A_793 : f32 to vector<16xf32>
        %parallel_loop3A_795 = arith.mulf %parallel_loop3A_794, %parallel_loop3A_766 : vector<16xf32>
        %parallel_loop3A_796 = arith.mulf %parallel_loop3A_795, %parallel_loop3A_792 : vector<16xf32>
        %parallel_loop3A_797 = arith.mulf %parallel_loop3A_796, %parallel_loop3A_792 : vector<16xf32>
        %parallel_loop3A_798 = arith.constant 1.500000e+00 : f32
        %parallel_loop3A_799 = vector.broadcast %parallel_loop3A_798 : f32 to vector<16xf32>
        %parallel_loop3A_800 = arith.subf %parallel_loop3A_799, %parallel_loop3A_797 : vector<16xf32>
        %parallel_loop3A_801 = arith.mulf %parallel_loop3A_792, %parallel_loop3A_800 : vector<16xf32>
        %parallel_loop3A_802 = arith.constant 0 : i32
        %parallel_loop3A_803 = vector.broadcast %parallel_loop3A_802 : i32 to vector<16xi32>
        %parallel_loop3A_804 = tpu.vector_load_idx %arg9[%parallel_loop3A_224, %parallel_loop3A_803] : memref<512x64xf32, #tpu.memory_space<vmem>>[vector<16xi32>, vector<16xi32>], vector<16xf32>,
        %parallel_loop3A_805 = tpu.vector_load_idx %arg10[%parallel_loop3A_232, %parallel_loop3A_803] : memref<200x64xf32, #tpu.memory_space<vmem>>[vector<16xi32>, vector<16xi32>], vector<16xf32>,
        %parallel_loop3A_806 = arith.addf %parallel_loop3A_804, %parallel_loop3A_805 : vector<16xf32>
        %parallel_loop3A_807 = arith.subf %parallel_loop3A_806, %parallel_loop3A_755 : vector<16xf32>
        %parallel_loop3A_808 = arith.mulf %parallel_loop3A_807, %parallel_loop3A_801 : vector<16xf32>
        %parallel_loop3A_809 = vector.extract_strided_slice %get3A_6 {offsets = [0], sizes = [1], strides = [1]} : vector<16xf32> to vector<1xf32>
        %parallel_loop3A_810 = vector.extract %parallel_loop3A_809[0] : f32 from vector<1xf32>
        %parallel_loop3A_811 = vector.broadcast %parallel_loop3A_810 : f32 to vector<16xf32>
        %parallel_loop3A_812 = arith.mulf %parallel_loop3A_808, %parallel_loop3A_811 : vector<16xf32>
        %parallel_loop3A_813 = vector.extract_strided_slice %get3A_22 {offsets = [0], sizes = [1], strides = [1]} : vector<16xf32> to vector<1xf32>
        %parallel_loop3A_814 = vector.extract %parallel_loop3A_813[0] : f32 from vector<1xf32>
        %parallel_loop3A_815 = vector.broadcast %parallel_loop3A_814 : f32 to vector<16xf32>
        %parallel_loop3A_816 = arith.addf %parallel_loop3A_812, %parallel_loop3A_815 : vector<16xf32>
        tpu.vector_store_idx %arg9[%parallel_loop3A_224, %parallel_loop3A_803], %parallel_loop3A_816 : memref<512x64xf32, #tpu.memory_space<vmem>>[vector<16xi32>, vector<16xi32>], vector<16xf32>,
        %parallel_loop3A_817 = arith.constant 1 : i32
        %parallel_loop3A_818 = vector.broadcast %parallel_loop3A_817 : i32 to vector<16xi32>
        %parallel_loop3A_819 = tpu.vector_load_idx %arg9[%parallel_loop3A_224, %parallel_loop3A_818] : memref<512x64xf32, #tpu.memory_space<vmem>>[vector<16xi32>, vector<16xi32>], vector<16xf32>,
        %parallel_loop3A_820 = tpu.vector_load_idx %arg10[%parallel_loop3A_232, %parallel_loop3A_818] : memref<200x64xf32, #tpu.memory_space<vmem>>[vector<16xi32>, vector<16xi32>], vector<16xf32>,
        %parallel_loop3A_821 = arith.addf %parallel_loop3A_819, %parallel_loop3A_820 : vector<16xf32>
        %parallel_loop3A_822 = arith.subf %parallel_loop3A_821, %parallel_loop3A_755 : vector<16xf32>
        %parallel_loop3A_823 = arith.mulf %parallel_loop3A_822, %parallel_loop3A_801 : vector<16xf32>
        %parallel_loop3A_824 = vector.extract_strided_slice %get3A_6 {offsets = [1], sizes = [1], strides = [1]} : vector<16xf32> to vector<1xf32>
        %parallel_loop3A_825 = vector.extract %parallel_loop3A_824[0] : f32 from vector<1xf32>
        %parallel_loop3A_826 = vector.broadcast %parallel_loop3A_825 : f32 to vector<16xf32>
        %parallel_loop3A_827 = arith.mulf %parallel_loop3A_823, %parallel_loop3A_826 : vector<16xf32>
        %parallel_loop3A_828 = vector.extract_strided_slice %get3A_22 {offsets = [1], sizes = [1], strides = [1]} : vector<16xf32> to vector<1xf32>
        %parallel_loop3A_829 = vector.extract %parallel_loop3A_828[0] : f32 from vector<1xf32>
        %parallel_loop3A_830 = vector.broadcast %parallel_loop3A_829 : f32 to vector<16xf32>
        %parallel_loop3A_831 = arith.addf %parallel_loop3A_827, %parallel_loop3A_830 : vector<16xf32>
        tpu.vector_store_idx %arg9[%parallel_loop3A_224, %parallel_loop3A_818], %parallel_loop3A_831 : memref<512x64xf32, #tpu.memory_space<vmem>>[vector<16xi32>, vector<16xi32>], vector<16xf32>,
        %parallel_loop3A_832 = arith.constant 2 : i32
        %parallel_loop3A_833 = vector.broadcast %parallel_loop3A_832 : i32 to vector<16xi32>
        %parallel_loop3A_834 = tpu.vector_load_idx %arg9[%parallel_loop3A_224, %parallel_loop3A_833] : memref<512x64xf32, #tpu.memory_space<vmem>>[vector<16xi32>, vector<16xi32>], vector<16xf32>,
        %parallel_loop3A_835 = tpu.vector_load_idx %arg10[%parallel_loop3A_232, %parallel_loop3A_833] : memref<200x64xf32, #tpu.memory_space<vmem>>[vector<16xi32>, vector<16xi32>], vector<16xf32>,
        %parallel_loop3A_836 = arith.addf %parallel_loop3A_834, %parallel_loop3A_835 : vector<16xf32>
        %parallel_loop3A_837 = arith.subf %parallel_loop3A_836, %parallel_loop3A_755 : vector<16xf32>
        %parallel_loop3A_838 = arith.mulf %parallel_loop3A_837, %parallel_loop3A_801 : vector<16xf32>
        %parallel_loop3A_839 = vector.extract_strided_slice %get3A_6 {offsets = [2], sizes = [1], strides = [1]} : vector<16xf32> to vector<1xf32>
        %parallel_loop3A_840 = vector.extract %parallel_loop3A_839[0] : f32 from vector<1xf32>
        %parallel_loop3A_841 = vector.broadcast %parallel_loop3A_840 : f32 to vector<16xf32>
        %parallel_loop3A_842 = arith.mulf %parallel_loop3A_838, %parallel_loop3A_841 : vector<16xf32>
        %parallel_loop3A_843 = vector.extract_strided_slice %get3A_22 {offsets = [2], sizes = [1], strides = [1]} : vector<16xf32> to vector<1xf32>
        %parallel_loop3A_844 = vector.extract %parallel_loop3A_843[0] : f32 from vector<1xf32>
        %parallel_loop3A_845 = vector.broadcast %parallel_loop3A_844 : f32 to vector<16xf32>
        %parallel_loop3A_846 = arith.addf %parallel_loop3A_842, %parallel_loop3A_845 : vector<16xf32>
        tpu.vector_store_idx %arg9[%parallel_loop3A_224, %parallel_loop3A_833], %parallel_loop3A_846 : memref<512x64xf32, #tpu.memory_space<vmem>>[vector<16xi32>, vector<16xi32>], vector<16xf32>,
        %parallel_loop3A_847 = arith.constant 3 : i32
        %parallel_loop3A_848 = vector.broadcast %parallel_loop3A_847 : i32 to vector<16xi32>
        %parallel_loop3A_849 = tpu.vector_load_idx %arg9[%parallel_loop3A_224, %parallel_loop3A_848] : memref<512x64xf32, #tpu.memory_space<vmem>>[vector<16xi32>, vector<16xi32>], vector<16xf32>,
        %parallel_loop3A_850 = tpu.vector_load_idx %arg10[%parallel_loop3A_232, %parallel_loop3A_848] : memref<200x64xf32, #tpu.memory_space<vmem>>[vector<16xi32>, vector<16xi32>], vector<16xf32>,
        %parallel_loop3A_851 = arith.addf %parallel_loop3A_849, %parallel_loop3A_850 : vector<16xf32>
        %parallel_loop3A_852 = arith.subf %parallel_loop3A_851, %parallel_loop3A_755 : vector<16xf32>
        %parallel_loop3A_853 = arith.mulf %parallel_loop3A_852, %parallel_loop3A_801 : vector<16xf32>
        %parallel_loop3A_854 = vector.extract_strided_slice %get3A_6 {offsets = [3], sizes = [1], strides = [1]} : vector<16xf32> to vector<1xf32>
        %parallel_loop3A_855 = vector.extract %parallel_loop3A_854[0] : f32 from vector<1xf32>
        %parallel_loop3A_856 = vector.broadcast %parallel_loop3A_855 : f32 to vector<16xf32>
        %parallel_loop3A_857 = arith.mulf %parallel_loop3A_853, %parallel_loop3A_856 : vector<16xf32>
        %parallel_loop3A_858 = vector.extract_strided_slice %get3A_22 {offsets = [3], sizes = [1], strides = [1]} : vector<16xf32> to vector<1xf32>
        %parallel_loop3A_859 = vector.extract %parallel_loop3A_858[0] : f32 from vector<1xf32>
        %parallel_loop3A_860 = vector.broadcast %parallel_loop3A_859 : f32 to vector<16xf32>
        %parallel_loop3A_861 = arith.addf %parallel_loop3A_857, %parallel_loop3A_860 : vector<16xf32>
        tpu.vector_store_idx %arg9[%parallel_loop3A_224, %parallel_loop3A_848], %parallel_loop3A_861 : memref<512x64xf32, #tpu.memory_space<vmem>>[vector<16xi32>, vector<16xi32>], vector<16xf32>,
        %parallel_loop3A_862 = arith.constant 4 : i32
        %parallel_loop3A_863 = vector.broadcast %parallel_loop3A_862 : i32 to vector<16xi32>
        %parallel_loop3A_864 = tpu.vector_load_idx %arg9[%parallel_loop3A_224, %parallel_loop3A_863] : memref<512x64xf32, #tpu.memory_space<vmem>>[vector<16xi32>, vector<16xi32>], vector<16xf32>,
        %parallel_loop3A_865 = tpu.vector_load_idx %arg10[%parallel_loop3A_232, %parallel_loop3A_863] : memref<200x64xf32, #tpu.memory_space<vmem>>[vector<16xi32>, vector<16xi32>], vector<16xf32>,
        %parallel_loop3A_866 = arith.addf %parallel_loop3A_864, %parallel_loop3A_865 : vector<16xf32>
        %parallel_loop3A_867 = arith.subf %parallel_loop3A_866, %parallel_loop3A_755 : vector<16xf32>
        %parallel_loop3A_868 = arith.mulf %parallel_loop3A_867, %parallel_loop3A_801 : vector<16xf32>
        %parallel_loop3A_869 = vector.extract_strided_slice %get3A_6 {offsets = [4], sizes = [1], strides = [1]} : vector<16xf32> to vector<1xf32>
        %parallel_loop3A_870 = vector.extract %parallel_loop3A_869[0] : f32 from vector<1xf32>
        %parallel_loop3A_871 = vector.broadcast %parallel_loop3A_870 : f32 to vector<16xf32>
        %parallel_loop3A_872 = arith.mulf %parallel_loop3A_868, %parallel_loop3A_871 : vector<16xf32>
        %parallel_loop3A_873 = vector.extract_strided_slice %get3A_22 {offsets = [4], sizes = [1], strides = [1]} : vector<16xf32> to vector<1xf32>
        %parallel_loop3A_874 = vector.extract %parallel_loop3A_873[0] : f32 from vector<1xf32>
        %parallel_loop3A_875 = vector.broadcast %parallel_loop3A_874 : f32 to vector<16xf32>
        %parallel_loop3A_876 = arith.addf %parallel_loop3A_872, %parallel_loop3A_875 : vector<16xf32>
        tpu.vector_store_idx %arg9[%parallel_loop3A_224, %parallel_loop3A_863], %parallel_loop3A_876 : memref<512x64xf32, #tpu.memory_space<vmem>>[vector<16xi32>, vector<16xi32>], vector<16xf32>,
        %parallel_loop3A_877 = arith.constant 5 : i32
        %parallel_loop3A_878 = vector.broadcast %parallel_loop3A_877 : i32 to vector<16xi32>
        %parallel_loop3A_879 = tpu.vector_load_idx %arg9[%parallel_loop3A_224, %parallel_loop3A_878] : memref<512x64xf32, #tpu.memory_space<vmem>>[vector<16xi32>, vector<16xi32>], vector<16xf32>,
        %parallel_loop3A_880 = tpu.vector_load_idx %arg10[%parallel_loop3A_232, %parallel_loop3A_878] : memref<200x64xf32, #tpu.memory_space<vmem>>[vector<16xi32>, vector<16xi32>], vector<16xf32>,
        %parallel_loop3A_881 = arith.addf %parallel_loop3A_879, %parallel_loop3A_880 : vector<16xf32>
        %parallel_loop3A_882 = arith.subf %parallel_loop3A_881, %parallel_loop3A_755 : vector<16xf32>
        %parallel_loop3A_883 = arith.mulf %parallel_loop3A_882, %parallel_loop3A_801 : vector<16xf32>
        %parallel_loop3A_884 = vector.extract_strided_slice %get3A_6 {offsets = [5], sizes = [1], strides = [1]} : vector<16xf32> to vector<1xf32>
        %parallel_loop3A_885 = vector.extract %parallel_loop3A_884[0] : f32 from vector<1xf32>
        %parallel_loop3A_886 = vector.broadcast %parallel_loop3A_885 : f32 to vector<16xf32>
        %parallel_loop3A_887 = arith.mulf %parallel_loop3A_883, %parallel_loop3A_886 : vector<16xf32>
        %parallel_loop3A_888 = vector.extract_strided_slice %get3A_22 {offsets = [5], sizes = [1], strides = [1]} : vector<16xf32> to vector<1xf32>
        %parallel_loop3A_889 = vector.extract %parallel_loop3A_888[0] : f32 from vector<1xf32>
        %parallel_loop3A_890 = vector.broadcast %parallel_loop3A_889 : f32 to vector<16xf32>
        %parallel_loop3A_891 = arith.addf %parallel_loop3A_887, %parallel_loop3A_890 : vector<16xf32>
        tpu.vector_store_idx %arg9[%parallel_loop3A_224, %parallel_loop3A_878], %parallel_loop3A_891 : memref<512x64xf32, #tpu.memory_space<vmem>>[vector<16xi32>, vector<16xi32>], vector<16xf32>,
        %parallel_loop3A_892 = arith.constant 6 : i32
        %parallel_loop3A_893 = vector.broadcast %parallel_loop3A_892 : i32 to vector<16xi32>
        %parallel_loop3A_894 = tpu.vector_load_idx %arg9[%parallel_loop3A_224, %parallel_loop3A_893] : memref<512x64xf32, #tpu.memory_space<vmem>>[vector<16xi32>, vector<16xi32>], vector<16xf32>,
        %parallel_loop3A_895 = tpu.vector_load_idx %arg10[%parallel_loop3A_232, %parallel_loop3A_893] : memref<200x64xf32, #tpu.memory_space<vmem>>[vector<16xi32>, vector<16xi32>], vector<16xf32>,
        %parallel_loop3A_896 = arith.addf %parallel_loop3A_894, %parallel_loop3A_895 : vector<16xf32>
        %parallel_loop3A_897 = arith.subf %parallel_loop3A_896, %parallel_loop3A_755 : vector<16xf32>
        %parallel_loop3A_898 = arith.mulf %parallel_loop3A_897, %parallel_loop3A_801 : vector<16xf32>
        %parallel_loop3A_899 = vector.extract_strided_slice %get3A_6 {offsets = [6], sizes = [1], strides = [1]} : vector<16xf32> to vector<1xf32>
        %parallel_loop3A_900 = vector.extract %parallel_loop3A_899[0] : f32 from vector<1xf32>
        %parallel_loop3A_901 = vector.broadcast %parallel_loop3A_900 : f32 to vector<16xf32>
        %parallel_loop3A_902 = arith.mulf %parallel_loop3A_898, %parallel_loop3A_901 : vector<16xf32>
        %parallel_loop3A_903 = vector.extract_strided_slice %get3A_22 {offsets = [6], sizes = [1], strides = [1]} : vector<16xf32> to vector<1xf32>
        %parallel_loop3A_904 = vector.extract %parallel_loop3A_903[0] : f32 from vector<1xf32>
        %parallel_loop3A_905 = vector.broadcast %parallel_loop3A_904 : f32 to vector<16xf32>
        %parallel_loop3A_906 = arith.addf %parallel_loop3A_902, %parallel_loop3A_905 : vector<16xf32>
        tpu.vector_store_idx %arg9[%parallel_loop3A_224, %parallel_loop3A_893], %parallel_loop3A_906 : memref<512x64xf32, #tpu.memory_space<vmem>>[vector<16xi32>, vector<16xi32>], vector<16xf32>,
        %parallel_loop3A_907 = arith.constant 7 : i32
        %parallel_loop3A_908 = vector.broadcast %parallel_loop3A_907 : i32 to vector<16xi32>
        %parallel_loop3A_909 = tpu.vector_load_idx %arg9[%parallel_loop3A_224, %parallel_loop3A_908] : memref<512x64xf32, #tpu.memory_space<vmem>>[vector<16xi32>, vector<16xi32>], vector<16xf32>,
        %parallel_loop3A_910 = tpu.vector_load_idx %arg10[%parallel_loop3A_232, %parallel_loop3A_908] : memref<200x64xf32, #tpu.memory_space<vmem>>[vector<16xi32>, vector<16xi32>], vector<16xf32>,
        %parallel_loop3A_911 = arith.addf %parallel_loop3A_909, %parallel_loop3A_910 : vector<16xf32>
        %parallel_loop3A_912 = arith.subf %parallel_loop3A_911, %parallel_loop3A_755 : vector<16xf32>
        %parallel_loop3A_913 = arith.mulf %parallel_loop3A_912, %parallel_loop3A_801 : vector<16xf32>
        %parallel_loop3A_914 = vector.extract_strided_slice %get3A_6 {offsets = [7], sizes = [1], strides = [1]} : vector<16xf32> to vector<1xf32>
        %parallel_loop3A_915 = vector.extract %parallel_loop3A_914[0] : f32 from vector<1xf32>
        %parallel_loop3A_916 = vector.broadcast %parallel_loop3A_915 : f32 to vector<16xf32>
        %parallel_loop3A_917 = arith.mulf %parallel_loop3A_913, %parallel_loop3A_916 : vector<16xf32>
        %parallel_loop3A_918 = vector.extract_strided_slice %get3A_22 {offsets = [7], sizes = [1], strides = [1]} : vector<16xf32> to vector<1xf32>
        %parallel_loop3A_919 = vector.extract %parallel_loop3A_918[0] : f32 from vector<1xf32>
        %parallel_loop3A_920 = vector.broadcast %parallel_loop3A_919 : f32 to vector<16xf32>
        %parallel_loop3A_921 = arith.addf %parallel_loop3A_917, %parallel_loop3A_920 : vector<16xf32>
        tpu.vector_store_idx %arg9[%parallel_loop3A_224, %parallel_loop3A_908], %parallel_loop3A_921 : memref<512x64xf32, #tpu.memory_space<vmem>>[vector<16xi32>, vector<16xi32>], vector<16xf32>,
        %parallel_loop3A_922 = arith.constant 8 : i32
        %parallel_loop3A_923 = vector.broadcast %parallel_loop3A_922 : i32 to vector<16xi32>
        %parallel_loop3A_924 = tpu.vector_load_idx %arg9[%parallel_loop3A_224, %parallel_loop3A_923] : memref<512x64xf32, #tpu.memory_space<vmem>>[vector<16xi32>, vector<16xi32>], vector<16xf32>,
        %parallel_loop3A_925 = tpu.vector_load_idx %arg10[%parallel_loop3A_232, %parallel_loop3A_923] : memref<200x64xf32, #tpu.memory_space<vmem>>[vector<16xi32>, vector<16xi32>], vector<16xf32>,
        %parallel_loop3A_926 = arith.addf %parallel_loop3A_924, %parallel_loop3A_925 : vector<16xf32>
        %parallel_loop3A_927 = arith.subf %parallel_loop3A_926, %parallel_loop3A_755 : vector<16xf32>
        %parallel_loop3A_928 = arith.mulf %parallel_loop3A_927, %parallel_loop3A_801 : vector<16xf32>
        %parallel_loop3A_929 = vector.extract_strided_slice %get3A_6 {offsets = [8], sizes = [1], strides = [1]} : vector<16xf32> to vector<1xf32>
        %parallel_loop3A_930 = vector.extract %parallel_loop3A_929[0] : f32 from vector<1xf32>
        %parallel_loop3A_931 = vector.broadcast %parallel_loop3A_930 : f32 to vector<16xf32>
        %parallel_loop3A_932 = arith.mulf %parallel_loop3A_928, %parallel_loop3A_931 : vector<16xf32>
        %parallel_loop3A_933 = vector.extract_strided_slice %get3A_22 {offsets = [8], sizes = [1], strides = [1]} : vector<16xf32> to vector<1xf32>
        %parallel_loop3A_934 = vector.extract %parallel_loop3A_933[0] : f32 from vector<1xf32>
        %parallel_loop3A_935 = vector.broadcast %parallel_loop3A_934 : f32 to vector<16xf32>
        %parallel_loop3A_936 = arith.addf %parallel_loop3A_932, %parallel_loop3A_935 : vector<16xf32>
        tpu.vector_store_idx %arg9[%parallel_loop3A_224, %parallel_loop3A_923], %parallel_loop3A_936 : memref<512x64xf32, #tpu.memory_space<vmem>>[vector<16xi32>, vector<16xi32>], vector<16xf32>,
        %parallel_loop3A_937 = arith.constant 9 : i32
        %parallel_loop3A_938 = vector.broadcast %parallel_loop3A_937 : i32 to vector<16xi32>
        %parallel_loop3A_939 = tpu.vector_load_idx %arg9[%parallel_loop3A_224, %parallel_loop3A_938] : memref<512x64xf32, #tpu.memory_space<vmem>>[vector<16xi32>, vector<16xi32>], vector<16xf32>,
        %parallel_loop3A_940 = tpu.vector_load_idx %arg10[%parallel_loop3A_232, %parallel_loop3A_938] : memref<200x64xf32, #tpu.memory_space<vmem>>[vector<16xi32>, vector<16xi32>], vector<16xf32>,
        %parallel_loop3A_941 = arith.addf %parallel_loop3A_939, %parallel_loop3A_940 : vector<16xf32>
        %parallel_loop3A_942 = arith.subf %parallel_loop3A_941, %parallel_loop3A_755 : vector<16xf32>
        %parallel_loop3A_943 = arith.mulf %parallel_loop3A_942, %parallel_loop3A_801 : vector<16xf32>
        %parallel_loop3A_944 = vector.extract_strided_slice %get3A_6 {offsets = [9], sizes = [1], strides = [1]} : vector<16xf32> to vector<1xf32>
        %parallel_loop3A_945 = vector.extract %parallel_loop3A_944[0] : f32 from vector<1xf32>
        %parallel_loop3A_946 = vector.broadcast %parallel_loop3A_945 : f32 to vector<16xf32>
        %parallel_loop3A_947 = arith.mulf %parallel_loop3A_943, %parallel_loop3A_946 : vector<16xf32>
        %parallel_loop3A_948 = vector.extract_strided_slice %get3A_22 {offsets = [9], sizes = [1], strides = [1]} : vector<16xf32> to vector<1xf32>
        %parallel_loop3A_949 = vector.extract %parallel_loop3A_948[0] : f32 from vector<1xf32>
        %parallel_loop3A_950 = vector.broadcast %parallel_loop3A_949 : f32 to vector<16xf32>
        %parallel_loop3A_951 = arith.addf %parallel_loop3A_947, %parallel_loop3A_950 : vector<16xf32>
        tpu.vector_store_idx %arg9[%parallel_loop3A_224, %parallel_loop3A_938], %parallel_loop3A_951 : memref<512x64xf32, #tpu.memory_space<vmem>>[vector<16xi32>, vector<16xi32>], vector<16xf32>,
        %parallel_loop3A_952 = arith.constant 10 : i32
        %parallel_loop3A_953 = vector.broadcast %parallel_loop3A_952 : i32 to vector<16xi32>
        %parallel_loop3A_954 = tpu.vector_load_idx %arg9[%parallel_loop3A_224, %parallel_loop3A_953] : memref<512x64xf32, #tpu.memory_space<vmem>>[vector<16xi32>, vector<16xi32>], vector<16xf32>,
        %parallel_loop3A_955 = tpu.vector_load_idx %arg10[%parallel_loop3A_232, %parallel_loop3A_953] : memref<200x64xf32, #tpu.memory_space<vmem>>[vector<16xi32>, vector<16xi32>], vector<16xf32>,
        %parallel_loop3A_956 = arith.addf %parallel_loop3A_954, %parallel_loop3A_955 : vector<16xf32>
        %parallel_loop3A_957 = arith.subf %parallel_loop3A_956, %parallel_loop3A_755 : vector<16xf32>
        %parallel_loop3A_958 = arith.mulf %parallel_loop3A_957, %parallel_loop3A_801 : vector<16xf32>
        %parallel_loop3A_959 = vector.extract_strided_slice %get3A_6 {offsets = [10], sizes = [1], strides = [1]} : vector<16xf32> to vector<1xf32>
        %parallel_loop3A_960 = vector.extract %parallel_loop3A_959[0] : f32 from vector<1xf32>
        %parallel_loop3A_961 = vector.broadcast %parallel_loop3A_960 : f32 to vector<16xf32>
        %parallel_loop3A_962 = arith.mulf %parallel_loop3A_958, %parallel_loop3A_961 : vector<16xf32>
        %parallel_loop3A_963 = vector.extract_strided_slice %get3A_22 {offsets = [10], sizes = [1], strides = [1]} : vector<16xf32> to vector<1xf32>
        %parallel_loop3A_964 = vector.extract %parallel_loop3A_963[0] : f32 from vector<1xf32>
        %parallel_loop3A_965 = vector.broadcast %parallel_loop3A_964 : f32 to vector<16xf32>
        %parallel_loop3A_966 = arith.addf %parallel_loop3A_962, %parallel_loop3A_965 : vector<16xf32>
        tpu.vector_store_idx %arg9[%parallel_loop3A_224, %parallel_loop3A_953], %parallel_loop3A_966 : memref<512x64xf32, #tpu.memory_space<vmem>>[vector<16xi32>, vector<16xi32>], vector<16xf32>,
        %parallel_loop3A_967 = arith.constant 11 : i32
        %parallel_loop3A_968 = vector.broadcast %parallel_loop3A_967 : i32 to vector<16xi32>
        %parallel_loop3A_969 = tpu.vector_load_idx %arg9[%parallel_loop3A_224, %parallel_loop3A_968] : memref<512x64xf32, #tpu.memory_space<vmem>>[vector<16xi32>, vector<16xi32>], vector<16xf32>,
        %parallel_loop3A_970 = tpu.vector_load_idx %arg10[%parallel_loop3A_232, %parallel_loop3A_968] : memref<200x64xf32, #tpu.memory_space<vmem>>[vector<16xi32>, vector<16xi32>], vector<16xf32>,
        %parallel_loop3A_971 = arith.addf %parallel_loop3A_969, %parallel_loop3A_970 : vector<16xf32>
        %parallel_loop3A_972 = arith.subf %parallel_loop3A_971, %parallel_loop3A_755 : vector<16xf32>
        %parallel_loop3A_973 = arith.mulf %parallel_loop3A_972, %parallel_loop3A_801 : vector<16xf32>
        %parallel_loop3A_974 = vector.extract_strided_slice %get3A_6 {offsets = [11], sizes = [1], strides = [1]} : vector<16xf32> to vector<1xf32>
        %parallel_loop3A_975 = vector.extract %parallel_loop3A_974[0] : f32 from vector<1xf32>
        %parallel_loop3A_976 = vector.broadcast %parallel_loop3A_975 : f32 to vector<16xf32>
        %parallel_loop3A_977 = arith.mulf %parallel_loop3A_973, %parallel_loop3A_976 : vector<16xf32>
        %parallel_loop3A_978 = vector.extract_strided_slice %get3A_22 {offsets = [11], sizes = [1], strides = [1]} : vector<16xf32> to vector<1xf32>
        %parallel_loop3A_979 = vector.extract %parallel_loop3A_978[0] : f32 from vector<1xf32>
        %parallel_loop3A_980 = vector.broadcast %parallel_loop3A_979 : f32 to vector<16xf32>
        %parallel_loop3A_981 = arith.addf %parallel_loop3A_977, %parallel_loop3A_980 : vector<16xf32>
        tpu.vector_store_idx %arg9[%parallel_loop3A_224, %parallel_loop3A_968], %parallel_loop3A_981 : memref<512x64xf32, #tpu.memory_space<vmem>>[vector<16xi32>, vector<16xi32>], vector<16xf32>,
        %parallel_loop3A_982 = arith.constant 12 : i32
        %parallel_loop3A_983 = vector.broadcast %parallel_loop3A_982 : i32 to vector<16xi32>
        %parallel_loop3A_984 = tpu.vector_load_idx %arg9[%parallel_loop3A_224, %parallel_loop3A_983] : memref<512x64xf32, #tpu.memory_space<vmem>>[vector<16xi32>, vector<16xi32>], vector<16xf32>,
        %parallel_loop3A_985 = tpu.vector_load_idx %arg10[%parallel_loop3A_232, %parallel_loop3A_983] : memref<200x64xf32, #tpu.memory_space<vmem>>[vector<16xi32>, vector<16xi32>], vector<16xf32>,
        %parallel_loop3A_986 = arith.addf %parallel_loop3A_984, %parallel_loop3A_985 : vector<16xf32>
        %parallel_loop3A_987 = arith.subf %parallel_loop3A_986, %parallel_loop3A_755 : vector<16xf32>
        %parallel_loop3A_988 = arith.mulf %parallel_loop3A_987, %parallel_loop3A_801 : vector<16xf32>
        %parallel_loop3A_989 = vector.extract_strided_slice %get3A_6 {offsets = [12], sizes = [1], strides = [1]} : vector<16xf32> to vector<1xf32>
        %parallel_loop3A_990 = vector.extract %parallel_loop3A_989[0] : f32 from vector<1xf32>
        %parallel_loop3A_991 = vector.broadcast %parallel_loop3A_990 : f32 to vector<16xf32>
        %parallel_loop3A_992 = arith.mulf %parallel_loop3A_988, %parallel_loop3A_991 : vector<16xf32>
        %parallel_loop3A_993 = vector.extract_strided_slice %get3A_22 {offsets = [12], sizes = [1], strides = [1]} : vector<16xf32> to vector<1xf32>
        %parallel_loop3A_994 = vector.extract %parallel_loop3A_993[0] : f32 from vector<1xf32>
        %parallel_loop3A_995 = vector.broadcast %parallel_loop3A_994 : f32 to vector<16xf32>
        %parallel_loop3A_996 = arith.addf %parallel_loop3A_992, %parallel_loop3A_995 : vector<16xf32>
        tpu.vector_store_idx %arg9[%parallel_loop3A_224, %parallel_loop3A_983], %parallel_loop3A_996 : memref<512x64xf32, #tpu.memory_space<vmem>>[vector<16xi32>, vector<16xi32>], vector<16xf32>,
        %parallel_loop3A_997 = arith.constant 13 : i32
        %parallel_loop3A_998 = vector.broadcast %parallel_loop3A_997 : i32 to vector<16xi32>
        %parallel_loop3A_999 = tpu.vector_load_idx %arg9[%parallel_loop3A_224, %parallel_loop3A_998] : memref<512x64xf32, #tpu.memory_space<vmem>>[vector<16xi32>, vector<16xi32>], vector<16xf32>,
        %parallel_loop3A_1000 = tpu.vector_load_idx %arg10[%parallel_loop3A_232, %parallel_loop3A_998] : memref<200x64xf32, #tpu.memory_space<vmem>>[vector<16xi32>, vector<16xi32>], vector<16xf32>,
        %parallel_loop3A_1001 = arith.addf %parallel_loop3A_999, %parallel_loop3A_1000 : vector<16xf32>
        %parallel_loop3A_1002 = arith.subf %parallel_loop3A_1001, %parallel_loop3A_755 : vector<16xf32>
        %parallel_loop3A_1003 = arith.mulf %parallel_loop3A_1002, %parallel_loop3A_801 : vector<16xf32>
        %parallel_loop3A_1004 = vector.extract_strided_slice %get3A_6 {offsets = [13], sizes = [1], strides = [1]} : vector<16xf32> to vector<1xf32>
        %parallel_loop3A_1005 = vector.extract %parallel_loop3A_1004[0] : f32 from vector<1xf32>
        %parallel_loop3A_1006 = vector.broadcast %parallel_loop3A_1005 : f32 to vector<16xf32>
        %parallel_loop3A_1007 = arith.mulf %parallel_loop3A_1003, %parallel_loop3A_1006 : vector<16xf32>
        %parallel_loop3A_1008 = vector.extract_strided_slice %get3A_22 {offsets = [13], sizes = [1], strides = [1]} : vector<16xf32> to vector<1xf32>
        %parallel_loop3A_1009 = vector.extract %parallel_loop3A_1008[0] : f32 from vector<1xf32>
        %parallel_loop3A_1010 = vector.broadcast %parallel_loop3A_1009 : f32 to vector<16xf32>
        %parallel_loop3A_1011 = arith.addf %parallel_loop3A_1007, %parallel_loop3A_1010 : vector<16xf32>
        tpu.vector_store_idx %arg9[%parallel_loop3A_224, %parallel_loop3A_998], %parallel_loop3A_1011 : memref<512x64xf32, #tpu.memory_space<vmem>>[vector<16xi32>, vector<16xi32>], vector<16xf32>,
        %parallel_loop3A_1012 = arith.constant 14 : i32
        %parallel_loop3A_1013 = vector.broadcast %parallel_loop3A_1012 : i32 to vector<16xi32>
        %parallel_loop3A_1014 = tpu.vector_load_idx %arg9[%parallel_loop3A_224, %parallel_loop3A_1013] : memref<512x64xf32, #tpu.memory_space<vmem>>[vector<16xi32>, vector<16xi32>], vector<16xf32>,
        %parallel_loop3A_1015 = tpu.vector_load_idx %arg10[%parallel_loop3A_232, %parallel_loop3A_1013] : memref<200x64xf32, #tpu.memory_space<vmem>>[vector<16xi32>, vector<16xi32>], vector<16xf32>,
        %parallel_loop3A_1016 = arith.addf %parallel_loop3A_1014, %parallel_loop3A_1015 : vector<16xf32>
        %parallel_loop3A_1017 = arith.subf %parallel_loop3A_1016, %parallel_loop3A_755 : vector<16xf32>
        %parallel_loop3A_1018 = arith.mulf %parallel_loop3A_1017, %parallel_loop3A_801 : vector<16xf32>
        %parallel_loop3A_1019 = vector.extract_strided_slice %get3A_6 {offsets = [14], sizes = [1], strides = [1]} : vector<16xf32> to vector<1xf32>
        %parallel_loop3A_1020 = vector.extract %parallel_loop3A_1019[0] : f32 from vector<1xf32>
        %parallel_loop3A_1021 = vector.broadcast %parallel_loop3A_1020 : f32 to vector<16xf32>
        %parallel_loop3A_1022 = arith.mulf %parallel_loop3A_1018, %parallel_loop3A_1021 : vector<16xf32>
        %parallel_loop3A_1023 = vector.extract_strided_slice %get3A_22 {offsets = [14], sizes = [1], strides = [1]} : vector<16xf32> to vector<1xf32>
        %parallel_loop3A_1024 = vector.extract %parallel_loop3A_1023[0] : f32 from vector<1xf32>
        %parallel_loop3A_1025 = vector.broadcast %parallel_loop3A_1024 : f32 to vector<16xf32>
        %parallel_loop3A_1026 = arith.addf %parallel_loop3A_1022, %parallel_loop3A_1025 : vector<16xf32>
        tpu.vector_store_idx %arg9[%parallel_loop3A_224, %parallel_loop3A_1013], %parallel_loop3A_1026 : memref<512x64xf32, #tpu.memory_space<vmem>>[vector<16xi32>, vector<16xi32>], vector<16xf32>,
        %parallel_loop3A_1027 = arith.constant 15 : i32
        %parallel_loop3A_1028 = vector.broadcast %parallel_loop3A_1027 : i32 to vector<16xi32>
        %parallel_loop3A_1029 = tpu.vector_load_idx %arg9[%parallel_loop3A_224, %parallel_loop3A_1028] : memref<512x64xf32, #tpu.memory_space<vmem>>[vector<16xi32>, vector<16xi32>], vector<16xf32>,
        %parallel_loop3A_1030 = tpu.vector_load_idx %arg10[%parallel_loop3A_232, %parallel_loop3A_1028] : memref<200x64xf32, #tpu.memory_space<vmem>>[vector<16xi32>, vector<16xi32>], vector<16xf32>,
        %parallel_loop3A_1031 = arith.addf %parallel_loop3A_1029, %parallel_loop3A_1030 : vector<16xf32>
        %parallel_loop3A_1032 = arith.subf %parallel_loop3A_1031, %parallel_loop3A_755 : vector<16xf32>
        %parallel_loop3A_1033 = arith.mulf %parallel_loop3A_1032, %parallel_loop3A_801 : vector<16xf32>
        %parallel_loop3A_1034 = vector.extract_strided_slice %get3A_6 {offsets = [15], sizes = [1], strides = [1]} : vector<16xf32> to vector<1xf32>
        %parallel_loop3A_1035 = vector.extract %parallel_loop3A_1034[0] : f32 from vector<1xf32>
        %parallel_loop3A_1036 = vector.broadcast %parallel_loop3A_1035 : f32 to vector<16xf32>
        %parallel_loop3A_1037 = arith.mulf %parallel_loop3A_1033, %parallel_loop3A_1036 : vector<16xf32>
        %parallel_loop3A_1038 = vector.extract_strided_slice %get3A_22 {offsets = [15], sizes = [1], strides = [1]} : vector<16xf32> to vector<1xf32>
        %parallel_loop3A_1039 = vector.extract %parallel_loop3A_1038[0] : f32 from vector<1xf32>
        %parallel_loop3A_1040 = vector.broadcast %parallel_loop3A_1039 : f32 to vector<16xf32>
        %parallel_loop3A_1041 = arith.addf %parallel_loop3A_1037, %parallel_loop3A_1040 : vector<16xf32>
        tpu.vector_store_idx %arg9[%parallel_loop3A_224, %parallel_loop3A_1028], %parallel_loop3A_1041 : memref<512x64xf32, #tpu.memory_space<vmem>>[vector<16xi32>, vector<16xi32>], vector<16xf32>,
        %parallel_loop3A_1042 = arith.constant 16 : i32
        %parallel_loop3A_1043 = vector.broadcast %parallel_loop3A_1042 : i32 to vector<16xi32>
        %parallel_loop3A_1044 = tpu.vector_load_idx %arg9[%parallel_loop3A_224, %parallel_loop3A_1043] : memref<512x64xf32, #tpu.memory_space<vmem>>[vector<16xi32>, vector<16xi32>], vector<16xf32>,
        %parallel_loop3A_1045 = tpu.vector_load_idx %arg10[%parallel_loop3A_232, %parallel_loop3A_1043] : memref<200x64xf32, #tpu.memory_space<vmem>>[vector<16xi32>, vector<16xi32>], vector<16xf32>,
        %parallel_loop3A_1046 = arith.addf %parallel_loop3A_1044, %parallel_loop3A_1045 : vector<16xf32>
        %parallel_loop3A_1047 = arith.subf %parallel_loop3A_1046, %parallel_loop3A_755 : vector<16xf32>
        %parallel_loop3A_1048 = arith.mulf %parallel_loop3A_1047, %parallel_loop3A_801 : vector<16xf32>
        %parallel_loop3A_1049 = vector.extract_strided_slice %get3A_10 {offsets = [0], sizes = [1], strides = [1]} : vector<16xf32> to vector<1xf32>
        %parallel_loop3A_1050 = vector.extract %parallel_loop3A_1049[0] : f32 from vector<1xf32>
        %parallel_loop3A_1051 = vector.broadcast %parallel_loop3A_1050 : f32 to vector<16xf32>
        %parallel_loop3A_1052 = arith.mulf %parallel_loop3A_1048, %parallel_loop3A_1051 : vector<16xf32>
        %parallel_loop3A_1053 = vector.extract_strided_slice %get3A_26 {offsets = [0], sizes = [1], strides = [1]} : vector<16xf32> to vector<1xf32>
        %parallel_loop3A_1054 = vector.extract %parallel_loop3A_1053[0] : f32 from vector<1xf32>
        %parallel_loop3A_1055 = vector.broadcast %parallel_loop3A_1054 : f32 to vector<16xf32>
        %parallel_loop3A_1056 = arith.addf %parallel_loop3A_1052, %parallel_loop3A_1055 : vector<16xf32>
        tpu.vector_store_idx %arg9[%parallel_loop3A_224, %parallel_loop3A_1043], %parallel_loop3A_1056 : memref<512x64xf32, #tpu.memory_space<vmem>>[vector<16xi32>, vector<16xi32>], vector<16xf32>,
        %parallel_loop3A_1057 = arith.constant 17 : i32
        %parallel_loop3A_1058 = vector.broadcast %parallel_loop3A_1057 : i32 to vector<16xi32>
        %parallel_loop3A_1059 = tpu.vector_load_idx %arg9[%parallel_loop3A_224, %parallel_loop3A_1058] : memref<512x64xf32, #tpu.memory_space<vmem>>[vector<16xi32>, vector<16xi32>], vector<16xf32>,
        %parallel_loop3A_1060 = tpu.vector_load_idx %arg10[%parallel_loop3A_232, %parallel_loop3A_1058] : memref<200x64xf32, #tpu.memory_space<vmem>>[vector<16xi32>, vector<16xi32>], vector<16xf32>,
        %parallel_loop3A_1061 = arith.addf %parallel_loop3A_1059, %parallel_loop3A_1060 : vector<16xf32>
        %parallel_loop3A_1062 = arith.subf %parallel_loop3A_1061, %parallel_loop3A_755 : vector<16xf32>
        %parallel_loop3A_1063 = arith.mulf %parallel_loop3A_1062, %parallel_loop3A_801 : vector<16xf32>
        %parallel_loop3A_1064 = vector.extract_strided_slice %get3A_10 {offsets = [1], sizes = [1], strides = [1]} : vector<16xf32> to vector<1xf32>
        %parallel_loop3A_1065 = vector.extract %parallel_loop3A_1064[0] : f32 from vector<1xf32>
        %parallel_loop3A_1066 = vector.broadcast %parallel_loop3A_1065 : f32 to vector<16xf32>
        %parallel_loop3A_1067 = arith.mulf %parallel_loop3A_1063, %parallel_loop3A_1066 : vector<16xf32>
        %parallel_loop3A_1068 = vector.extract_strided_slice %get3A_26 {offsets = [1], sizes = [1], strides = [1]} : vector<16xf32> to vector<1xf32>
        %parallel_loop3A_1069 = vector.extract %parallel_loop3A_1068[0] : f32 from vector<1xf32>
        %parallel_loop3A_1070 = vector.broadcast %parallel_loop3A_1069 : f32 to vector<16xf32>
        %parallel_loop3A_1071 = arith.addf %parallel_loop3A_1067, %parallel_loop3A_1070 : vector<16xf32>
        tpu.vector_store_idx %arg9[%parallel_loop3A_224, %parallel_loop3A_1058], %parallel_loop3A_1071 : memref<512x64xf32, #tpu.memory_space<vmem>>[vector<16xi32>, vector<16xi32>], vector<16xf32>,
        %parallel_loop3A_1072 = arith.constant 18 : i32
        %parallel_loop3A_1073 = vector.broadcast %parallel_loop3A_1072 : i32 to vector<16xi32>
        %parallel_loop3A_1074 = tpu.vector_load_idx %arg9[%parallel_loop3A_224, %parallel_loop3A_1073] : memref<512x64xf32, #tpu.memory_space<vmem>>[vector<16xi32>, vector<16xi32>], vector<16xf32>,
        %parallel_loop3A_1075 = tpu.vector_load_idx %arg10[%parallel_loop3A_232, %parallel_loop3A_1073] : memref<200x64xf32, #tpu.memory_space<vmem>>[vector<16xi32>, vector<16xi32>], vector<16xf32>,
        %parallel_loop3A_1076 = arith.addf %parallel_loop3A_1074, %parallel_loop3A_1075 : vector<16xf32>
        %parallel_loop3A_1077 = arith.subf %parallel_loop3A_1076, %parallel_loop3A_755 : vector<16xf32>
        %parallel_loop3A_1078 = arith.mulf %parallel_loop3A_1077, %parallel_loop3A_801 : vector<16xf32>
        %parallel_loop3A_1079 = vector.extract_strided_slice %get3A_10 {offsets = [2], sizes = [1], strides = [1]} : vector<16xf32> to vector<1xf32>
        %parallel_loop3A_1080 = vector.extract %parallel_loop3A_1079[0] : f32 from vector<1xf32>
        %parallel_loop3A_1081 = vector.broadcast %parallel_loop3A_1080 : f32 to vector<16xf32>
        %parallel_loop3A_1082 = arith.mulf %parallel_loop3A_1078, %parallel_loop3A_1081 : vector<16xf32>
        %parallel_loop3A_1083 = vector.extract_strided_slice %get3A_26 {offsets = [2], sizes = [1], strides = [1]} : vector<16xf32> to vector<1xf32>
        %parallel_loop3A_1084 = vector.extract %parallel_loop3A_1083[0] : f32 from vector<1xf32>
        %parallel_loop3A_1085 = vector.broadcast %parallel_loop3A_1084 : f32 to vector<16xf32>
        %parallel_loop3A_1086 = arith.addf %parallel_loop3A_1082, %parallel_loop3A_1085 : vector<16xf32>
        tpu.vector_store_idx %arg9[%parallel_loop3A_224, %parallel_loop3A_1073], %parallel_loop3A_1086 : memref<512x64xf32, #tpu.memory_space<vmem>>[vector<16xi32>, vector<16xi32>], vector<16xf32>,
        %parallel_loop3A_1087 = arith.constant 19 : i32
        %parallel_loop3A_1088 = vector.broadcast %parallel_loop3A_1087 : i32 to vector<16xi32>
        %parallel_loop3A_1089 = tpu.vector_load_idx %arg9[%parallel_loop3A_224, %parallel_loop3A_1088] : memref<512x64xf32, #tpu.memory_space<vmem>>[vector<16xi32>, vector<16xi32>], vector<16xf32>,
        %parallel_loop3A_1090 = tpu.vector_load_idx %arg10[%parallel_loop3A_232, %parallel_loop3A_1088] : memref<200x64xf32, #tpu.memory_space<vmem>>[vector<16xi32>, vector<16xi32>], vector<16xf32>,
        %parallel_loop3A_1091 = arith.addf %parallel_loop3A_1089, %parallel_loop3A_1090 : vector<16xf32>
        %parallel_loop3A_1092 = arith.subf %parallel_loop3A_1091, %parallel_loop3A_755 : vector<16xf32>
        %parallel_loop3A_1093 = arith.mulf %parallel_loop3A_1092, %parallel_loop3A_801 : vector<16xf32>
        %parallel_loop3A_1094 = vector.extract_strided_slice %get3A_10 {offsets = [3], sizes = [1], strides = [1]} : vector<16xf32> to vector<1xf32>
        %parallel_loop3A_1095 = vector.extract %parallel_loop3A_1094[0] : f32 from vector<1xf32>
        %parallel_loop3A_1096 = vector.broadcast %parallel_loop3A_1095 : f32 to vector<16xf32>
        %parallel_loop3A_1097 = arith.mulf %parallel_loop3A_1093, %parallel_loop3A_1096 : vector<16xf32>
        %parallel_loop3A_1098 = vector.extract_strided_slice %get3A_26 {offsets = [3], sizes = [1], strides = [1]} : vector<16xf32> to vector<1xf32>
        %parallel_loop3A_1099 = vector.extract %parallel_loop3A_1098[0] : f32 from vector<1xf32>
        %parallel_loop3A_1100 = vector.broadcast %parallel_loop3A_1099 : f32 to vector<16xf32>
        %parallel_loop3A_1101 = arith.addf %parallel_loop3A_1097, %parallel_loop3A_1100 : vector<16xf32>
        tpu.vector_store_idx %arg9[%parallel_loop3A_224, %parallel_loop3A_1088], %parallel_loop3A_1101 : memref<512x64xf32, #tpu.memory_space<vmem>>[vector<16xi32>, vector<16xi32>], vector<16xf32>,
        %parallel_loop3A_1102 = arith.constant 20 : i32
        %parallel_loop3A_1103 = vector.broadcast %parallel_loop3A_1102 : i32 to vector<16xi32>
        %parallel_loop3A_1104 = tpu.vector_load_idx %arg9[%parallel_loop3A_224, %parallel_loop3A_1103] : memref<512x64xf32, #tpu.memory_space<vmem>>[vector<16xi32>, vector<16xi32>], vector<16xf32>,
        %parallel_loop3A_1105 = tpu.vector_load_idx %arg10[%parallel_loop3A_232, %parallel_loop3A_1103] : memref<200x64xf32, #tpu.memory_space<vmem>>[vector<16xi32>, vector<16xi32>], vector<16xf32>,
        %parallel_loop3A_1106 = arith.addf %parallel_loop3A_1104, %parallel_loop3A_1105 : vector<16xf32>
        %parallel_loop3A_1107 = arith.subf %parallel_loop3A_1106, %parallel_loop3A_755 : vector<16xf32>
        %parallel_loop3A_1108 = arith.mulf %parallel_loop3A_1107, %parallel_loop3A_801 : vector<16xf32>
        %parallel_loop3A_1109 = vector.extract_strided_slice %get3A_10 {offsets = [4], sizes = [1], strides = [1]} : vector<16xf32> to vector<1xf32>
        %parallel_loop3A_1110 = vector.extract %parallel_loop3A_1109[0] : f32 from vector<1xf32>
        %parallel_loop3A_1111 = vector.broadcast %parallel_loop3A_1110 : f32 to vector<16xf32>
        %parallel_loop3A_1112 = arith.mulf %parallel_loop3A_1108, %parallel_loop3A_1111 : vector<16xf32>
        %parallel_loop3A_1113 = vector.extract_strided_slice %get3A_26 {offsets = [4], sizes = [1], strides = [1]} : vector<16xf32> to vector<1xf32>
        %parallel_loop3A_1114 = vector.extract %parallel_loop3A_1113[0] : f32 from vector<1xf32>
        %parallel_loop3A_1115 = vector.broadcast %parallel_loop3A_1114 : f32 to vector<16xf32>
        %parallel_loop3A_1116 = arith.addf %parallel_loop3A_1112, %parallel_loop3A_1115 : vector<16xf32>
        tpu.vector_store_idx %arg9[%parallel_loop3A_224, %parallel_loop3A_1103], %parallel_loop3A_1116 : memref<512x64xf32, #tpu.memory_space<vmem>>[vector<16xi32>, vector<16xi32>], vector<16xf32>,
        %parallel_loop3A_1117 = arith.constant 21 : i32
        %parallel_loop3A_1118 = vector.broadcast %parallel_loop3A_1117 : i32 to vector<16xi32>
        %parallel_loop3A_1119 = tpu.vector_load_idx %arg9[%parallel_loop3A_224, %parallel_loop3A_1118] : memref<512x64xf32, #tpu.memory_space<vmem>>[vector<16xi32>, vector<16xi32>], vector<16xf32>,
        %parallel_loop3A_1120 = tpu.vector_load_idx %arg10[%parallel_loop3A_232, %parallel_loop3A_1118] : memref<200x64xf32, #tpu.memory_space<vmem>>[vector<16xi32>, vector<16xi32>], vector<16xf32>,
        %parallel_loop3A_1121 = arith.addf %parallel_loop3A_1119, %parallel_loop3A_1120 : vector<16xf32>
        %parallel_loop3A_1122 = arith.subf %parallel_loop3A_1121, %parallel_loop3A_755 : vector<16xf32>
        %parallel_loop3A_1123 = arith.mulf %parallel_loop3A_1122, %parallel_loop3A_801 : vector<16xf32>
        %parallel_loop3A_1124 = vector.extract_strided_slice %get3A_10 {offsets = [5], sizes = [1], strides = [1]} : vector<16xf32> to vector<1xf32>
        %parallel_loop3A_1125 = vector.extract %parallel_loop3A_1124[0] : f32 from vector<1xf32>
        %parallel_loop3A_1126 = vector.broadcast %parallel_loop3A_1125 : f32 to vector<16xf32>
        %parallel_loop3A_1127 = arith.mulf %parallel_loop3A_1123, %parallel_loop3A_1126 : vector<16xf32>
        %parallel_loop3A_1128 = vector.extract_strided_slice %get3A_26 {offsets = [5], sizes = [1], strides = [1]} : vector<16xf32> to vector<1xf32>
        %parallel_loop3A_1129 = vector.extract %parallel_loop3A_1128[0] : f32 from vector<1xf32>
        %parallel_loop3A_1130 = vector.broadcast %parallel_loop3A_1129 : f32 to vector<16xf32>
        %parallel_loop3A_1131 = arith.addf %parallel_loop3A_1127, %parallel_loop3A_1130 : vector<16xf32>
        tpu.vector_store_idx %arg9[%parallel_loop3A_224, %parallel_loop3A_1118], %parallel_loop3A_1131 : memref<512x64xf32, #tpu.memory_space<vmem>>[vector<16xi32>, vector<16xi32>], vector<16xf32>,
        %parallel_loop3A_1132 = arith.constant 22 : i32
        %parallel_loop3A_1133 = vector.broadcast %parallel_loop3A_1132 : i32 to vector<16xi32>
        %parallel_loop3A_1134 = tpu.vector_load_idx %arg9[%parallel_loop3A_224, %parallel_loop3A_1133] : memref<512x64xf32, #tpu.memory_space<vmem>>[vector<16xi32>, vector<16xi32>], vector<16xf32>,
        %parallel_loop3A_1135 = tpu.vector_load_idx %arg10[%parallel_loop3A_232, %parallel_loop3A_1133] : memref<200x64xf32, #tpu.memory_space<vmem>>[vector<16xi32>, vector<16xi32>], vector<16xf32>,
        %parallel_loop3A_1136 = arith.addf %parallel_loop3A_1134, %parallel_loop3A_1135 : vector<16xf32>
        %parallel_loop3A_1137 = arith.subf %parallel_loop3A_1136, %parallel_loop3A_755 : vector<16xf32>
        %parallel_loop3A_1138 = arith.mulf %parallel_loop3A_1137, %parallel_loop3A_801 : vector<16xf32>
        %parallel_loop3A_1139 = vector.extract_strided_slice %get3A_10 {offsets = [6], sizes = [1], strides = [1]} : vector<16xf32> to vector<1xf32>
        %parallel_loop3A_1140 = vector.extract %parallel_loop3A_1139[0] : f32 from vector<1xf32>
        %parallel_loop3A_1141 = vector.broadcast %parallel_loop3A_1140 : f32 to vector<16xf32>
        %parallel_loop3A_1142 = arith.mulf %parallel_loop3A_1138, %parallel_loop3A_1141 : vector<16xf32>
        %parallel_loop3A_1143 = vector.extract_strided_slice %get3A_26 {offsets = [6], sizes = [1], strides = [1]} : vector<16xf32> to vector<1xf32>
        %parallel_loop3A_1144 = vector.extract %parallel_loop3A_1143[0] : f32 from vector<1xf32>
        %parallel_loop3A_1145 = vector.broadcast %parallel_loop3A_1144 : f32 to vector<16xf32>
        %parallel_loop3A_1146 = arith.addf %parallel_loop3A_1142, %parallel_loop3A_1145 : vector<16xf32>
        tpu.vector_store_idx %arg9[%parallel_loop3A_224, %parallel_loop3A_1133], %parallel_loop3A_1146 : memref<512x64xf32, #tpu.memory_space<vmem>>[vector<16xi32>, vector<16xi32>], vector<16xf32>,
        %parallel_loop3A_1147 = arith.constant 23 : i32
        %parallel_loop3A_1148 = vector.broadcast %parallel_loop3A_1147 : i32 to vector<16xi32>
        %parallel_loop3A_1149 = tpu.vector_load_idx %arg9[%parallel_loop3A_224, %parallel_loop3A_1148] : memref<512x64xf32, #tpu.memory_space<vmem>>[vector<16xi32>, vector<16xi32>], vector<16xf32>,
        %parallel_loop3A_1150 = tpu.vector_load_idx %arg10[%parallel_loop3A_232, %parallel_loop3A_1148] : memref<200x64xf32, #tpu.memory_space<vmem>>[vector<16xi32>, vector<16xi32>], vector<16xf32>,
        %parallel_loop3A_1151 = arith.addf %parallel_loop3A_1149, %parallel_loop3A_1150 : vector<16xf32>
        %parallel_loop3A_1152 = arith.subf %parallel_loop3A_1151, %parallel_loop3A_755 : vector<16xf32>
        %parallel_loop3A_1153 = arith.mulf %parallel_loop3A_1152, %parallel_loop3A_801 : vector<16xf32>
        %parallel_loop3A_1154 = vector.extract_strided_slice %get3A_10 {offsets = [7], sizes = [1], strides = [1]} : vector<16xf32> to vector<1xf32>
        %parallel_loop3A_1155 = vector.extract %parallel_loop3A_1154[0] : f32 from vector<1xf32>
        %parallel_loop3A_1156 = vector.broadcast %parallel_loop3A_1155 : f32 to vector<16xf32>
        %parallel_loop3A_1157 = arith.mulf %parallel_loop3A_1153, %parallel_loop3A_1156 : vector<16xf32>
        %parallel_loop3A_1158 = vector.extract_strided_slice %get3A_26 {offsets = [7], sizes = [1], strides = [1]} : vector<16xf32> to vector<1xf32>
        %parallel_loop3A_1159 = vector.extract %parallel_loop3A_1158[0] : f32 from vector<1xf32>
        %parallel_loop3A_1160 = vector.broadcast %parallel_loop3A_1159 : f32 to vector<16xf32>
        %parallel_loop3A_1161 = arith.addf %parallel_loop3A_1157, %parallel_loop3A_1160 : vector<16xf32>
        tpu.vector_store_idx %arg9[%parallel_loop3A_224, %parallel_loop3A_1148], %parallel_loop3A_1161 : memref<512x64xf32, #tpu.memory_space<vmem>>[vector<16xi32>, vector<16xi32>], vector<16xf32>,
        %parallel_loop3A_1162 = arith.constant 24 : i32
        %parallel_loop3A_1163 = vector.broadcast %parallel_loop3A_1162 : i32 to vector<16xi32>
        %parallel_loop3A_1164 = tpu.vector_load_idx %arg9[%parallel_loop3A_224, %parallel_loop3A_1163] : memref<512x64xf32, #tpu.memory_space<vmem>>[vector<16xi32>, vector<16xi32>], vector<16xf32>,
        %parallel_loop3A_1165 = tpu.vector_load_idx %arg10[%parallel_loop3A_232, %parallel_loop3A_1163] : memref<200x64xf32, #tpu.memory_space<vmem>>[vector<16xi32>, vector<16xi32>], vector<16xf32>,
        %parallel_loop3A_1166 = arith.addf %parallel_loop3A_1164, %parallel_loop3A_1165 : vector<16xf32>
        %parallel_loop3A_1167 = arith.subf %parallel_loop3A_1166, %parallel_loop3A_755 : vector<16xf32>
        %parallel_loop3A_1168 = arith.mulf %parallel_loop3A_1167, %parallel_loop3A_801 : vector<16xf32>
        %parallel_loop3A_1169 = vector.extract_strided_slice %get3A_10 {offsets = [8], sizes = [1], strides = [1]} : vector<16xf32> to vector<1xf32>
        %parallel_loop3A_1170 = vector.extract %parallel_loop3A_1169[0] : f32 from vector<1xf32>
        %parallel_loop3A_1171 = vector.broadcast %parallel_loop3A_1170 : f32 to vector<16xf32>
        %parallel_loop3A_1172 = arith.mulf %parallel_loop3A_1168, %parallel_loop3A_1171 : vector<16xf32>
        %parallel_loop3A_1173 = vector.extract_strided_slice %get3A_26 {offsets = [8], sizes = [1], strides = [1]} : vector<16xf32> to vector<1xf32>
        %parallel_loop3A_1174 = vector.extract %parallel_loop3A_1173[0] : f32 from vector<1xf32>
        %parallel_loop3A_1175 = vector.broadcast %parallel_loop3A_1174 : f32 to vector<16xf32>
        %parallel_loop3A_1176 = arith.addf %parallel_loop3A_1172, %parallel_loop3A_1175 : vector<16xf32>
        tpu.vector_store_idx %arg9[%parallel_loop3A_224, %parallel_loop3A_1163], %parallel_loop3A_1176 : memref<512x64xf32, #tpu.memory_space<vmem>>[vector<16xi32>, vector<16xi32>], vector<16xf32>,
        %parallel_loop3A_1177 = arith.constant 25 : i32
        %parallel_loop3A_1178 = vector.broadcast %parallel_loop3A_1177 : i32 to vector<16xi32>
        %parallel_loop3A_1179 = tpu.vector_load_idx %arg9[%parallel_loop3A_224, %parallel_loop3A_1178] : memref<512x64xf32, #tpu.memory_space<vmem>>[vector<16xi32>, vector<16xi32>], vector<16xf32>,
        %parallel_loop3A_1180 = tpu.vector_load_idx %arg10[%parallel_loop3A_232, %parallel_loop3A_1178] : memref<200x64xf32, #tpu.memory_space<vmem>>[vector<16xi32>, vector<16xi32>], vector<16xf32>,
        %parallel_loop3A_1181 = arith.addf %parallel_loop3A_1179, %parallel_loop3A_1180 : vector<16xf32>
        %parallel_loop3A_1182 = arith.subf %parallel_loop3A_1181, %parallel_loop3A_755 : vector<16xf32>
        %parallel_loop3A_1183 = arith.mulf %parallel_loop3A_1182, %parallel_loop3A_801 : vector<16xf32>
        %parallel_loop3A_1184 = vector.extract_strided_slice %get3A_10 {offsets = [9], sizes = [1], strides = [1]} : vector<16xf32> to vector<1xf32>
        %parallel_loop3A_1185 = vector.extract %parallel_loop3A_1184[0] : f32 from vector<1xf32>
        %parallel_loop3A_1186 = vector.broadcast %parallel_loop3A_1185 : f32 to vector<16xf32>
        %parallel_loop3A_1187 = arith.mulf %parallel_loop3A_1183, %parallel_loop3A_1186 : vector<16xf32>
        %parallel_loop3A_1188 = vector.extract_strided_slice %get3A_26 {offsets = [9], sizes = [1], strides = [1]} : vector<16xf32> to vector<1xf32>
        %parallel_loop3A_1189 = vector.extract %parallel_loop3A_1188[0] : f32 from vector<1xf32>
        %parallel_loop3A_1190 = vector.broadcast %parallel_loop3A_1189 : f32 to vector<16xf32>
        %parallel_loop3A_1191 = arith.addf %parallel_loop3A_1187, %parallel_loop3A_1190 : vector<16xf32>
        tpu.vector_store_idx %arg9[%parallel_loop3A_224, %parallel_loop3A_1178], %parallel_loop3A_1191 : memref<512x64xf32, #tpu.memory_space<vmem>>[vector<16xi32>, vector<16xi32>], vector<16xf32>,
        %parallel_loop3A_1192 = arith.constant 26 : i32
        %parallel_loop3A_1193 = vector.broadcast %parallel_loop3A_1192 : i32 to vector<16xi32>
        %parallel_loop3A_1194 = tpu.vector_load_idx %arg9[%parallel_loop3A_224, %parallel_loop3A_1193] : memref<512x64xf32, #tpu.memory_space<vmem>>[vector<16xi32>, vector<16xi32>], vector<16xf32>,
        %parallel_loop3A_1195 = tpu.vector_load_idx %arg10[%parallel_loop3A_232, %parallel_loop3A_1193] : memref<200x64xf32, #tpu.memory_space<vmem>>[vector<16xi32>, vector<16xi32>], vector<16xf32>,
        %parallel_loop3A_1196 = arith.addf %parallel_loop3A_1194, %parallel_loop3A_1195 : vector<16xf32>
        %parallel_loop3A_1197 = arith.subf %parallel_loop3A_1196, %parallel_loop3A_755 : vector<16xf32>
        %parallel_loop3A_1198 = arith.mulf %parallel_loop3A_1197, %parallel_loop3A_801 : vector<16xf32>
        %parallel_loop3A_1199 = vector.extract_strided_slice %get3A_10 {offsets = [10], sizes = [1], strides = [1]} : vector<16xf32> to vector<1xf32>
        %parallel_loop3A_1200 = vector.extract %parallel_loop3A_1199[0] : f32 from vector<1xf32>
        %parallel_loop3A_1201 = vector.broadcast %parallel_loop3A_1200 : f32 to vector<16xf32>
        %parallel_loop3A_1202 = arith.mulf %parallel_loop3A_1198, %parallel_loop3A_1201 : vector<16xf32>
        %parallel_loop3A_1203 = vector.extract_strided_slice %get3A_26 {offsets = [10], sizes = [1], strides = [1]} : vector<16xf32> to vector<1xf32>
        %parallel_loop3A_1204 = vector.extract %parallel_loop3A_1203[0] : f32 from vector<1xf32>
        %parallel_loop3A_1205 = vector.broadcast %parallel_loop3A_1204 : f32 to vector<16xf32>
        %parallel_loop3A_1206 = arith.addf %parallel_loop3A_1202, %parallel_loop3A_1205 : vector<16xf32>
        tpu.vector_store_idx %arg9[%parallel_loop3A_224, %parallel_loop3A_1193], %parallel_loop3A_1206 : memref<512x64xf32, #tpu.memory_space<vmem>>[vector<16xi32>, vector<16xi32>], vector<16xf32>,
        %parallel_loop3A_1207 = arith.constant 27 : i32
        %parallel_loop3A_1208 = vector.broadcast %parallel_loop3A_1207 : i32 to vector<16xi32>
        %parallel_loop3A_1209 = tpu.vector_load_idx %arg9[%parallel_loop3A_224, %parallel_loop3A_1208] : memref<512x64xf32, #tpu.memory_space<vmem>>[vector<16xi32>, vector<16xi32>], vector<16xf32>,
        %parallel_loop3A_1210 = tpu.vector_load_idx %arg10[%parallel_loop3A_232, %parallel_loop3A_1208] : memref<200x64xf32, #tpu.memory_space<vmem>>[vector<16xi32>, vector<16xi32>], vector<16xf32>,
        %parallel_loop3A_1211 = arith.addf %parallel_loop3A_1209, %parallel_loop3A_1210 : vector<16xf32>
        %parallel_loop3A_1212 = arith.subf %parallel_loop3A_1211, %parallel_loop3A_755 : vector<16xf32>
        %parallel_loop3A_1213 = arith.mulf %parallel_loop3A_1212, %parallel_loop3A_801 : vector<16xf32>
        %parallel_loop3A_1214 = vector.extract_strided_slice %get3A_10 {offsets = [11], sizes = [1], strides = [1]} : vector<16xf32> to vector<1xf32>
        %parallel_loop3A_1215 = vector.extract %parallel_loop3A_1214[0] : f32 from vector<1xf32>
        %parallel_loop3A_1216 = vector.broadcast %parallel_loop3A_1215 : f32 to vector<16xf32>
        %parallel_loop3A_1217 = arith.mulf %parallel_loop3A_1213, %parallel_loop3A_1216 : vector<16xf32>
        %parallel_loop3A_1218 = vector.extract_strided_slice %get3A_26 {offsets = [11], sizes = [1], strides = [1]} : vector<16xf32> to vector<1xf32>
        %parallel_loop3A_1219 = vector.extract %parallel_loop3A_1218[0] : f32 from vector<1xf32>
        %parallel_loop3A_1220 = vector.broadcast %parallel_loop3A_1219 : f32 to vector<16xf32>
        %parallel_loop3A_1221 = arith.addf %parallel_loop3A_1217, %parallel_loop3A_1220 : vector<16xf32>
        tpu.vector_store_idx %arg9[%parallel_loop3A_224, %parallel_loop3A_1208], %parallel_loop3A_1221 : memref<512x64xf32, #tpu.memory_space<vmem>>[vector<16xi32>, vector<16xi32>], vector<16xf32>,
        %parallel_loop3A_1222 = arith.constant 28 : i32
        %parallel_loop3A_1223 = vector.broadcast %parallel_loop3A_1222 : i32 to vector<16xi32>
        %parallel_loop3A_1224 = tpu.vector_load_idx %arg9[%parallel_loop3A_224, %parallel_loop3A_1223] : memref<512x64xf32, #tpu.memory_space<vmem>>[vector<16xi32>, vector<16xi32>], vector<16xf32>,
        %parallel_loop3A_1225 = tpu.vector_load_idx %arg10[%parallel_loop3A_232, %parallel_loop3A_1223] : memref<200x64xf32, #tpu.memory_space<vmem>>[vector<16xi32>, vector<16xi32>], vector<16xf32>,
        %parallel_loop3A_1226 = arith.addf %parallel_loop3A_1224, %parallel_loop3A_1225 : vector<16xf32>
        %parallel_loop3A_1227 = arith.subf %parallel_loop3A_1226, %parallel_loop3A_755 : vector<16xf32>
        %parallel_loop3A_1228 = arith.mulf %parallel_loop3A_1227, %parallel_loop3A_801 : vector<16xf32>
        %parallel_loop3A_1229 = vector.extract_strided_slice %get3A_10 {offsets = [12], sizes = [1], strides = [1]} : vector<16xf32> to vector<1xf32>
        %parallel_loop3A_1230 = vector.extract %parallel_loop3A_1229[0] : f32 from vector<1xf32>
        %parallel_loop3A_1231 = vector.broadcast %parallel_loop3A_1230 : f32 to vector<16xf32>
        %parallel_loop3A_1232 = arith.mulf %parallel_loop3A_1228, %parallel_loop3A_1231 : vector<16xf32>
        %parallel_loop3A_1233 = vector.extract_strided_slice %get3A_26 {offsets = [12], sizes = [1], strides = [1]} : vector<16xf32> to vector<1xf32>
        %parallel_loop3A_1234 = vector.extract %parallel_loop3A_1233[0] : f32 from vector<1xf32>
        %parallel_loop3A_1235 = vector.broadcast %parallel_loop3A_1234 : f32 to vector<16xf32>
        %parallel_loop3A_1236 = arith.addf %parallel_loop3A_1232, %parallel_loop3A_1235 : vector<16xf32>
        tpu.vector_store_idx %arg9[%parallel_loop3A_224, %parallel_loop3A_1223], %parallel_loop3A_1236 : memref<512x64xf32, #tpu.memory_space<vmem>>[vector<16xi32>, vector<16xi32>], vector<16xf32>,
        %parallel_loop3A_1237 = arith.constant 29 : i32
        %parallel_loop3A_1238 = vector.broadcast %parallel_loop3A_1237 : i32 to vector<16xi32>
        %parallel_loop3A_1239 = tpu.vector_load_idx %arg9[%parallel_loop3A_224, %parallel_loop3A_1238] : memref<512x64xf32, #tpu.memory_space<vmem>>[vector<16xi32>, vector<16xi32>], vector<16xf32>,
        %parallel_loop3A_1240 = tpu.vector_load_idx %arg10[%parallel_loop3A_232, %parallel_loop3A_1238] : memref<200x64xf32, #tpu.memory_space<vmem>>[vector<16xi32>, vector<16xi32>], vector<16xf32>,
        %parallel_loop3A_1241 = arith.addf %parallel_loop3A_1239, %parallel_loop3A_1240 : vector<16xf32>
        %parallel_loop3A_1242 = arith.subf %parallel_loop3A_1241, %parallel_loop3A_755 : vector<16xf32>
        %parallel_loop3A_1243 = arith.mulf %parallel_loop3A_1242, %parallel_loop3A_801 : vector<16xf32>
        %parallel_loop3A_1244 = vector.extract_strided_slice %get3A_10 {offsets = [13], sizes = [1], strides = [1]} : vector<16xf32> to vector<1xf32>
        %parallel_loop3A_1245 = vector.extract %parallel_loop3A_1244[0] : f32 from vector<1xf32>
        %parallel_loop3A_1246 = vector.broadcast %parallel_loop3A_1245 : f32 to vector<16xf32>
        %parallel_loop3A_1247 = arith.mulf %parallel_loop3A_1243, %parallel_loop3A_1246 : vector<16xf32>
        %parallel_loop3A_1248 = vector.extract_strided_slice %get3A_26 {offsets = [13], sizes = [1], strides = [1]} : vector<16xf32> to vector<1xf32>
        %parallel_loop3A_1249 = vector.extract %parallel_loop3A_1248[0] : f32 from vector<1xf32>
        %parallel_loop3A_1250 = vector.broadcast %parallel_loop3A_1249 : f32 to vector<16xf32>
        %parallel_loop3A_1251 = arith.addf %parallel_loop3A_1247, %parallel_loop3A_1250 : vector<16xf32>
        tpu.vector_store_idx %arg9[%parallel_loop3A_224, %parallel_loop3A_1238], %parallel_loop3A_1251 : memref<512x64xf32, #tpu.memory_space<vmem>>[vector<16xi32>, vector<16xi32>], vector<16xf32>,
        %parallel_loop3A_1252 = arith.constant 30 : i32
        %parallel_loop3A_1253 = vector.broadcast %parallel_loop3A_1252 : i32 to vector<16xi32>
        %parallel_loop3A_1254 = tpu.vector_load_idx %arg9[%parallel_loop3A_224, %parallel_loop3A_1253] : memref<512x64xf32, #tpu.memory_space<vmem>>[vector<16xi32>, vector<16xi32>], vector<16xf32>,
        %parallel_loop3A_1255 = tpu.vector_load_idx %arg10[%parallel_loop3A_232, %parallel_loop3A_1253] : memref<200x64xf32, #tpu.memory_space<vmem>>[vector<16xi32>, vector<16xi32>], vector<16xf32>,
        %parallel_loop3A_1256 = arith.addf %parallel_loop3A_1254, %parallel_loop3A_1255 : vector<16xf32>
        %parallel_loop3A_1257 = arith.subf %parallel_loop3A_1256, %parallel_loop3A_755 : vector<16xf32>
        %parallel_loop3A_1258 = arith.mulf %parallel_loop3A_1257, %parallel_loop3A_801 : vector<16xf32>
        %parallel_loop3A_1259 = vector.extract_strided_slice %get3A_10 {offsets = [14], sizes = [1], strides = [1]} : vector<16xf32> to vector<1xf32>
        %parallel_loop3A_1260 = vector.extract %parallel_loop3A_1259[0] : f32 from vector<1xf32>
        %parallel_loop3A_1261 = vector.broadcast %parallel_loop3A_1260 : f32 to vector<16xf32>
        %parallel_loop3A_1262 = arith.mulf %parallel_loop3A_1258, %parallel_loop3A_1261 : vector<16xf32>
        %parallel_loop3A_1263 = vector.extract_strided_slice %get3A_26 {offsets = [14], sizes = [1], strides = [1]} : vector<16xf32> to vector<1xf32>
        %parallel_loop3A_1264 = vector.extract %parallel_loop3A_1263[0] : f32 from vector<1xf32>
        %parallel_loop3A_1265 = vector.broadcast %parallel_loop3A_1264 : f32 to vector<16xf32>
        %parallel_loop3A_1266 = arith.addf %parallel_loop3A_1262, %parallel_loop3A_1265 : vector<16xf32>
        tpu.vector_store_idx %arg9[%parallel_loop3A_224, %parallel_loop3A_1253], %parallel_loop3A_1266 : memref<512x64xf32, #tpu.memory_space<vmem>>[vector<16xi32>, vector<16xi32>], vector<16xf32>,
        %parallel_loop3A_1267 = arith.constant 31 : i32
        %parallel_loop3A_1268 = vector.broadcast %parallel_loop3A_1267 : i32 to vector<16xi32>
        %parallel_loop3A_1269 = tpu.vector_load_idx %arg9[%parallel_loop3A_224, %parallel_loop3A_1268] : memref<512x64xf32, #tpu.memory_space<vmem>>[vector<16xi32>, vector<16xi32>], vector<16xf32>,
        %parallel_loop3A_1270 = tpu.vector_load_idx %arg10[%parallel_loop3A_232, %parallel_loop3A_1268] : memref<200x64xf32, #tpu.memory_space<vmem>>[vector<16xi32>, vector<16xi32>], vector<16xf32>,
        %parallel_loop3A_1271 = arith.addf %parallel_loop3A_1269, %parallel_loop3A_1270 : vector<16xf32>
        %parallel_loop3A_1272 = arith.subf %parallel_loop3A_1271, %parallel_loop3A_755 : vector<16xf32>
        %parallel_loop3A_1273 = arith.mulf %parallel_loop3A_1272, %parallel_loop3A_801 : vector<16xf32>
        %parallel_loop3A_1274 = vector.extract_strided_slice %get3A_10 {offsets = [15], sizes = [1], strides = [1]} : vector<16xf32> to vector<1xf32>
        %parallel_loop3A_1275 = vector.extract %parallel_loop3A_1274[0] : f32 from vector<1xf32>
        %parallel_loop3A_1276 = vector.broadcast %parallel_loop3A_1275 : f32 to vector<16xf32>
        %parallel_loop3A_1277 = arith.mulf %parallel_loop3A_1273, %parallel_loop3A_1276 : vector<16xf32>
        %parallel_loop3A_1278 = vector.extract_strided_slice %get3A_26 {offsets = [15], sizes = [1], strides = [1]} : vector<16xf32> to vector<1xf32>
        %parallel_loop3A_1279 = vector.extract %parallel_loop3A_1278[0] : f32 from vector<1xf32>
        %parallel_loop3A_1280 = vector.broadcast %parallel_loop3A_1279 : f32 to vector<16xf32>
        %parallel_loop3A_1281 = arith.addf %parallel_loop3A_1277, %parallel_loop3A_1280 : vector<16xf32>
        tpu.vector_store_idx %arg9[%parallel_loop3A_224, %parallel_loop3A_1268], %parallel_loop3A_1281 : memref<512x64xf32, #tpu.memory_space<vmem>>[vector<16xi32>, vector<16xi32>], vector<16xf32>,
        %parallel_loop3A_1282 = arith.constant 32 : i32
        %parallel_loop3A_1283 = vector.broadcast %parallel_loop3A_1282 : i32 to vector<16xi32>
        %parallel_loop3A_1284 = tpu.vector_load_idx %arg9[%parallel_loop3A_224, %parallel_loop3A_1283] : memref<512x64xf32, #tpu.memory_space<vmem>>[vector<16xi32>, vector<16xi32>], vector<16xf32>,
        %parallel_loop3A_1285 = tpu.vector_load_idx %arg10[%parallel_loop3A_232, %parallel_loop3A_1283] : memref<200x64xf32, #tpu.memory_space<vmem>>[vector<16xi32>, vector<16xi32>], vector<16xf32>,
        %parallel_loop3A_1286 = arith.addf %parallel_loop3A_1284, %parallel_loop3A_1285 : vector<16xf32>
        %parallel_loop3A_1287 = arith.subf %parallel_loop3A_1286, %parallel_loop3A_755 : vector<16xf32>
        %parallel_loop3A_1288 = arith.mulf %parallel_loop3A_1287, %parallel_loop3A_801 : vector<16xf32>
        %parallel_loop3A_1289 = vector.extract_strided_slice %get3A_14 {offsets = [0], sizes = [1], strides = [1]} : vector<16xf32> to vector<1xf32>
        %parallel_loop3A_1290 = vector.extract %parallel_loop3A_1289[0] : f32 from vector<1xf32>
        %parallel_loop3A_1291 = vector.broadcast %parallel_loop3A_1290 : f32 to vector<16xf32>
        %parallel_loop3A_1292 = arith.mulf %parallel_loop3A_1288, %parallel_loop3A_1291 : vector<16xf32>
        %parallel_loop3A_1293 = vector.extract_strided_slice %get3A_30 {offsets = [0], sizes = [1], strides = [1]} : vector<16xf32> to vector<1xf32>
        %parallel_loop3A_1294 = vector.extract %parallel_loop3A_1293[0] : f32 from vector<1xf32>
        %parallel_loop3A_1295 = vector.broadcast %parallel_loop3A_1294 : f32 to vector<16xf32>
        %parallel_loop3A_1296 = arith.addf %parallel_loop3A_1292, %parallel_loop3A_1295 : vector<16xf32>
        tpu.vector_store_idx %arg9[%parallel_loop3A_224, %parallel_loop3A_1283], %parallel_loop3A_1296 : memref<512x64xf32, #tpu.memory_space<vmem>>[vector<16xi32>, vector<16xi32>], vector<16xf32>,
        %parallel_loop3A_1297 = arith.constant 33 : i32
        %parallel_loop3A_1298 = vector.broadcast %parallel_loop3A_1297 : i32 to vector<16xi32>
        %parallel_loop3A_1299 = tpu.vector_load_idx %arg9[%parallel_loop3A_224, %parallel_loop3A_1298] : memref<512x64xf32, #tpu.memory_space<vmem>>[vector<16xi32>, vector<16xi32>], vector<16xf32>,
        %parallel_loop3A_1300 = tpu.vector_load_idx %arg10[%parallel_loop3A_232, %parallel_loop3A_1298] : memref<200x64xf32, #tpu.memory_space<vmem>>[vector<16xi32>, vector<16xi32>], vector<16xf32>,
        %parallel_loop3A_1301 = arith.addf %parallel_loop3A_1299, %parallel_loop3A_1300 : vector<16xf32>
        %parallel_loop3A_1302 = arith.subf %parallel_loop3A_1301, %parallel_loop3A_755 : vector<16xf32>
        %parallel_loop3A_1303 = arith.mulf %parallel_loop3A_1302, %parallel_loop3A_801 : vector<16xf32>
        %parallel_loop3A_1304 = vector.extract_strided_slice %get3A_14 {offsets = [1], sizes = [1], strides = [1]} : vector<16xf32> to vector<1xf32>
        %parallel_loop3A_1305 = vector.extract %parallel_loop3A_1304[0] : f32 from vector<1xf32>
        %parallel_loop3A_1306 = vector.broadcast %parallel_loop3A_1305 : f32 to vector<16xf32>
        %parallel_loop3A_1307 = arith.mulf %parallel_loop3A_1303, %parallel_loop3A_1306 : vector<16xf32>
        %parallel_loop3A_1308 = vector.extract_strided_slice %get3A_30 {offsets = [1], sizes = [1], strides = [1]} : vector<16xf32> to vector<1xf32>
        %parallel_loop3A_1309 = vector.extract %parallel_loop3A_1308[0] : f32 from vector<1xf32>
        %parallel_loop3A_1310 = vector.broadcast %parallel_loop3A_1309 : f32 to vector<16xf32>
        %parallel_loop3A_1311 = arith.addf %parallel_loop3A_1307, %parallel_loop3A_1310 : vector<16xf32>
        tpu.vector_store_idx %arg9[%parallel_loop3A_224, %parallel_loop3A_1298], %parallel_loop3A_1311 : memref<512x64xf32, #tpu.memory_space<vmem>>[vector<16xi32>, vector<16xi32>], vector<16xf32>,
        %parallel_loop3A_1312 = arith.constant 34 : i32
        %parallel_loop3A_1313 = vector.broadcast %parallel_loop3A_1312 : i32 to vector<16xi32>
        %parallel_loop3A_1314 = tpu.vector_load_idx %arg9[%parallel_loop3A_224, %parallel_loop3A_1313] : memref<512x64xf32, #tpu.memory_space<vmem>>[vector<16xi32>, vector<16xi32>], vector<16xf32>,
        %parallel_loop3A_1315 = tpu.vector_load_idx %arg10[%parallel_loop3A_232, %parallel_loop3A_1313] : memref<200x64xf32, #tpu.memory_space<vmem>>[vector<16xi32>, vector<16xi32>], vector<16xf32>,
        %parallel_loop3A_1316 = arith.addf %parallel_loop3A_1314, %parallel_loop3A_1315 : vector<16xf32>
        %parallel_loop3A_1317 = arith.subf %parallel_loop3A_1316, %parallel_loop3A_755 : vector<16xf32>
        %parallel_loop3A_1318 = arith.mulf %parallel_loop3A_1317, %parallel_loop3A_801 : vector<16xf32>
        %parallel_loop3A_1319 = vector.extract_strided_slice %get3A_14 {offsets = [2], sizes = [1], strides = [1]} : vector<16xf32> to vector<1xf32>
        %parallel_loop3A_1320 = vector.extract %parallel_loop3A_1319[0] : f32 from vector<1xf32>
        %parallel_loop3A_1321 = vector.broadcast %parallel_loop3A_1320 : f32 to vector<16xf32>
        %parallel_loop3A_1322 = arith.mulf %parallel_loop3A_1318, %parallel_loop3A_1321 : vector<16xf32>
        %parallel_loop3A_1323 = vector.extract_strided_slice %get3A_30 {offsets = [2], sizes = [1], strides = [1]} : vector<16xf32> to vector<1xf32>
        %parallel_loop3A_1324 = vector.extract %parallel_loop3A_1323[0] : f32 from vector<1xf32>
        %parallel_loop3A_1325 = vector.broadcast %parallel_loop3A_1324 : f32 to vector<16xf32>
        %parallel_loop3A_1326 = arith.addf %parallel_loop3A_1322, %parallel_loop3A_1325 : vector<16xf32>
        tpu.vector_store_idx %arg9[%parallel_loop3A_224, %parallel_loop3A_1313], %parallel_loop3A_1326 : memref<512x64xf32, #tpu.memory_space<vmem>>[vector<16xi32>, vector<16xi32>], vector<16xf32>,
        %parallel_loop3A_1327 = arith.constant 35 : i32
        %parallel_loop3A_1328 = vector.broadcast %parallel_loop3A_1327 : i32 to vector<16xi32>
        %parallel_loop3A_1329 = tpu.vector_load_idx %arg9[%parallel_loop3A_224, %parallel_loop3A_1328] : memref<512x64xf32, #tpu.memory_space<vmem>>[vector<16xi32>, vector<16xi32>], vector<16xf32>,
        %parallel_loop3A_1330 = tpu.vector_load_idx %arg10[%parallel_loop3A_232, %parallel_loop3A_1328] : memref<200x64xf32, #tpu.memory_space<vmem>>[vector<16xi32>, vector<16xi32>], vector<16xf32>,
        %parallel_loop3A_1331 = arith.addf %parallel_loop3A_1329, %parallel_loop3A_1330 : vector<16xf32>
        %parallel_loop3A_1332 = arith.subf %parallel_loop3A_1331, %parallel_loop3A_755 : vector<16xf32>
        %parallel_loop3A_1333 = arith.mulf %parallel_loop3A_1332, %parallel_loop3A_801 : vector<16xf32>
        %parallel_loop3A_1334 = vector.extract_strided_slice %get3A_14 {offsets = [3], sizes = [1], strides = [1]} : vector<16xf32> to vector<1xf32>
        %parallel_loop3A_1335 = vector.extract %parallel_loop3A_1334[0] : f32 from vector<1xf32>
        %parallel_loop3A_1336 = vector.broadcast %parallel_loop3A_1335 : f32 to vector<16xf32>
        %parallel_loop3A_1337 = arith.mulf %parallel_loop3A_1333, %parallel_loop3A_1336 : vector<16xf32>
        %parallel_loop3A_1338 = vector.extract_strided_slice %get3A_30 {offsets = [3], sizes = [1], strides = [1]} : vector<16xf32> to vector<1xf32>
        %parallel_loop3A_1339 = vector.extract %parallel_loop3A_1338[0] : f32 from vector<1xf32>
        %parallel_loop3A_1340 = vector.broadcast %parallel_loop3A_1339 : f32 to vector<16xf32>
        %parallel_loop3A_1341 = arith.addf %parallel_loop3A_1337, %parallel_loop3A_1340 : vector<16xf32>
        tpu.vector_store_idx %arg9[%parallel_loop3A_224, %parallel_loop3A_1328], %parallel_loop3A_1341 : memref<512x64xf32, #tpu.memory_space<vmem>>[vector<16xi32>, vector<16xi32>], vector<16xf32>,
        %parallel_loop3A_1342 = arith.constant 36 : i32
        %parallel_loop3A_1343 = vector.broadcast %parallel_loop3A_1342 : i32 to vector<16xi32>
        %parallel_loop3A_1344 = tpu.vector_load_idx %arg9[%parallel_loop3A_224, %parallel_loop3A_1343] : memref<512x64xf32, #tpu.memory_space<vmem>>[vector<16xi32>, vector<16xi32>], vector<16xf32>,
        %parallel_loop3A_1345 = tpu.vector_load_idx %arg10[%parallel_loop3A_232, %parallel_loop3A_1343] : memref<200x64xf32, #tpu.memory_space<vmem>>[vector<16xi32>, vector<16xi32>], vector<16xf32>,
        %parallel_loop3A_1346 = arith.addf %parallel_loop3A_1344, %parallel_loop3A_1345 : vector<16xf32>
        %parallel_loop3A_1347 = arith.subf %parallel_loop3A_1346, %parallel_loop3A_755 : vector<16xf32>
        %parallel_loop3A_1348 = arith.mulf %parallel_loop3A_1347, %parallel_loop3A_801 : vector<16xf32>
        %parallel_loop3A_1349 = vector.extract_strided_slice %get3A_14 {offsets = [4], sizes = [1], strides = [1]} : vector<16xf32> to vector<1xf32>
        %parallel_loop3A_1350 = vector.extract %parallel_loop3A_1349[0] : f32 from vector<1xf32>
        %parallel_loop3A_1351 = vector.broadcast %parallel_loop3A_1350 : f32 to vector<16xf32>
        %parallel_loop3A_1352 = arith.mulf %parallel_loop3A_1348, %parallel_loop3A_1351 : vector<16xf32>
        %parallel_loop3A_1353 = vector.extract_strided_slice %get3A_30 {offsets = [4], sizes = [1], strides = [1]} : vector<16xf32> to vector<1xf32>
        %parallel_loop3A_1354 = vector.extract %parallel_loop3A_1353[0] : f32 from vector<1xf32>
        %parallel_loop3A_1355 = vector.broadcast %parallel_loop3A_1354 : f32 to vector<16xf32>
        %parallel_loop3A_1356 = arith.addf %parallel_loop3A_1352, %parallel_loop3A_1355 : vector<16xf32>
        tpu.vector_store_idx %arg9[%parallel_loop3A_224, %parallel_loop3A_1343], %parallel_loop3A_1356 : memref<512x64xf32, #tpu.memory_space<vmem>>[vector<16xi32>, vector<16xi32>], vector<16xf32>,
        %parallel_loop3A_1357 = arith.constant 37 : i32
        %parallel_loop3A_1358 = vector.broadcast %parallel_loop3A_1357 : i32 to vector<16xi32>
        %parallel_loop3A_1359 = tpu.vector_load_idx %arg9[%parallel_loop3A_224, %parallel_loop3A_1358] : memref<512x64xf32, #tpu.memory_space<vmem>>[vector<16xi32>, vector<16xi32>], vector<16xf32>,
        %parallel_loop3A_1360 = tpu.vector_load_idx %arg10[%parallel_loop3A_232, %parallel_loop3A_1358] : memref<200x64xf32, #tpu.memory_space<vmem>>[vector<16xi32>, vector<16xi32>], vector<16xf32>,
        %parallel_loop3A_1361 = arith.addf %parallel_loop3A_1359, %parallel_loop3A_1360 : vector<16xf32>
        %parallel_loop3A_1362 = arith.subf %parallel_loop3A_1361, %parallel_loop3A_755 : vector<16xf32>
        %parallel_loop3A_1363 = arith.mulf %parallel_loop3A_1362, %parallel_loop3A_801 : vector<16xf32>
        %parallel_loop3A_1364 = vector.extract_strided_slice %get3A_14 {offsets = [5], sizes = [1], strides = [1]} : vector<16xf32> to vector<1xf32>
        %parallel_loop3A_1365 = vector.extract %parallel_loop3A_1364[0] : f32 from vector<1xf32>
        %parallel_loop3A_1366 = vector.broadcast %parallel_loop3A_1365 : f32 to vector<16xf32>
        %parallel_loop3A_1367 = arith.mulf %parallel_loop3A_1363, %parallel_loop3A_1366 : vector<16xf32>
        %parallel_loop3A_1368 = vector.extract_strided_slice %get3A_30 {offsets = [5], sizes = [1], strides = [1]} : vector<16xf32> to vector<1xf32>
        %parallel_loop3A_1369 = vector.extract %parallel_loop3A_1368[0] : f32 from vector<1xf32>
        %parallel_loop3A_1370 = vector.broadcast %parallel_loop3A_1369 : f32 to vector<16xf32>
        %parallel_loop3A_1371 = arith.addf %parallel_loop3A_1367, %parallel_loop3A_1370 : vector<16xf32>
        tpu.vector_store_idx %arg9[%parallel_loop3A_224, %parallel_loop3A_1358], %parallel_loop3A_1371 : memref<512x64xf32, #tpu.memory_space<vmem>>[vector<16xi32>, vector<16xi32>], vector<16xf32>,
        %parallel_loop3A_1372 = arith.constant 38 : i32
        %parallel_loop3A_1373 = vector.broadcast %parallel_loop3A_1372 : i32 to vector<16xi32>
        %parallel_loop3A_1374 = tpu.vector_load_idx %arg9[%parallel_loop3A_224, %parallel_loop3A_1373] : memref<512x64xf32, #tpu.memory_space<vmem>>[vector<16xi32>, vector<16xi32>], vector<16xf32>,
        %parallel_loop3A_1375 = tpu.vector_load_idx %arg10[%parallel_loop3A_232, %parallel_loop3A_1373] : memref<200x64xf32, #tpu.memory_space<vmem>>[vector<16xi32>, vector<16xi32>], vector<16xf32>,
        %parallel_loop3A_1376 = arith.addf %parallel_loop3A_1374, %parallel_loop3A_1375 : vector<16xf32>
        %parallel_loop3A_1377 = arith.subf %parallel_loop3A_1376, %parallel_loop3A_755 : vector<16xf32>
        %parallel_loop3A_1378 = arith.mulf %parallel_loop3A_1377, %parallel_loop3A_801 : vector<16xf32>
        %parallel_loop3A_1379 = vector.extract_strided_slice %get3A_14 {offsets = [6], sizes = [1], strides = [1]} : vector<16xf32> to vector<1xf32>
        %parallel_loop3A_1380 = vector.extract %parallel_loop3A_1379[0] : f32 from vector<1xf32>
        %parallel_loop3A_1381 = vector.broadcast %parallel_loop3A_1380 : f32 to vector<16xf32>
        %parallel_loop3A_1382 = arith.mulf %parallel_loop3A_1378, %parallel_loop3A_1381 : vector<16xf32>
        %parallel_loop3A_1383 = vector.extract_strided_slice %get3A_30 {offsets = [6], sizes = [1], strides = [1]} : vector<16xf32> to vector<1xf32>
        %parallel_loop3A_1384 = vector.extract %parallel_loop3A_1383[0] : f32 from vector<1xf32>
        %parallel_loop3A_1385 = vector.broadcast %parallel_loop3A_1384 : f32 to vector<16xf32>
        %parallel_loop3A_1386 = arith.addf %parallel_loop3A_1382, %parallel_loop3A_1385 : vector<16xf32>
        tpu.vector_store_idx %arg9[%parallel_loop3A_224, %parallel_loop3A_1373], %parallel_loop3A_1386 : memref<512x64xf32, #tpu.memory_space<vmem>>[vector<16xi32>, vector<16xi32>], vector<16xf32>,
        %parallel_loop3A_1387 = arith.constant 39 : i32
        %parallel_loop3A_1388 = vector.broadcast %parallel_loop3A_1387 : i32 to vector<16xi32>
        %parallel_loop3A_1389 = tpu.vector_load_idx %arg9[%parallel_loop3A_224, %parallel_loop3A_1388] : memref<512x64xf32, #tpu.memory_space<vmem>>[vector<16xi32>, vector<16xi32>], vector<16xf32>,
        %parallel_loop3A_1390 = tpu.vector_load_idx %arg10[%parallel_loop3A_232, %parallel_loop3A_1388] : memref<200x64xf32, #tpu.memory_space<vmem>>[vector<16xi32>, vector<16xi32>], vector<16xf32>,
        %parallel_loop3A_1391 = arith.addf %parallel_loop3A_1389, %parallel_loop3A_1390 : vector<16xf32>
        %parallel_loop3A_1392 = arith.subf %parallel_loop3A_1391, %parallel_loop3A_755 : vector<16xf32>
        %parallel_loop3A_1393 = arith.mulf %parallel_loop3A_1392, %parallel_loop3A_801 : vector<16xf32>
        %parallel_loop3A_1394 = vector.extract_strided_slice %get3A_14 {offsets = [7], sizes = [1], strides = [1]} : vector<16xf32> to vector<1xf32>
        %parallel_loop3A_1395 = vector.extract %parallel_loop3A_1394[0] : f32 from vector<1xf32>
        %parallel_loop3A_1396 = vector.broadcast %parallel_loop3A_1395 : f32 to vector<16xf32>
        %parallel_loop3A_1397 = arith.mulf %parallel_loop3A_1393, %parallel_loop3A_1396 : vector<16xf32>
        %parallel_loop3A_1398 = vector.extract_strided_slice %get3A_30 {offsets = [7], sizes = [1], strides = [1]} : vector<16xf32> to vector<1xf32>
        %parallel_loop3A_1399 = vector.extract %parallel_loop3A_1398[0] : f32 from vector<1xf32>
        %parallel_loop3A_1400 = vector.broadcast %parallel_loop3A_1399 : f32 to vector<16xf32>
        %parallel_loop3A_1401 = arith.addf %parallel_loop3A_1397, %parallel_loop3A_1400 : vector<16xf32>
        tpu.vector_store_idx %arg9[%parallel_loop3A_224, %parallel_loop3A_1388], %parallel_loop3A_1401 : memref<512x64xf32, #tpu.memory_space<vmem>>[vector<16xi32>, vector<16xi32>], vector<16xf32>,
        %parallel_loop3A_1402 = arith.constant 40 : i32
        %parallel_loop3A_1403 = vector.broadcast %parallel_loop3A_1402 : i32 to vector<16xi32>
        %parallel_loop3A_1404 = tpu.vector_load_idx %arg9[%parallel_loop3A_224, %parallel_loop3A_1403] : memref<512x64xf32, #tpu.memory_space<vmem>>[vector<16xi32>, vector<16xi32>], vector<16xf32>,
        %parallel_loop3A_1405 = tpu.vector_load_idx %arg10[%parallel_loop3A_232, %parallel_loop3A_1403] : memref<200x64xf32, #tpu.memory_space<vmem>>[vector<16xi32>, vector<16xi32>], vector<16xf32>,
        %parallel_loop3A_1406 = arith.addf %parallel_loop3A_1404, %parallel_loop3A_1405 : vector<16xf32>
        %parallel_loop3A_1407 = arith.subf %parallel_loop3A_1406, %parallel_loop3A_755 : vector<16xf32>
        %parallel_loop3A_1408 = arith.mulf %parallel_loop3A_1407, %parallel_loop3A_801 : vector<16xf32>
        %parallel_loop3A_1409 = vector.extract_strided_slice %get3A_14 {offsets = [8], sizes = [1], strides = [1]} : vector<16xf32> to vector<1xf32>
        %parallel_loop3A_1410 = vector.extract %parallel_loop3A_1409[0] : f32 from vector<1xf32>
        %parallel_loop3A_1411 = vector.broadcast %parallel_loop3A_1410 : f32 to vector<16xf32>
        %parallel_loop3A_1412 = arith.mulf %parallel_loop3A_1408, %parallel_loop3A_1411 : vector<16xf32>
        %parallel_loop3A_1413 = vector.extract_strided_slice %get3A_30 {offsets = [8], sizes = [1], strides = [1]} : vector<16xf32> to vector<1xf32>
        %parallel_loop3A_1414 = vector.extract %parallel_loop3A_1413[0] : f32 from vector<1xf32>
        %parallel_loop3A_1415 = vector.broadcast %parallel_loop3A_1414 : f32 to vector<16xf32>
        %parallel_loop3A_1416 = arith.addf %parallel_loop3A_1412, %parallel_loop3A_1415 : vector<16xf32>
        tpu.vector_store_idx %arg9[%parallel_loop3A_224, %parallel_loop3A_1403], %parallel_loop3A_1416 : memref<512x64xf32, #tpu.memory_space<vmem>>[vector<16xi32>, vector<16xi32>], vector<16xf32>,
        %parallel_loop3A_1417 = arith.constant 41 : i32
        %parallel_loop3A_1418 = vector.broadcast %parallel_loop3A_1417 : i32 to vector<16xi32>
        %parallel_loop3A_1419 = tpu.vector_load_idx %arg9[%parallel_loop3A_224, %parallel_loop3A_1418] : memref<512x64xf32, #tpu.memory_space<vmem>>[vector<16xi32>, vector<16xi32>], vector<16xf32>,
        %parallel_loop3A_1420 = tpu.vector_load_idx %arg10[%parallel_loop3A_232, %parallel_loop3A_1418] : memref<200x64xf32, #tpu.memory_space<vmem>>[vector<16xi32>, vector<16xi32>], vector<16xf32>,
        %parallel_loop3A_1421 = arith.addf %parallel_loop3A_1419, %parallel_loop3A_1420 : vector<16xf32>
        %parallel_loop3A_1422 = arith.subf %parallel_loop3A_1421, %parallel_loop3A_755 : vector<16xf32>
        %parallel_loop3A_1423 = arith.mulf %parallel_loop3A_1422, %parallel_loop3A_801 : vector<16xf32>
        %parallel_loop3A_1424 = vector.extract_strided_slice %get3A_14 {offsets = [9], sizes = [1], strides = [1]} : vector<16xf32> to vector<1xf32>
        %parallel_loop3A_1425 = vector.extract %parallel_loop3A_1424[0] : f32 from vector<1xf32>
        %parallel_loop3A_1426 = vector.broadcast %parallel_loop3A_1425 : f32 to vector<16xf32>
        %parallel_loop3A_1427 = arith.mulf %parallel_loop3A_1423, %parallel_loop3A_1426 : vector<16xf32>
        %parallel_loop3A_1428 = vector.extract_strided_slice %get3A_30 {offsets = [9], sizes = [1], strides = [1]} : vector<16xf32> to vector<1xf32>
        %parallel_loop3A_1429 = vector.extract %parallel_loop3A_1428[0] : f32 from vector<1xf32>
        %parallel_loop3A_1430 = vector.broadcast %parallel_loop3A_1429 : f32 to vector<16xf32>
        %parallel_loop3A_1431 = arith.addf %parallel_loop3A_1427, %parallel_loop3A_1430 : vector<16xf32>
        tpu.vector_store_idx %arg9[%parallel_loop3A_224, %parallel_loop3A_1418], %parallel_loop3A_1431 : memref<512x64xf32, #tpu.memory_space<vmem>>[vector<16xi32>, vector<16xi32>], vector<16xf32>,
        %parallel_loop3A_1432 = arith.constant 42 : i32
        %parallel_loop3A_1433 = vector.broadcast %parallel_loop3A_1432 : i32 to vector<16xi32>
        %parallel_loop3A_1434 = tpu.vector_load_idx %arg9[%parallel_loop3A_224, %parallel_loop3A_1433] : memref<512x64xf32, #tpu.memory_space<vmem>>[vector<16xi32>, vector<16xi32>], vector<16xf32>,
        %parallel_loop3A_1435 = tpu.vector_load_idx %arg10[%parallel_loop3A_232, %parallel_loop3A_1433] : memref<200x64xf32, #tpu.memory_space<vmem>>[vector<16xi32>, vector<16xi32>], vector<16xf32>,
        %parallel_loop3A_1436 = arith.addf %parallel_loop3A_1434, %parallel_loop3A_1435 : vector<16xf32>
        %parallel_loop3A_1437 = arith.subf %parallel_loop3A_1436, %parallel_loop3A_755 : vector<16xf32>
        %parallel_loop3A_1438 = arith.mulf %parallel_loop3A_1437, %parallel_loop3A_801 : vector<16xf32>
        %parallel_loop3A_1439 = vector.extract_strided_slice %get3A_14 {offsets = [10], sizes = [1], strides = [1]} : vector<16xf32> to vector<1xf32>
        %parallel_loop3A_1440 = vector.extract %parallel_loop3A_1439[0] : f32 from vector<1xf32>
        %parallel_loop3A_1441 = vector.broadcast %parallel_loop3A_1440 : f32 to vector<16xf32>
        %parallel_loop3A_1442 = arith.mulf %parallel_loop3A_1438, %parallel_loop3A_1441 : vector<16xf32>
        %parallel_loop3A_1443 = vector.extract_strided_slice %get3A_30 {offsets = [10], sizes = [1], strides = [1]} : vector<16xf32> to vector<1xf32>
        %parallel_loop3A_1444 = vector.extract %parallel_loop3A_1443[0] : f32 from vector<1xf32>
        %parallel_loop3A_1445 = vector.broadcast %parallel_loop3A_1444 : f32 to vector<16xf32>
        %parallel_loop3A_1446 = arith.addf %parallel_loop3A_1442, %parallel_loop3A_1445 : vector<16xf32>
        tpu.vector_store_idx %arg9[%parallel_loop3A_224, %parallel_loop3A_1433], %parallel_loop3A_1446 : memref<512x64xf32, #tpu.memory_space<vmem>>[vector<16xi32>, vector<16xi32>], vector<16xf32>,
        %parallel_loop3A_1447 = arith.constant 43 : i32
        %parallel_loop3A_1448 = vector.broadcast %parallel_loop3A_1447 : i32 to vector<16xi32>
        %parallel_loop3A_1449 = tpu.vector_load_idx %arg9[%parallel_loop3A_224, %parallel_loop3A_1448] : memref<512x64xf32, #tpu.memory_space<vmem>>[vector<16xi32>, vector<16xi32>], vector<16xf32>,
        %parallel_loop3A_1450 = tpu.vector_load_idx %arg10[%parallel_loop3A_232, %parallel_loop3A_1448] : memref<200x64xf32, #tpu.memory_space<vmem>>[vector<16xi32>, vector<16xi32>], vector<16xf32>,
        %parallel_loop3A_1451 = arith.addf %parallel_loop3A_1449, %parallel_loop3A_1450 : vector<16xf32>
        %parallel_loop3A_1452 = arith.subf %parallel_loop3A_1451, %parallel_loop3A_755 : vector<16xf32>
        %parallel_loop3A_1453 = arith.mulf %parallel_loop3A_1452, %parallel_loop3A_801 : vector<16xf32>
        %parallel_loop3A_1454 = vector.extract_strided_slice %get3A_14 {offsets = [11], sizes = [1], strides = [1]} : vector<16xf32> to vector<1xf32>
        %parallel_loop3A_1455 = vector.extract %parallel_loop3A_1454[0] : f32 from vector<1xf32>
        %parallel_loop3A_1456 = vector.broadcast %parallel_loop3A_1455 : f32 to vector<16xf32>
        %parallel_loop3A_1457 = arith.mulf %parallel_loop3A_1453, %parallel_loop3A_1456 : vector<16xf32>
        %parallel_loop3A_1458 = vector.extract_strided_slice %get3A_30 {offsets = [11], sizes = [1], strides = [1]} : vector<16xf32> to vector<1xf32>
        %parallel_loop3A_1459 = vector.extract %parallel_loop3A_1458[0] : f32 from vector<1xf32>
        %parallel_loop3A_1460 = vector.broadcast %parallel_loop3A_1459 : f32 to vector<16xf32>
        %parallel_loop3A_1461 = arith.addf %parallel_loop3A_1457, %parallel_loop3A_1460 : vector<16xf32>
        tpu.vector_store_idx %arg9[%parallel_loop3A_224, %parallel_loop3A_1448], %parallel_loop3A_1461 : memref<512x64xf32, #tpu.memory_space<vmem>>[vector<16xi32>, vector<16xi32>], vector<16xf32>,
        %parallel_loop3A_1462 = arith.constant 44 : i32
        %parallel_loop3A_1463 = vector.broadcast %parallel_loop3A_1462 : i32 to vector<16xi32>
        %parallel_loop3A_1464 = tpu.vector_load_idx %arg9[%parallel_loop3A_224, %parallel_loop3A_1463] : memref<512x64xf32, #tpu.memory_space<vmem>>[vector<16xi32>, vector<16xi32>], vector<16xf32>,
        %parallel_loop3A_1465 = tpu.vector_load_idx %arg10[%parallel_loop3A_232, %parallel_loop3A_1463] : memref<200x64xf32, #tpu.memory_space<vmem>>[vector<16xi32>, vector<16xi32>], vector<16xf32>,
        %parallel_loop3A_1466 = arith.addf %parallel_loop3A_1464, %parallel_loop3A_1465 : vector<16xf32>
        %parallel_loop3A_1467 = arith.subf %parallel_loop3A_1466, %parallel_loop3A_755 : vector<16xf32>
        %parallel_loop3A_1468 = arith.mulf %parallel_loop3A_1467, %parallel_loop3A_801 : vector<16xf32>
        %parallel_loop3A_1469 = vector.extract_strided_slice %get3A_14 {offsets = [12], sizes = [1], strides = [1]} : vector<16xf32> to vector<1xf32>
        %parallel_loop3A_1470 = vector.extract %parallel_loop3A_1469[0] : f32 from vector<1xf32>
        %parallel_loop3A_1471 = vector.broadcast %parallel_loop3A_1470 : f32 to vector<16xf32>
        %parallel_loop3A_1472 = arith.mulf %parallel_loop3A_1468, %parallel_loop3A_1471 : vector<16xf32>
        %parallel_loop3A_1473 = vector.extract_strided_slice %get3A_30 {offsets = [12], sizes = [1], strides = [1]} : vector<16xf32> to vector<1xf32>
        %parallel_loop3A_1474 = vector.extract %parallel_loop3A_1473[0] : f32 from vector<1xf32>
        %parallel_loop3A_1475 = vector.broadcast %parallel_loop3A_1474 : f32 to vector<16xf32>
        %parallel_loop3A_1476 = arith.addf %parallel_loop3A_1472, %parallel_loop3A_1475 : vector<16xf32>
        tpu.vector_store_idx %arg9[%parallel_loop3A_224, %parallel_loop3A_1463], %parallel_loop3A_1476 : memref<512x64xf32, #tpu.memory_space<vmem>>[vector<16xi32>, vector<16xi32>], vector<16xf32>,
        %parallel_loop3A_1477 = arith.constant 45 : i32
        %parallel_loop3A_1478 = vector.broadcast %parallel_loop3A_1477 : i32 to vector<16xi32>
        %parallel_loop3A_1479 = tpu.vector_load_idx %arg9[%parallel_loop3A_224, %parallel_loop3A_1478] : memref<512x64xf32, #tpu.memory_space<vmem>>[vector<16xi32>, vector<16xi32>], vector<16xf32>,
        %parallel_loop3A_1480 = tpu.vector_load_idx %arg10[%parallel_loop3A_232, %parallel_loop3A_1478] : memref<200x64xf32, #tpu.memory_space<vmem>>[vector<16xi32>, vector<16xi32>], vector<16xf32>,
        %parallel_loop3A_1481 = arith.addf %parallel_loop3A_1479, %parallel_loop3A_1480 : vector<16xf32>
        %parallel_loop3A_1482 = arith.subf %parallel_loop3A_1481, %parallel_loop3A_755 : vector<16xf32>
        %parallel_loop3A_1483 = arith.mulf %parallel_loop3A_1482, %parallel_loop3A_801 : vector<16xf32>
        %parallel_loop3A_1484 = vector.extract_strided_slice %get3A_14 {offsets = [13], sizes = [1], strides = [1]} : vector<16xf32> to vector<1xf32>
        %parallel_loop3A_1485 = vector.extract %parallel_loop3A_1484[0] : f32 from vector<1xf32>
        %parallel_loop3A_1486 = vector.broadcast %parallel_loop3A_1485 : f32 to vector<16xf32>
        %parallel_loop3A_1487 = arith.mulf %parallel_loop3A_1483, %parallel_loop3A_1486 : vector<16xf32>
        %parallel_loop3A_1488 = vector.extract_strided_slice %get3A_30 {offsets = [13], sizes = [1], strides = [1]} : vector<16xf32> to vector<1xf32>
        %parallel_loop3A_1489 = vector.extract %parallel_loop3A_1488[0] : f32 from vector<1xf32>
        %parallel_loop3A_1490 = vector.broadcast %parallel_loop3A_1489 : f32 to vector<16xf32>
        %parallel_loop3A_1491 = arith.addf %parallel_loop3A_1487, %parallel_loop3A_1490 : vector<16xf32>
        tpu.vector_store_idx %arg9[%parallel_loop3A_224, %parallel_loop3A_1478], %parallel_loop3A_1491 : memref<512x64xf32, #tpu.memory_space<vmem>>[vector<16xi32>, vector<16xi32>], vector<16xf32>,
        %parallel_loop3A_1492 = arith.constant 46 : i32
        %parallel_loop3A_1493 = vector.broadcast %parallel_loop3A_1492 : i32 to vector<16xi32>
        %parallel_loop3A_1494 = tpu.vector_load_idx %arg9[%parallel_loop3A_224, %parallel_loop3A_1493] : memref<512x64xf32, #tpu.memory_space<vmem>>[vector<16xi32>, vector<16xi32>], vector<16xf32>,
        %parallel_loop3A_1495 = tpu.vector_load_idx %arg10[%parallel_loop3A_232, %parallel_loop3A_1493] : memref<200x64xf32, #tpu.memory_space<vmem>>[vector<16xi32>, vector<16xi32>], vector<16xf32>,
        %parallel_loop3A_1496 = arith.addf %parallel_loop3A_1494, %parallel_loop3A_1495 : vector<16xf32>
        %parallel_loop3A_1497 = arith.subf %parallel_loop3A_1496, %parallel_loop3A_755 : vector<16xf32>
        %parallel_loop3A_1498 = arith.mulf %parallel_loop3A_1497, %parallel_loop3A_801 : vector<16xf32>
        %parallel_loop3A_1499 = vector.extract_strided_slice %get3A_14 {offsets = [14], sizes = [1], strides = [1]} : vector<16xf32> to vector<1xf32>
        %parallel_loop3A_1500 = vector.extract %parallel_loop3A_1499[0] : f32 from vector<1xf32>
        %parallel_loop3A_1501 = vector.broadcast %parallel_loop3A_1500 : f32 to vector<16xf32>
        %parallel_loop3A_1502 = arith.mulf %parallel_loop3A_1498, %parallel_loop3A_1501 : vector<16xf32>
        %parallel_loop3A_1503 = vector.extract_strided_slice %get3A_30 {offsets = [14], sizes = [1], strides = [1]} : vector<16xf32> to vector<1xf32>
        %parallel_loop3A_1504 = vector.extract %parallel_loop3A_1503[0] : f32 from vector<1xf32>
        %parallel_loop3A_1505 = vector.broadcast %parallel_loop3A_1504 : f32 to vector<16xf32>
        %parallel_loop3A_1506 = arith.addf %parallel_loop3A_1502, %parallel_loop3A_1505 : vector<16xf32>
        tpu.vector_store_idx %arg9[%parallel_loop3A_224, %parallel_loop3A_1493], %parallel_loop3A_1506 : memref<512x64xf32, #tpu.memory_space<vmem>>[vector<16xi32>, vector<16xi32>], vector<16xf32>,
        %parallel_loop3A_1507 = arith.constant 47 : i32
        %parallel_loop3A_1508 = vector.broadcast %parallel_loop3A_1507 : i32 to vector<16xi32>
        %parallel_loop3A_1509 = tpu.vector_load_idx %arg9[%parallel_loop3A_224, %parallel_loop3A_1508] : memref<512x64xf32, #tpu.memory_space<vmem>>[vector<16xi32>, vector<16xi32>], vector<16xf32>,
        %parallel_loop3A_1510 = tpu.vector_load_idx %arg10[%parallel_loop3A_232, %parallel_loop3A_1508] : memref<200x64xf32, #tpu.memory_space<vmem>>[vector<16xi32>, vector<16xi32>], vector<16xf32>,
        %parallel_loop3A_1511 = arith.addf %parallel_loop3A_1509, %parallel_loop3A_1510 : vector<16xf32>
        %parallel_loop3A_1512 = arith.subf %parallel_loop3A_1511, %parallel_loop3A_755 : vector<16xf32>
        %parallel_loop3A_1513 = arith.mulf %parallel_loop3A_1512, %parallel_loop3A_801 : vector<16xf32>
        %parallel_loop3A_1514 = vector.extract_strided_slice %get3A_14 {offsets = [15], sizes = [1], strides = [1]} : vector<16xf32> to vector<1xf32>
        %parallel_loop3A_1515 = vector.extract %parallel_loop3A_1514[0] : f32 from vector<1xf32>
        %parallel_loop3A_1516 = vector.broadcast %parallel_loop3A_1515 : f32 to vector<16xf32>
        %parallel_loop3A_1517 = arith.mulf %parallel_loop3A_1513, %parallel_loop3A_1516 : vector<16xf32>
        %parallel_loop3A_1518 = vector.extract_strided_slice %get3A_30 {offsets = [15], sizes = [1], strides = [1]} : vector<16xf32> to vector<1xf32>
        %parallel_loop3A_1519 = vector.extract %parallel_loop3A_1518[0] : f32 from vector<1xf32>
        %parallel_loop3A_1520 = vector.broadcast %parallel_loop3A_1519 : f32 to vector<16xf32>
        %parallel_loop3A_1521 = arith.addf %parallel_loop3A_1517, %parallel_loop3A_1520 : vector<16xf32>
        tpu.vector_store_idx %arg9[%parallel_loop3A_224, %parallel_loop3A_1508], %parallel_loop3A_1521 : memref<512x64xf32, #tpu.memory_space<vmem>>[vector<16xi32>, vector<16xi32>], vector<16xf32>,
        %parallel_loop3A_1522 = arith.constant 48 : i32
        %parallel_loop3A_1523 = vector.broadcast %parallel_loop3A_1522 : i32 to vector<16xi32>
        %parallel_loop3A_1524 = tpu.vector_load_idx %arg9[%parallel_loop3A_224, %parallel_loop3A_1523] : memref<512x64xf32, #tpu.memory_space<vmem>>[vector<16xi32>, vector<16xi32>], vector<16xf32>,
        %parallel_loop3A_1525 = tpu.vector_load_idx %arg10[%parallel_loop3A_232, %parallel_loop3A_1523] : memref<200x64xf32, #tpu.memory_space<vmem>>[vector<16xi32>, vector<16xi32>], vector<16xf32>,
        %parallel_loop3A_1526 = arith.addf %parallel_loop3A_1524, %parallel_loop3A_1525 : vector<16xf32>
        %parallel_loop3A_1527 = arith.subf %parallel_loop3A_1526, %parallel_loop3A_755 : vector<16xf32>
        %parallel_loop3A_1528 = arith.mulf %parallel_loop3A_1527, %parallel_loop3A_801 : vector<16xf32>
        %parallel_loop3A_1529 = vector.extract_strided_slice %get3A_18 {offsets = [0], sizes = [1], strides = [1]} : vector<16xf32> to vector<1xf32>
        %parallel_loop3A_1530 = vector.extract %parallel_loop3A_1529[0] : f32 from vector<1xf32>
        %parallel_loop3A_1531 = vector.broadcast %parallel_loop3A_1530 : f32 to vector<16xf32>
        %parallel_loop3A_1532 = arith.mulf %parallel_loop3A_1528, %parallel_loop3A_1531 : vector<16xf32>
        %parallel_loop3A_1533 = vector.extract_strided_slice %get3A_34 {offsets = [0], sizes = [1], strides = [1]} : vector<16xf32> to vector<1xf32>
        %parallel_loop3A_1534 = vector.extract %parallel_loop3A_1533[0] : f32 from vector<1xf32>
        %parallel_loop3A_1535 = vector.broadcast %parallel_loop3A_1534 : f32 to vector<16xf32>
        %parallel_loop3A_1536 = arith.addf %parallel_loop3A_1532, %parallel_loop3A_1535 : vector<16xf32>
        tpu.vector_store_idx %arg9[%parallel_loop3A_224, %parallel_loop3A_1523], %parallel_loop3A_1536 : memref<512x64xf32, #tpu.memory_space<vmem>>[vector<16xi32>, vector<16xi32>], vector<16xf32>,
        %parallel_loop3A_1537 = arith.constant 49 : i32
        %parallel_loop3A_1538 = vector.broadcast %parallel_loop3A_1537 : i32 to vector<16xi32>
        %parallel_loop3A_1539 = tpu.vector_load_idx %arg9[%parallel_loop3A_224, %parallel_loop3A_1538] : memref<512x64xf32, #tpu.memory_space<vmem>>[vector<16xi32>, vector<16xi32>], vector<16xf32>,
        %parallel_loop3A_1540 = tpu.vector_load_idx %arg10[%parallel_loop3A_232, %parallel_loop3A_1538] : memref<200x64xf32, #tpu.memory_space<vmem>>[vector<16xi32>, vector<16xi32>], vector<16xf32>,
        %parallel_loop3A_1541 = arith.addf %parallel_loop3A_1539, %parallel_loop3A_1540 : vector<16xf32>
        %parallel_loop3A_1542 = arith.subf %parallel_loop3A_1541, %parallel_loop3A_755 : vector<16xf32>
        %parallel_loop3A_1543 = arith.mulf %parallel_loop3A_1542, %parallel_loop3A_801 : vector<16xf32>
        %parallel_loop3A_1544 = vector.extract_strided_slice %get3A_18 {offsets = [1], sizes = [1], strides = [1]} : vector<16xf32> to vector<1xf32>
        %parallel_loop3A_1545 = vector.extract %parallel_loop3A_1544[0] : f32 from vector<1xf32>
        %parallel_loop3A_1546 = vector.broadcast %parallel_loop3A_1545 : f32 to vector<16xf32>
        %parallel_loop3A_1547 = arith.mulf %parallel_loop3A_1543, %parallel_loop3A_1546 : vector<16xf32>
        %parallel_loop3A_1548 = vector.extract_strided_slice %get3A_34 {offsets = [1], sizes = [1], strides = [1]} : vector<16xf32> to vector<1xf32>
        %parallel_loop3A_1549 = vector.extract %parallel_loop3A_1548[0] : f32 from vector<1xf32>
        %parallel_loop3A_1550 = vector.broadcast %parallel_loop3A_1549 : f32 to vector<16xf32>
        %parallel_loop3A_1551 = arith.addf %parallel_loop3A_1547, %parallel_loop3A_1550 : vector<16xf32>
        tpu.vector_store_idx %arg9[%parallel_loop3A_224, %parallel_loop3A_1538], %parallel_loop3A_1551 : memref<512x64xf32, #tpu.memory_space<vmem>>[vector<16xi32>, vector<16xi32>], vector<16xf32>,
        %parallel_loop3A_1552 = arith.constant 50 : i32
        %parallel_loop3A_1553 = vector.broadcast %parallel_loop3A_1552 : i32 to vector<16xi32>
        %parallel_loop3A_1554 = tpu.vector_load_idx %arg9[%parallel_loop3A_224, %parallel_loop3A_1553] : memref<512x64xf32, #tpu.memory_space<vmem>>[vector<16xi32>, vector<16xi32>], vector<16xf32>,
        %parallel_loop3A_1555 = tpu.vector_load_idx %arg10[%parallel_loop3A_232, %parallel_loop3A_1553] : memref<200x64xf32, #tpu.memory_space<vmem>>[vector<16xi32>, vector<16xi32>], vector<16xf32>,
        %parallel_loop3A_1556 = arith.addf %parallel_loop3A_1554, %parallel_loop3A_1555 : vector<16xf32>
        %parallel_loop3A_1557 = arith.subf %parallel_loop3A_1556, %parallel_loop3A_755 : vector<16xf32>
        %parallel_loop3A_1558 = arith.mulf %parallel_loop3A_1557, %parallel_loop3A_801 : vector<16xf32>
        %parallel_loop3A_1559 = vector.extract_strided_slice %get3A_18 {offsets = [2], sizes = [1], strides = [1]} : vector<16xf32> to vector<1xf32>
        %parallel_loop3A_1560 = vector.extract %parallel_loop3A_1559[0] : f32 from vector<1xf32>
        %parallel_loop3A_1561 = vector.broadcast %parallel_loop3A_1560 : f32 to vector<16xf32>
        %parallel_loop3A_1562 = arith.mulf %parallel_loop3A_1558, %parallel_loop3A_1561 : vector<16xf32>
        %parallel_loop3A_1563 = vector.extract_strided_slice %get3A_34 {offsets = [2], sizes = [1], strides = [1]} : vector<16xf32> to vector<1xf32>
        %parallel_loop3A_1564 = vector.extract %parallel_loop3A_1563[0] : f32 from vector<1xf32>
        %parallel_loop3A_1565 = vector.broadcast %parallel_loop3A_1564 : f32 to vector<16xf32>
        %parallel_loop3A_1566 = arith.addf %parallel_loop3A_1562, %parallel_loop3A_1565 : vector<16xf32>
        tpu.vector_store_idx %arg9[%parallel_loop3A_224, %parallel_loop3A_1553], %parallel_loop3A_1566 : memref<512x64xf32, #tpu.memory_space<vmem>>[vector<16xi32>, vector<16xi32>], vector<16xf32>,
        %parallel_loop3A_1567 = arith.constant 51 : i32
        %parallel_loop3A_1568 = vector.broadcast %parallel_loop3A_1567 : i32 to vector<16xi32>
        %parallel_loop3A_1569 = tpu.vector_load_idx %arg9[%parallel_loop3A_224, %parallel_loop3A_1568] : memref<512x64xf32, #tpu.memory_space<vmem>>[vector<16xi32>, vector<16xi32>], vector<16xf32>,
        %parallel_loop3A_1570 = tpu.vector_load_idx %arg10[%parallel_loop3A_232, %parallel_loop3A_1568] : memref<200x64xf32, #tpu.memory_space<vmem>>[vector<16xi32>, vector<16xi32>], vector<16xf32>,
        %parallel_loop3A_1571 = arith.addf %parallel_loop3A_1569, %parallel_loop3A_1570 : vector<16xf32>
        %parallel_loop3A_1572 = arith.subf %parallel_loop3A_1571, %parallel_loop3A_755 : vector<16xf32>
        %parallel_loop3A_1573 = arith.mulf %parallel_loop3A_1572, %parallel_loop3A_801 : vector<16xf32>
        %parallel_loop3A_1574 = vector.extract_strided_slice %get3A_18 {offsets = [3], sizes = [1], strides = [1]} : vector<16xf32> to vector<1xf32>
        %parallel_loop3A_1575 = vector.extract %parallel_loop3A_1574[0] : f32 from vector<1xf32>
        %parallel_loop3A_1576 = vector.broadcast %parallel_loop3A_1575 : f32 to vector<16xf32>
        %parallel_loop3A_1577 = arith.mulf %parallel_loop3A_1573, %parallel_loop3A_1576 : vector<16xf32>
        %parallel_loop3A_1578 = vector.extract_strided_slice %get3A_34 {offsets = [3], sizes = [1], strides = [1]} : vector<16xf32> to vector<1xf32>
        %parallel_loop3A_1579 = vector.extract %parallel_loop3A_1578[0] : f32 from vector<1xf32>
        %parallel_loop3A_1580 = vector.broadcast %parallel_loop3A_1579 : f32 to vector<16xf32>
        %parallel_loop3A_1581 = arith.addf %parallel_loop3A_1577, %parallel_loop3A_1580 : vector<16xf32>
        tpu.vector_store_idx %arg9[%parallel_loop3A_224, %parallel_loop3A_1568], %parallel_loop3A_1581 : memref<512x64xf32, #tpu.memory_space<vmem>>[vector<16xi32>, vector<16xi32>], vector<16xf32>,
        %parallel_loop3A_1582 = arith.constant 52 : i32
        %parallel_loop3A_1583 = vector.broadcast %parallel_loop3A_1582 : i32 to vector<16xi32>
        %parallel_loop3A_1584 = tpu.vector_load_idx %arg9[%parallel_loop3A_224, %parallel_loop3A_1583] : memref<512x64xf32, #tpu.memory_space<vmem>>[vector<16xi32>, vector<16xi32>], vector<16xf32>,
        %parallel_loop3A_1585 = tpu.vector_load_idx %arg10[%parallel_loop3A_232, %parallel_loop3A_1583] : memref<200x64xf32, #tpu.memory_space<vmem>>[vector<16xi32>, vector<16xi32>], vector<16xf32>,
        %parallel_loop3A_1586 = arith.addf %parallel_loop3A_1584, %parallel_loop3A_1585 : vector<16xf32>
        %parallel_loop3A_1587 = arith.subf %parallel_loop3A_1586, %parallel_loop3A_755 : vector<16xf32>
        %parallel_loop3A_1588 = arith.mulf %parallel_loop3A_1587, %parallel_loop3A_801 : vector<16xf32>
        %parallel_loop3A_1589 = vector.extract_strided_slice %get3A_18 {offsets = [4], sizes = [1], strides = [1]} : vector<16xf32> to vector<1xf32>
        %parallel_loop3A_1590 = vector.extract %parallel_loop3A_1589[0] : f32 from vector<1xf32>
        %parallel_loop3A_1591 = vector.broadcast %parallel_loop3A_1590 : f32 to vector<16xf32>
        %parallel_loop3A_1592 = arith.mulf %parallel_loop3A_1588, %parallel_loop3A_1591 : vector<16xf32>
        %parallel_loop3A_1593 = vector.extract_strided_slice %get3A_34 {offsets = [4], sizes = [1], strides = [1]} : vector<16xf32> to vector<1xf32>
        %parallel_loop3A_1594 = vector.extract %parallel_loop3A_1593[0] : f32 from vector<1xf32>
        %parallel_loop3A_1595 = vector.broadcast %parallel_loop3A_1594 : f32 to vector<16xf32>
        %parallel_loop3A_1596 = arith.addf %parallel_loop3A_1592, %parallel_loop3A_1595 : vector<16xf32>
        tpu.vector_store_idx %arg9[%parallel_loop3A_224, %parallel_loop3A_1583], %parallel_loop3A_1596 : memref<512x64xf32, #tpu.memory_space<vmem>>[vector<16xi32>, vector<16xi32>], vector<16xf32>,
        %parallel_loop3A_1597 = arith.constant 53 : i32
        %parallel_loop3A_1598 = vector.broadcast %parallel_loop3A_1597 : i32 to vector<16xi32>
        %parallel_loop3A_1599 = tpu.vector_load_idx %arg9[%parallel_loop3A_224, %parallel_loop3A_1598] : memref<512x64xf32, #tpu.memory_space<vmem>>[vector<16xi32>, vector<16xi32>], vector<16xf32>,
        %parallel_loop3A_1600 = tpu.vector_load_idx %arg10[%parallel_loop3A_232, %parallel_loop3A_1598] : memref<200x64xf32, #tpu.memory_space<vmem>>[vector<16xi32>, vector<16xi32>], vector<16xf32>,
        %parallel_loop3A_1601 = arith.addf %parallel_loop3A_1599, %parallel_loop3A_1600 : vector<16xf32>
        %parallel_loop3A_1602 = arith.subf %parallel_loop3A_1601, %parallel_loop3A_755 : vector<16xf32>
        %parallel_loop3A_1603 = arith.mulf %parallel_loop3A_1602, %parallel_loop3A_801 : vector<16xf32>
        %parallel_loop3A_1604 = vector.extract_strided_slice %get3A_18 {offsets = [5], sizes = [1], strides = [1]} : vector<16xf32> to vector<1xf32>
        %parallel_loop3A_1605 = vector.extract %parallel_loop3A_1604[0] : f32 from vector<1xf32>
        %parallel_loop3A_1606 = vector.broadcast %parallel_loop3A_1605 : f32 to vector<16xf32>
        %parallel_loop3A_1607 = arith.mulf %parallel_loop3A_1603, %parallel_loop3A_1606 : vector<16xf32>
        %parallel_loop3A_1608 = vector.extract_strided_slice %get3A_34 {offsets = [5], sizes = [1], strides = [1]} : vector<16xf32> to vector<1xf32>
        %parallel_loop3A_1609 = vector.extract %parallel_loop3A_1608[0] : f32 from vector<1xf32>
        %parallel_loop3A_1610 = vector.broadcast %parallel_loop3A_1609 : f32 to vector<16xf32>
        %parallel_loop3A_1611 = arith.addf %parallel_loop3A_1607, %parallel_loop3A_1610 : vector<16xf32>
        tpu.vector_store_idx %arg9[%parallel_loop3A_224, %parallel_loop3A_1598], %parallel_loop3A_1611 : memref<512x64xf32, #tpu.memory_space<vmem>>[vector<16xi32>, vector<16xi32>], vector<16xf32>,
        %parallel_loop3A_1612 = arith.constant 54 : i32
        %parallel_loop3A_1613 = vector.broadcast %parallel_loop3A_1612 : i32 to vector<16xi32>
        %parallel_loop3A_1614 = tpu.vector_load_idx %arg9[%parallel_loop3A_224, %parallel_loop3A_1613] : memref<512x64xf32, #tpu.memory_space<vmem>>[vector<16xi32>, vector<16xi32>], vector<16xf32>,
        %parallel_loop3A_1615 = tpu.vector_load_idx %arg10[%parallel_loop3A_232, %parallel_loop3A_1613] : memref<200x64xf32, #tpu.memory_space<vmem>>[vector<16xi32>, vector<16xi32>], vector<16xf32>,
        %parallel_loop3A_1616 = arith.addf %parallel_loop3A_1614, %parallel_loop3A_1615 : vector<16xf32>
        %parallel_loop3A_1617 = arith.subf %parallel_loop3A_1616, %parallel_loop3A_755 : vector<16xf32>
        %parallel_loop3A_1618 = arith.mulf %parallel_loop3A_1617, %parallel_loop3A_801 : vector<16xf32>
        %parallel_loop3A_1619 = vector.extract_strided_slice %get3A_18 {offsets = [6], sizes = [1], strides = [1]} : vector<16xf32> to vector<1xf32>
        %parallel_loop3A_1620 = vector.extract %parallel_loop3A_1619[0] : f32 from vector<1xf32>
        %parallel_loop3A_1621 = vector.broadcast %parallel_loop3A_1620 : f32 to vector<16xf32>
        %parallel_loop3A_1622 = arith.mulf %parallel_loop3A_1618, %parallel_loop3A_1621 : vector<16xf32>
        %parallel_loop3A_1623 = vector.extract_strided_slice %get3A_34 {offsets = [6], sizes = [1], strides = [1]} : vector<16xf32> to vector<1xf32>
        %parallel_loop3A_1624 = vector.extract %parallel_loop3A_1623[0] : f32 from vector<1xf32>
        %parallel_loop3A_1625 = vector.broadcast %parallel_loop3A_1624 : f32 to vector<16xf32>
        %parallel_loop3A_1626 = arith.addf %parallel_loop3A_1622, %parallel_loop3A_1625 : vector<16xf32>
        tpu.vector_store_idx %arg9[%parallel_loop3A_224, %parallel_loop3A_1613], %parallel_loop3A_1626 : memref<512x64xf32, #tpu.memory_space<vmem>>[vector<16xi32>, vector<16xi32>], vector<16xf32>,
        %parallel_loop3A_1627 = arith.constant 55 : i32
        %parallel_loop3A_1628 = vector.broadcast %parallel_loop3A_1627 : i32 to vector<16xi32>
        %parallel_loop3A_1629 = tpu.vector_load_idx %arg9[%parallel_loop3A_224, %parallel_loop3A_1628] : memref<512x64xf32, #tpu.memory_space<vmem>>[vector<16xi32>, vector<16xi32>], vector<16xf32>,
        %parallel_loop3A_1630 = tpu.vector_load_idx %arg10[%parallel_loop3A_232, %parallel_loop3A_1628] : memref<200x64xf32, #tpu.memory_space<vmem>>[vector<16xi32>, vector<16xi32>], vector<16xf32>,
        %parallel_loop3A_1631 = arith.addf %parallel_loop3A_1629, %parallel_loop3A_1630 : vector<16xf32>
        %parallel_loop3A_1632 = arith.subf %parallel_loop3A_1631, %parallel_loop3A_755 : vector<16xf32>
        %parallel_loop3A_1633 = arith.mulf %parallel_loop3A_1632, %parallel_loop3A_801 : vector<16xf32>
        %parallel_loop3A_1634 = vector.extract_strided_slice %get3A_18 {offsets = [7], sizes = [1], strides = [1]} : vector<16xf32> to vector<1xf32>
        %parallel_loop3A_1635 = vector.extract %parallel_loop3A_1634[0] : f32 from vector<1xf32>
        %parallel_loop3A_1636 = vector.broadcast %parallel_loop3A_1635 : f32 to vector<16xf32>
        %parallel_loop3A_1637 = arith.mulf %parallel_loop3A_1633, %parallel_loop3A_1636 : vector<16xf32>
        %parallel_loop3A_1638 = vector.extract_strided_slice %get3A_34 {offsets = [7], sizes = [1], strides = [1]} : vector<16xf32> to vector<1xf32>
        %parallel_loop3A_1639 = vector.extract %parallel_loop3A_1638[0] : f32 from vector<1xf32>
        %parallel_loop3A_1640 = vector.broadcast %parallel_loop3A_1639 : f32 to vector<16xf32>
        %parallel_loop3A_1641 = arith.addf %parallel_loop3A_1637, %parallel_loop3A_1640 : vector<16xf32>
        tpu.vector_store_idx %arg9[%parallel_loop3A_224, %parallel_loop3A_1628], %parallel_loop3A_1641 : memref<512x64xf32, #tpu.memory_space<vmem>>[vector<16xi32>, vector<16xi32>], vector<16xf32>,
        %parallel_loop3A_1642 = arith.constant 56 : i32
        %parallel_loop3A_1643 = vector.broadcast %parallel_loop3A_1642 : i32 to vector<16xi32>
        %parallel_loop3A_1644 = tpu.vector_load_idx %arg9[%parallel_loop3A_224, %parallel_loop3A_1643] : memref<512x64xf32, #tpu.memory_space<vmem>>[vector<16xi32>, vector<16xi32>], vector<16xf32>,
        %parallel_loop3A_1645 = tpu.vector_load_idx %arg10[%parallel_loop3A_232, %parallel_loop3A_1643] : memref<200x64xf32, #tpu.memory_space<vmem>>[vector<16xi32>, vector<16xi32>], vector<16xf32>,
        %parallel_loop3A_1646 = arith.addf %parallel_loop3A_1644, %parallel_loop3A_1645 : vector<16xf32>
        %parallel_loop3A_1647 = arith.subf %parallel_loop3A_1646, %parallel_loop3A_755 : vector<16xf32>
        %parallel_loop3A_1648 = arith.mulf %parallel_loop3A_1647, %parallel_loop3A_801 : vector<16xf32>
        %parallel_loop3A_1649 = vector.extract_strided_slice %get3A_18 {offsets = [8], sizes = [1], strides = [1]} : vector<16xf32> to vector<1xf32>
        %parallel_loop3A_1650 = vector.extract %parallel_loop3A_1649[0] : f32 from vector<1xf32>
        %parallel_loop3A_1651 = vector.broadcast %parallel_loop3A_1650 : f32 to vector<16xf32>
        %parallel_loop3A_1652 = arith.mulf %parallel_loop3A_1648, %parallel_loop3A_1651 : vector<16xf32>
        %parallel_loop3A_1653 = vector.extract_strided_slice %get3A_34 {offsets = [8], sizes = [1], strides = [1]} : vector<16xf32> to vector<1xf32>
        %parallel_loop3A_1654 = vector.extract %parallel_loop3A_1653[0] : f32 from vector<1xf32>
        %parallel_loop3A_1655 = vector.broadcast %parallel_loop3A_1654 : f32 to vector<16xf32>
        %parallel_loop3A_1656 = arith.addf %parallel_loop3A_1652, %parallel_loop3A_1655 : vector<16xf32>
        tpu.vector_store_idx %arg9[%parallel_loop3A_224, %parallel_loop3A_1643], %parallel_loop3A_1656 : memref<512x64xf32, #tpu.memory_space<vmem>>[vector<16xi32>, vector<16xi32>], vector<16xf32>,
        %parallel_loop3A_1657 = arith.constant 57 : i32
        %parallel_loop3A_1658 = vector.broadcast %parallel_loop3A_1657 : i32 to vector<16xi32>
        %parallel_loop3A_1659 = tpu.vector_load_idx %arg9[%parallel_loop3A_224, %parallel_loop3A_1658] : memref<512x64xf32, #tpu.memory_space<vmem>>[vector<16xi32>, vector<16xi32>], vector<16xf32>,
        %parallel_loop3A_1660 = tpu.vector_load_idx %arg10[%parallel_loop3A_232, %parallel_loop3A_1658] : memref<200x64xf32, #tpu.memory_space<vmem>>[vector<16xi32>, vector<16xi32>], vector<16xf32>,
        %parallel_loop3A_1661 = arith.addf %parallel_loop3A_1659, %parallel_loop3A_1660 : vector<16xf32>
        %parallel_loop3A_1662 = arith.subf %parallel_loop3A_1661, %parallel_loop3A_755 : vector<16xf32>
        %parallel_loop3A_1663 = arith.mulf %parallel_loop3A_1662, %parallel_loop3A_801 : vector<16xf32>
        %parallel_loop3A_1664 = vector.extract_strided_slice %get3A_18 {offsets = [9], sizes = [1], strides = [1]} : vector<16xf32> to vector<1xf32>
        %parallel_loop3A_1665 = vector.extract %parallel_loop3A_1664[0] : f32 from vector<1xf32>
        %parallel_loop3A_1666 = vector.broadcast %parallel_loop3A_1665 : f32 to vector<16xf32>
        %parallel_loop3A_1667 = arith.mulf %parallel_loop3A_1663, %parallel_loop3A_1666 : vector<16xf32>
        %parallel_loop3A_1668 = vector.extract_strided_slice %get3A_34 {offsets = [9], sizes = [1], strides = [1]} : vector<16xf32> to vector<1xf32>
        %parallel_loop3A_1669 = vector.extract %parallel_loop3A_1668[0] : f32 from vector<1xf32>
        %parallel_loop3A_1670 = vector.broadcast %parallel_loop3A_1669 : f32 to vector<16xf32>
        %parallel_loop3A_1671 = arith.addf %parallel_loop3A_1667, %parallel_loop3A_1670 : vector<16xf32>
        tpu.vector_store_idx %arg9[%parallel_loop3A_224, %parallel_loop3A_1658], %parallel_loop3A_1671 : memref<512x64xf32, #tpu.memory_space<vmem>>[vector<16xi32>, vector<16xi32>], vector<16xf32>,
        %parallel_loop3A_1672 = arith.constant 58 : i32
        %parallel_loop3A_1673 = vector.broadcast %parallel_loop3A_1672 : i32 to vector<16xi32>
        %parallel_loop3A_1674 = tpu.vector_load_idx %arg9[%parallel_loop3A_224, %parallel_loop3A_1673] : memref<512x64xf32, #tpu.memory_space<vmem>>[vector<16xi32>, vector<16xi32>], vector<16xf32>,
        %parallel_loop3A_1675 = tpu.vector_load_idx %arg10[%parallel_loop3A_232, %parallel_loop3A_1673] : memref<200x64xf32, #tpu.memory_space<vmem>>[vector<16xi32>, vector<16xi32>], vector<16xf32>,
        %parallel_loop3A_1676 = arith.addf %parallel_loop3A_1674, %parallel_loop3A_1675 : vector<16xf32>
        %parallel_loop3A_1677 = arith.subf %parallel_loop3A_1676, %parallel_loop3A_755 : vector<16xf32>
        %parallel_loop3A_1678 = arith.mulf %parallel_loop3A_1677, %parallel_loop3A_801 : vector<16xf32>
        %parallel_loop3A_1679 = vector.extract_strided_slice %get3A_18 {offsets = [10], sizes = [1], strides = [1]} : vector<16xf32> to vector<1xf32>
        %parallel_loop3A_1680 = vector.extract %parallel_loop3A_1679[0] : f32 from vector<1xf32>
        %parallel_loop3A_1681 = vector.broadcast %parallel_loop3A_1680 : f32 to vector<16xf32>
        %parallel_loop3A_1682 = arith.mulf %parallel_loop3A_1678, %parallel_loop3A_1681 : vector<16xf32>
        %parallel_loop3A_1683 = vector.extract_strided_slice %get3A_34 {offsets = [10], sizes = [1], strides = [1]} : vector<16xf32> to vector<1xf32>
        %parallel_loop3A_1684 = vector.extract %parallel_loop3A_1683[0] : f32 from vector<1xf32>
        %parallel_loop3A_1685 = vector.broadcast %parallel_loop3A_1684 : f32 to vector<16xf32>
        %parallel_loop3A_1686 = arith.addf %parallel_loop3A_1682, %parallel_loop3A_1685 : vector<16xf32>
        tpu.vector_store_idx %arg9[%parallel_loop3A_224, %parallel_loop3A_1673], %parallel_loop3A_1686 : memref<512x64xf32, #tpu.memory_space<vmem>>[vector<16xi32>, vector<16xi32>], vector<16xf32>,
        %parallel_loop3A_1687 = arith.constant 59 : i32
        %parallel_loop3A_1688 = vector.broadcast %parallel_loop3A_1687 : i32 to vector<16xi32>
        %parallel_loop3A_1689 = tpu.vector_load_idx %arg9[%parallel_loop3A_224, %parallel_loop3A_1688] : memref<512x64xf32, #tpu.memory_space<vmem>>[vector<16xi32>, vector<16xi32>], vector<16xf32>,
        %parallel_loop3A_1690 = tpu.vector_load_idx %arg10[%parallel_loop3A_232, %parallel_loop3A_1688] : memref<200x64xf32, #tpu.memory_space<vmem>>[vector<16xi32>, vector<16xi32>], vector<16xf32>,
        %parallel_loop3A_1691 = arith.addf %parallel_loop3A_1689, %parallel_loop3A_1690 : vector<16xf32>
        %parallel_loop3A_1692 = arith.subf %parallel_loop3A_1691, %parallel_loop3A_755 : vector<16xf32>
        %parallel_loop3A_1693 = arith.mulf %parallel_loop3A_1692, %parallel_loop3A_801 : vector<16xf32>
        %parallel_loop3A_1694 = vector.extract_strided_slice %get3A_18 {offsets = [11], sizes = [1], strides = [1]} : vector<16xf32> to vector<1xf32>
        %parallel_loop3A_1695 = vector.extract %parallel_loop3A_1694[0] : f32 from vector<1xf32>
        %parallel_loop3A_1696 = vector.broadcast %parallel_loop3A_1695 : f32 to vector<16xf32>
        %parallel_loop3A_1697 = arith.mulf %parallel_loop3A_1693, %parallel_loop3A_1696 : vector<16xf32>
        %parallel_loop3A_1698 = vector.extract_strided_slice %get3A_34 {offsets = [11], sizes = [1], strides = [1]} : vector<16xf32> to vector<1xf32>
        %parallel_loop3A_1699 = vector.extract %parallel_loop3A_1698[0] : f32 from vector<1xf32>
        %parallel_loop3A_1700 = vector.broadcast %parallel_loop3A_1699 : f32 to vector<16xf32>
        %parallel_loop3A_1701 = arith.addf %parallel_loop3A_1697, %parallel_loop3A_1700 : vector<16xf32>
        tpu.vector_store_idx %arg9[%parallel_loop3A_224, %parallel_loop3A_1688], %parallel_loop3A_1701 : memref<512x64xf32, #tpu.memory_space<vmem>>[vector<16xi32>, vector<16xi32>], vector<16xf32>,
        %parallel_loop3A_1702 = arith.constant 60 : i32
        %parallel_loop3A_1703 = vector.broadcast %parallel_loop3A_1702 : i32 to vector<16xi32>
        %parallel_loop3A_1704 = tpu.vector_load_idx %arg9[%parallel_loop3A_224, %parallel_loop3A_1703] : memref<512x64xf32, #tpu.memory_space<vmem>>[vector<16xi32>, vector<16xi32>], vector<16xf32>,
        %parallel_loop3A_1705 = tpu.vector_load_idx %arg10[%parallel_loop3A_232, %parallel_loop3A_1703] : memref<200x64xf32, #tpu.memory_space<vmem>>[vector<16xi32>, vector<16xi32>], vector<16xf32>,
        %parallel_loop3A_1706 = arith.addf %parallel_loop3A_1704, %parallel_loop3A_1705 : vector<16xf32>
        %parallel_loop3A_1707 = arith.subf %parallel_loop3A_1706, %parallel_loop3A_755 : vector<16xf32>
        %parallel_loop3A_1708 = arith.mulf %parallel_loop3A_1707, %parallel_loop3A_801 : vector<16xf32>
        %parallel_loop3A_1709 = vector.extract_strided_slice %get3A_18 {offsets = [12], sizes = [1], strides = [1]} : vector<16xf32> to vector<1xf32>
        %parallel_loop3A_1710 = vector.extract %parallel_loop3A_1709[0] : f32 from vector<1xf32>
        %parallel_loop3A_1711 = vector.broadcast %parallel_loop3A_1710 : f32 to vector<16xf32>
        %parallel_loop3A_1712 = arith.mulf %parallel_loop3A_1708, %parallel_loop3A_1711 : vector<16xf32>
        %parallel_loop3A_1713 = vector.extract_strided_slice %get3A_34 {offsets = [12], sizes = [1], strides = [1]} : vector<16xf32> to vector<1xf32>
        %parallel_loop3A_1714 = vector.extract %parallel_loop3A_1713[0] : f32 from vector<1xf32>
        %parallel_loop3A_1715 = vector.broadcast %parallel_loop3A_1714 : f32 to vector<16xf32>
        %parallel_loop3A_1716 = arith.addf %parallel_loop3A_1712, %parallel_loop3A_1715 : vector<16xf32>
        tpu.vector_store_idx %arg9[%parallel_loop3A_224, %parallel_loop3A_1703], %parallel_loop3A_1716 : memref<512x64xf32, #tpu.memory_space<vmem>>[vector<16xi32>, vector<16xi32>], vector<16xf32>,
        %parallel_loop3A_1717 = arith.constant 61 : i32
        %parallel_loop3A_1718 = vector.broadcast %parallel_loop3A_1717 : i32 to vector<16xi32>
        %parallel_loop3A_1719 = tpu.vector_load_idx %arg9[%parallel_loop3A_224, %parallel_loop3A_1718] : memref<512x64xf32, #tpu.memory_space<vmem>>[vector<16xi32>, vector<16xi32>], vector<16xf32>,
        %parallel_loop3A_1720 = tpu.vector_load_idx %arg10[%parallel_loop3A_232, %parallel_loop3A_1718] : memref<200x64xf32, #tpu.memory_space<vmem>>[vector<16xi32>, vector<16xi32>], vector<16xf32>,
        %parallel_loop3A_1721 = arith.addf %parallel_loop3A_1719, %parallel_loop3A_1720 : vector<16xf32>
        %parallel_loop3A_1722 = arith.subf %parallel_loop3A_1721, %parallel_loop3A_755 : vector<16xf32>
        %parallel_loop3A_1723 = arith.mulf %parallel_loop3A_1722, %parallel_loop3A_801 : vector<16xf32>
        %parallel_loop3A_1724 = vector.extract_strided_slice %get3A_18 {offsets = [13], sizes = [1], strides = [1]} : vector<16xf32> to vector<1xf32>
        %parallel_loop3A_1725 = vector.extract %parallel_loop3A_1724[0] : f32 from vector<1xf32>
        %parallel_loop3A_1726 = vector.broadcast %parallel_loop3A_1725 : f32 to vector<16xf32>
        %parallel_loop3A_1727 = arith.mulf %parallel_loop3A_1723, %parallel_loop3A_1726 : vector<16xf32>
        %parallel_loop3A_1728 = vector.extract_strided_slice %get3A_34 {offsets = [13], sizes = [1], strides = [1]} : vector<16xf32> to vector<1xf32>
        %parallel_loop3A_1729 = vector.extract %parallel_loop3A_1728[0] : f32 from vector<1xf32>
        %parallel_loop3A_1730 = vector.broadcast %parallel_loop3A_1729 : f32 to vector<16xf32>
        %parallel_loop3A_1731 = arith.addf %parallel_loop3A_1727, %parallel_loop3A_1730 : vector<16xf32>
        tpu.vector_store_idx %arg9[%parallel_loop3A_224, %parallel_loop3A_1718], %parallel_loop3A_1731 : memref<512x64xf32, #tpu.memory_space<vmem>>[vector<16xi32>, vector<16xi32>], vector<16xf32>,
        %parallel_loop3A_1732 = arith.constant 62 : i32
        %parallel_loop3A_1733 = vector.broadcast %parallel_loop3A_1732 : i32 to vector<16xi32>
        %parallel_loop3A_1734 = tpu.vector_load_idx %arg9[%parallel_loop3A_224, %parallel_loop3A_1733] : memref<512x64xf32, #tpu.memory_space<vmem>>[vector<16xi32>, vector<16xi32>], vector<16xf32>,
        %parallel_loop3A_1735 = tpu.vector_load_idx %arg10[%parallel_loop3A_232, %parallel_loop3A_1733] : memref<200x64xf32, #tpu.memory_space<vmem>>[vector<16xi32>, vector<16xi32>], vector<16xf32>,
        %parallel_loop3A_1736 = arith.addf %parallel_loop3A_1734, %parallel_loop3A_1735 : vector<16xf32>
        %parallel_loop3A_1737 = arith.subf %parallel_loop3A_1736, %parallel_loop3A_755 : vector<16xf32>
        %parallel_loop3A_1738 = arith.mulf %parallel_loop3A_1737, %parallel_loop3A_801 : vector<16xf32>
        %parallel_loop3A_1739 = vector.extract_strided_slice %get3A_18 {offsets = [14], sizes = [1], strides = [1]} : vector<16xf32> to vector<1xf32>
        %parallel_loop3A_1740 = vector.extract %parallel_loop3A_1739[0] : f32 from vector<1xf32>
        %parallel_loop3A_1741 = vector.broadcast %parallel_loop3A_1740 : f32 to vector<16xf32>
        %parallel_loop3A_1742 = arith.mulf %parallel_loop3A_1738, %parallel_loop3A_1741 : vector<16xf32>
        %parallel_loop3A_1743 = vector.extract_strided_slice %get3A_34 {offsets = [14], sizes = [1], strides = [1]} : vector<16xf32> to vector<1xf32>
        %parallel_loop3A_1744 = vector.extract %parallel_loop3A_1743[0] : f32 from vector<1xf32>
        %parallel_loop3A_1745 = vector.broadcast %parallel_loop3A_1744 : f32 to vector<16xf32>
        %parallel_loop3A_1746 = arith.addf %parallel_loop3A_1742, %parallel_loop3A_1745 : vector<16xf32>
        tpu.vector_store_idx %arg9[%parallel_loop3A_224, %parallel_loop3A_1733], %parallel_loop3A_1746 : memref<512x64xf32, #tpu.memory_space<vmem>>[vector<16xi32>, vector<16xi32>], vector<16xf32>,
        %parallel_loop3A_1747 = arith.constant 63 : i32
        %parallel_loop3A_1748 = vector.broadcast %parallel_loop3A_1747 : i32 to vector<16xi32>
        %parallel_loop3A_1749 = tpu.vector_load_idx %arg9[%parallel_loop3A_224, %parallel_loop3A_1748] : memref<512x64xf32, #tpu.memory_space<vmem>>[vector<16xi32>, vector<16xi32>], vector<16xf32>,
        %parallel_loop3A_1750 = tpu.vector_load_idx %arg10[%parallel_loop3A_232, %parallel_loop3A_1748] : memref<200x64xf32, #tpu.memory_space<vmem>>[vector<16xi32>, vector<16xi32>], vector<16xf32>,
        %parallel_loop3A_1751 = arith.addf %parallel_loop3A_1749, %parallel_loop3A_1750 : vector<16xf32>
        %parallel_loop3A_1752 = arith.subf %parallel_loop3A_1751, %parallel_loop3A_755 : vector<16xf32>
        %parallel_loop3A_1753 = arith.mulf %parallel_loop3A_1752, %parallel_loop3A_801 : vector<16xf32>
        %parallel_loop3A_1754 = vector.extract_strided_slice %get3A_18 {offsets = [15], sizes = [1], strides = [1]} : vector<16xf32> to vector<1xf32>
        %parallel_loop3A_1755 = vector.extract %parallel_loop3A_1754[0] : f32 from vector<1xf32>
        %parallel_loop3A_1756 = vector.broadcast %parallel_loop3A_1755 : f32 to vector<16xf32>
        %parallel_loop3A_1757 = arith.mulf %parallel_loop3A_1753, %parallel_loop3A_1756 : vector<16xf32>
        %parallel_loop3A_1758 = vector.extract_strided_slice %get3A_34 {offsets = [15], sizes = [1], strides = [1]} : vector<16xf32> to vector<1xf32>
        %parallel_loop3A_1759 = vector.extract %parallel_loop3A_1758[0] : f32 from vector<1xf32>
        %parallel_loop3A_1760 = vector.broadcast %parallel_loop3A_1759 : f32 to vector<16xf32>
        %parallel_loop3A_1761 = arith.addf %parallel_loop3A_1757, %parallel_loop3A_1760 : vector<16xf32>
        tpu.vector_store_idx %arg9[%parallel_loop3A_224, %parallel_loop3A_1748], %parallel_loop3A_1761 : memref<512x64xf32, #tpu.memory_space<vmem>>[vector<16xi32>, vector<16xi32>], vector<16xf32>,
      } {sc.loop_unroll_factor = 1 : i64, sc.parallel_access}
      "tpu.region"() ({
        %run_scoped3A_220 = tpu.sem_alloc : memref<!tpu.dma_semaphore, #tpu.memory_space<semaphore_mem>>
        %dma_start3A_221 = arith.constant 0 : i32
        %dma_start3A_222 = tpu.memref_slice %arg7[%add3A_43, %dma_start3A_221] : memref<819200x64xf32, #tpu.memory_space<hbm>> -> memref<512x64xf32, #tpu.memory_space<hbm>>
        %dma_start3A_223 = arith.constant 0 : i32
        %dma_start3A_224 = tpu.memref_slice %arg7[%add3A_43, %dma_start3A_223] : memref<819200x64xf32, #tpu.memory_space<hbm>> -> memref<512x64xf32, #tpu.memory_space<hbm>>
        tpu.enqueue_dma source(%arg9 : memref<512x64xf32, #tpu.memory_space<vmem>>) target(%dma_start3A_224 : memref<512x64xf32, #tpu.memory_space<hbm>>) target_semaphore(%run_scoped3A_220 : memref<!tpu.dma_semaphore, #tpu.memory_space<semaphore_mem>>)
        %dma_wait3A_225 = arith.constant 0 : i32
        %dma_wait3A_226 = tpu.memref_slice %arg7[%add3A_43, %dma_wait3A_225] : memref<819200x64xf32, #tpu.memory_space<hbm>> -> memref<512x64xf32, #tpu.memory_space<hbm>>
        %dma_wait3A_227 = arith.constant 0 : i32
        %dma_wait3A_228 = tpu.memref_slice %arg7[%add3A_43, %dma_wait3A_227] : memref<819200x64xf32, #tpu.memory_space<hbm>> -> memref<512x64xf32, #tpu.memory_space<hbm>>
        tpu.wait_dma2 semaphore(%run_scoped3A_220 : memref<!tpu.dma_semaphore, #tpu.memory_space<semaphore_mem>>) src(%arg9 : memref<512x64xf32, #tpu.memory_space<vmem>>) dst(%dma_wait3A_228 : memref<512x64xf32, #tpu.memory_space<hbm>>)
        tpu.yield
      }) : () -> ()
    }
    %scan3A_39 = arith.constant 50 : i32
    return
  }
}

</mosaic_0001>

<sc_bundles>
// kernel: kernel.3.cloned.1.call-start
scs
__scs_entry_jumppad:
0x0: {  	(pc) =	sbr.rel $0x88, $3  }
0x1: {  	(tag) =	ssettag $0x0;
	lr =	simm.s32 $0x1  }
0x2: {  	[smem:$0x3F9C] =	sst lr;
	_ =	strace $0xD0000000  }
0x3: {  	_ = 	snop  }
0x4: {  	_ = 	snop  }
0x5: {  	_ = 	snop  }
0x6: {  	_ = 	snop  }
0x7: {  	_ = 	snop  }
__scs_overlays_trampoline_lowered:
0x8: {  	[smem:$0x3FAB] =	sst s0  }
0x9: {  	[smem:$0x3FAC] =	sst s1  }
0xa: {  	[smem:$0x3FAD] =	sst s2  }
0xb: {  	[smem:$0x3FAE] =	sst s3  }
0xc: {  	[smem:$0x3FAF] =	sst s4  }
0xd: {  	[smem:$0x3FB0] =	sst s5  }
0xe: {  	[smem:$0x3FB1] =	sst s6  }
0xf: {  	[smem:$0x3FB2] =	sst s7  }
0x10: {  	[smem:$0x3FB3] =	sst s8  }
0x11: {  	[smem:$0x3FB4] =	sst s9;
	s0 =	simm.s32 @!p0 $0x0  }
0x12: {  	s1 =	sld [smem:$0x3F9A];
	s0 =	simm.s32 @p0 $0x1  }
0x13: {  	[smem:$0x3FB5] =	sst s0;
	s0 =	simm.s32 @!p1 $0x0  }
0x14: {  	s2 =	sld [smem:$0x3F99];
	s0 =	simm.s32 @p1 $0x1  }
0x15: {  	[smem:$0x3FB6] =	sst s0;
	s0 =	simm.s32 @!p2 $0x0  }
0x16: {  	s3 =	sld [smem:$0x3FDB];
	s0 =	simm.s32 @p2 $0x1  }
0x17: {  	s4 =	simm.s32 $0x1BF5;
	[smem:$0x3FB8] =	sst s0  }
0x18: {  	s0 =	sld [smem:$0x3F9B];
	_ =	swait.ge [sflag:s4], $0x0  }
0x19: {  	s7 =	sld [smem:$0x3F9C]  }
0x1a: {  	s8 =	sadd.s32 $0xFFFFE003, lr  }
0x1b: {  	s9 =	sadd.s32 $0xFFFFFEF7, lr;
	s5 =	simm.s32 $0xFFFFFFFF;
	p2 =	slt.u32 s8, $0xFFFFF086  }
0x1c: {  	p1 =	slt.u32 s9, $0xF7A;
	s5 =	simm.s32 @!p2 $0x0  }
0x1d: {  	s5 =	simm.s32 @p1 $0x1;
	p0 =	seq.s32 s7, s2  }
0x1e: {  	s7 =	smul.u32 @!p0 $0xF7A, s2;
	p2 =	seq.s32 @!p0 s5, $0x0  }
0x1f: {  	s9 =	smul.u32 $0xF7A, s1;
	s8 =	simm.s32 @!p0 $0x1BF5;
	p2 =	por !p2, p0  }
0x20: {  	[sflag:s8] =	ssyncset.s32 @!p0 $0xFFFFF086;
	s6 =	sadd.s32 @!p0 s3, s7;
	s7 =	simm.s32 @!p0 $0x108  }
0x21: {  	s3 =	sadd.s32 s3, s9;
	s6 =	sadd.s32 @!p0 $0x88, s6;
	s7 =	simm.s32 @p2 $0x1082  }
0x22: {  	[simem:s7], [sflag:s8] =	dma.local @!p0 [hbm:s6], $0xF7A  }
0x23: {  	s9 =	sor.u32 $0xD0000000, s2;
	s6 =	simm.s32 $0x108;
	_ =	swait.ge @!p0 [sflag:s8], $0x0  }
0x24: {  	s3 =	sadd.s32 $0x88, s3;
	s6 =	simm.s32 @!p1 $0x1082;
	[sflag:s4] =	ssyncset.s32 $0xFFFFF086  }
0x25: {  	[simem:s6], [sflag:s4] =	dma.local [hbm:s3], $0xF7A  }
0x26: {  	[smem:$0x3F9C] =	sst s1;
	(tag) =	ssettag s2;
	_ =	strace s9  }
0x27: {  	s1 =	sld [smem:$0x3FAC]  }
0x28: {  	s2 =	sld [smem:$0x3FAD]  }
0x29: {  	s4 =	sld [smem:$0x3FAF]  }
0x2a: {  	p0 =	seq.s32 s5, $0x0;
	s5 =	sld [smem:$0x3FB0]  }
0x2b: {  	s6 =	sld [smem:$0x3FB1]  }
0x2c: {  	s7 =	sld [smem:$0x3FB2]  }
0x2d: {  	s3 =	simm.s32 $0x108;
	s8 =	sld [smem:$0x3FB3]  }
0x2e: {  	s3 =	simm.s32 @!p0 $0x1082;
	s9 =	sld [smem:$0x3FB4]  }
0x2f: {  	lr =	sadd.s32 s0, s3;
	s0 =	sld [smem:$0x3FAB]  }
0x30: {  	s3 =	sld [smem:$0x3FAE]  }
0x31: {  	[smem:$0x3FB7] =	sst s10  }
0x32: {  	s10 =	sld [smem:$0x3FB5];
	_ =	sdelay $0x3  }
0x33: {  	p0 =	seq.s32 s10, $0x1;
	s10 =	sld [smem:$0x3FB7];
	_ =	sdelay $0x3  }
0x34: {  	[smem:$0x3FB7] =	sst s10  }
0x35: {  	s10 =	sld [smem:$0x3FB6];
	_ =	sdelay $0x3  }
0x36: {  	p1 =	seq.s32 s10, $0x1;
	s10 =	sld [smem:$0x3FB7];
	_ =	sdelay $0x3  }
0x37: {  	[smem:$0x3FB7] =	sst s10  }
0x38: {  	s10 =	sld [smem:$0x3FB8]  }
0x39: {  	_ = 	snop;
	(pc) =	sbr.ind lr, $3  }
0x3a: {  	_ = 	snop  }
0x3b: {  	_ = 	snop  }
0x3c: {  	p2 =	seq.s32 s10, $0x1;
	s10 =	sld [smem:$0x3FB7]  }
0x3d: {  	_ =	shalt  }
0x3e: {  	_ =	shalt  }
0x3f: {  	_ =	shalt  }
0x40: {  	_ =	shalt  }
0x41: {  	_ =	shalt  }
0x42: {  	_ =	shalt  }
0x43: {  	_ =	shalt  }
0x44: {  	_ =	shalt  }
0x45: {  	_ =	shalt  }
0x46: {  	_ =	shalt  }
0x47: {  	_ =	shalt  }
0x48: {  	_ =	shalt  }
0x49: {  	_ =	shalt  }
0x4a: {  	_ =	shalt  }
0x4b: {  	_ =	shalt  }
0x4c: {  	_ =	shalt  }
0x4d: {  	_ =	shalt  }
0x4e: {  	_ =	shalt  }
0x4f: {  	_ =	shalt  }
0x50: {  	_ =	shalt  }
0x51: {  	_ =	shalt  }
0x52: {  	_ =	shalt  }
0x53: {  	_ =	shalt  }
0x54: {  	_ =	shalt  }
0x55: {  	_ =	shalt  }
0x56: {  	_ =	shalt  }
0x57: {  	_ =	shalt  }
0x58: {  	_ =	shalt  }
0x59: {  	_ =	shalt  }
0x5a: {  	_ =	shalt  }
0x5b: {  	_ =	shalt  }
0x5c: {  	_ =	shalt  }
0x5d: {  	_ =	shalt  }
0x5e: {  	_ =	shalt  }
0x5f: {  	_ =	shalt  }
0x60: {  	_ =	shalt  }
0x61: {  	_ =	shalt  }
0x62: {  	_ =	shalt  }
0x63: {  	_ =	shalt  }
0x64: {  	_ =	shalt  }
0x65: {  	_ =	shalt  }
0x66: {  	_ =	shalt  }
0x67: {  	_ =	shalt  }
0x68: {  	_ =	shalt  }
0x69: {  	_ =	shalt  }
0x6a: {  	_ =	shalt  }
0x6b: {  	_ =	shalt  }
0x6c: {  	_ =	shalt  }
0x6d: {  	_ =	shalt  }
0x6e: {  	_ =	shalt  }
0x6f: {  	_ =	shalt  }
0x70: {  	_ =	shalt  }
0x71: {  	_ =	shalt  }
0x72: {  	_ =	shalt  }
0x73: {  	_ =	shalt  }
0x74: {  	_ =	shalt  }
0x75: {  	_ =	shalt  }
0x76: {  	_ =	shalt  }
0x77: {  	_ =	shalt  }
0x78: {  	_ =	shalt  }
0x79: {  	_ =	shalt  }
0x7a: {  	_ =	shalt  }
0x7b: {  	_ =	shalt  }
0x7c: {  	_ =	shalt  }
0x7d: {  	_ =	shalt  }
0x7e: {  	_ =	shalt  }
0x7f: {  	_ =	shalt  }
0x80: {  	_ =	shalt  }
0x81: {  	_ =	shalt  }
0x82: {  	_ =	shalt  }
0x83: {  	_ =	shalt  }
0x84: {  	_ =	shalt  }
0x85: {  	_ =	shalt  }
0x86: {  	_ =	shalt  }
0x87: {  	_ =	shalt  }
.Lfunc_end0:
.L_simem_size_0:
called_computation.1_lowered:
.L_overlay_start_0:
0x88: {  	s2 =	sld [smem:$0x3FD9]  }
0x89: {  	s3 =	sld [smem:$0x3FFE];
	_ =	sdelay $0x1  }
0x8a: {  	s1 =	srdreg.scid  }
0x8b: {  	s0 =	sand.u32 $0x1, s1  }
0x8c: {  	s17 =	sshll.u32 s0, $0xA;
	s2 =	sadd.s32 s3, s2  }
0x8d: {  	s2 =	sadd.s32 s2, s17  }
0x8e: {  	[smem:$0x3FC3] =	sst s2  }
0x8f: {  	_ = 	snop  }
0x90: {  	s2 =	sld [smem:$0x3FC6]  }
0x91: {  	s18 =	sld [smem:$0x3FC5]  }
0x92: {  	s4 =	sld [smem:$0x3FD0];
	(tm) =	ssettm $0x1  }
0x93: {  	s5 =	sld [smem:$0x3FFB];
	_ =	sdelay $0x3  }
0x94: {  	_ =	strace s5  }
0x95: {  	s5 =	sld [smem:$0x3FFC];
	_ =	sdelay $0x3  }
0x96: {  	_ =	strace s5  }
0x97: {  	s5 =	sld [smem:$0x3FFD];
	_ =	sdelay $0x3  }
0x98: {  	_ =	strace s5  }
0x99: {  	_ =	strace $0x8FFFFFFF  }
0x9a: {  	s19 =	sld [smem:$0x3FDB];
	_ =	sdelay $0x1  }
0x9b: {  	s6 =	simm.s32 $_scs_section_size  }
0x9c: {  	s7 =	simm.s32 $_size__tile_overlayer_lowered;
	s8 =	simm.s32 $_tile_overlayer_lowered  }
0x9d: {  	s22 =	simm.s32 $0x1BFF;
	s21 =	sshll.u32 s8, $0x1;
	s5 =	sadd.s32 s6, s19  }
0x9e: {  	s9 =	simm.s32 $0x0;
	s20 =	sshll.u32 s7, $0x1;
	s7 =	sadd.s32 s21, s5  }
0x9f: {  	[timem:s9], [sflag:s22] =	dma.local [hbm:s7], s20  }
0xa0: {  	_ =	swait.ge [sflag:s22], s20  }
0xa1: {  	s6 =	ssub.s32 $0x0, s20;
	[sflag:s22] =	ssyncset.done $0x0  }
0xa2: {  	[sflag:s22] =	ssyncadd.s32 s6;
	_ =	sdelay $0x1  }
0xa3: {  	s23 =	simm.s32 $0x1B8B  }
0xa4: {  	_ =	swait.ge [sflag:s23], $0x1  }
0xa5: {  	[sflag:s23] =	ssyncset.done $0x0  }
0xa6: {  	s25 =	simm.s32 $0x1B8E;
	s24 =	sld [smem:$0x3FFE];
	[sflag:s23] =	ssyncadd.s32 $0xFFFFFFFF  }
0xa7: {  	s26 =	simm.s32 $execute0_lowered;
	[smem:$0x3FD2] =	sst s25  }
0xa8: {  	s7 =	sshll.u32 s26, $0x1;
	_ =	strace $0x80000046;
	[dreg:$0x1] =	wrdreg $0xFFFFFFFF  }
0xa9: {  	s28 =	simm.s32 $_size_execute0_lowered;
	s5 =	sadd.s32 s5, s7;
	[dreg:$0x0] =	wrdreg $0x0  }
0xaa: {  	s7 =	sshll.u32 s28, $0x1;
	[dreg:$0x2] =	wrdreg s5  }
0xab: {  	[dreg:$0x3] =	wrdreg s7  }
0xac: {  	[dreg:$0x4] =	wrdreg $0xC0  }
0xad: {  	_ =	task [dreg:s9], $0x5FFFF  }
0xae: {  	[dreg:$0x1] =	wrdreg $0xFFFFFFFF  }
0xaf: {  	[dreg:$0x0] =	wrdreg $0x60  }
0xb0: {  	[dreg:$0x2] =	wrdreg s24  }
0xb1: {  	[dreg:$0x3] =	wrdreg s2  }
0xb2: {  	[dreg:$0x4] =	wrdreg s18  }
0xb3: {  	[dreg:$0x5] =	wrdreg s4  }
0xb4: {  	[dreg:$0x6] =	wrdreg $0x9  }
0xb5: {  	_ =	task.clear_ibuf [dreg:s9], $0x7FFFF;
	_ =	strace $0x90000046  }
0xb6: {  	s29 =	simm.s32 $0x9;
	_ =	strace $0x80000048  }
0xb7: {  	_ =	swait.ge [sflag:s29], $0x1  }
0xb8: {  	[sflag:s29] =	ssyncadd.s32 $0xFFFFFFFF  }
0xb9: {  	_ =	strace $0x90000048  }
0xba: {  	_ =	sfence  }
0xbb: {  	s30 =	sld [smem:$0x0];
	_ =	sdelay $0x2  }
0xbc: {  	s31 =	sshll.u32 s1, $0xD;
	s1 =	sshrl.u32 s1, $0x2  }
0xbd: {  	s3 =	sand.u32 $0x4000, s31;
	s1 =	sadd.s32 s1, s30  }
0xbe: {  	s0 =	sor.u32 s3, s0;
	s1 =	sshll.u32 s1, $0x11  }
0xbf: {  	s0 =	sor.u32 s1, s0  }
0xc0: {  	s0 =	sadd.s32 $0x8F2B, s0  }
0xc1: {  	[sflag:s0] =	ssyncadd.remote.s32 $0x1  }
0xc2: {  	_ =	sfence.sel $0xFFFF  }
0xc3: {  	[dreg:$0x0] =	wrdreg $0xFFFFFFFF;
	(pc) =	sbr.abs _section_cstart, $3  }
0xc4: {  	[dreg:$0x1] =	wrdreg $0xFFFFFFFF  }
0xc5: {  	_ =	task.clear_ibuf [dreg:s9], $0x2FFFF;
	_ =	strace $0x9FFFFFFF  }
0xc6: {  	(tm) =	ssettm $0x7FFFFFFF  }
0xc7: {  	_ =	shalt  }
tec
execute0_lowered:
.L_overlay_start_1:
0x0: {  	(tag) =	ssettag $0x1  }
0x1: {  	s0 =	rddreg [dreg:$0x0]  }
0x2: {  	s3 =	rddreg [dreg:$0x3]  }
0x3: {  	s4 =	simm.s32 $0x0;
	s1 =	srdreg.scid;
	s8 =	stileid.u32  }
0x4: {  	s12 =	simm.s32 $0x8200;
	s13 =	simm.s32 $0x2;
	s16 =	simm.s32 $0x40  }
0x5: {  	s17 =	simm.s32 $0x200;
	s18 =	simm.s32 $0x1200;
	s19 =	simm.s32 $0x80  }
0x6: {  	s20 =	simm.s32 $0x2200;
	s21 =	simm.s32 $0xC0;
	s22 =	simm.s32 $0x3200  }
0x7: {  	s23 =	simm.s32 $0x100;
	s24 =	simm.s32 $0x4200;
	s25 =	simm.s32 $0x140  }
0x8: {  	s28 =	simm.s32 $0x180;
	s29 =	simm.s32 $0x6200;
	s30 =	simm.s32 $0x1C0  }
0x9: {  	s31 =	simm.s32 $0x7200;
	[smem:$0x7FF] =	sst s4;
	s6 =	sadd.s32 $0xC00, s0  }
0xa: {  	s1 =	sand.u32 $0x1, s1;
	s7 =	sadd.s32 $0xF43000, s0;
	s5 =	smul.u32 $0xC800, s8  }
0xb: {  	s10 =	sshll.u32 s8, $0x1;
	s0 =	sadd.s32 $0x19C00, s0;
	_ =	strace $0x80000047  }
0xc: {  	s2 =	ssub.s32 $0x2, s1;
	s11 =	smul.u32 $0x6400, s1;
	[dreg:$0x5] =	wrdreg s0  }
0xd: {  	s1 =	sor.u32 s1, s10;
	s0 =	simm.s32 $0x1;
	s9 =	sshrl.u32 s2, $0x1  }
0xe: {  	s26 =	ssub.s32 s2, s9;
	s9 =	smul.u32 $0x6400, s1;
	s1 =	sadd.s32 s11, s5  }
0xf: {  	v4 =	vlaneseq.u32;
	s5 =	simm.s32 $0x0;
	s10 =	smax.u32 s26, $0x1;
	s26 =	simm.s32 $0x5200  }
.LBB2_1:
0x10: {  	s2 =	rddreg [dreg:$0x5]  }
0x11: {  	[tilespmem:s12], [sflag:$0x2] =	stream.linear.gather [hbm4b:s2+s4], $0x3200, $0x38;
	[tilespmem:$0xB480] =	vst v63  }
0x12: {  	_ =	swait.ge [sflag:s13], $0x3200  }
0x13: {  	[sflag:s13] =	ssyncset.done $0x0  }
0x14: {  	[sflag:s13] =	ssyncadd.s32 $0xFFFFCE00  }
0x15: {  	s8 =	simm.s32 $0xB400;
	s11 =	rddreg [dreg:$0x1]  }
0x16: {  	[tilespmem:s8], [sflag:$0x2] =	stream.linear.gather [hbm4b:s11+s4], $0x40, $0x38;
	[tilespmem:$0xB480] =	vst v63  }
0x17: {  	_ =	swait.ge [sflag:s13], $0x40  }
0x18: {  	[sflag:s13] =	ssyncset.done $0x0  }
0x19: {  	[sflag:s13] =	ssyncadd.s32 $0xFFFFFFC0  }
0x1a: {  	s15 =	simm.s32 $0xB440;
	s14 =	rddreg [dreg:$0x2]  }
0x1b: {  	[tilespmem:s15], [sflag:$0x2] =	stream.linear.gather [hbm4b:s14+s4], $0x40, $0x38;
	[tilespmem:$0xB480] =	vst v63  }
0x1c: {  	_ =	swait.ge [sflag:s13], $0x40  }
0x1d: {  	[sflag:s13] =	ssyncset.done $0x0  }
0x1e: {  	[sflag:s13] =	ssyncadd.s32 $0xFFFFFFC0  }
0x1f: {  	v0 =	vld [tilespmem:$0xB400];
	_ =	sdelay $0x1  }
0x20: {  	v1 =	vld [tilespmem:$0xB440];
	_ =	sdelay $0x2  }
0x21: {  	v28 =	vld [tilespmem:$0xB410];
	v2 =	vbroadcast v0, $0x0  }
0x22: {  	v3 =	vld [tilespmem:$0xB450];
	v25 =	vbroadcast v0, $0x1  }
0x23: {  	v26 =	vbroadcast v1, $0x1;
	[tilespmem:$0x1F830] =	vst v2  }
0x24: {  	v27 =	vbroadcast v0, $0x9;
	[tilespmem:$0x1F840] =	vst v25  }
0x25: {  	v5 =	vbroadcast v0, $0xB;
	[tilespmem:$0x1F850] =	vst v26  }
0x26: {  	v35 =	vbroadcast v28, $0x3;
	[tilespmem:$0x1F860] =	vst v27  }
0x27: {  	v36 =	vbroadcast v3, $0x3;
	[tilespmem:$0x1F870] =	vst v5  }
0x28: {  	v37 =	vbroadcast v28, $0x4;
	[tilespmem:$0x1F8B0] =	vst v35  }
0x29: {  	v38 =	vbroadcast v3, $0x4;
	[tilespmem:$0x1F8C0] =	vst v36  }
0x2a: {  	v40 =	vbroadcast v28, $0x5;
	[tilespmem:$0x1F8D0] =	vst v37  }
0x2b: {  	v41 =	vbroadcast v3, $0x5;
	[tilespmem:$0x1F8E0] =	vst v38  }
0x2c: {  	v43 =	vbroadcast v28, $0x6;
	[tilespmem:$0x1F8F0] =	vst v40  }
0x2d: {  	v44 =	vbroadcast v3, $0x6;
	[tilespmem:$0x1F900] =	vst v41  }
0x2e: {  	v45 =	vbroadcast v28, $0x7;
	[tilespmem:$0x1F910] =	vst v43  }
0x2f: {  	v46 =	vbroadcast v3, $0x7;
	[tilespmem:$0x1F920] =	vst v44  }
0x30: {  	v49 =	vbroadcast v28, $0x8;
	[tilespmem:$0x1F930] =	vst v45  }
0x31: {  	v51 =	vbroadcast v3, $0x8;
	[tilespmem:$0x1F940] =	vst v46  }
0x32: {  	v53 =	vbroadcast v28, $0x9;
	[tilespmem:$0x1F950] =	vst v49  }
0x33: {  	v54 =	vbroadcast v3, $0x9;
	[tilespmem:$0x1F960] =	vst v51  }
0x34: {  	v18 =	vbroadcast v28, $0xA;
	[tilespmem:$0x1F970] =	vst v53  }
0x35: {  	v22 =	vbroadcast v3, $0xA;
	[tilespmem:$0x1F980] =	vst v54  }
0x36: {  	v29 =	vbroadcast v28, $0xB;
	[tilespmem:$0x1F990] =	vst v18  }
0x37: {  	v30 =	vbroadcast v3, $0xB;
	[tilespmem:$0x1F9A0] =	vst v22  }
0x38: {  	v31 =	vbroadcast v28, $0xC;
	[tilespmem:$0x1F9B0] =	vst v29  }
0x39: {  	v32 =	vbroadcast v3, $0xC;
	[tilespmem:$0x1F9C0] =	vst v30  }
0x3a: {  	v33 =	vbroadcast v28, $0xD;
	[tilespmem:$0x1F9D0] =	vst v31  }
0x3b: {  	v34 =	vbroadcast v3, $0xD;
	[tilespmem:$0x1F9E0] =	vst v32  }
0x3c: {  	v10 =	vbroadcast v1, $0x2;
	[tilespmem:$0x1F9F0] =	vst v33  }
0x3d: {  	v11 =	vbroadcast v0, $0x3;
	[tilespmem:$0x1FA00] =	vst v34  }
0x3e: {  	v12 =	vbroadcast v1, $0x3;
	[tilespmem:$0x1FCF0] =	vst v10  }
0x3f: {  	v13 =	vbroadcast v0, $0x4;
	[tilespmem:$0x1FD00] =	vst v11  }
0x40: {  	v14 =	vbroadcast v1, $0x4;
	[tilespmem:$0x1FD10] =	vst v12  }
0x41: {  	v15 =	vbroadcast v0, $0x5;
	[tilespmem:$0x1FD20] =	vst v13  }
0x42: {  	v16 =	vbroadcast v1, $0x5;
	[tilespmem:$0x1FD30] =	vst v14  }
0x43: {  	v17 =	vbroadcast v0, $0x6;
	[tilespmem:$0x1FD40] =	vst v15  }
0x44: {  	v7 =	vbroadcast v1, $0x6;
	[tilespmem:$0x1FD50] =	vst v16  }
0x45: {  	v8 =	vbroadcast v0, $0x7;
	[tilespmem:$0x1FD60] =	vst v17  }
0x46: {  	v20 =	vbroadcast v1, $0x7;
	[tilespmem:$0x1FD70] =	vst v7  }
0x47: {  	v39 =	vbroadcast v0, $0x8;
	[tilespmem:$0x1FD80] =	vst v8  }
0x48: {  	v19 =	vbroadcast v1, $0x8;
	[tilespmem:$0x1FD90] =	vst v20  }
0x49: {  	v42 =	vbroadcast v1, $0x9;
	[tilespmem:$0x1FDA0] =	vst v39  }
0x4a: {  	v50 =	vbroadcast v1, $0xA;
	[tilespmem:$0x1FDB0] =	vst v19  }
0x4b: {  	v52 =	vbroadcast v1, $0xB;
	[tilespmem:$0x1FDC0] =	vst v42  }
0x4c: {  	v21 =	vbroadcast v1, $0xC;
	[tilespmem:$0x1FDD0] =	vst v50  }
0x4d: {  	v48 =	vbroadcast v1, $0xD;
	[tilespmem:$0x1FDE0] =	vst v52  }
0x4e: {  	v47 =	vbroadcast v1, $0xE;
	[tilespmem:$0x1FDF0] =	vst v21  }
0x4f: {  	v55 =	vbroadcast v0, $0xF;
	[tilespmem:$0x1FE00] =	vst v48  }
0x50: {  	v56 =	vbroadcast v1, $0xF;
	[tilespmem:$0x1FE10] =	vst v47  }
0x51: {  	v57 =	vbroadcast v28, $0x0;
	[tilespmem:$0x1FE20] =	vst v55  }
0x52: {  	v58 =	vbroadcast v3, $0x0;
	[tilespmem:$0x1FE30] =	vst v56  }
0x53: {  	v59 =	vbroadcast v28, $0x1;
	[tilespmem:$0x1FE40] =	vst v57  }
0x54: {  	v60 =	vbroadcast v3, $0x1;
	[tilespmem:$0x1FE50] =	vst v58  }
0x55: {  	v62 =	vbroadcast v28, $0x2;
	[tilespmem:$0x1FE60] =	vst v59  }
0x56: {  	v63 =	vbroadcast v3, $0x2;
	[tilespmem:$0x1FE70] =	vst v60  }
0x57: {  	v23 =	vld [tilespmem:$0xB420];
	v5 =	vbroadcast v0, $0xC;
	[tilespmem:$0x1FE80] =	vst v62  }
0x58: {  	v35 =	vbroadcast v28, $0xE;
	[tilespmem:$0x1FE90] =	vst v63  }
0x59: {  	v36 =	vbroadcast v28, $0xF;
	[tilespmem:$0x1F880] =	vst v5  }
0x5a: {  	v37 =	vbroadcast v3, $0xE;
	[tilespmem:$0x1FA10] =	vst v35  }
0x5b: {  	v38 =	vbroadcast v3, $0xF;
	[tilespmem:$0x1FA20] =	vst v36  }
0x5c: {  	v40 =	vbroadcast v23, $0x0;
	[tilespmem:$0x1FA30] =	vst v37  }
0x5d: {  	v41 =	vbroadcast v23, $0x1;
	[tilespmem:$0x1FA40] =	vst v38  }
0x5e: {  	v43 =	vbroadcast v23, $0x2;
	[tilespmem:$0x1FA50] =	vst v40  }
0x5f: {  	v26 =	vbroadcast v23, $0x3;
	[tilespmem:$0x1FA60] =	vst v41  }
0x60: {  	v27 =	vbroadcast v23, $0x4;
	[tilespmem:$0x1FA70] =	vst v43  }
0x61: {  	v28 =	vbroadcast v23, $0x5;
	[tilespmem:$0x1FEA0] =	vst v26  }
0x62: {  	v29 =	vbroadcast v23, $0x6;
	[tilespmem:$0x1FEB0] =	vst v27  }
0x63: {  	v30 =	vbroadcast v23, $0x7;
	[tilespmem:$0x1FEC0] =	vst v28  }
0x64: {  	v31 =	vbroadcast v23, $0x8;
	[tilespmem:$0x1FED0] =	vst v29  }
0x65: {  	v32 =	vbroadcast v23, $0x9;
	[tilespmem:$0x1FEE0] =	vst v30  }
0x66: {  	v33 =	vbroadcast v23, $0xA;
	[tilespmem:$0x1FEF0] =	vst v31  }
0x67: {  	v34 =	vbroadcast v23, $0xB;
	[tilespmem:$0x1FF00] =	vst v32  }
0x68: {  	v6 =	vbroadcast v1, $0x0;
	v1 =	vld [tilespmem:$0xB460];
	v5 =	vbroadcast v0, $0xD;
	[tilespmem:$0x1FF10] =	vst v33  }
0x69: {  	v35 =	vbroadcast v23, $0xC;
	[tilespmem:$0x1FF20] =	vst v34  }
0x6a: {  	v36 =	vbroadcast v23, $0xD;
	[tilespmem:$0x1F890] =	vst v5  }
0x6b: {  	v37 =	vbroadcast v23, $0xE;
	[tilespmem:$0x1FF30] =	vst v35  }
0x6c: {  	v38 =	vbroadcast v23, $0xF;
	[tilespmem:$0x1FF40] =	vst v36  }
0x6d: {  	v44 =	vbroadcast v1, $0x0;
	[tilespmem:$0x1FF50] =	vst v37  }
0x6e: {  	v45 =	vbroadcast v1, $0x1;
	[tilespmem:$0x1FF60] =	vst v38  }
0x6f: {  	v46 =	vbroadcast v1, $0x2;
	[tilespmem:$0x1FA80] =	vst v44  }
0x70: {  	v49 =	vbroadcast v1, $0x3;
	[tilespmem:$0x1FA90] =	vst v45  }
0x71: {  	v51 =	vbroadcast v1, $0x4;
	[tilespmem:$0x1FAA0] =	vst v46  }
0x72: {  	v53 =	vbroadcast v1, $0x5;
	[tilespmem:$0x1FAB0] =	vst v49  }
0x73: {  	v54 =	vbroadcast v1, $0x6;
	[tilespmem:$0x1FAC0] =	vst v51  }
0x74: {  	v18 =	vbroadcast v1, $0x7;
	[tilespmem:$0x1FAD0] =	vst v53  }
0x75: {  	v22 =	vbroadcast v1, $0x8;
	[tilespmem:$0x1FAE0] =	vst v54  }
0x76: {  	v23 =	vbroadcast v1, $0x9;
	[tilespmem:$0x1FAF0] =	vst v18  }
0x77: {  	v9 =	vbroadcast v0, $0x2;
	v24 =	vbroadcast v1, $0xA;
	[tilespmem:$0x1FB00] =	vst v22  }
0x78: {  	v61 =	vbroadcast v0, $0xA;
	v25 =	vbroadcast v1, $0xB;
	[tilespmem:$0x1FB10] =	vst v23  }
0x79: {  	v40 =	vbroadcast v1, $0xC;
	v5 =	vbroadcast v0, $0xE;
	v0 =	vld [tilespmem:$0xB430];
	[tilespmem:$0x1FB20] =	vst v24  }
0x7a: {  	v41 =	vbroadcast v1, $0xD;
	[tilespmem:$0x1FB30] =	vst v25  }
0x7b: {  	v43 =	vbroadcast v1, $0xE;
	[tilespmem:$0x1FB40] =	vst v40  }
0x7c: {  	v1 =	vbroadcast v1, $0xF;
	[tilespmem:$0x1FB50] =	vst v41  }
0x7d: {  	[tilespmem:$0x1FB60] =	vst v43  }
0x7e: {  	[tilespmem:$0x1FB70] =	vst v1;
	v44 =	vbroadcast v0, $0x0  }
0x7f: {  	[tilespmem:$0x1F8A0] =	vst v5;
	v45 =	vbroadcast v0, $0x3  }
0x80: {  	v46 =	vbroadcast v0, $0x4;
	[tilespmem:$0x1FB80] =	vst v44  }
0x81: {  	v49 =	vbroadcast v0, $0x7;
	[tilespmem:$0x1FB90] =	vst v45  }
0x82: {  	v51 =	vbroadcast v0, $0x8;
	[tilespmem:$0x1FBA0] =	vst v46  }
0x83: {  	v53 =	vbroadcast v0, $0x9;
	[tilespmem:$0x1FBB0] =	vst v49  }
0x84: {  	v54 =	vbroadcast v0, $0xB;
	[tilespmem:$0x1FBC0] =	vst v51  }
0x85: {  	v1 =	vld [tilespmem:$0xB470];
	v18 =	vbroadcast v0, $0xD;
	[tilespmem:$0x1FBD0] =	vst v53  }
0x86: {  	v40 =	vbroadcast v0, $0x1;
	[tilespmem:$0x1FBE0] =	vst v54  }
0x87: {  	v41 =	vbroadcast v0, $0x2;
	[tilespmem:$0x1FBF0] =	vst v18  }
0x88: {  	v43 =	vbroadcast v0, $0xA;
	[tilespmem:$0x1FF70] =	vst v40  }
0x89: {  	v2 =	vbroadcast v0, $0xF;
	[tilespmem:$0x1FF80] =	vst v41  }
0x8a: {  	v22 =	vbroadcast v1, $0x0;
	[tilespmem:$0x1FFB0] =	vst v43  }
0x8b: {  	v23 =	vbroadcast v1, $0x1;
	[tilespmem:$0x1FFE0] =	vst v2  }
0x8c: {  	v24 =	vbroadcast v1, $0x2;
	[tilespmem:$0x1FC00] =	vst v22  }
0x8d: {  	v25 =	vbroadcast v1, $0x3;
	[tilespmem:$0x1FC10] =	vst v23  }
0x8e: {  	v46 =	vbroadcast v1, $0x4;
	[tilespmem:$0x1FC20] =	vst v24  }
0x8f: {  	v49 =	vbroadcast v1, $0x5;
	[tilespmem:$0x1FC30] =	vst v25  }
0x90: {  	v54 =	vbroadcast v1, $0x6;
	[tilespmem:$0x1FC40] =	vst v46  }
0x91: {  	v18 =	vbroadcast v1, $0x7;
	[tilespmem:$0x1FC50] =	vst v49  }
0x92: {  	v44 =	vbroadcast v0, $0x5;
	[tilespmem:$0x1FC60] =	vst v54  }
0x93: {  	v45 =	vbroadcast v0, $0x6;
	[tilespmem:$0x1FC70] =	vst v18  }
0x94: {  	v51 =	vbroadcast v0, $0xC;
	[tilespmem:$0x1FF90] =	vst v44  }
0x95: {  	v53 =	vbroadcast v0, $0xE;
	[tilespmem:$0x1FFA0] =	vst v45  }
0x96: {  	v22 =	vbroadcast v1, $0x8;
	[tilespmem:$0x1FFC0] =	vst v51  }
0x97: {  	v23 =	vbroadcast v1, $0x9;
	[tilespmem:$0x1FFD0] =	vst v53  }
0x98: {  	v24 =	vbroadcast v1, $0xA;
	[tilespmem:$0x1FC80] =	vst v22  }
0x99: {  	v25 =	vbroadcast v1, $0xB;
	[tilespmem:$0x1FC90] =	vst v23  }
0x9a: {  	v46 =	vbroadcast v1, $0xC;
	[tilespmem:$0x1FCA0] =	vst v24  }
0x9b: {  	v49 =	vbroadcast v1, $0xD;
	[tilespmem:$0x1FCB0] =	vst v25  }
0x9c: {  	v54 =	vbroadcast v1, $0xE;
	[tilespmem:$0x1FCC0] =	vst v46  }
0x9d: {  	v1 =	vbroadcast v1, $0xF;
	[tilespmem:$0x1FCD0] =	vst v49  }
0x9e: {  	[tilespmem:$0x1FCE0] =	vst v54  }
0x9f: {  	s2 =	simm.s32 $0x0;
	s11 =	smov.u32 s1;
	[tilespmem:$0x1FFF0] =	vst v1  }
.LBB2_2:
0xa0: {  	s14 =	sshll.u32 s2, $0x9  }
0xa1: {  	s14 =	sadd.s32 s9, s14  }
0xa2: {  	s15 =	sshrl.u32 s14, $0x3  }
0xa3: {  	s8 =	sadd.s32 s6, s15;
	s15 =	simm.s32 $0x0  }
0xa4: {  	[tilespmem:s15], [sflag:$0x2] =	stream.linear.gather [hbm4b:s8+s15], $0x200, $0x38;
	[tilespmem:$0xB480] =	vst v63  }
0xa5: {  	_ =	swait.ge [sflag:s13], $0x200  }
0xa6: {  	[sflag:s13] =	ssyncset.done $0x0  }
0xa7: {  	[sflag:s13] =	ssyncadd.s32 $0xFFFFFE00  }
0xa8: {  	[tilespmem:s17], [sflag:$0x1] =	stream.indirect.gather [hbm4b:s7+s16], $0x40, s15, s16, $0xb8;
	[tilespmem:$0xB480] =	vst v63  }
0xa9: {  	_ = 	snop  }
0xaa: {  	[tilespmem:s18], [sflag:$0x1] =	stream.indirect.gather [hbm4b:s7+s16], $0x40, s16, s16, $0xb8;
	[tilespmem:$0xB480] =	vst v63  }
0xab: {  	_ = 	snop  }
0xac: {  	[tilespmem:s20], [sflag:$0x1] =	stream.indirect.gather [hbm4b:s7+s16], $0x40, s19, s16, $0xb8;
	[tilespmem:$0xB480] =	vst v63  }
0xad: {  	_ = 	snop  }
0xae: {  	[tilespmem:s22], [sflag:$0x1] =	stream.indirect.gather [hbm4b:s7+s16], $0x40, s21, s16, $0xb8;
	[tilespmem:$0xB480] =	vst v63  }
0xaf: {  	_ = 	snop  }
0xb0: {  	[tilespmem:s24], [sflag:$0x1] =	stream.indirect.gather [hbm4b:s7+s16], $0x40, s23, s16, $0xb8;
	[tilespmem:$0xB480] =	vst v63  }
0xb1: {  	_ = 	snop  }
0xb2: {  	[tilespmem:s26], [sflag:$0x1] =	stream.indirect.gather [hbm4b:s7+s16], $0x40, s25, s16, $0xb8;
	[tilespmem:$0xB480] =	vst v63  }
0xb3: {  	_ = 	snop  }
0xb4: {  	[tilespmem:s29], [sflag:$0x1] =	stream.indirect.gather [hbm4b:s7+s16], $0x40, s28, s16, $0xb8;
	[tilespmem:$0xB480] =	vst v63  }
0xb5: {  	_ = 	snop  }
0xb6: {  	[tilespmem:s31], [sflag:$0x1] =	stream.indirect.gather [hbm4b:s7+s16], $0x40, s30, s16, $0xb8;
	[tilespmem:$0xB480] =	vst v63  }
0xb7: {  	_ =	swait.ge [sflag:s0], $0x1000  }
0xb8: {  	[sflag:s0] =	ssyncset.done $0x0  }
0xb9: {  	[sflag:s0] =	ssyncadd.s32 $0xFFFFF000  }
0xba: {  	_ =	swait.ge [sflag:s0], $0x1000  }
0xbb: {  	[sflag:s0] =	ssyncset.done $0x0  }
0xbc: {  	[sflag:s0] =	ssyncadd.s32 $0xFFFFF000  }
0xbd: {  	_ =	swait.ge [sflag:s0], $0x1000  }
0xbe: {  	[sflag:s0] =	ssyncset.done $0x0  }
0xbf: {  	[sflag:s0] =	ssyncadd.s32 $0xFFFFF000  }
0xc0: {  	_ =	swait.ge [sflag:s0], $0x1000  }
0xc1: {  	[sflag:s0] =	ssyncset.done $0x0  }
0xc2: {  	[sflag:s0] =	ssyncadd.s32 $0xFFFFF000  }
0xc3: {  	_ =	swait.ge [sflag:s0], $0x1000  }
0xc4: {  	[sflag:s0] =	ssyncset.done $0x0  }
0xc5: {  	[sflag:s0] =	ssyncadd.s32 $0xFFFFF000  }
0xc6: {  	_ =	swait.ge [sflag:s0], $0x1000  }
0xc7: {  	[sflag:s0] =	ssyncset.done $0x0  }
0xc8: {  	[sflag:s0] =	ssyncadd.s32 $0xFFFFF000  }
0xc9: {  	_ =	swait.ge [sflag:s0], $0x1000  }
0xca: {  	[sflag:s0] =	ssyncset.done $0x0  }
0xcb: {  	[sflag:s0] =	ssyncadd.s32 $0xFFFFF000  }
0xcc: {  	_ =	swait.ge [sflag:s0], $0x1000  }
0xcd: {  	[sflag:s0] =	ssyncset.done $0x0  }
0xce: {  	[sflag:s0] =	ssyncadd.s32 $0xFFFFF000  }
.LBB2_3:
0xcf: {  	v2 =	vmov s15;
	v3 =	vmul.u32 $0x40, v4  }
0xd0: {  	v2 =	vshll.u32 v2, $0x6  }
0xd1: {  	v2 =	vor.u32 v3, v2  }
0xd2: {  	s8 =	sadd.s32 s15, s11;
	v56 =	vor.u32 $0x1, v2  }
0xd3: {  	v0 =	vor.u32 s8, v4;
	v57 =	vor.u32 $0x2, v2  }
0xd4: {  	v1 =	vmulhi.u32 $0x51EB851F, v0;
	v58 =	vor.u32 $0x3, v2  }
0xd5: {  	v59 =	vor.u32 $0x4, v2  }
0xd6: {  	v8 =	vor.u32 $0x8, v2;
	v1 =	vshrl.u32 v1, $0x6;
	v45 =	vld.idx.msk [tilespmem:v2+s17+$0x0], $0xffff  }
0xd7: {  	v60 =	vor.u32 $0x5, v2;
	v1 =	vmul.u32 $0xC8, v1;
	v10 =	vld.idx.msk [tilespmem:v56+s17+$0x0], $0xffff  }
0xd8: {  	v62 =	vor.u32 $0x6, v2;
	v12 =	vld.idx.msk [tilespmem:v57+s17+$0x0], $0xffff  }
0xd9: {  	v63 =	vor.u32 $0x7, v2;
	v0 =	vsub.s32 v0, v1;
	v14 =	vld.idx.msk [tilespmem:v58+s17+$0x0], $0xffff  }
0xda: {  	v0 =	vshll.u32 v0, $0x6;
	v16 =	vld.idx.msk [tilespmem:v59+s17+$0x0], $0xffff  }
0xdb: {  	v26 =	vor.u32 $0x9, v2;
	[tilespmem:$0x1F280] =	vst v8;
	v24 =	vld.idx.msk [tilespmem:v8+s17+$0x0], $0xffff;
	v8 =	vor.u32 $0xB, v2  }
0xdc: {  	v31 =	vor.u32 $0xC, v2;
	[tilespmem:$0x1F2A0] =	vst v26;
	v18 =	vld.idx.msk [tilespmem:v60+s17+$0x0], $0xffff;
	v7 =	vor.u32 $0x1, v0  }
0xdd: {  	v32 =	vor.u32 $0xF, v2;
	[tilespmem:$0x1F300] =	vst v31;
	v20 =	vld.idx.msk [tilespmem:v62+s17+$0x0], $0xffff;
	v4 =	vor.u32 $0x2, v0  }
0xde: {  	[tilespmem:$0x1F360] =	vst v32;
	v46 =	vld.idx.msk [tilespmem:v63+s17+$0x0], $0xffff;
	v5 =	vor.u32 $0x3, v0  }
0xdf: {  	[tilespmem:$0x1F2E0] =	vst v8;
	v3 =	vld.idx.msk [tilespmem:v0+s12+$0x0], $0xffff  }
0xe0: {  	[tilespmem:$0x1F200] =	vst v7;
	v51 =	vld.idx.msk [tilespmem:v8+s17+$0x0], $0xffff;
	v8 =	vor.u32 $0xE, v2  }
0xe1: {  	[tilespmem:$0x1F210] =	vst v4;
	v11 =	vld.idx.msk [tilespmem:v7+s12+$0x0], $0xffff;
	v7 =	vor.u32 $0x4, v0  }
0xe2: {  	[tilespmem:$0x1F220] =	vst v5;
	v13 =	vld.idx.msk [tilespmem:v4+s12+$0x0], $0xffff;
	v4 =	vor.u32 $0x5, v0  }
0xe3: {  	v15 =	vld.idx.msk [tilespmem:v5+s12+$0x0], $0xffff;
	v5 =	vor.u32 $0x6, v0;
	[tilespmem:$0x1F340] =	vst v8  }
0xe4: {  	v48 =	vld.idx.msk [tilespmem:v26+s17+$0x0], $0xffff;
	[tilespmem:$0x1F230] =	vst v7  }
0xe5: {  	[tilespmem:$0x1F240] =	vst v4;
	v55 =	vadd.f32 v3, v45;
	v3 =	vor.u32 $0xA, v0;
	v42 =	vld.idx.msk [tilespmem:v8+s17+$0x0], $0xffff  }
0xe6: {  	[tilespmem:$0x1F250] =	vst v5;
	v17 =	vld.idx.msk [tilespmem:v7+s12+$0x0], $0xffff;
	v7 =	vor.u32 $0x7, v0  }
0xe7: {  	v8 =	vor.u32 $0x11, v2;
	v19 =	vld.idx.msk [tilespmem:v4+s12+$0x0], $0xffff;
	v4 =	vor.u32 $0x8, v0;
	[tilespmem:$0x1F2B0] =	vst v3  }
0xe8: {  	v21 =	vld.idx.msk [tilespmem:v5+s12+$0x0], $0xffff;
	v5 =	vor.u32 $0x9, v0;
	v10 =	vadd.f32 v11, v10;
	v12 =	vadd.f32 v13, v12;
	[tilespmem:$0x1F3A0] =	vst v8  }
0xe9: {  	v44 =	vld.idx.msk [tilespmem:v32+s17+$0x0], $0xffff;
	v32 =	vor.u32 $0x28, v2;
	v14 =	vadd.f32 v15, v14;
	[tilespmem:$0x1F260] =	vst v7;
	v22 =	vadd.f32 $0.0e+00, v55  }
0xea: {  	[tilespmem:$0x1F270] =	vst v4;
	v23 =	vmul.f32 v55, v55;
	v25 =	vadd.f32 $0.0e+00, v10;
	v30 =	vld.idx.msk [tilespmem:v3+s12+$0x0], $0xffff;
	v3 =	vor.u32 $0xD, v0  }
0xeb: {  	[tilespmem:$0x1F290] =	vst v5;
	v10 =	vmul.f32 v10, v10;
	v49 =	vadd.f32 $0.0e+00, v12;
	v11 =	vld.idx.msk [tilespmem:v7+s12+$0x0], $0xffff;
	v7 =	vor.u32 $0xA, v2  }
0xec: {  	v12 =	vmul.f32 v12, v12;
	v47 =	vld.idx.msk [tilespmem:v4+s12+$0x0], $0xffff;
	v4 =	vor.u32 $0xB, v0;
	v16 =	vadd.f32 v17, v16;
	[tilespmem:$0x1F310] =	vst v3  }
0xed: {  	v27 =	vadd.f32 $0.0e+00, v14;
	v50 =	vld.idx.msk [tilespmem:v5+s12+$0x0], $0xffff;
	v5 =	vor.u32 $0xC, v0;
	v18 =	vadd.f32 v19, v18;
	[tilespmem:$0x1F2C0] =	vst v7  }
0xee: {  	v14 =	vmul.f32 v14, v14;
	v20 =	vadd.f32 v21, v20;
	[tilespmem:$0x1F2D0] =	vst v4;
	v29 =	vmul.f32 v16, v16  }
0xef: {  	[tilespmem:$0x1F2F0] =	vst v5;
	v54 =	vadd.f32 v18, v25;
	v18 =	vmul.f32 v18, v18;
	v41 =	vld.idx.msk [tilespmem:v3+s12+$0x0], $0xffff;
	v3 =	vor.u32 $0x10, v0  }
0xf0: {  	v16 =	vadd.f32 v16, v22;
	v28 =	vld.idx.msk [tilespmem:v7+s17+$0x0], $0xffff;
	v7 =	vor.u32 $0xD, v2;
	v1 =	vadd.f32 v11, v46;
	[tilespmem:$0x1F370] =	vst v3  }
0xf1: {  	v37 =	vmul.f32 v20, v20;
	v53 =	vld.idx.msk [tilespmem:v4+s12+$0x0], $0xffff;
	v4 =	vor.u32 $0xE, v0;
	v11 =	vadd.f32 v18, v10;
	[tilespmem:$0x1F320] =	vst v7  }
0xf2: {  	v38 =	vld.idx.msk [tilespmem:v5+s12+$0x0], $0xffff;
	v5 =	vor.u32 $0xF, v0;
	v15 =	vadd.f32 v50, v48;
	[tilespmem:$0x1F330] =	vst v4;
	v10 =	vmul.f32 v1, v1  }
0xf3: {  	v39 =	vadd.f32 v20, v49;
	v13 =	vadd.f32 v47, v24;
	v50 =	vld.idx.msk [tilespmem:v8+s17+$0x0], $0xffff;
	v8 =	vor.u32 $0x14, v2;
	[tilespmem:$0x1F350] =	vst v5  }
0xf4: {  	v36 =	vld.idx.msk [tilespmem:v31+s17+$0x0], $0xffff;
	[tilespmem:$0x1F400] =	vst v8;
	v45 =	vmul.f32 v15, v15;
	v14 =	vadd.f32 v10, v14;
	v10 =	vor.u32 $0x12, v2  }
0xf5: {  	v52 =	vadd.f32 v29, v23;
	v12 =	vadd.f32 v37, v12;
	v49 =	vld.idx.msk [tilespmem:v3+s12+$0x0], $0xffff;
	v3 =	vor.u32 $0x13, v0;
	[tilespmem:$0x1F3C0] =	vst v10  }
0xf6: {  	v16 =	vadd.f32 v13, v16;
	v29 =	vadd.f32 v45, v11;
	v11 =	vor.u32 $0x16, v2;
	v40 =	vld.idx.msk [tilespmem:v7+s17+$0x0], $0xffff;
	[tilespmem:$0x1F3D0] =	vst v3  }
0xf7: {  	v13 =	vmul.f32 v13, v13;
	v7 =	vor.u32 $0x10, v2;
	v43 =	vld.idx.msk [tilespmem:v4+s12+$0x0], $0xffff;
	v28 =	vadd.f32 v30, v28;
	[tilespmem:$0x1F440] =	vst v11  }
0xf8: {  	v1 =	vadd.f32 v1, v27;
	v15 =	vadd.f32 v15, v54;
	v4 =	vor.u32 $0x11, v0;
	v46 =	vld.idx.msk [tilespmem:v5+s12+$0x0], $0xffff;
	[tilespmem:$0x1F380] =	vst v7  }
0xf9: {  	v22 =	vadd.f32 v13, v52;
	v5 =	vor.u32 $0x12, v0;
	v13 =	vld.idx.msk [tilespmem:v8+s17+$0x0], $0xffff;
	[tilespmem:$0x1F390] =	vst v4;
	v48 =	vmul.f32 v28, v28  }
0xfa: {  	v19 =	vadd.f32 v53, v51;
	v25 =	vadd.f32 v38, v36;
	v8 =	vor.u32 $0x16, v0;
	[tilespmem:$0x1F3B0] =	vst v5;
	v33 =	vld.idx.msk [tilespmem:v10+s17+$0x0], $0xffff  }
0xfb: {  	[tilespmem:$0x1F430] =	vst v8;
	v18 =	vadd.f32 v28, v39;
	v51 =	vadd.f32 v48, v12;
	v10 =	vor.u32 $0x15, v2;
	v12 =	vld.idx.msk [tilespmem:v3+s12+$0x0], $0xffff  }
0xfc: {  	v1 =	vadd.f32 v19, v1;
	v19 =	vmul.f32 v19, v19;
	v3 =	vor.u32 $0x18, v2;
	v47 =	vld.idx.msk [tilespmem:v7+s17+$0x0], $0xffff;
	[tilespmem:$0x1F420] =	vst v10  }
0xfd: {  	v53 =	vmul.f32 v25, v25;
	v25 =	vadd.f32 v25, v16;
	v7 =	vor.u32 $0x13, v2;
	v52 =	vld.idx.msk [tilespmem:v4+s12+$0x0], $0xffff;
	[tilespmem:$0x1F480] =	vst v3  }
0xfe: {  	v19 =	vadd.f32 v19, v14;
	v4 =	vor.u32 $0x14, v0;
	v20 =	vadd.f32 v41, v40;
	v34 =	vld.idx.msk [tilespmem:v5+s12+$0x0], $0xffff;
	[tilespmem:$0x1F3E0] =	vst v7  }
0xff: {  	v17 =	vadd.f32 v43, v42;
	v27 =	vadd.f32 v46, v44;
	v5 =	vor.u32 $0x17, v2;
	v46 =	vld.idx.msk [tilespmem:v11+s17+$0x0], $0xffff;
	[tilespmem:$0x1F3F0] =	vst v4  }
0x100: {  	v22 =	vadd.f32 v53, v22;
	v38 =	vld.idx.msk [tilespmem:v8+s12+$0x0], $0xffff;
	v8 =	vor.u32 $0x19, v0;
	v11 =	vor.u32 $0x21, v0;
	[tilespmem:$0x1F460] =	vst v5  }
0x101: {  	v54 =	vmul.f32 v20, v20;
	v20 =	vadd.f32 v20, v15;
	v36 =	vadd.f32 v17, v18;
	v37 =	vld.idx.msk [tilespmem:v10+s17+$0x0], $0xffff  }
0x102: {  	[tilespmem:$0x1F490] =	vst v8;
	v17 =	vmul.f32 v17, v17;
	v44 =	vmul.f32 v27, v27;
	v10 =	vor.u32 $0x17, v0;
	v40 =	vld.idx.msk [tilespmem:v3+s17+$0x0], $0xffff  }
0x103: {  	[tilespmem:$0x1F590] =	vst v11;
	v1 =	vadd.f32 v27, v1;
	v29 =	vadd.f32 v54, v29;
	v3 =	vor.u32 $0x1B, v2;
	v35 =	vld.idx.msk [tilespmem:v7+s17+$0x0], $0xffff  }
0x104: {  	v28 =	vadd.f32 v17, v51;
	v23 =	vadd.f32 v44, v19;
	v7 =	vor.u32 $0x15, v0;
	v14 =	vld.idx.msk [tilespmem:v4+s12+$0x0], $0xffff;
	[tilespmem:$0x1F450] =	vst v10  }
0x105: {  	v43 =	vadd.f32 v49, v47;
	v4 =	vor.u32 $0x19, v2;
	v21 =	vadd.f32 v52, v50;
	v31 =	vld.idx.msk [tilespmem:v5+s17+$0x0], $0xffff;
	[tilespmem:$0x1F4E0] =	vst v3  }
0x106: {  	v52 =	vadd.f32 v34, v33;
	v5 =	vor.u32 $0x1A, v2;
	v48 =	vld.idx.msk [tilespmem:v8+s12+$0x0], $0xffff;
	v8 =	vor.u32 $0x1C, v0;
	[tilespmem:$0x1F410] =	vst v7  }
0x107: {  	v51 =	vmul.f32 v43, v43;
	v25 =	vadd.f32 v43, v25;
	v54 =	vadd.f32 v21, v20;
	v53 =	vld.idx.msk [tilespmem:v10+s12+$0x0], $0xffff  }
0x108: {  	[tilespmem:$0x1F4A0] =	vst v4;
	v16 =	vmul.f32 v21, v21;
	v18 =	vmul.f32 v52, v52;
	v10 =	vor.u32 $0x1A, v0;
	v43 =	vld.idx.msk [tilespmem:v3+s17+$0x0], $0xffff  }
0x109: {  	[tilespmem:$0x1F4C0] =	vst v5;
	v36 =	vadd.f32 v52, v36;
	v39 =	vadd.f32 v51, v22;
	v45 =	vld.idx.msk [tilespmem:v7+s12+$0x0], $0xffff;
	v7 =	vor.u32 $0x18, v0  }
0x10a: {  	[tilespmem:$0x1F4F0] =	vst v8;
	v29 =	vadd.f32 v16, v29;
	v17 =	vadd.f32 v12, v35;
	v41 =	vld.idx.msk [tilespmem:v4+s17+$0x0], $0xffff;
	v4 =	vor.u32 $0x1C, v2  }
0x10b: {  	v3 =	vor.u32 $0x1E, v2;
	[tilespmem:$0x1F4B0] =	vst v10;
	v24 =	vadd.f32 v14, v13;
	v49 =	vld.idx.msk [tilespmem:v5+s17+$0x0], $0xffff;
	v5 =	vor.u32 $0x1D, v2  }
0x10c: {  	v30 =	vor.u32 $0x26, v2;
	[tilespmem:$0x1F540] =	vst v3;
	v47 =	vmul.f32 v17, v17;
	v1 =	vadd.f32 v17, v1;
	v17 =	vld.idx.msk [tilespmem:v8+s12+$0x0], $0xffff  }
0x10d: {  	v26 =	vadd.f32 v18, v28;
	v13 =	vadd.f32 v38, v46;
	[tilespmem:$0x1F470] =	vst v7;
	v8 =	vor.u32 $0x1F, v0;
	v51 =	vld.idx.msk [tilespmem:v10+s12+$0x0], $0xffff  }
0x10e: {  	[tilespmem:$0x1F500] =	vst v4;
	v12 =	vadd.f32 v24, v25;
	v24 =	vmul.f32 v24, v24;
	v10 =	vor.u32 $0x1D, v0;
	v19 =	vld.idx.msk [tilespmem:v7+s12+$0x0], $0xffff  }
0x10f: {  	v16 =	vmul.f32 v13, v13;
	v36 =	vadd.f32 v13, v36;
	v42 =	vadd.f32 v47, v23;
	v44 =	vld.idx.msk [tilespmem:v4+s17+$0x0], $0xffff  }
0x110: {  	[tilespmem:$0x1F520] =	vst v5;
	v39 =	vadd.f32 v24, v39;
	v52 =	vadd.f32 v53, v31;
	v7 =	vor.u32 $0x1B, v0;
	v53 =	vld.idx.msk [tilespmem:v5+s17+$0x0], $0xffff  }
0x111: {  	[tilespmem:$0x1F550] =	vst v8;
	v18 =	vadd.f32 v16, v26;
	v50 =	vadd.f32 v45, v37;
	v4 =	vor.u32 $0x1F, v2;
	v45 =	vld.idx.msk [tilespmem:v3+s17+$0x0], $0xffff  }
0x112: {  	v26 =	vmovc v61;
	[tilespmem:$0x1F510] =	vst v10;
	v5 =	vor.u32 $0x20, v2;
	v28 =	vadd.f32 v48, v41;
	v3 =	vor.u32 $0x21, v2;
	v47 =	vld.idx.msk [tilespmem:v8+s12+$0x0], $0xffff  }
0x113: {  	v1 =	vadd.f32 v52, v1;
	v21 =	vmul.f32 v52, v52;
	v34 =	vadd.f32 v50, v54;
	v20 =	vld.idx.msk [tilespmem:v10+s12+$0x0], $0xffff  }
0x114: {  	[tilespmem:$0x1F4D0] =	vst v7;
	v14 =	vmul.f32 v50, v50;
	v10 =	vor.u32 $0x20, v0;
	v61 =	vadd.f32 v51, v49;
	v49 =	vld.idx.msk [tilespmem:v11+s12+$0x0], $0xffff  }
0x115: {  	[tilespmem:$0x1F560] =	vst v4;
	v54 =	vmul.f32 v28, v28;
	v34 =	vadd.f32 v28, v34;
	v28 =	vor.u32 $0x24, v2;
	v15 =	vld.idx.msk [tilespmem:v7+s12+$0x0], $0xffff  }
0x116: {  	[tilespmem:$0x1F580] =	vst v5;
	v8 =	vor.u32 $0x2C, v0;
	v27 =	vadd.f32 v14, v29;
	v7 =	vor.u32 $0x1E, v0;
	v23 =	vld.idx.msk [tilespmem:v4+s17+$0x0], $0xffff  }
0x117: {  	[tilespmem:$0x1F5A0] =	vst v3;
	v29 =	vor.u32 $0x25, v2;
	v19 =	vadd.f32 v19, v40;
	v48 =	vld.idx.msk [tilespmem:v5+s17+$0x0], $0xffff;
	v4 =	vor.u32 $0x22, v0  }
0x118: {  	[tilespmem:$0x1F570] =	vst v10;
	v40 =	vadd.f32 v21, v42;
	v16 =	vld.idx.msk [tilespmem:v3+s17+$0x0], $0xffff;
	v3 =	vor.u32 $0x23, v0;
	v44 =	vadd.f32 v17, v44  }
0x119: {  	v5 =	vor.u32 $0x24, v0;
	[tilespmem:$0x1F530] =	vst v7;
	v36 =	vadd.f32 v61, v36;
	v22 =	vmul.f32 v19, v19;
	v14 =	vld.idx.msk [tilespmem:v10+s12+$0x0], $0xffff  }
0x11a: {  	v11 =	vor.u32 $0x2F, v0;
	[tilespmem:$0x1F5C0] =	vst v4;
	v37 =	vadd.f32 v19, v12;
	v12 =	vadd.f32 v54, v27;
	v51 =	vld.idx.msk [tilespmem:v28+s17+$0x0], $0xffff  }
0x11b: {  	[tilespmem:$0x1F5D0] =	vst v3;
	v27 =	vor.u32 $0x23, v2;
	v39 =	vadd.f32 v22, v39;
	v46 =	vld.idx.msk [tilespmem:v7+s12+$0x0], $0xffff;
	v7 =	vor.u32 $0x22, v2  }
0x11c: {  	v19 =	vmul.f32 v44, v44;
	v31 =	vadd.f32 v20, v53;
	v13 =	vadd.f32 v15, v43;
	v50 =	vld.idx.msk [tilespmem:v4+s12+$0x0], $0xffff  }
0x11d: {  	[tilespmem:$0x1F5E0] =	vst v5;
	v15 =	vmul.f32 v61, v61;
	v4 =	vor.u32 $0x25, v0;
	v21 =	vld.idx.msk [tilespmem:v3+s12+$0x0], $0xffff;
	v42 =	vadd.f32 v47, v23  }
0x11e: {  	v52 =	vld.idx.msk [tilespmem:v5+s12+$0x0], $0xffff;
	v5 =	vor.u32 $0x27, v0;
	[tilespmem:$0x1F5B0] =	vst v7;
	v35 =	vadd.f32 v19, v39;
	v22 =	vadd.f32 v31, v34  }
0x11f: {  	[tilespmem:$0x1F5F0] =	vst v4;
	v25 =	vmul.f32 v31, v31;
	v31 =	vor.u32 $0x27, v2;
	v39 =	vld.idx.msk [tilespmem:v29+s17+$0x0], $0xffff;
	v17 =	vmul.f32 v13, v13  }
0x120: {  	[tilespmem:$0x1F610] =	vst v5;
	v33 =	vadd.f32 v15, v18;
	v1 =	vadd.f32 v13, v1;
	v18 =	vld.idx.msk [tilespmem:v7+s17+$0x0], $0xffff;
	v7 =	vor.u32 $0x26, v0  }
0x121: {  	v37 =	vadd.f32 v44, v37;
	v34 =	vor.u32 $0x2A, v2;
	v44 =	vld.idx.msk [tilespmem:v27+s17+$0x0], $0xffff;
	v53 =	vadd.f32 v25, v12;
	[tilespmem:$0x1F600] =	vst v7  }
0x122: {  	v12 =	vmul.f32 v42, v42;
	v40 =	vadd.f32 v17, v40;
	v3 =	vadd.f32 v42, v1;
	v54 =	vld.idx.msk [tilespmem:v4+s12+$0x0], $0xffff  }
0x123: {  	v10 =	vor.u32 $0x2E, v0;
	v13 =	vadd.f32 v14, v48;
	v20 =	vadd.f32 v46, v45;
	v42 =	vld.idx.msk [tilespmem:v30+s17+$0x0], $0xffff  }
0x124: {  	v14 =	vadd.f32 v49, v16;
	v16 =	vor.u32 $0x37, v0;
	v38 =	vadd.f32 v12, v40;
	v24 =	vld.idx.msk [tilespmem:v31+s17+$0x0], $0xffff  }
0x125: {  	v48 =	vadd.f32 v13, v37;
	v37 =	vor.u32 $0x2D, v2;
	v61 =	vmul.f32 v20, v20;
	v12 =	vld.idx.msk [tilespmem:v32+s17+$0x0], $0xffff  }
0x126: {  	v23 =	vmul.f32 v13, v13;
	v4 =	vor.u32 $0x28, v0;
	v44 =	vadd.f32 v21, v44;
	v21 =	vmovc v9;
	v9 =	vld.idx.msk [tilespmem:v34+s17+$0x0], $0xffff  }
0x127: {  	v51 =	vadd.f32 v52, v51;
	v49 =	vld.idx.msk [tilespmem:v8+s12+$0x0], $0xffff;
	v47 =	vadd.f32 v61, v33;
	v33 =	vor.u32 $0x29, v2  }
0x128: {  	v61 =	vadd.f32 v23, v35;
	v35 =	vor.u32 $0x2B, v2;
	v3 =	vadd.f32 v44, v3;
	v15 =	vld.idx.msk [tilespmem:v7+s12+$0x0], $0xffff  }
0x129: {  	v44 =	vmul.f32 v44, v44;
	v7 =	vor.u32 $0x29, v0;
	v41 =	vadd.f32 v50, v18;
	v18 =	vmovc v6;
	v6 =	vld.idx.msk [tilespmem:v5+s12+$0x0], $0xffff  }
0x12a: {  	v25 =	vmul.f32 v14, v14;
	v40 =	vadd.f32 v14, v22;
	v5 =	vor.u32 $0x2A, v0;
	v17 =	vld.idx.msk [tilespmem:v37+s17+$0x0], $0xffff  }
0x12b: {  	v36 =	vadd.f32 v20, v36;
	v44 =	vadd.f32 v44, v38;
	v38 =	vor.u32 $0x2E, v2;
	v14 =	vld.idx.msk [tilespmem:v4+s12+$0x0], $0xffff  }
0x12c: {  	v19 =	vmul.f32 v51, v51;
	[tilespmem:$0x1F620] =	vst v4;
	v48 =	vadd.f32 v51, v48;
	v4 =	vor.u32 $0x2B, v0;
	v45 =	vld.idx.msk [tilespmem:v33+s17+$0x0], $0xffff  }
0x12d: {  	[tilespmem:$0x1F660] =	vst v8;
	v13 =	vmul.f32 v41, v41;
	v41 =	vadd.f32 v41, v36;
	v36 =	vor.u32 $0x2C, v2;
	v51 =	vld.idx.msk [tilespmem:v35+s17+$0x0], $0xffff  }
0x12e: {  	v8 =	vor.u32 $0x2F, v2;
	v50 =	vadd.f32 v25, v53;
	[tilespmem:$0x1F630] =	vst v7;
	v39 =	vadd.f32 v54, v39;
	v52 =	vld.idx.msk [tilespmem:v7+s12+$0x0], $0xffff  }
0x12f: {  	[tilespmem:$0x1F640] =	vst v5;
	v1 =	vadd.f32 v19, v61;
	v61 =	vor.u32 $0x30, v0;
	v7 =	vld.idx.msk [tilespmem:v5+s12+$0x0], $0xffff;
	v5 =	vor.u32 $0x2D, v0  }
0x130: {  	v47 =	vadd.f32 v13, v47;
	v20 =	vmul.f32 v39, v39;
	v39 =	vadd.f32 v39, v40;
	v43 =	vld.idx.msk [tilespmem:v38+s17+$0x0], $0xffff  }
0x131: {  	[tilespmem:$0x1F650] =	vst v4;
	v40 =	vor.u32 $0x30, v2;
	v22 =	vadd.f32 v15, v42;
	v4 =	vld.idx.msk [tilespmem:v4+s12+$0x0], $0xffff;
	v46 =	vadd.f32 v14, v12  }
0x132: {  	v23 =	vadd.f32 v6, v24;
	v15 =	vor.u32 $0x32, v0;
	v50 =	vadd.f32 v20, v50;
	v42 =	vld.idx.msk [tilespmem:v36+s17+$0x0], $0xffff  }
0x133: {  	v24 =	vmul.f32 v22, v22;
	v19 =	vmul.f32 v46, v46;
	v46 =	vadd.f32 v46, v48;
	v48 =	vld.idx.msk [tilespmem:v8+s17+$0x0], $0xffff  }
0x134: {  	[tilespmem:$0x1F690] =	vst v8;
	v54 =	vadd.f32 v22, v41;
	v25 =	vmul.f32 v23, v23;
	v41 =	vor.u32 $0x31, v2;
	v6 =	vld.idx.msk [tilespmem:v5+s12+$0x0], $0xffff  }
0x135: {  	[tilespmem:$0x1F670] =	vst v5;
	v3 =	vadd.f32 v23, v3;
	v47 =	vadd.f32 v24, v47;
	v8 =	vor.u32 $0x31, v0;
	v5 =	vld.idx.msk [tilespmem:v10+s12+$0x0], $0xffff  }
0x136: {  	[tilespmem:$0x1F680] =	vst v10;
	v53 =	vadd.f32 v25, v44;
	v24 =	vor.u32 $0x33, v2;
	v45 =	vadd.f32 v52, v45;
	v52 =	vld.idx.msk [tilespmem:v11+s12+$0x0], $0xffff  }
0x137: {  	[tilespmem:$0x1F6A0] =	vst v11;
	v25 =	vor.u32 $0x33, v0;
	v9 =	vadd.f32 v7, v9;
	v11 =	vor.u32 $0x32, v2;
	v10 =	vld.idx.msk [tilespmem:v40+s17+$0x0], $0xffff  }
0x138: {  	[tilespmem:$0x1F6B0] =	vst v61;
	v44 =	vor.u32 $0x34, v2;
	v7 =	vld.idx.msk [tilespmem:v61+s12+$0x0], $0xffff;
	v1 =	vadd.f32 v19, v1;
	v20 =	vmul.f32 v45, v45  }
0x139: {  	v22 =	vadd.f32 v4, v51;
	v23 =	vmul.f32 v9, v9;
	v9 =	vadd.f32 v9, v54;
	v54 =	vld.idx.msk [tilespmem:v41+s17+$0x0], $0xffff  }
0x13a: {  	[tilespmem:$0x1F6C0] =	vst v8;
	v39 =	vadd.f32 v45, v39;
	v42 =	vadd.f32 v49, v42;
	v45 =	vor.u32 $0x35, v2;
	v8 =	vld.idx.msk [tilespmem:v8+s12+$0x0], $0xffff  }
0x13b: {  	v50 =	vadd.f32 v20, v50;
	v51 =	vadd.f32 v23, v47;
	v61 =	vmul.f32 v22, v22;
	v47 =	vld.idx.msk [tilespmem:v24+s17+$0x0], $0xffff  }
0x13c: {  	v4 =	vadd.f32 v22, v3;
	v20 =	vor.u32 $0x34, v0;
	v46 =	vadd.f32 v42, v46;
	v14 =	vld.idx.msk [tilespmem:v11+s17+$0x0], $0xffff  }
0x13d: {  	[tilespmem:$0x1F6D0] =	vst v11;
	v42 =	vmul.f32 v42, v42;
	v22 =	vor.u32 $0x35, v0;
	v6 =	vadd.f32 v6, v17;
	v11 =	vld.idx.msk [tilespmem:v15+s12+$0x0], $0xffff  }
0x13e: {  	[tilespmem:$0x1F6F0] =	vst v24;
	v24 =	vor.u32 $0x36, v2;
	v43 =	vadd.f32 v5, v43;
	v17 =	vld.idx.msk [tilespmem:v25+s12+$0x0], $0xffff;
	v52 =	vadd.f32 v52, v48  }
0x13f: {  	v10 =	vadd.f32 v7, v10;
	v7 =	vor.u32 $0x38, v2;
	v3 =	vadd.f32 v42, v1;
	v42 =	vld.idx.msk [tilespmem:v44+s17+$0x0], $0xffff  }
0x140: {  	[tilespmem:$0x1F760] =	vst v16;
	v53 =	vadd.f32 v61, v53;
	v1 =	vor.u32 $0x36, v0;
	v23 =	vmul.f32 v6, v6;
	v13 =	vld.idx.msk [tilespmem:v45+s17+$0x0], $0xffff  }
0x141: {  	[tilespmem:$0x1F700] =	vst v25;
	v39 =	vadd.f32 v6, v39;
	v6 =	vor.u32 $0x37, v2;
	v9 =	vadd.f32 v43, v9;
	v5 =	vld.idx.msk [tilespmem:v20+s12+$0x0], $0xffff  }
0x142: {  	v25 =	vmul.f32 v43, v43;
	v19 =	vadd.f32 v52, v4;
	v49 =	vadd.f32 v23, v50;
	v50 =	vld.idx.msk [tilespmem:v22+s12+$0x0], $0xffff  }
0x143: {  	[tilespmem:$0x1F6E0] =	vst v15;
	v61 =	vmul.f32 v52, v52;
	v4 =	vmul.f32 v10, v10;
	v43 =	vor.u32 $0x39, v2;
	v52 =	vld.idx.msk [tilespmem:v24+s17+$0x0], $0xffff  }
0x144: {  	[tilespmem:$0x1F730] =	vst v24;
	v10 =	vadd.f32 v10, v46;
	v48 =	vadd.f32 v25, v51;
	v24 =	vor.u32 $0x38, v0;
	v15 =	vld.idx.msk [tilespmem:v7+s17+$0x0], $0xffff  }
0x145: {  	[tilespmem:$0x1F720] =	vst v22;
	v54 =	vadd.f32 v8, v54;
	v53 =	vadd.f32 v61, v53;
	v25 =	vor.u32 $0x39, v0;
	v12 =	vld.idx.msk [tilespmem:v1+s12+$0x0], $0xffff  }
0x146: {  	[tilespmem:$0x1F770] =	vst v7;
	v4 =	vadd.f32 v4, v3;
	v23 =	vor.u32 $0x3A, v2;
	v3 =	vor.u32 $0x3A, v0;
	v46 =	vld.idx.msk [tilespmem:v6+s17+$0x0], $0xffff  }
0x147: {  	[tilespmem:$0x1F750] =	vst v6;
	v51 =	vor.u32 $0x3B, v2;
	v22 =	vor.u32 $0x3F, v0;
	v11 =	vadd.f32 v11, v14;
	v6 =	vld.idx.msk [tilespmem:v16+s12+$0x0], $0xffff  }
0x148: {  	[tilespmem:$0x1F740] =	vst v1;
	v8 =	vadd.f32 v17, v47;
	v17 =	vor.u32 $0x3B, v0;
	v61 =	vmul.f32 v54, v54;
	v14 =	vld.idx.msk [tilespmem:v43+s17+$0x0], $0xffff  }
0x149: {  	v39 =	vadd.f32 v54, v39;
	v9 =	vadd.f32 v11, v9;
	v11 =	vmul.f32 v11, v11;
	v47 =	vld.idx.msk [tilespmem:v24+s12+$0x0], $0xffff  }
0x14a: {  	[tilespmem:$0x1F780] =	vst v24;
	v16 =	vor.u32 $0x3C, v2;
	v49 =	vadd.f32 v61, v49;
	v42 =	vadd.f32 v5, v42;
	v7 =	vld.idx.msk [tilespmem:v25+s12+$0x0], $0xffff  }
0x14b: {  	[tilespmem:$0x1F790] =	vst v25;
	v24 =	vmul.f32 v8, v8;
	v5 =	vadd.f32 v8, v19;
	v8 =	vld.idx.msk [tilespmem:v23+s17+$0x0], $0xffff;
	v25 =	vor.u32 $0x3C, v0  }
0x14c: {  	[tilespmem:$0x1F7B0] =	vst v3;
	v54 =	vor.u32 $0x3E, v2;
	v11 =	vadd.f32 v11, v48;
	v3 =	vld.idx.msk [tilespmem:v3+s12+$0x0], $0xffff;
	v13 =	vadd.f32 v50, v13  }
0x14d: {  	[tilespmem:$0x1F7C0] =	vst v17;
	v50 =	vld.idx.msk [tilespmem:v17+s12+$0x0], $0xffff;
	v17 =	vor.u32 $0x3E, v0;
	v48 =	vadd.f32 v24, v53;
	v61 =	vmul.f32 v42, v42  }
0x14e: {  	[tilespmem:$0x1F7A0] =	vst v23;
	v53 =	vor.u32 $0x3D, v2;
	v10 =	vadd.f32 v42, v10;
	v42 =	vld.idx.msk [tilespmem:v51+s17+$0x0], $0xffff;
	v12 =	vadd.f32 v12, v52  }
0x14f: {  	[tilespmem:$0x1F7D0] =	vst v16;
	v24 =	vor.u32 $0x3D, v0;
	v39 =	vadd.f32 v13, v39;
	v52 =	vld.idx.msk [tilespmem:v16+s17+$0x0], $0xffff;
	v6 =	vadd.f32 v6, v46  }
0x150: {  	[tilespmem:$0x1F7E0] =	vst v25;
	v13 =	vmul.f32 v13, v13;
	v16 =	vor.u32 $0x3F, v2;
	v4 =	vadd.f32 v61, v4;
	v1 =	vld.idx.msk [tilespmem:v25+s12+$0x0], $0xffff  }
0x151: {  	v25 =	vmul.f32 v6, v6;
	v5 =	vadd.f32 v6, v5;
	v6 =	vadd.f32 v7, v14;
	v7 =	vld.idx.msk [tilespmem:v54+s17+$0x0], $0xffff  }
0x152: {  	v61 =	vmul.f32 v12, v12;
	v13 =	vadd.f32 v13, v49;
	v23 =	vadd.f32 v47, v15;
	v15 =	vld.idx.msk [tilespmem:v17+s12+$0x0], $0xffff  }
0x153: {  	[tilespmem:$0x1F800] =	vst v17;
	v9 =	vadd.f32 v12, v9;
	v3 =	vadd.f32 v3, v8;
	v0 =	vld.idx.msk [tilespmem:v53+s17+$0x0], $0xffff  }
0x154: {  	v11 =	vadd.f32 v61, v11;
	v46 =	vld.idx.msk [tilespmem:v24+s12+$0x0], $0xffff;
	v61 =	vadd.f32 v25, v48;
	v8 =	vmul.f32 v23, v23  }
0x155: {  	v10 =	vadd.f32 v23, v10;
	v17 =	vadd.f32 v50, v42;
	v23 =	vmul.f32 v6, v6;
	v50 =	vld.idx.msk [tilespmem:v22+s12+$0x0], $0xffff  }
0x156: {  	v6 =	vadd.f32 v6, v39;
	v48 =	vld.idx.msk [tilespmem:v16+s17+$0x0], $0xffff;
	v4 =	vadd.f32 v8, v4;
	v8 =	vmul.f32 v3, v3  }
0x157: {  	v13 =	vadd.f32 v23, v13;
	v3 =	vadd.f32 v3, v9;
	v9 =	vmul.f32 v17, v17  }
0x158: {  	v5 =	vadd.f32 v17, v5;
	v1 =	vadd.f32 v1, v52  }
0x159: {  	v8 =	vadd.f32 v8, v11;
	v9 =	vadd.f32 v9, v61  }
0x15a: {  	v0 =	vadd.f32 v46, v0;
	v10 =	vadd.f32 v1, v10;
	v1 =	vmul.f32 v1, v1  }
0x15b: {  	v7 =	vadd.f32 v15, v7;
	v11 =	vadd.f32 v50, v48  }
0x15c: {  	v1 =	vadd.f32 v1, v4;
	v4 =	vadd.f32 v0, v6;
	v0 =	vmul.f32 v0, v0  }
0x15d: {  	v3 =	vadd.f32 v7, v3;
	v5 =	vadd.f32 v11, v5  }
0x15e: {  	v6 =	vmul.f32 v7, v7;
	v7 =	vmul.f32 v11, v11;
	v0 =	vadd.f32 v0, v13  }
0x15f: {  	v4 =	vadd.f32 v4, v10;
	v3 =	vadd.f32 v5, v3  }
0x160: {  	v5 =	vadd.f32 v6, v8;
	v6 =	vadd.f32 v7, v9  }
0x161: {  	v0 =	vadd.f32 v0, v1  }
0x162: {  	v3 =	vadd.f32 v3, v4;
	v1 =	vadd.f32 v6, v5;
	_ =	sdelay $0x1  }
0x163: {  	v0 =	vadd.f32 v1, v0;
	v1 =	vmul.f32 $1.562500000e-02, v3;
	_ =	sdelay $0x1  }
0x164: {  	v0 =	vmul.f32 $1.562500000e-02, v0;
	v3 =	vmul.f32 v1, v1;
	_ =	sdelay $0x1  }
0x165: {  	v0 =	vsub.f32 v0, v3;
	_ =	sdelay $0x1  }
0x166: {  	v0 =	vmax.f32 v0, $0.0e+00  }
0x167: {  	v0 =	vadd.f32 $9.999999740e-06, v0;
	_ =	sdelay $0x1  }
0x168: {  	v3 =	vshra.s32 v0, $0x1;
	v0 =	vmul.f32 $5.000000000e-01, v0  }
0x169: {  	v3 =	vsub.s32 $0x5F3759DF, v3  }
0x16a: {  	v4 =	vmul.f32 v3, v0;
	_ =	sdelay $0x1  }
0x16b: {  	v4 =	vmul.f32 v3, v4;
	_ =	sdelay $0x1  }
0x16c: {  	v4 =	vsub.f32 $1.500000000e+00, v4;
	_ =	sdelay $0x1  }
0x16d: {  	v3 =	vmul.f32 v3, v4;
	_ =	sdelay $0x1  }
0x16e: {  	v4 =	vmul.f32 v3, v0;
	_ =	sdelay $0x1  }
0x16f: {  	v4 =	vmul.f32 v4, v3;
	_ =	sdelay $0x1  }
0x170: {  	v4 =	vsub.f32 $1.500000000e+00, v4;
	_ =	sdelay $0x1  }
0x171: {  	v3 =	vmul.f32 v4, v3;
	_ =	sdelay $0x1  }
0x172: {  	v0 =	vmul.f32 v3, v0;
	_ =	sdelay $0x1  }
0x173: {  	v0 =	vmul.f32 v0, v3;
	_ =	sdelay $0x1  }
0x174: {  	v0 =	vsub.f32 $1.500000000e+00, v0  }
0x175: {  	v5 =	vld [tilespmem:$0x1F830]  }
0x176: {  	v0 =	vmul.f32 v0, v3;
	v3 =	vsub.f32 v55, v1;
	_ =	sdelay $0x1  }
0x177: {  	v3 =	vmul.f32 v0, v3;
	_ =	sdelay $0x1  }
0x178: {  	v3 =	vmul.f32 v3, v5;
	_ =	sdelay $0x1  }
0x179: {  	v6 =	vmov v18;
	v3 =	vadd.f32 v3, v18;
	v18 =	vld [tilespmem:$0x1F200];
	_ =	sdelay $0x5  }
0x17a: {  	[tilespmem:v2+s17+$0x0] =	vst.idx.msk $0xffff, v3  }
0x17b: {  	v3 =	vld.idx.msk [tilespmem:v56+s17+$0x0], $0xffff  }
0x17c: {  	v2 =	vld.idx.msk [tilespmem:v18+s12+$0x0], $0xffff;
	_ =	sdelay $0x4  }
0x17d: {  	v2 =	vadd.f32 v2, v3  }
0x17e: {  	v19 =	vld [tilespmem:$0x1F840]  }
0x17f: {  	v2 =	vsub.f32 v2, v1;
	_ =	sdelay $0x1  }
0x180: {  	v2 =	vmul.f32 v0, v2  }
0x181: {  	v46 =	vmov v26;
	v26 =	vld [tilespmem:$0x1F850]  }
0x182: {  	v2 =	vmul.f32 v2, v19;
	v19 =	vld [tilespmem:$0x1F210];
	_ =	sdelay $0x3  }
0x183: {  	v2 =	vadd.f32 v2, v26;
	_ =	sdelay $0x1  }
0x184: {  	[tilespmem:v56+s17+$0x0] =	vst.idx.msk $0xffff, v2  }
0x185: {  	v3 =	vld.idx.msk [tilespmem:v57+s17+$0x0], $0xffff  }
0x186: {  	v2 =	vld.idx.msk [tilespmem:v19+s12+$0x0], $0xffff;
	_ =	sdelay $0x4  }
0x187: {  	v2 =	vadd.f32 v2, v3;
	_ =	sdelay $0x1  }
0x188: {  	v10 =	vld [tilespmem:$0x1FCF0];
	v2 =	vsub.f32 v2, v1  }
0x189: {  	v26 =	vld [tilespmem:$0x1F220]  }
0x18a: {  	v2 =	vmul.f32 v0, v2  }
0x18b: {  	v9 =	vmov v21  }
0x18c: {  	v2 =	vmul.f32 v2, v9;
	_ =	sdelay $0x1  }
0x18d: {  	v2 =	vadd.f32 v2, v10;
	_ =	sdelay $0x1  }
0x18e: {  	[tilespmem:v57+s17+$0x0] =	vst.idx.msk $0xffff, v2  }
0x18f: {  	v2 =	vld.idx.msk [tilespmem:v26+s12+$0x0], $0xffff  }
0x190: {  	v3 =	vld.idx.msk [tilespmem:v58+s17+$0x0], $0xffff;
	_ =	sdelay $0x4  }
0x191: {  	v2 =	vadd.f32 v2, v3  }
0x192: {  	v11 =	vld [tilespmem:$0x1FD00]  }
0x193: {  	v2 =	vsub.f32 v2, v1  }
0x194: {  	v12 =	vld [tilespmem:$0x1FD10]  }
0x195: {  	v2 =	vmul.f32 v0, v2;
	_ =	sdelay $0x1  }
0x196: {  	v2 =	vmul.f32 v2, v11;
	_ =	sdelay $0x1  }
0x197: {  	v2 =	vadd.f32 v2, v12;
	v12 =	vld [tilespmem:$0x1F230];
	_ =	sdelay $0x5  }
0x198: {  	[tilespmem:v58+s17+$0x0] =	vst.idx.msk $0xffff, v2  }
0x199: {  	v3 =	vld.idx.msk [tilespmem:v59+s17+$0x0], $0xffff  }
0x19a: {  	v2 =	vld.idx.msk [tilespmem:v12+s12+$0x0], $0xffff;
	_ =	sdelay $0x4  }
0x19b: {  	v2 =	vadd.f32 v2, v3  }
0x19c: {  	v13 =	vld [tilespmem:$0x1FD20]  }
0x19d: {  	v2 =	vsub.f32 v2, v1  }
0x19e: {  	v14 =	vld [tilespmem:$0x1FD30]  }
0x19f: {  	v2 =	vmul.f32 v0, v2;
	_ =	sdelay $0x1  }
0x1a0: {  	v2 =	vmul.f32 v2, v13;
	_ =	sdelay $0x1  }
0x1a1: {  	v2 =	vadd.f32 v2, v14;
	v14 =	vld [tilespmem:$0x1F240];
	_ =	sdelay $0x5  }
0x1a2: {  	[tilespmem:v59+s17+$0x0] =	vst.idx.msk $0xffff, v2  }
0x1a3: {  	v3 =	vld.idx.msk [tilespmem:v60+s17+$0x0], $0xffff  }
0x1a4: {  	v2 =	vld.idx.msk [tilespmem:v14+s12+$0x0], $0xffff;
	_ =	sdelay $0x4  }
0x1a5: {  	v2 =	vadd.f32 v2, v3  }
0x1a6: {  	v15 =	vld [tilespmem:$0x1FD40]  }
0x1a7: {  	v2 =	vsub.f32 v2, v1  }
0x1a8: {  	[tilespmem:$0x1F810] =	vst v16;
	v16 =	vld [tilespmem:$0x1FD50]  }
0x1a9: {  	v2 =	vmul.f32 v0, v2;
	_ =	sdelay $0x1  }
0x1aa: {  	v2 =	vmul.f32 v2, v15;
	_ =	sdelay $0x1  }
0x1ab: {  	v2 =	vadd.f32 v2, v16;
	v16 =	vld [tilespmem:$0x1F250];
	_ =	sdelay $0x5  }
0x1ac: {  	[tilespmem:v60+s17+$0x0] =	vst.idx.msk $0xffff, v2  }
0x1ad: {  	v3 =	vld.idx.msk [tilespmem:v62+s17+$0x0], $0xffff  }
0x1ae: {  	v2 =	vld.idx.msk [tilespmem:v16+s12+$0x0], $0xffff;
	_ =	sdelay $0x4  }
0x1af: {  	v2 =	vadd.f32 v2, v3  }
0x1b0: {  	v17 =	vld [tilespmem:$0x1FD60]  }
0x1b1: {  	v7 =	vld [tilespmem:$0x1FD70];
	v2 =	vsub.f32 v2, v1  }
0x1b2: {  	v18 =	vld [tilespmem:$0x1F260]  }
0x1b3: {  	v2 =	vmul.f32 v0, v2;
	_ =	sdelay $0x1  }
0x1b4: {  	v2 =	vmul.f32 v2, v17;
	_ =	sdelay $0x1  }
0x1b5: {  	v2 =	vadd.f32 v2, v7;
	_ =	sdelay $0x1  }
0x1b6: {  	[tilespmem:v62+s17+$0x0] =	vst.idx.msk $0xffff, v2  }
0x1b7: {  	v2 =	vld.idx.msk [tilespmem:v18+s12+$0x0], $0xffff  }
0x1b8: {  	v3 =	vld.idx.msk [tilespmem:v63+s17+$0x0], $0xffff;
	_ =	sdelay $0x4  }
0x1b9: {  	v2 =	vadd.f32 v2, v3  }
0x1ba: {  	v8 =	vld [tilespmem:$0x1FD80]  }
0x1bb: {  	v2 =	vsub.f32 v2, v1  }
0x1bc: {  	[tilespmem:$0x1F710] =	vst v20;
	v20 =	vld [tilespmem:$0x1FD90]  }
0x1bd: {  	v2 =	vmul.f32 v0, v2;
	_ =	sdelay $0x1  }
0x1be: {  	v2 =	vmul.f32 v2, v8  }
0x1bf: {  	v5 =	vld [tilespmem:$0x1F280]  }
0x1c0: {  	v2 =	vadd.f32 v2, v20;
	v20 =	vld [tilespmem:$0x1F270];
	_ =	sdelay $0x5  }
0x1c1: {  	[tilespmem:v63+s17+$0x0] =	vst.idx.msk $0xffff, v2  }
0x1c2: {  	v3 =	vld.idx.msk [tilespmem:v5+s17+$0x0], $0xffff  }
0x1c3: {  	v2 =	vld.idx.msk [tilespmem:v20+s12+$0x0], $0xffff;
	_ =	sdelay $0x4  }
0x1c4: {  	v2 =	vadd.f32 v2, v3  }
0x1c5: {  	v39 =	vld [tilespmem:$0x1FDA0]  }
0x1c6: {  	v2 =	vsub.f32 v2, v1  }
0x1c7: {  	v42 =	vld [tilespmem:$0x1FDB0]  }
0x1c8: {  	v2 =	vmul.f32 v2, v0;
	_ =	sdelay $0x1  }
0x1c9: {  	v2 =	vmul.f32 v2, v39;
	_ =	sdelay $0x1  }
0x1ca: {  	v2 =	vadd.f32 v2, v42  }
0x1cb: {  	v26 =	vld [tilespmem:$0x1F290]  }
0x1cc: {  	[tilespmem:v5+s17+$0x0] =	vst.idx.msk $0xffff, v2;
	v5 =	vld [tilespmem:$0x1F2A0];
	_ =	sdelay $0x6  }
0x1cd: {  	v2 =	vld.idx.msk [tilespmem:v26+s12+$0x0], $0xffff  }
0x1ce: {  	v3 =	vld.idx.msk [tilespmem:v5+s17+$0x0], $0xffff;
	_ =	sdelay $0x4  }
0x1cf: {  	v2 =	vadd.f32 v2, v3  }
0x1d0: {  	v61 =	vld [tilespmem:$0x1F860]  }
0x1d1: {  	v2 =	vsub.f32 v2, v1  }
0x1d2: {  	[tilespmem:$0x1F820] =	vst v22;
	v22 =	vld [tilespmem:$0x1FDC0]  }
0x1d3: {  	v2 =	vmul.f32 v2, v0;
	_ =	sdelay $0x1  }
0x1d4: {  	v2 =	vmul.f32 v2, v61;
	_ =	sdelay $0x1  }
0x1d5: {  	v2 =	vadd.f32 v2, v22  }
0x1d6: {  	v39 =	vld [tilespmem:$0x1F2B0]  }
0x1d7: {  	[tilespmem:v5+s17+$0x0] =	vst.idx.msk $0xffff, v2;
	v5 =	vld [tilespmem:$0x1F2C0];
	_ =	sdelay $0x6  }
0x1d8: {  	v2 =	vld.idx.msk [tilespmem:v39+s12+$0x0], $0xffff  }
0x1d9: {  	v3 =	vld.idx.msk [tilespmem:v5+s17+$0x0], $0xffff;
	_ =	sdelay $0x4  }
0x1da: {  	v2 =	vadd.f32 v2, v3;
	_ =	sdelay $0x1  }
0x1db: {  	v2 =	vsub.f32 v2, v1  }
0x1dc: {  	v50 =	vld [tilespmem:$0x1FDD0]  }
0x1dd: {  	v2 =	vmul.f32 v2, v0;
	_ =	sdelay $0x1  }
0x1de: {  	v2 =	vmul.f32 v2, v46;
	_ =	sdelay $0x1  }
0x1df: {  	v2 =	vadd.f32 v2, v50  }
0x1e0: {  	v42 =	vld [tilespmem:$0x1F2D0]  }
0x1e1: {  	[tilespmem:v5+s17+$0x0] =	vst.idx.msk $0xffff, v2;
	v5 =	vld [tilespmem:$0x1F2E0];
	_ =	sdelay $0x6  }
0x1e2: {  	v2 =	vld.idx.msk [tilespmem:v42+s12+$0x0], $0xffff  }
0x1e3: {  	v3 =	vld.idx.msk [tilespmem:v5+s17+$0x0], $0xffff;
	_ =	sdelay $0x4  }
0x1e4: {  	v2 =	vadd.f32 v2, v3  }
0x1e5: {  	v25 =	vld [tilespmem:$0x1F870]  }
0x1e6: {  	v2 =	vsub.f32 v2, v1  }
0x1e7: {  	v52 =	vld [tilespmem:$0x1FDE0]  }
0x1e8: {  	v2 =	vmul.f32 v2, v0;
	_ =	sdelay $0x1  }
0x1e9: {  	v2 =	vmul.f32 v2, v25;
	_ =	sdelay $0x1  }
0x1ea: {  	v2 =	vadd.f32 v2, v52  }
0x1eb: {  	v61 =	vmov v46;
	v46 =	vld [tilespmem:$0x1F2F0]  }
0x1ec: {  	[tilespmem:v5+s17+$0x0] =	vst.idx.msk $0xffff, v2;
	v5 =	vld [tilespmem:$0x1F300];
	_ =	sdelay $0x6  }
0x1ed: {  	v2 =	vld.idx.msk [tilespmem:v46+s12+$0x0], $0xffff  }
0x1ee: {  	v3 =	vld.idx.msk [tilespmem:v5+s17+$0x0], $0xffff;
	_ =	sdelay $0x4  }
0x1ef: {  	v2 =	vadd.f32 v2, v3  }
0x1f0: {  	v49 =	vld [tilespmem:$0x1F880]  }
0x1f1: {  	v2 =	vsub.f32 v2, v1  }
0x1f2: {  	v21 =	vld [tilespmem:$0x1FDF0]  }
0x1f3: {  	v2 =	vmul.f32 v2, v0;
	_ =	sdelay $0x1  }
0x1f4: {  	v2 =	vmul.f32 v2, v49;
	_ =	sdelay $0x1  }
0x1f5: {  	v2 =	vadd.f32 v2, v21  }
0x1f6: {  	v49 =	vld [tilespmem:$0x1F310]  }
0x1f7: {  	[tilespmem:v5+s17+$0x0] =	vst.idx.msk $0xffff, v2;
	v5 =	vld [tilespmem:$0x1F320];
	_ =	sdelay $0x6  }
0x1f8: {  	v2 =	vld.idx.msk [tilespmem:v49+s12+$0x0], $0xffff  }
0x1f9: {  	v3 =	vld.idx.msk [tilespmem:v5+s17+$0x0], $0xffff;
	_ =	sdelay $0x4  }
0x1fa: {  	v2 =	vadd.f32 v2, v3  }
0x1fb: {  	[tilespmem:$0x1F7F0] =	vst v24;
	v24 =	vld [tilespmem:$0x1F890]  }
0x1fc: {  	v2 =	vsub.f32 v2, v1  }
0x1fd: {  	v48 =	vld [tilespmem:$0x1FE00]  }
0x1fe: {  	v2 =	vmul.f32 v2, v0;
	_ =	sdelay $0x1  }
0x1ff: {  	v2 =	vmul.f32 v2, v24;
	_ =	sdelay $0x1  }
0x200: {  	v2 =	vadd.f32 v2, v48  }
0x201: {  	v50 =	vld [tilespmem:$0x1F330]  }
0x202: {  	[tilespmem:v5+s17+$0x0] =	vst.idx.msk $0xffff, v2;
	v5 =	vld [tilespmem:$0x1F340];
	_ =	sdelay $0x6  }
0x203: {  	v2 =	vld.idx.msk [tilespmem:v50+s12+$0x0], $0xffff  }
0x204: {  	v3 =	vld.idx.msk [tilespmem:v5+s17+$0x0], $0xffff;
	_ =	sdelay $0x4  }
0x205: {  	v2 =	vadd.f32 v2, v3  }
0x206: {  	v23 =	vld [tilespmem:$0x1F8A0]  }
0x207: {  	v2 =	vsub.f32 v2, v1  }
0x208: {  	v47 =	vld [tilespmem:$0x1FE10]  }
0x209: {  	v2 =	vmul.f32 v2, v0;
	_ =	sdelay $0x1  }
0x20a: {  	v2 =	vmul.f32 v2, v23;
	_ =	sdelay $0x1  }
0x20b: {  	v2 =	vadd.f32 v2, v47  }
0x20c: {  	v52 =	vld [tilespmem:$0x1F350]  }
0x20d: {  	[tilespmem:v5+s17+$0x0] =	vst.idx.msk $0xffff, v2;
	v5 =	vld [tilespmem:$0x1F360];
	_ =	sdelay $0x6  }
0x20e: {  	v2 =	vld.idx.msk [tilespmem:v52+s12+$0x0], $0xffff  }
0x20f: {  	v3 =	vld.idx.msk [tilespmem:v5+s17+$0x0], $0xffff;
	_ =	sdelay $0x4  }
0x210: {  	v2 =	vadd.f32 v2, v3  }
0x211: {  	v55 =	vld [tilespmem:$0x1FE20]  }
0x212: {  	v2 =	vsub.f32 v2, v1  }
0x213: {  	v56 =	vld [tilespmem:$0x1FE30]  }
0x214: {  	v2 =	vmul.f32 v2, v0;
	_ =	sdelay $0x1  }
0x215: {  	v2 =	vmul.f32 v2, v55;
	_ =	sdelay $0x1  }
0x216: {  	v2 =	vadd.f32 v2, v56  }
0x217: {  	v55 =	vld [tilespmem:$0x1F370]  }
0x218: {  	[tilespmem:v5+s17+$0x0] =	vst.idx.msk $0xffff, v2;
	v5 =	vld [tilespmem:$0x1F380];
	_ =	sdelay $0x6  }
0x219: {  	v2 =	vld.idx.msk [tilespmem:v55+s12+$0x0], $0xffff  }
0x21a: {  	v3 =	vld.idx.msk [tilespmem:v5+s17+$0x0], $0xffff;
	_ =	sdelay $0x4  }
0x21b: {  	v2 =	vadd.f32 v2, v3  }
0x21c: {  	v57 =	vld [tilespmem:$0x1FE40]  }
0x21d: {  	v2 =	vsub.f32 v2, v1  }
0x21e: {  	v58 =	vld [tilespmem:$0x1FE50]  }
0x21f: {  	v2 =	vmul.f32 v2, v0;
	_ =	sdelay $0x1  }
0x220: {  	v2 =	vmul.f32 v2, v57;
	_ =	sdelay $0x1  }
0x221: {  	v2 =	vadd.f32 v2, v58  }
0x222: {  	v56 =	vld [tilespmem:$0x1F390]  }
0x223: {  	[tilespmem:v5+s17+$0x0] =	vst.idx.msk $0xffff, v2;
	v5 =	vld [tilespmem:$0x1F3A0];
	_ =	sdelay $0x6  }
0x224: {  	v2 =	vld.idx.msk [tilespmem:v56+s12+$0x0], $0xffff  }
0x225: {  	v3 =	vld.idx.msk [tilespmem:v5+s17+$0x0], $0xffff;
	_ =	sdelay $0x4  }
0x226: {  	v2 =	vadd.f32 v2, v3  }
0x227: {  	v13 =	vld [tilespmem:$0x1FE60]  }
0x228: {  	v2 =	vsub.f32 v2, v1  }
0x229: {  	v15 =	vld [tilespmem:$0x1FE70]  }
0x22a: {  	v2 =	vmul.f32 v2, v0;
	_ =	sdelay $0x1  }
0x22b: {  	v2 =	vmul.f32 v2, v13;
	_ =	sdelay $0x1  }
0x22c: {  	v2 =	vadd.f32 v2, v15  }
0x22d: {  	v57 =	vld [tilespmem:$0x1F3B0]  }
0x22e: {  	[tilespmem:v5+s17+$0x0] =	vst.idx.msk $0xffff, v2;
	v5 =	vld [tilespmem:$0x1F3C0];
	_ =	sdelay $0x6  }
0x22f: {  	v2 =	vld.idx.msk [tilespmem:v57+s12+$0x0], $0xffff  }
0x230: {  	v3 =	vld.idx.msk [tilespmem:v5+s17+$0x0], $0xffff;
	_ =	sdelay $0x4  }
0x231: {  	v2 =	vadd.f32 v2, v3  }
0x232: {  	v17 =	vld [tilespmem:$0x1FE80]  }
0x233: {  	v2 =	vsub.f32 v2, v1  }
0x234: {  	v19 =	vld [tilespmem:$0x1FE90]  }
0x235: {  	v2 =	vmul.f32 v2, v0;
	_ =	sdelay $0x1  }
0x236: {  	v2 =	vmul.f32 v2, v17;
	_ =	sdelay $0x1  }
0x237: {  	v2 =	vadd.f32 v2, v19  }
0x238: {  	v58 =	vld [tilespmem:$0x1F3D0]  }
0x239: {  	[tilespmem:v5+s17+$0x0] =	vst.idx.msk $0xffff, v2;
	v5 =	vld [tilespmem:$0x1F3E0];
	_ =	sdelay $0x6  }
0x23a: {  	v2 =	vld.idx.msk [tilespmem:v58+s12+$0x0], $0xffff  }
0x23b: {  	v3 =	vld.idx.msk [tilespmem:v5+s17+$0x0], $0xffff;
	_ =	sdelay $0x4  }
0x23c: {  	v2 =	vadd.f32 v2, v3  }
0x23d: {  	v3 =	vld [tilespmem:$0x1F8B0]  }
0x23e: {  	v2 =	vsub.f32 v2, v1;
	_ =	sdelay $0x1  }
0x23f: {  	v2 =	vmul.f32 v2, v0;
	_ =	sdelay $0x1  }
0x240: {  	v2 =	vmul.f32 v2, v3;
	v3 =	vld [tilespmem:$0x1F8C0];
	_ =	sdelay $0x4  }
0x241: {  	v2 =	vadd.f32 v2, v3  }
0x242: {  	v59 =	vld [tilespmem:$0x1F3F0]  }
0x243: {  	[tilespmem:v5+s17+$0x0] =	vst.idx.msk $0xffff, v2;
	v5 =	vld [tilespmem:$0x1F400];
	_ =	sdelay $0x6  }
0x244: {  	v2 =	vld.idx.msk [tilespmem:v59+s12+$0x0], $0xffff  }
0x245: {  	v3 =	vld.idx.msk [tilespmem:v5+s17+$0x0], $0xffff;
	_ =	sdelay $0x4  }
0x246: {  	v2 =	vadd.f32 v2, v3  }
0x247: {  	v3 =	vld [tilespmem:$0x1F8D0]  }
0x248: {  	v2 =	vsub.f32 v2, v1;
	_ =	sdelay $0x1  }
0x249: {  	v2 =	vmul.f32 v2, v0;
	_ =	sdelay $0x1  }
0x24a: {  	v2 =	vmul.f32 v2, v3;
	v3 =	vld [tilespmem:$0x1F8E0];
	_ =	sdelay $0x4  }
0x24b: {  	v2 =	vadd.f32 v2, v3  }
0x24c: {  	v60 =	vld [tilespmem:$0x1F410]  }
0x24d: {  	[tilespmem:v5+s17+$0x0] =	vst.idx.msk $0xffff, v2;
	v5 =	vld [tilespmem:$0x1F420];
	_ =	sdelay $0x6  }
0x24e: {  	v2 =	vld.idx.msk [tilespmem:v60+s12+$0x0], $0xffff  }
0x24f: {  	v3 =	vld.idx.msk [tilespmem:v5+s17+$0x0], $0xffff;
	_ =	sdelay $0x4  }
0x250: {  	v2 =	vadd.f32 v2, v3  }
0x251: {  	v3 =	vld [tilespmem:$0x1F8F0]  }
0x252: {  	v2 =	vsub.f32 v2, v1;
	_ =	sdelay $0x1  }
0x253: {  	v2 =	vmul.f32 v2, v0;
	_ =	sdelay $0x1  }
0x254: {  	v2 =	vmul.f32 v2, v3;
	v3 =	vld [tilespmem:$0x1F900];
	_ =	sdelay $0x4  }
0x255: {  	v2 =	vadd.f32 v2, v3  }
0x256: {  	v62 =	vld [tilespmem:$0x1F430]  }
0x257: {  	[tilespmem:v5+s17+$0x0] =	vst.idx.msk $0xffff, v2;
	v5 =	vld [tilespmem:$0x1F440];
	_ =	sdelay $0x6  }
0x258: {  	v2 =	vld.idx.msk [tilespmem:v62+s12+$0x0], $0xffff  }
0x259: {  	v3 =	vld.idx.msk [tilespmem:v5+s17+$0x0], $0xffff;
	_ =	sdelay $0x4  }
0x25a: {  	v2 =	vadd.f32 v2, v3  }
0x25b: {  	v3 =	vld [tilespmem:$0x1F910]  }
0x25c: {  	v2 =	vsub.f32 v2, v1;
	_ =	sdelay $0x1  }
0x25d: {  	v2 =	vmul.f32 v2, v0;
	_ =	sdelay $0x1  }
0x25e: {  	v2 =	vmul.f32 v2, v3;
	v3 =	vld [tilespmem:$0x1F920];
	_ =	sdelay $0x4  }
0x25f: {  	v2 =	vadd.f32 v2, v3  }
0x260: {  	v63 =	vld [tilespmem:$0x1F450]  }
0x261: {  	[tilespmem:v5+s17+$0x0] =	vst.idx.msk $0xffff, v2;
	v5 =	vld [tilespmem:$0x1F460];
	_ =	sdelay $0x6  }
0x262: {  	v2 =	vld.idx.msk [tilespmem:v63+s12+$0x0], $0xffff  }
0x263: {  	v3 =	vld.idx.msk [tilespmem:v5+s17+$0x0], $0xffff;
	_ =	sdelay $0x4  }
0x264: {  	v2 =	vadd.f32 v2, v3  }
0x265: {  	v3 =	vld [tilespmem:$0x1F930]  }
0x266: {  	v2 =	vsub.f32 v2, v1;
	_ =	sdelay $0x1  }
0x267: {  	v2 =	vmul.f32 v2, v0;
	_ =	sdelay $0x1  }
0x268: {  	v2 =	vmul.f32 v2, v3;
	v3 =	vld [tilespmem:$0x1F940];
	_ =	sdelay $0x4  }
0x269: {  	v2 =	vadd.f32 v2, v3  }
0x26a: {  	v12 =	vld [tilespmem:$0x1F470]  }
0x26b: {  	[tilespmem:v5+s17+$0x0] =	vst.idx.msk $0xffff, v2;
	v5 =	vld [tilespmem:$0x1F480];
	_ =	sdelay $0x6  }
0x26c: {  	v2 =	vld.idx.msk [tilespmem:v12+s12+$0x0], $0xffff  }
0x26d: {  	v3 =	vld.idx.msk [tilespmem:v5+s17+$0x0], $0xffff;
	_ =	sdelay $0x4  }
0x26e: {  	v2 =	vadd.f32 v2, v3  }
0x26f: {  	v3 =	vld [tilespmem:$0x1F950]  }
0x270: {  	v2 =	vsub.f32 v2, v1;
	_ =	sdelay $0x1  }
0x271: {  	v2 =	vmul.f32 v2, v0;
	_ =	sdelay $0x1  }
0x272: {  	v2 =	vmul.f32 v2, v3;
	v3 =	vld [tilespmem:$0x1F960];
	_ =	sdelay $0x4  }
0x273: {  	v2 =	vadd.f32 v2, v3  }
0x274: {  	v13 =	vld [tilespmem:$0x1F490]  }
0x275: {  	[tilespmem:v5+s17+$0x0] =	vst.idx.msk $0xffff, v2;
	v5 =	vld [tilespmem:$0x1F4A0];
	_ =	sdelay $0x6  }
0x276: {  	v2 =	vld.idx.msk [tilespmem:v13+s12+$0x0], $0xffff  }
0x277: {  	v3 =	vld.idx.msk [tilespmem:v5+s17+$0x0], $0xffff;
	_ =	sdelay $0x4  }
0x278: {  	v2 =	vadd.f32 v2, v3  }
0x279: {  	v3 =	vld [tilespmem:$0x1F970]  }
0x27a: {  	v2 =	vsub.f32 v2, v1;
	_ =	sdelay $0x1  }
0x27b: {  	v2 =	vmul.f32 v2, v0;
	_ =	sdelay $0x1  }
0x27c: {  	v2 =	vmul.f32 v2, v3;
	v3 =	vld [tilespmem:$0x1F980];
	_ =	sdelay $0x4  }
0x27d: {  	v2 =	vadd.f32 v2, v3  }
0x27e: {  	v14 =	vld [tilespmem:$0x1F4B0]  }
0x27f: {  	[tilespmem:v5+s17+$0x0] =	vst.idx.msk $0xffff, v2;
	v5 =	vld [tilespmem:$0x1F4C0];
	_ =	sdelay $0x6  }
0x280: {  	v2 =	vld.idx.msk [tilespmem:v14+s12+$0x0], $0xffff  }
0x281: {  	v3 =	vld.idx.msk [tilespmem:v5+s17+$0x0], $0xffff;
	_ =	sdelay $0x4  }
0x282: {  	v2 =	vadd.f32 v2, v3  }
0x283: {  	v3 =	vld [tilespmem:$0x1F990]  }
0x284: {  	v2 =	vsub.f32 v2, v1;
	_ =	sdelay $0x1  }
0x285: {  	v2 =	vmul.f32 v2, v0;
	_ =	sdelay $0x1  }
0x286: {  	v2 =	vmul.f32 v2, v3;
	v3 =	vld [tilespmem:$0x1F9A0];
	_ =	sdelay $0x4  }
0x287: {  	v2 =	vadd.f32 v2, v3  }
0x288: {  	v15 =	vld [tilespmem:$0x1F4D0]  }
0x289: {  	[tilespmem:v5+s17+$0x0] =	vst.idx.msk $0xffff, v2;
	v5 =	vld [tilespmem:$0x1F4E0];
	_ =	sdelay $0x6  }
0x28a: {  	v2 =	vld.idx.msk [tilespmem:v15+s12+$0x0], $0xffff  }
0x28b: {  	v3 =	vld.idx.msk [tilespmem:v5+s17+$0x0], $0xffff;
	_ =	sdelay $0x4  }
0x28c: {  	v2 =	vadd.f32 v2, v3  }
0x28d: {  	v3 =	vld [tilespmem:$0x1F9B0]  }
0x28e: {  	v2 =	vsub.f32 v2, v1;
	_ =	sdelay $0x1  }
0x28f: {  	v2 =	vmul.f32 v2, v0;
	_ =	sdelay $0x1  }
0x290: {  	v2 =	vmul.f32 v2, v3;
	v3 =	vld [tilespmem:$0x1F9C0];
	_ =	sdelay $0x4  }
0x291: {  	v2 =	vadd.f32 v2, v3  }
0x292: {  	v16 =	vld [tilespmem:$0x1F4F0]  }
0x293: {  	[tilespmem:v5+s17+$0x0] =	vst.idx.msk $0xffff, v2;
	v5 =	vld [tilespmem:$0x1F500];
	_ =	sdelay $0x6  }
0x294: {  	v2 =	vld.idx.msk [tilespmem:v16+s12+$0x0], $0xffff  }
0x295: {  	v3 =	vld.idx.msk [tilespmem:v5+s17+$0x0], $0xffff;
	_ =	sdelay $0x4  }
0x296: {  	v2 =	vadd.f32 v2, v3  }
0x297: {  	v3 =	vld [tilespmem:$0x1F9D0]  }
0x298: {  	v2 =	vsub.f32 v2, v1;
	_ =	sdelay $0x1  }
0x299: {  	v2 =	vmul.f32 v2, v0;
	_ =	sdelay $0x1  }
0x29a: {  	v2 =	vmul.f32 v2, v3;
	v3 =	vld [tilespmem:$0x1F9E0];
	_ =	sdelay $0x4  }
0x29b: {  	v2 =	vadd.f32 v2, v3  }
0x29c: {  	v17 =	vld [tilespmem:$0x1F510]  }
0x29d: {  	[tilespmem:v5+s17+$0x0] =	vst.idx.msk $0xffff, v2;
	v5 =	vld [tilespmem:$0x1F520];
	_ =	sdelay $0x6  }
0x29e: {  	v2 =	vld.idx.msk [tilespmem:v17+s12+$0x0], $0xffff  }
0x29f: {  	v3 =	vld.idx.msk [tilespmem:v5+s17+$0x0], $0xffff;
	_ =	sdelay $0x4  }
0x2a0: {  	v2 =	vadd.f32 v2, v3  }
0x2a1: {  	v3 =	vld [tilespmem:$0x1F9F0]  }
0x2a2: {  	v2 =	vsub.f32 v2, v1;
	_ =	sdelay $0x1  }
0x2a3: {  	v2 =	vmul.f32 v2, v0;
	_ =	sdelay $0x1  }
0x2a4: {  	v2 =	vmul.f32 v2, v3;
	v3 =	vld [tilespmem:$0x1FA00];
	_ =	sdelay $0x4  }
0x2a5: {  	v2 =	vadd.f32 v2, v3  }
0x2a6: {  	v18 =	vld [tilespmem:$0x1F530]  }
0x2a7: {  	[tilespmem:v5+s17+$0x0] =	vst.idx.msk $0xffff, v2;
	v5 =	vld [tilespmem:$0x1F540];
	_ =	sdelay $0x6  }
0x2a8: {  	v2 =	vld.idx.msk [tilespmem:v18+s12+$0x0], $0xffff  }
0x2a9: {  	v3 =	vld.idx.msk [tilespmem:v5+s17+$0x0], $0xffff;
	_ =	sdelay $0x4  }
0x2aa: {  	v2 =	vadd.f32 v2, v3  }
0x2ab: {  	v3 =	vld [tilespmem:$0x1FA10]  }
0x2ac: {  	v2 =	vsub.f32 v2, v1;
	_ =	sdelay $0x1  }
0x2ad: {  	v2 =	vmul.f32 v2, v0;
	_ =	sdelay $0x1  }
0x2ae: {  	v2 =	vmul.f32 v2, v3;
	v3 =	vld [tilespmem:$0x1FA30];
	_ =	sdelay $0x4  }
0x2af: {  	v2 =	vadd.f32 v2, v3  }
0x2b0: {  	v19 =	vld [tilespmem:$0x1F550]  }
0x2b1: {  	[tilespmem:v5+s17+$0x0] =	vst.idx.msk $0xffff, v2;
	v5 =	vld [tilespmem:$0x1F560];
	_ =	sdelay $0x6  }
0x2b2: {  	v2 =	vld.idx.msk [tilespmem:v19+s12+$0x0], $0xffff  }
0x2b3: {  	v3 =	vld.idx.msk [tilespmem:v5+s17+$0x0], $0xffff;
	_ =	sdelay $0x4  }
0x2b4: {  	v2 =	vadd.f32 v2, v3  }
0x2b5: {  	v3 =	vld [tilespmem:$0x1FA20]  }
0x2b6: {  	v2 =	vsub.f32 v2, v1;
	_ =	sdelay $0x1  }
0x2b7: {  	v2 =	vmul.f32 v2, v0;
	_ =	sdelay $0x1  }
0x2b8: {  	v2 =	vmul.f32 v2, v3;
	v3 =	vld [tilespmem:$0x1FA40];
	_ =	sdelay $0x4  }
0x2b9: {  	v2 =	vadd.f32 v2, v3  }
0x2ba: {  	v20 =	vld [tilespmem:$0x1F570]  }
0x2bb: {  	[tilespmem:v5+s17+$0x0] =	vst.idx.msk $0xffff, v2;
	v5 =	vld [tilespmem:$0x1F580];
	_ =	sdelay $0x6  }
0x2bc: {  	v2 =	vld.idx.msk [tilespmem:v20+s12+$0x0], $0xffff  }
0x2bd: {  	v3 =	vld.idx.msk [tilespmem:v5+s17+$0x0], $0xffff;
	_ =	sdelay $0x4  }
0x2be: {  	v2 =	vadd.f32 v2, v3  }
0x2bf: {  	v3 =	vld [tilespmem:$0x1FA50]  }
0x2c0: {  	v2 =	vsub.f32 v2, v1;
	_ =	sdelay $0x1  }
0x2c1: {  	v2 =	vmul.f32 v2, v0;
	_ =	sdelay $0x1  }
0x2c2: {  	v2 =	vmul.f32 v2, v3;
	v3 =	vld [tilespmem:$0x1FA80];
	_ =	sdelay $0x4  }
0x2c3: {  	v2 =	vadd.f32 v2, v3  }
0x2c4: {  	v21 =	vld [tilespmem:$0x1F590]  }
0x2c5: {  	[tilespmem:v5+s17+$0x0] =	vst.idx.msk $0xffff, v2;
	v5 =	vld [tilespmem:$0x1F5A0];
	_ =	sdelay $0x6  }
0x2c6: {  	v2 =	vld.idx.msk [tilespmem:v21+s12+$0x0], $0xffff  }
0x2c7: {  	v3 =	vld.idx.msk [tilespmem:v5+s17+$0x0], $0xffff;
	_ =	sdelay $0x4  }
0x2c8: {  	v2 =	vadd.f32 v2, v3  }
0x2c9: {  	v3 =	vld [tilespmem:$0x1FA60]  }
0x2ca: {  	v2 =	vsub.f32 v2, v1;
	_ =	sdelay $0x1  }
0x2cb: {  	v2 =	vmul.f32 v2, v0;
	_ =	sdelay $0x1  }
0x2cc: {  	v2 =	vmul.f32 v2, v3;
	v3 =	vld [tilespmem:$0x1FA90];
	_ =	sdelay $0x4  }
0x2cd: {  	v2 =	vadd.f32 v2, v3  }
0x2ce: {  	v3 =	vld [tilespmem:$0x1F5C0]  }
0x2cf: {  	[tilespmem:v5+s17+$0x0] =	vst.idx.msk $0xffff, v2;
	v5 =	vld [tilespmem:$0x1F5B0];
	_ =	sdelay $0x6  }
0x2d0: {  	v3 =	vld.idx.msk [tilespmem:v3+s12+$0x0], $0xffff  }
0x2d1: {  	v2 =	vld.idx.msk [tilespmem:v5+s17+$0x0], $0xffff;
	_ =	sdelay $0x4  }
0x2d2: {  	v2 =	vadd.f32 v3, v2  }
0x2d3: {  	v3 =	vld [tilespmem:$0x1FA70]  }
0x2d4: {  	v2 =	vsub.f32 v2, v1;
	_ =	sdelay $0x1  }
0x2d5: {  	v2 =	vmul.f32 v2, v0;
	_ =	sdelay $0x1  }
0x2d6: {  	v2 =	vmul.f32 v2, v3;
	v3 =	vld [tilespmem:$0x1FAA0];
	_ =	sdelay $0x4  }
0x2d7: {  	v2 =	vadd.f32 v2, v3;
	v3 =	vld [tilespmem:$0x1F5D0];
	_ =	sdelay $0x5  }
0x2d8: {  	[tilespmem:v5+s17+$0x0] =	vst.idx.msk $0xffff, v2  }
0x2d9: {  	v2 =	vld.idx.msk [tilespmem:v27+s17+$0x0], $0xffff  }
0x2da: {  	v3 =	vld.idx.msk [tilespmem:v3+s12+$0x0], $0xffff;
	_ =	sdelay $0x4  }
0x2db: {  	v2 =	vadd.f32 v3, v2  }
0x2dc: {  	v22 =	vld [tilespmem:$0x1FEA0]  }
0x2dd: {  	v2 =	vsub.f32 v2, v1  }
0x2de: {  	v3 =	vld [tilespmem:$0x1FAB0]  }
0x2df: {  	v2 =	vmul.f32 v2, v0;
	_ =	sdelay $0x1  }
0x2e0: {  	v2 =	vmul.f32 v2, v22;
	_ =	sdelay $0x1  }
0x2e1: {  	v2 =	vadd.f32 v2, v3;
	v3 =	vld [tilespmem:$0x1F5E0];
	_ =	sdelay $0x5  }
0x2e2: {  	[tilespmem:v27+s17+$0x0] =	vst.idx.msk $0xffff, v2  }
0x2e3: {  	v2 =	vld.idx.msk [tilespmem:v28+s17+$0x0], $0xffff  }
0x2e4: {  	v3 =	vld.idx.msk [tilespmem:v3+s12+$0x0], $0xffff;
	_ =	sdelay $0x4  }
0x2e5: {  	v2 =	vadd.f32 v3, v2  }
0x2e6: {  	v23 =	vld [tilespmem:$0x1FEB0]  }
0x2e7: {  	v2 =	vsub.f32 v2, v1  }
0x2e8: {  	v3 =	vld [tilespmem:$0x1FAC0]  }
0x2e9: {  	v2 =	vmul.f32 v2, v0;
	_ =	sdelay $0x1  }
0x2ea: {  	v2 =	vmul.f32 v2, v23;
	_ =	sdelay $0x1  }
0x2eb: {  	v2 =	vadd.f32 v2, v3;
	v3 =	vld [tilespmem:$0x1F5F0];
	_ =	sdelay $0x5  }
0x2ec: {  	[tilespmem:v28+s17+$0x0] =	vst.idx.msk $0xffff, v2  }
0x2ed: {  	v2 =	vld.idx.msk [tilespmem:v29+s17+$0x0], $0xffff  }
0x2ee: {  	v3 =	vld.idx.msk [tilespmem:v3+s12+$0x0], $0xffff;
	_ =	sdelay $0x4  }
0x2ef: {  	v2 =	vadd.f32 v3, v2  }
0x2f0: {  	v24 =	vld [tilespmem:$0x1FEC0]  }
0x2f1: {  	v2 =	vsub.f32 v2, v1  }
0x2f2: {  	v3 =	vld [tilespmem:$0x1FAD0]  }
0x2f3: {  	v2 =	vmul.f32 v2, v0;
	_ =	sdelay $0x1  }
0x2f4: {  	v2 =	vmul.f32 v2, v24;
	_ =	sdelay $0x1  }
0x2f5: {  	v2 =	vadd.f32 v2, v3;
	v3 =	vld [tilespmem:$0x1F600];
	_ =	sdelay $0x5  }
0x2f6: {  	[tilespmem:v29+s17+$0x0] =	vst.idx.msk $0xffff, v2  }
0x2f7: {  	v2 =	vld.idx.msk [tilespmem:v30+s17+$0x0], $0xffff  }
0x2f8: {  	v3 =	vld.idx.msk [tilespmem:v3+s12+$0x0], $0xffff;
	_ =	sdelay $0x4  }
0x2f9: {  	v2 =	vadd.f32 v3, v2  }
0x2fa: {  	v25 =	vld [tilespmem:$0x1FED0]  }
0x2fb: {  	v2 =	vsub.f32 v2, v1  }
0x2fc: {  	v3 =	vld [tilespmem:$0x1FAE0]  }
0x2fd: {  	v2 =	vmul.f32 v2, v0;
	_ =	sdelay $0x1  }
0x2fe: {  	v2 =	vmul.f32 v2, v25;
	_ =	sdelay $0x1  }
0x2ff: {  	v2 =	vadd.f32 v2, v3;
	v3 =	vld [tilespmem:$0x1F610];
	_ =	sdelay $0x5  }
0x300: {  	[tilespmem:v30+s17+$0x0] =	vst.idx.msk $0xffff, v2  }
0x301: {  	v2 =	vld.idx.msk [tilespmem:v31+s17+$0x0], $0xffff  }
0x302: {  	v3 =	vld.idx.msk [tilespmem:v3+s12+$0x0], $0xffff;
	_ =	sdelay $0x4  }
0x303: {  	v2 =	vadd.f32 v3, v2  }
0x304: {  	v26 =	vld [tilespmem:$0x1FEE0]  }
0x305: {  	v2 =	vsub.f32 v2, v1  }
0x306: {  	v3 =	vld [tilespmem:$0x1FAF0]  }
0x307: {  	v2 =	vmul.f32 v2, v0;
	_ =	sdelay $0x1  }
0x308: {  	v2 =	vmul.f32 v2, v26;
	_ =	sdelay $0x1  }
0x309: {  	v2 =	vadd.f32 v2, v3;
	v3 =	vld [tilespmem:$0x1F620];
	_ =	sdelay $0x5  }
0x30a: {  	[tilespmem:v31+s17+$0x0] =	vst.idx.msk $0xffff, v2  }
0x30b: {  	v2 =	vld.idx.msk [tilespmem:v32+s17+$0x0], $0xffff  }
0x30c: {  	v3 =	vld.idx.msk [tilespmem:v3+s12+$0x0], $0xffff;
	_ =	sdelay $0x4  }
0x30d: {  	v2 =	vadd.f32 v3, v2  }
0x30e: {  	v27 =	vld [tilespmem:$0x1FEF0]  }
0x30f: {  	v2 =	vsub.f32 v2, v1  }
0x310: {  	v3 =	vld [tilespmem:$0x1FB00]  }
0x311: {  	v2 =	vmul.f32 v2, v0;
	_ =	sdelay $0x1  }
0x312: {  	v2 =	vmul.f32 v2, v27;
	_ =	sdelay $0x1  }
0x313: {  	v2 =	vadd.f32 v2, v3;
	v3 =	vld [tilespmem:$0x1F630];
	_ =	sdelay $0x5  }
0x314: {  	[tilespmem:v32+s17+$0x0] =	vst.idx.msk $0xffff, v2  }
0x315: {  	v2 =	vld.idx.msk [tilespmem:v33+s17+$0x0], $0xffff  }
0x316: {  	v3 =	vld.idx.msk [tilespmem:v3+s12+$0x0], $0xffff;
	_ =	sdelay $0x4  }
0x317: {  	v2 =	vadd.f32 v3, v2  }
0x318: {  	v29 =	vld [tilespmem:$0x1FF00]  }
0x319: {  	v2 =	vsub.f32 v2, v1  }
0x31a: {  	v3 =	vld [tilespmem:$0x1FB10]  }
0x31b: {  	v2 =	vmul.f32 v2, v0;
	_ =	sdelay $0x1  }
0x31c: {  	v2 =	vmul.f32 v2, v29;
	_ =	sdelay $0x1  }
0x31d: {  	v2 =	vadd.f32 v2, v3;
	v3 =	vld [tilespmem:$0x1F640];
	_ =	sdelay $0x5  }
0x31e: {  	[tilespmem:v33+s17+$0x0] =	vst.idx.msk $0xffff, v2  }
0x31f: {  	v2 =	vld.idx.msk [tilespmem:v34+s17+$0x0], $0xffff  }
0x320: {  	v3 =	vld.idx.msk [tilespmem:v3+s12+$0x0], $0xffff;
	_ =	sdelay $0x4  }
0x321: {  	v2 =	vadd.f32 v3, v2  }
0x322: {  	v39 =	vld [tilespmem:$0x1FF10]  }
0x323: {  	v2 =	vsub.f32 v2, v1  }
0x324: {  	v3 =	vld [tilespmem:$0x1FB20]  }
0x325: {  	v2 =	vmul.f32 v2, v0;
	_ =	sdelay $0x1  }
0x326: {  	v2 =	vmul.f32 v2, v39;
	_ =	sdelay $0x1  }
0x327: {  	v2 =	vadd.f32 v2, v3;
	v3 =	vld [tilespmem:$0x1F650];
	_ =	sdelay $0x5  }
0x328: {  	[tilespmem:v34+s17+$0x0] =	vst.idx.msk $0xffff, v2  }
0x329: {  	v2 =	vld.idx.msk [tilespmem:v35+s17+$0x0], $0xffff  }
0x32a: {  	v3 =	vld.idx.msk [tilespmem:v3+s12+$0x0], $0xffff;
	_ =	sdelay $0x4  }
0x32b: {  	v2 =	vadd.f32 v3, v2  }
0x32c: {  	v42 =	vld [tilespmem:$0x1FF20]  }
0x32d: {  	v2 =	vsub.f32 v2, v1  }
0x32e: {  	v3 =	vld [tilespmem:$0x1FB30]  }
0x32f: {  	v2 =	vmul.f32 v2, v0;
	_ =	sdelay $0x1  }
0x330: {  	v2 =	vmul.f32 v2, v42;
	_ =	sdelay $0x1  }
0x331: {  	v2 =	vadd.f32 v2, v3;
	v3 =	vld [tilespmem:$0x1F660];
	_ =	sdelay $0x5  }
0x332: {  	[tilespmem:v35+s17+$0x0] =	vst.idx.msk $0xffff, v2  }
0x333: {  	v2 =	vld.idx.msk [tilespmem:v36+s17+$0x0], $0xffff  }
0x334: {  	v3 =	vld.idx.msk [tilespmem:v3+s12+$0x0], $0xffff;
	_ =	sdelay $0x4  }
0x335: {  	v2 =	vadd.f32 v3, v2  }
0x336: {  	v46 =	vld [tilespmem:$0x1FF30]  }
0x337: {  	v2 =	vsub.f32 v2, v1  }
0x338: {  	v3 =	vld [tilespmem:$0x1FB40]  }
0x339: {  	v2 =	vmul.f32 v2, v0;
	_ =	sdelay $0x1  }
0x33a: {  	v2 =	vmul.f32 v2, v46;
	_ =	sdelay $0x1  }
0x33b: {  	v2 =	vadd.f32 v2, v3;
	v3 =	vld [tilespmem:$0x1F670];
	_ =	sdelay $0x5  }
0x33c: {  	[tilespmem:v36+s17+$0x0] =	vst.idx.msk $0xffff, v2  }
0x33d: {  	v2 =	vld.idx.msk [tilespmem:v37+s17+$0x0], $0xffff  }
0x33e: {  	v3 =	vld.idx.msk [tilespmem:v3+s12+$0x0], $0xffff;
	_ =	sdelay $0x4  }
0x33f: {  	v2 =	vadd.f32 v3, v2  }
0x340: {  	v47 =	vld [tilespmem:$0x1FF40]  }
0x341: {  	v2 =	vsub.f32 v2, v1  }
0x342: {  	v3 =	vld [tilespmem:$0x1FB50]  }
0x343: {  	v2 =	vmul.f32 v2, v0;
	_ =	sdelay $0x1  }
0x344: {  	v2 =	vmul.f32 v2, v47;
	_ =	sdelay $0x1  }
0x345: {  	v2 =	vadd.f32 v2, v3;
	v3 =	vld [tilespmem:$0x1F680];
	_ =	sdelay $0x5  }
0x346: {  	[tilespmem:v37+s17+$0x0] =	vst.idx.msk $0xffff, v2  }
0x347: {  	v2 =	vld.idx.msk [tilespmem:v38+s17+$0x0], $0xffff  }
0x348: {  	v3 =	vld.idx.msk [tilespmem:v3+s12+$0x0], $0xffff;
	_ =	sdelay $0x4  }
0x349: {  	v2 =	vadd.f32 v3, v2  }
0x34a: {  	v48 =	vld [tilespmem:$0x1FF50]  }
0x34b: {  	v2 =	vsub.f32 v2, v1  }
0x34c: {  	v3 =	vld [tilespmem:$0x1FB60]  }
0x34d: {  	v2 =	vmul.f32 v2, v0;
	_ =	sdelay $0x1  }
0x34e: {  	v2 =	vmul.f32 v2, v48  }
0x34f: {  	v5 =	vld [tilespmem:$0x1F690]  }
0x350: {  	v2 =	vadd.f32 v2, v3;
	v3 =	vld [tilespmem:$0x1F6A0];
	_ =	sdelay $0x5  }
0x351: {  	[tilespmem:v38+s17+$0x0] =	vst.idx.msk $0xffff, v2  }
0x352: {  	v2 =	vld.idx.msk [tilespmem:v5+s17+$0x0], $0xffff  }
0x353: {  	v3 =	vld.idx.msk [tilespmem:v3+s12+$0x0], $0xffff;
	_ =	sdelay $0x4  }
0x354: {  	v2 =	vadd.f32 v3, v2  }
0x355: {  	v49 =	vld [tilespmem:$0x1FF60]  }
0x356: {  	v2 =	vsub.f32 v2, v1  }
0x357: {  	v3 =	vld [tilespmem:$0x1FB70]  }
0x358: {  	v2 =	vmul.f32 v2, v0;
	_ =	sdelay $0x1  }
0x359: {  	v2 =	vmul.f32 v2, v49;
	_ =	sdelay $0x1  }
0x35a: {  	v2 =	vadd.f32 v2, v3;
	v3 =	vld [tilespmem:$0x1F6B0];
	_ =	sdelay $0x5  }
0x35b: {  	[tilespmem:v5+s17+$0x0] =	vst.idx.msk $0xffff, v2  }
0x35c: {  	v2 =	vld.idx.msk [tilespmem:v40+s17+$0x0], $0xffff  }
0x35d: {  	v3 =	vld.idx.msk [tilespmem:v3+s12+$0x0], $0xffff;
	_ =	sdelay $0x4  }
0x35e: {  	v2 =	vadd.f32 v3, v2  }
0x35f: {  	v3 =	vld [tilespmem:$0x1FB80]  }
0x360: {  	v2 =	vsub.f32 v2, v1;
	_ =	sdelay $0x1  }
0x361: {  	v2 =	vmul.f32 v2, v0;
	_ =	sdelay $0x1  }
0x362: {  	v2 =	vmul.f32 v2, v3;
	v3 =	vld [tilespmem:$0x1FC00];
	_ =	sdelay $0x4  }
0x363: {  	v2 =	vadd.f32 v2, v3;
	v3 =	vld [tilespmem:$0x1F6C0];
	_ =	sdelay $0x5  }
0x364: {  	[tilespmem:v40+s17+$0x0] =	vst.idx.msk $0xffff, v2  }
0x365: {  	v2 =	vld.idx.msk [tilespmem:v41+s17+$0x0], $0xffff  }
0x366: {  	v3 =	vld.idx.msk [tilespmem:v3+s12+$0x0], $0xffff;
	_ =	sdelay $0x4  }
0x367: {  	v2 =	vadd.f32 v3, v2  }
0x368: {  	v50 =	vld [tilespmem:$0x1FF70]  }
0x369: {  	v2 =	vsub.f32 v2, v1  }
0x36a: {  	v3 =	vld [tilespmem:$0x1FC10]  }
0x36b: {  	v2 =	vmul.f32 v2, v0;
	_ =	sdelay $0x1  }
0x36c: {  	v2 =	vmul.f32 v2, v50  }
0x36d: {  	v5 =	vld [tilespmem:$0x1F6D0]  }
0x36e: {  	v2 =	vadd.f32 v2, v3;
	v3 =	vld [tilespmem:$0x1F6E0];
	_ =	sdelay $0x5  }
0x36f: {  	[tilespmem:v41+s17+$0x0] =	vst.idx.msk $0xffff, v2  }
0x370: {  	v2 =	vld.idx.msk [tilespmem:v5+s17+$0x0], $0xffff  }
0x371: {  	v3 =	vld.idx.msk [tilespmem:v3+s12+$0x0], $0xffff;
	_ =	sdelay $0x4  }
0x372: {  	v2 =	vadd.f32 v3, v2  }
0x373: {  	v52 =	vld [tilespmem:$0x1FF80]  }
0x374: {  	v2 =	vsub.f32 v2, v1  }
0x375: {  	v3 =	vld [tilespmem:$0x1FC20]  }
0x376: {  	v2 =	vmul.f32 v2, v0;
	_ =	sdelay $0x1  }
0x377: {  	v2 =	vmul.f32 v2, v52;
	_ =	sdelay $0x1  }
0x378: {  	v2 =	vadd.f32 v2, v3  }
0x379: {  	v3 =	vld [tilespmem:$0x1F700]  }
0x37a: {  	[tilespmem:v5+s17+$0x0] =	vst.idx.msk $0xffff, v2;
	v5 =	vld [tilespmem:$0x1F6F0];
	_ =	sdelay $0x6  }
0x37b: {  	v3 =	vld.idx.msk [tilespmem:v3+s12+$0x0], $0xffff  }
0x37c: {  	v2 =	vld.idx.msk [tilespmem:v5+s17+$0x0], $0xffff;
	_ =	sdelay $0x4  }
0x37d: {  	v2 =	vadd.f32 v3, v2  }
0x37e: {  	v3 =	vld [tilespmem:$0x1FB90]  }
0x37f: {  	v2 =	vsub.f32 v2, v1;
	_ =	sdelay $0x1  }
0x380: {  	v2 =	vmul.f32 v2, v0;
	_ =	sdelay $0x1  }
0x381: {  	v2 =	vmul.f32 v2, v3;
	v3 =	vld [tilespmem:$0x1FC30];
	_ =	sdelay $0x4  }
0x382: {  	v2 =	vadd.f32 v2, v3;
	v3 =	vld [tilespmem:$0x1F710];
	_ =	sdelay $0x5  }
0x383: {  	[tilespmem:v5+s17+$0x0] =	vst.idx.msk $0xffff, v2  }
0x384: {  	v2 =	vld.idx.msk [tilespmem:v44+s17+$0x0], $0xffff  }
0x385: {  	v3 =	vld.idx.msk [tilespmem:v3+s12+$0x0], $0xffff;
	_ =	sdelay $0x4  }
0x386: {  	v2 =	vadd.f32 v3, v2  }
0x387: {  	v3 =	vld [tilespmem:$0x1FBA0]  }
0x388: {  	v2 =	vsub.f32 v2, v1;
	_ =	sdelay $0x1  }
0x389: {  	v2 =	vmul.f32 v2, v0;
	_ =	sdelay $0x1  }
0x38a: {  	v2 =	vmul.f32 v2, v3;
	v3 =	vld [tilespmem:$0x1FC40];
	_ =	sdelay $0x4  }
0x38b: {  	v2 =	vadd.f32 v2, v3;
	v3 =	vld [tilespmem:$0x1F720];
	_ =	sdelay $0x5  }
0x38c: {  	[tilespmem:v44+s17+$0x0] =	vst.idx.msk $0xffff, v2  }
0x38d: {  	v2 =	vld.idx.msk [tilespmem:v45+s17+$0x0], $0xffff  }
0x38e: {  	v3 =	vld.idx.msk [tilespmem:v3+s12+$0x0], $0xffff;
	_ =	sdelay $0x4  }
0x38f: {  	v2 =	vadd.f32 v3, v2  }
0x390: {  	v55 =	vld [tilespmem:$0x1FF90]  }
0x391: {  	v2 =	vsub.f32 v2, v1  }
0x392: {  	v3 =	vld [tilespmem:$0x1FC50]  }
0x393: {  	v2 =	vmul.f32 v2, v0;
	_ =	sdelay $0x1  }
0x394: {  	v2 =	vmul.f32 v2, v55  }
0x395: {  	v5 =	vld [tilespmem:$0x1F730]  }
0x396: {  	v2 =	vadd.f32 v2, v3;
	v3 =	vld [tilespmem:$0x1F740];
	_ =	sdelay $0x5  }
0x397: {  	[tilespmem:v45+s17+$0x0] =	vst.idx.msk $0xffff, v2  }
0x398: {  	v2 =	vld.idx.msk [tilespmem:v5+s17+$0x0], $0xffff  }
0x399: {  	v3 =	vld.idx.msk [tilespmem:v3+s12+$0x0], $0xffff;
	_ =	sdelay $0x4  }
0x39a: {  	v2 =	vadd.f32 v3, v2  }
0x39b: {  	v56 =	vld [tilespmem:$0x1FFA0]  }
0x39c: {  	v2 =	vsub.f32 v2, v1  }
0x39d: {  	v3 =	vld [tilespmem:$0x1FC60]  }
0x39e: {  	v2 =	vmul.f32 v2, v0;
	_ =	sdelay $0x1  }
0x39f: {  	v2 =	vmul.f32 v2, v56;
	_ =	sdelay $0x1  }
0x3a0: {  	v2 =	vadd.f32 v2, v3  }
0x3a1: {  	v3 =	vld [tilespmem:$0x1F760]  }
0x3a2: {  	[tilespmem:v5+s17+$0x0] =	vst.idx.msk $0xffff, v2;
	v5 =	vld [tilespmem:$0x1F750];
	_ =	sdelay $0x6  }
0x3a3: {  	v3 =	vld.idx.msk [tilespmem:v3+s12+$0x0], $0xffff  }
0x3a4: {  	v2 =	vld.idx.msk [tilespmem:v5+s17+$0x0], $0xffff;
	_ =	sdelay $0x4  }
0x3a5: {  	v2 =	vadd.f32 v3, v2  }
0x3a6: {  	v3 =	vld [tilespmem:$0x1FBB0]  }
0x3a7: {  	v2 =	vsub.f32 v2, v1;
	_ =	sdelay $0x1  }
0x3a8: {  	v2 =	vmul.f32 v2, v0;
	_ =	sdelay $0x1  }
0x3a9: {  	v2 =	vmul.f32 v2, v3;
	v3 =	vld [tilespmem:$0x1FC70];
	_ =	sdelay $0x4  }
0x3aa: {  	v2 =	vadd.f32 v2, v3  }
0x3ab: {  	v3 =	vld [tilespmem:$0x1F780]  }
0x3ac: {  	[tilespmem:v5+s17+$0x0] =	vst.idx.msk $0xffff, v2;
	v5 =	vld [tilespmem:$0x1F770];
	_ =	sdelay $0x6  }
0x3ad: {  	v3 =	vld.idx.msk [tilespmem:v3+s12+$0x0], $0xffff  }
0x3ae: {  	v2 =	vld.idx.msk [tilespmem:v5+s17+$0x0], $0xffff;
	_ =	sdelay $0x4  }
0x3af: {  	v2 =	vadd.f32 v3, v2  }
0x3b0: {  	v3 =	vld [tilespmem:$0x1FBC0]  }
0x3b1: {  	v2 =	vsub.f32 v2, v1;
	_ =	sdelay $0x1  }
0x3b2: {  	v2 =	vmul.f32 v2, v0;
	_ =	sdelay $0x1  }
0x3b3: {  	v2 =	vmul.f32 v2, v3;
	v3 =	vld [tilespmem:$0x1FC80];
	_ =	sdelay $0x4  }
0x3b4: {  	v2 =	vadd.f32 v2, v3;
	v3 =	vld [tilespmem:$0x1F790];
	_ =	sdelay $0x5  }
0x3b5: {  	[tilespmem:v5+s17+$0x0] =	vst.idx.msk $0xffff, v2  }
0x3b6: {  	v2 =	vld.idx.msk [tilespmem:v43+s17+$0x0], $0xffff  }
0x3b7: {  	v3 =	vld.idx.msk [tilespmem:v3+s12+$0x0], $0xffff;
	_ =	sdelay $0x4  }
0x3b8: {  	v2 =	vadd.f32 v3, v2  }
0x3b9: {  	v3 =	vld [tilespmem:$0x1FBD0]  }
0x3ba: {  	v2 =	vsub.f32 v2, v1;
	_ =	sdelay $0x1  }
0x3bb: {  	v2 =	vmul.f32 v2, v0;
	_ =	sdelay $0x1  }
0x3bc: {  	v2 =	vmul.f32 v2, v3;
	v3 =	vld [tilespmem:$0x1FC90];
	_ =	sdelay $0x3  }
0x3bd: {  	v5 =	vld [tilespmem:$0x1F7A0]  }
0x3be: {  	v2 =	vadd.f32 v2, v3;
	v3 =	vld [tilespmem:$0x1F7B0];
	_ =	sdelay $0x5  }
0x3bf: {  	[tilespmem:v43+s17+$0x0] =	vst.idx.msk $0xffff, v2  }
0x3c0: {  	v2 =	vld.idx.msk [tilespmem:v5+s17+$0x0], $0xffff  }
0x3c1: {  	v3 =	vld.idx.msk [tilespmem:v3+s12+$0x0], $0xffff;
	_ =	sdelay $0x4  }
0x3c2: {  	v2 =	vadd.f32 v3, v2  }
0x3c3: {  	v57 =	vld [tilespmem:$0x1FFB0]  }
0x3c4: {  	v2 =	vsub.f32 v2, v1  }
0x3c5: {  	v3 =	vld [tilespmem:$0x1FCA0]  }
0x3c6: {  	v2 =	vmul.f32 v2, v0;
	_ =	sdelay $0x1  }
0x3c7: {  	v2 =	vmul.f32 v2, v57;
	_ =	sdelay $0x1  }
0x3c8: {  	v2 =	vadd.f32 v2, v3;
	v3 =	vld [tilespmem:$0x1F7C0];
	_ =	sdelay $0x5  }
0x3c9: {  	[tilespmem:v5+s17+$0x0] =	vst.idx.msk $0xffff, v2  }
0x3ca: {  	v2 =	vld.idx.msk [tilespmem:v51+s17+$0x0], $0xffff  }
0x3cb: {  	v3 =	vld.idx.msk [tilespmem:v3+s12+$0x0], $0xffff;
	_ =	sdelay $0x4  }
0x3cc: {  	v2 =	vadd.f32 v3, v2  }
0x3cd: {  	v3 =	vld [tilespmem:$0x1FBE0]  }
0x3ce: {  	v2 =	vsub.f32 v2, v1;
	_ =	sdelay $0x1  }
0x3cf: {  	v2 =	vmul.f32 v2, v0;
	_ =	sdelay $0x1  }
0x3d0: {  	v2 =	vmul.f32 v2, v3;
	v3 =	vld [tilespmem:$0x1FCB0];
	_ =	sdelay $0x3  }
0x3d1: {  	v5 =	vld [tilespmem:$0x1F7D0]  }
0x3d2: {  	v2 =	vadd.f32 v2, v3;
	v3 =	vld [tilespmem:$0x1F7E0];
	_ =	sdelay $0x5  }
0x3d3: {  	[tilespmem:v51+s17+$0x0] =	vst.idx.msk $0xffff, v2  }
0x3d4: {  	v2 =	vld.idx.msk [tilespmem:v5+s17+$0x0], $0xffff  }
0x3d5: {  	v3 =	vld.idx.msk [tilespmem:v3+s12+$0x0], $0xffff;
	_ =	sdelay $0x4  }
0x3d6: {  	v2 =	vadd.f32 v3, v2  }
0x3d7: {  	v58 =	vld [tilespmem:$0x1FFC0]  }
0x3d8: {  	v2 =	vsub.f32 v2, v1  }
0x3d9: {  	v3 =	vld [tilespmem:$0x1FCC0]  }
0x3da: {  	v2 =	vmul.f32 v2, v0;
	_ =	sdelay $0x1  }
0x3db: {  	v2 =	vmul.f32 v2, v58;
	_ =	sdelay $0x1  }
0x3dc: {  	v2 =	vadd.f32 v2, v3;
	v3 =	vld [tilespmem:$0x1F7F0];
	_ =	sdelay $0x5  }
0x3dd: {  	[tilespmem:v5+s17+$0x0] =	vst.idx.msk $0xffff, v2  }
0x3de: {  	v2 =	vld.idx.msk [tilespmem:v53+s17+$0x0], $0xffff  }
0x3df: {  	v3 =	vld.idx.msk [tilespmem:v3+s12+$0x0], $0xffff;
	_ =	sdelay $0x4  }
0x3e0: {  	v2 =	vadd.f32 v3, v2  }
0x3e1: {  	v3 =	vld [tilespmem:$0x1FBF0]  }
0x3e2: {  	v2 =	vsub.f32 v2, v1;
	_ =	sdelay $0x1  }
0x3e3: {  	v2 =	vmul.f32 v2, v0;
	_ =	sdelay $0x1  }
0x3e4: {  	v2 =	vmul.f32 v2, v3;
	v3 =	vld [tilespmem:$0x1FCD0];
	_ =	sdelay $0x4  }
0x3e5: {  	v2 =	vadd.f32 v2, v3;
	v3 =	vld [tilespmem:$0x1F800];
	_ =	sdelay $0x5  }
0x3e6: {  	[tilespmem:v53+s17+$0x0] =	vst.idx.msk $0xffff, v2  }
0x3e7: {  	v2 =	vld.idx.msk [tilespmem:v54+s17+$0x0], $0xffff  }
0x3e8: {  	v3 =	vld.idx.msk [tilespmem:v3+s12+$0x0], $0xffff;
	_ =	sdelay $0x4  }
0x3e9: {  	v2 =	vadd.f32 v3, v2  }
0x3ea: {  	v59 =	vld [tilespmem:$0x1FFD0]  }
0x3eb: {  	v2 =	vsub.f32 v2, v1  }
0x3ec: {  	v3 =	vld [tilespmem:$0x1FCE0]  }
0x3ed: {  	v2 =	vmul.f32 v2, v0;
	_ =	sdelay $0x1  }
0x3ee: {  	v2 =	vmul.f32 v2, v59  }
0x3ef: {  	v60 =	vld [tilespmem:$0x1F810]  }
0x3f0: {  	v2 =	vadd.f32 v2, v3;
	v3 =	vld [tilespmem:$0x1F820];
	_ =	sdelay $0x5  }
0x3f1: {  	[tilespmem:v54+s17+$0x0] =	vst.idx.msk $0xffff, v2  }
0x3f2: {  	v2 =	vld.idx.msk [tilespmem:v60+s17+$0x0], $0xffff  }
0x3f3: {  	v3 =	vld.idx.msk [tilespmem:v3+s12+$0x0], $0xffff;
	_ =	sdelay $0x4  }
0x3f4: {  	v2 =	vadd.f32 v3, v2  }
0x3f5: {  	v62 =	vld [tilespmem:$0x1FFE0]  }
0x3f6: {  	v1 =	vsub.f32 v2, v1  }
0x3f7: {  	v63 =	vld [tilespmem:$0x1FFF0]  }
0x3f8: {  	v0 =	vmul.f32 v1, v0  }
0x3f9: {  	p0 =	sne.s32 s15, $0x1F0  }
.Ltmp0:
0x3fa: {  	v0 =	vmul.f32 v0, v62;
	(pc) =	sbr.rel @p0 .LBB2_3-.Ltmp0, $3  }
0x3fb: {  	_ = 	snop  }
0x3fc: {  	v0 =	vadd.f32 v0, v63;
	_ =	sdelay $0x1  }
0x3fd: {  	s15 =	sadd.s32 $0x10, s15;
	v4 =	vlaneseq.u32;
	[tilespmem:v60+s17+$0x0] =	vst.idx.msk $0xffff, v0  }
0x3fe: {  	s2 =	sadd.s32 $0x1, s2  }
0x3ff: {  	s8 =	sshll.u32 s14, $0x3;
	p0 =	sne.s32 s2, $0x32  }
.Ltmp1:
0x400: {  	s8 =	sadd.s32 s3, s8;
	(pc) =	sbr.rel @p0 .LBB2_2-.Ltmp1, $4  }
0x401: {  	[hbm4b:s8+s4] =	stream.linear.scatter [tilespmem:s17], [sflag:$0x2], $0x8000, $0x38;
	[tilespmem:$0xB480] =	vst v63  }
0x402: {  	_ =	swait.ge [sflag:s13], $0x8000  }
0x403: {  	[sflag:s13] =	ssyncset.done $0x0  }
0x404: {  	s11 =	sadd.s32 $0x200, s11;
	[sflag:s13] =	ssyncadd.s32 $0xFFFF8000  }
0x405: {  	s5 =	sadd.s32 $0x1, s5  }
0x406: {  	p0 =	sne.s32 s5, s10  }
.Ltmp2:
0x407: {  	_ = 	snop;
	(pc) =	sbr.rel @p0 .LBB2_1-.Ltmp2, $1  }
0x408: {  	_ =	sdelay $0x3  }
0x409: {  	_ =	sfence.sel $0x180000  }
0x40a: {  	[bflag:$0x0] =	sbarrier.arrive $0xFFFF  }
0x40b: {  	_ =	strace $0x90000047  }
0x40c: {  	s0 =	stileid.u32;
	[bflag:$0x2] =	sbarrier.arrive $0xFFFF  }
0x40d: {  	p0 =	sne.s32 s0, $0x0;
	s0 =	rddreg [dreg:$0x4]  }
0x40e: {  	s0 =	sadd.s32 @!p0 $0x100000, s0  }
0x40f: {  	[sflag:s0] =	ssyncadd.tile.s32 @!p0 $0x1;
	_ =	shalt  }
.Lfunc_end2:
_tile_overlayer_lowered:
.L_overlay_start_2:
0x410: {  	(tag) =	ssettag $0x2  }
0x411: {  	s0 =	rddreg [dreg:$0x0];
	s2 =	stileid.u32  }
0x412: {  	s1 =	rddreg [dreg:$0x1];
	p0 =	sne.s32 s2, $0x0  }
0x413: {  	s3 =	rddreg [dreg:$0x2];
	[bflag:$0x3] =	sbarrier.arrive $0xFFFF;
	s2 =	simm.s32 @!p0 $0x1C02  }
0x414: {  	[timem:s3], [sflag:s2] =	dma.local @!p0 [hbm:s0], s1  }
0x415: {  	s0 =	simm.s32 @!p0 $0x2  }
0x416: {  	_ =	swait.ge @!p0 [sflag:s0], s1  }
0x417: {  	s1 =	ssub.s32 @!p0 $0x0, s1;
	[sflag:s0] =	ssyncset.done @!p0 $0x0  }
0x418: {  	[sflag:s0] =	ssyncadd.s32 @!p0 s1  }
0x419: {  	[bflag:$0x3] =	sbarrier.arrive $0xFFFF  }
0x41a: {  	_ =	shalt  }

// kernel: sparse-core-data-format-call.cloned.1.call-start
scs
called_computation_lowered:
.L_overlay_start_0:
0x0: {  	s2 =	sld [smem:$0x3FD9]  }
0x1: {  	s3 =	sld [smem:$0x3FFE];
	_ =	sdelay $0x1  }
0x2: {  	s1 =	srdreg.scid  }
0x3: {  	s0 =	sand.u32 $0x1, s1  }
0x4: {  	s18 =	sshll.u32 s0, $0xA;
	s2 =	sadd.s32 s3, s2  }
0x5: {  	s2 =	sadd.s32 s2, s18  }
0x6: {  	[smem:$0x3FC3] =	sst s2  }
0x7: {  	_ = 	snop  }
0x8: {  	s2 =	sld [smem:$0x3FD0];
	(tm) =	ssettm $0x1  }
0x9: {  	s19 =	sld [smem:$0x3FFB];
	_ =	sdelay $0x3  }
0xa: {  	_ =	strace s19  }
0xb: {  	s3 =	sld [smem:$0x3FFC];
	_ =	sdelay $0x3  }
0xc: {  	_ =	strace s3  }
0xd: {  	s3 =	sld [smem:$0x3FFD];
	_ =	sdelay $0x3  }
0xe: {  	_ =	strace s3  }
0xf: {  	_ =	strace $0x8FFFFFFF  }
0x10: {  	s20 =	sld [smem:$0x3FDB];
	_ =	sdelay $0x1  }
0x11: {  	s4 =	simm.s32 $_scs_section_size  }
0x12: {  	s5 =	simm.s32 $_size__tile_overlayer_lowered;
	s6 =	simm.s32 $_tile_overlayer_lowered  }
0x13: {  	s23 =	simm.s32 $0x1BFF;
	s22 =	sshll.u32 s6, $0x1;
	s3 =	sadd.s32 s4, s20  }
0x14: {  	s7 =	simm.s32 $0x0;
	s21 =	sshll.u32 s5, $0x1;
	s5 =	sadd.s32 s22, s3  }
0x15: {  	[timem:s7], [sflag:s23] =	dma.local [hbm:s5], s21  }
0x16: {  	_ =	swait.ge [sflag:s23], s21  }
0x17: {  	s4 =	ssub.s32 $0x0, s21;
	[sflag:s23] =	ssyncset.done $0x0  }
0x18: {  	[sflag:s23] =	ssyncadd.s32 s4;
	_ =	sdelay $0x1  }
0x19: {  	s24 =	simm.s32 $0x1B8B  }
0x1a: {  	_ =	swait.ge [sflag:s24], $0x1  }
0x1b: {  	[sflag:s24] =	ssyncset.done $0x0  }
0x1c: {  	s26 =	simm.s32 $0x1B8E;
	s25 =	sld [smem:$0x3FFE];
	[sflag:s24] =	ssyncadd.s32 $0xFFFFFFFF  }
0x1d: {  	s27 =	simm.s32 $execute0_lowered;
	[smem:$0x3FD2] =	sst s26  }
0x1e: {  	s5 =	sshll.u32 s27, $0x1;
	_ =	strace $0x80000049;
	[dreg:$0x1] =	wrdreg $0xFFFFFFFF  }
0x1f: {  	s28 =	simm.s32 $_size_execute0_lowered;
	s3 =	sadd.s32 s3, s5;
	[dreg:$0x0] =	wrdreg $0x0  }
0x20: {  	s5 =	sshll.u32 s28, $0x1;
	[dreg:$0x2] =	wrdreg s3  }
0x21: {  	[dreg:$0x3] =	wrdreg s5  }
0x22: {  	[dreg:$0x4] =	wrdreg $0xC0  }
0x23: {  	_ =	task [dreg:s7], $0x5FFFF  }
0x24: {  	[dreg:$0x1] =	wrdreg $0xFFFFFFFF  }
0x25: {  	[dreg:$0x0] =	wrdreg $0x60  }
0x26: {  	[dreg:$0x2] =	wrdreg s25  }
0x27: {  	[dreg:$0x3] =	wrdreg s2  }
0x28: {  	[dreg:$0x4] =	wrdreg $0x9  }
0x29: {  	_ =	task.clear_ibuf [dreg:s7], $0x5FFFF;
	_ =	strace $0x90000049  }
0x2a: {  	s29 =	simm.s32 $0x9;
	_ =	strace $0x8000004B  }
0x2b: {  	_ =	swait.ge [sflag:s29], $0x1  }
0x2c: {  	[sflag:s29] =	ssyncadd.s32 $0xFFFFFFFF  }
0x2d: {  	_ =	strace $0x9000004B  }
0x2e: {  	_ =	sfence  }
0x2f: {  	s30 =	sld [smem:$0x0];
	_ =	sdelay $0x2  }
0x30: {  	s31 =	sshll.u32 s1, $0xD;
	s1 =	sshrl.u32 s1, $0x2  }
0x31: {  	s3 =	sand.u32 $0x4000, s31;
	s1 =	sadd.s32 s1, s30  }
0x32: {  	s0 =	sor.u32 s3, s0;
	s1 =	sshll.u32 s1, $0x11  }
0x33: {  	s0 =	sor.u32 s1, s0  }
0x34: {  	s0 =	sadd.s32 $0x8F2B, s0  }
0x35: {  	[sflag:s0] =	ssyncadd.remote.s32 $0x1  }
0x36: {  	_ =	sfence.sel $0xFFFF  }
0x37: {  	[dreg:$0x0] =	wrdreg $0xFFFFFFFF;
	(pc) =	sbr.abs _section_cstart, $3  }
0x38: {  	[dreg:$0x1] =	wrdreg $0xFFFFFFFF  }
0x39: {  	_ =	task.clear_ibuf [dreg:s7], $0x2FFFF;
	_ =	strace $0x9FFFFFFF  }
0x3a: {  	(tm) =	ssettm $0x7FFFFFFF  }
0x3b: {  	_ =	shalt  }
tec
execute0_lowered:
.L_overlay_start_1:
0x0: {  	(tag) =	ssettag $0x1  }
0x1: {  	s0 =	srdreg.scid  }
0x2: {  	s1 =	sshll.u32 s0, $0x4  }
0x3: {  	s0 =	stileid.u32;
	s1 =	sand.u32 $0x10, s1  }
0x4: {  	s1 =	sor.u32 s0, s1  }
0x5: {  	s6 =	rddreg [dreg:$0x0];
	s4 =	simm.s32 $0x1;
	s2 =	sshll.u32 s1, $0x7  }
0x6: {  	s7 =	simm.s32 $0x2;
	s12 =	simm.s32 $0x0;
	s1 =	ssub.s32 $0x1000, s2  }
0x7: {  	s8 =	simm.s32 $0x8000;
	s13 =	simm.s32 $0x0;
	s3 =	sand.u32 $0xF80, s1  }
0x8: {  	s9 =	simm.s32 $0x0;
	s5 =	sshrl.u32 s1, $0xC;
	p0 =	sne.s32 s3, $0x0  }
.Ltmp0:
0x9: {  	s1 =	rddreg [dreg:$0x2];
	s4 =	simm.s32 @!p0 $0x0;
	(pc) =	sbr.rel .LBB1_1-.Ltmp0, $4  }
0xa: {  	s11 =	simm.s32 $0x0;
	s3 =	rddreg [dreg:$0x1];
	s5 =	sadd.s32 s4, s5  }
0xb: {  	_ =	strace $0x8000004A;
	s4 =	simm.s32 $0x1;
	s5 =	smul.u32 $0xC8, s5  }
0xc: {  	s6 =	sadd.s32 $0xC00, s6;
	s10 =	smov.u32 s2;
	[sflag:s4] =	ssyncpa.u1 $0x0  }
0xd: {  	p0 =	por $0x0, $0x0;
	[sflag:s7] =	ssyncpa.u1 $0x0;
	s7 =	sor.u32 $0x1, s5  }
.LBB1_4:
0xe: {  	s16 =	sshll.u32 s13, $0x3;
	s17 =	sand.u32 $0x78, s13  }
0xf: {  	s30 =	sand.u32 $0x7E00, s13;
	s12 =	sshll.u32 s12, $0xF;
	s16 =	sand.u32 $0xC00, s16  }
0x10: {  	[tilespmem:s15+$0x810 ss:$0x81] =	vst.msk $0xffff, v2;
	s31 =	sand.u32 $0x7, s13;
	s16 =	sor.u32 s17, s16;
	s17 =	sadd.s32 s3, s30  }
0x11: {  	[tilespmem:s15+$0x1020 ss:$0x81] =	vst.msk $0xffff, v0;
	s13 =	sshll.u32 s31, $0x12;
	s12 =	sadd.s32 s12, s17;
	s16 =	sshrl.u32 s16, $0x3  }
0x12: {  	[tilespmem:s15+$0x0 ss:$0x81] =	vst.msk $0xffff, v1;
	s13 =	sor.u32 $0x400, s13;
	s12 =	sadd.s32 s16, s12  }
0x13: {  	[hbm4b:s12+s13] =	stream.strided.scatter [tilespmem:s14], [sflag:$0x2], $0x2000, s8, s13, $0x20;
	[tilespmem:$0x8080] =	vst v63  }
.LBB1_5:
0x14: {  	s14 =	sadd.s32 $0x1, s9  }
0x15: {  	s12 =	sadd.s32 $0x1000, s10;
	s16 =	smov.u32 s10;
	p2 =	sgt.s32 s14, $0xC7  }
0x16: {  	s16 =	smov.u32 @p2 s12  }
0x17: {  	s14 =	simm.s32 @p2 $0x0;
	p2 =	sgt.s32 s16, $0xFFF  }
0x18: {  	s16 =	smov.u32 @p2 s2;
	p2 =	sne.s32 s11, s7  }
.Ltmp1:
0x19: {  	p1 =	slt.u32 s11, $0x2;
	(pc) =	sbr.rel @!p2 .LBB1_6-.Ltmp1, $4  }
0x1a: {  	s15 =	simm.s32 @!p1 $0x2  }
0x1b: {  	s13 =	smov.u32 s10;
	p0 =	por !p0, !p0;
	_ =	swait.ge @!p1 [sflag:s15], $0x2000  }
0x1c: {  	s12 =	smov.u32 s9;
	[sflag:s15] =	ssyncset.done @!p1 $0x0;
	s9 =	smov.u32 s14  }
0x1d: {  	s11 =	sadd.s32 $0x1, s11;
	[sflag:s15] =	ssyncadd.s32 @!p1 $0xFFFFE000;
	s10 =	smov.u32 s16  }
.LBB1_1:
0x1e: {  	p1 =	sge.u32 s11, s5  }
0x1f: {  	s14 =	sand.u32 @!p1 $0x1FFFFFF, s9  }
0x20: {  	s15 =	smulhi.u32 @!p1 $0x147AE15, s14;
	_ =	sdelay $0x1  }
0x21: {  	s15 =	smul.u32 @!p1 $0xC8, s15  }
0x22: {  	s16 =	sxor.u32 @!p1 $0xFFFFFFFF, s11;
	s17 =	smul.u32 @!p1 $0xC80, s10  }
0x23: {  	s31 =	sadd.s32 $0xFFFFFFFF, s11;
	s16 =	sshll.u32 @!p1 s16, $0xD;
	s14 =	ssub.s32 @!p1 s14, s15  }
0x24: {  	s15 =	sand.u32 @!p1 $0x2000, s16;
	s16 =	sadd.s32 @!p1 s6, s17;
	s14 =	sshll.u32 @!p1 s14, $0x4  }
0x25: {  	s17 =	simm.s32 @!p1 $0x6400;
	s14 =	sadd.s32 @!p1 s14, s16;
	s16 =	simm.s32 @!p1 $0x40  }
0x26: {  	[tilespmem:s15], [sflag:$0x1] =	stream.strided.gather @!p1 [hbm4b:s14+s16], $0x2000, s17, s16, $0x38;
	[tilespmem:$0x8080] =	vst v63  }
0x27: {  	p1 =	sge.u32 s31, s5  }
.Ltmp2:
0x28: {  	_ = 	snop;
	(pc) =	sbr.rel @p1 .LBB1_5-.Ltmp2, $1  }
0x29: {  	_ =	sdelay $0x3  }
0x2a: {  	s14 =	simm.s32 $0x1  }
0x2b: {  	_ =	swait.ge [sflag:s4], $0x2000;
	s14 =	simm.s32 @!p0 $0x0  }
0x2c: {  	[sflag:s4] =	ssyncset.done $0x0;
	s15 =	sshll.u32 s14, $0xD  }
0x2d: {  	[sflag:s4] =	ssyncadd.s32 $0xFFFFE000;
	s18 =	sor.u32 $0x20, s15  }
0x2e: {  	s14 =	smul.u32 $0x8100, s14;
	v3 =	vld [tilespmem:s18+$0x10]  }
0x2f: {  	s30 =	sand.u32 $0x1, s11;
	v2 =	vld [tilespmem:s18+$0xFFFFFFF0]  }
0x30: {  	s15 =	smul.u32 $0x8100, s30;
	s14 =	sshrl.u32 s14, $0x2;
	v0 =	vld [tilespmem:s18+$0x0]  }
0x31: {  	v1 =	vld [tilespmem:s18+$0xFFFFFFE0];
	s16 =	sor.u32 $0x4000, s14  }
0x32: {  	s31 =	sshrl.u32 s15, $0x2;
	s15 =	sadd.s32 $0x0, s16  }
0x33: {  	s17 =	simm.s32 $0x4;
	s18 =	sadd.s32 $0x40, s18;
	s14 =	sor.u32 $0x4000, s31;
	[tilespmem:s15+$0x1830 ss:$0x81] =	vst.msk $0xffff, v3  }
.LBB1_3:
0x34: {  	v3 =	vld [tilespmem:s18+$0x10];
	p1 =	sne.s32 s17, $0x1FC;
	[tilespmem:s15+$0x810 ss:$0x81] =	vst.msk $0xffff, v2;
	s19 =	smov.u32 s17;
	s17 =	sadd.s32 $0x4, s17  }
.Ltmp3:
0x35: {  	v2 =	vld [tilespmem:s18+$0xFFFFFFF0];
	[tilespmem:s15+$0x1020 ss:$0x81] =	vst.msk $0xffff, v0;
	(pc) =	sbr.rel @p1 .LBB1_3-.Ltmp3, $4  }
0x36: {  	v0 =	vld [tilespmem:s18+$0x0];
	[tilespmem:s15+$0x0 ss:$0x81] =	vst.msk $0xffff, v1  }
0x37: {  	s15 =	sshra.s32 s19, $0x2;
	v1 =	vld [tilespmem:s18+$0xFFFFFFE0]  }
0x38: {  	s15 =	sadd.s32 s15, s16  }
0x39: {  	s18 =	sadd.s32 $0x40, s18;
	[tilespmem:s15+$0x1830 ss:$0x81] =	vst.msk $0xffff, v3  }
.Ltmp4:
0x3a: {  	_ = 	snop;
	(pc) =	sbr.rel .LBB1_4-.Ltmp4, $1  }
0x3b: {  	_ =	sdelay $0x3  }
.LBB1_6:
0x3c: {  	_ =	sfence.sel $0x180000  }
0x3d: {  	s2 =	simm.s32 $0x1;
	[bflag:$0x0] =	sbarrier.arrive $0xFFFF  }
0x3e: {  	s31 =	simm.s32 $0x2;
	[sflag:s2] =	ssyncpa.u1 $0x1  }
0x3f: {  	[sflag:s31] =	ssyncpa.u1 $0x1  }
0x40: {  	p0 =	sne.s32 s0, $0x0;
	_ =	strace $0x9000004A  }
0x41: {  	s0 =	sadd.s32 @!p0 $0x100000, s1;
	[bflag:$0x2] =	sbarrier.arrive $0xFFFF  }
0x42: {  	[sflag:s0] =	ssyncadd.tile.s32 @!p0 $0x1;
	_ =	shalt  }
.Lfunc_end1:
_tile_overlayer_lowered:
.L_overlay_start_2:
0x43: {  	(tag) =	ssettag $0x2  }
0x44: {  	s0 =	rddreg [dreg:$0x0];
	s2 =	stileid.u32  }
0x45: {  	s1 =	rddreg [dreg:$0x1];
	p0 =	sne.s32 s2, $0x0  }
0x46: {  	s3 =	rddreg [dreg:$0x2];
	[bflag:$0x3] =	sbarrier.arrive $0xFFFF;
	s2 =	simm.s32 @!p0 $0x1C01  }
0x47: {  	[timem:s3], [sflag:s2] =	dma.local @!p0 [hbm:s0], s1  }
0x48: {  	s0 =	simm.s32 @!p0 $0x1  }
0x49: {  	_ =	swait.ge @!p0 [sflag:s0], s1  }
0x4a: {  	s1 =	ssub.s32 @!p0 $0x0, s1;
	[sflag:s0] =	ssyncset.done @!p0 $0x0  }
0x4b: {  	[sflag:s0] =	ssyncadd.s32 @!p0 s1  }
0x4c: {  	[bflag:$0x3] =	sbarrier.arrive $0xFFFF  }
0x4d: {  	_ =	shalt  }

</sc_bundles>
